<compile_context>
chip_gen: v7x
topology: tpu7x:2x2x1
jax: 0.10.2.dev20260603
libtpu: 0.0.44.dev20260713+nightly
codegen_flags: <defaults>
</compile_context>

<pallas_src>
import jax
import jax.numpy as jnp
from jax import lax
from jax.experimental import pallas as pl
from jax.experimental.pallas import tpu as pltpu
from jax.experimental.pallas import tpu_sc as plsc

_TOP_K = 64
_TOP_P = 0.6
_N = 32768
_ROWS = 128
_L = 16
_NV = _N // _L
_NW = 32
_ROWS_PER_W = _ROWS // _NW
_NEG = -1.0


def _vmax(v):
    return jnp.max(v)


def _ffs(mask):
    return jnp.max(plsc.all_reduce_ffs(mask))


def _cminmax(ak, av, bk, bv):
    c = ak <= bk
    lo_k = jnp.where(c, ak, bk)
    lo_v = jnp.where(c, av, bv)
    hi_k = jnp.where(c, bk, ak)
    hi_v = jnp.where(c, bv, av)
    return lo_k, lo_v, hi_k, hi_v


def _merge16(ak, av, bk, bv):
    rbk = lax.rev(bk, (0,))
    rbv = lax.rev(bv, (0,))
    lo_k, lo_v, hi_k, hi_v = _cminmax(ak, av, rbk, rbv)
    lo_k, lo_v = plsc.sort_key_val(lo_k, lo_v)
    hi_k, hi_v = plsc.sort_key_val(hi_k, hi_v)
    return (lo_k, hi_k), (lo_v, hi_v)


def _merge32(aks, avs, bks, bvs):
    rbk = (lax.rev(bks[1], (0,)), lax.rev(bks[0], (0,)))
    rbv = (lax.rev(bvs[1], (0,)), lax.rev(bvs[0], (0,)))
    l0k, l0v, h0k, h0v = _cminmax(aks[0], avs[0], rbk[0], rbv[0])
    l1k, l1v, h1k, h1v = _cminmax(aks[1], avs[1], rbk[1], rbv[1])
    p0k, p0v, p1k, p1v = _cminmax(l0k, l0v, l1k, l1v)
    q0k, q0v, q1k, q1v = _cminmax(h0k, h0v, h1k, h1v)
    p0k, p0v = plsc.sort_key_val(p0k, p0v)
    p1k, p1v = plsc.sort_key_val(p1k, p1v)
    q0k, q0v = plsc.sort_key_val(q0k, q0v)
    q1k, q1v = plsc.sort_key_val(q1k, q1v)
    return (p0k, p1k, q0k, q1k), (p0v, p1v, q0v, q1v)


def _sc_body(x_hbm, o_hbm, s_v, o_v, m1_v, m2_v, tkey_v, tperm_v, rank_v,
             hist_v, sem):
    iota = lax.broadcasted_iota(jnp.int32, (_L,), 0)
    neg_inf_v = jnp.full((_L,), -jnp.inf, jnp.float32)
    zeros_i = jnp.zeros((_L,), jnp.int32)
    ones_i = jnp.ones((_L,), jnp.int32)

    wid = lax.axis_index("s") * 2 + lax.axis_index("c")

    @plsc.parallel_loop(0, _NV, unroll=8)
    def _fill_loop(g):
        o_v[pl.ds(g * _L, _L)] = neg_inf_v

    def do_row(rr, _carry):
        row = wid * _ROWS_PER_W + rr

        pltpu.sync_copy(x_hbm.at[row], s_v)

        with jax.named_scope("p1_max"):
            @plsc.parallel_loop(0, _NV // 4, unroll=4,
                                carry=(neg_inf_v,) * 4)
            def mx_accs(g, accs):
                a0, a1, a2, a3 = accs
                a0 = jnp.maximum(a0, s_v[pl.ds((4 * g) * _L, _L)])
                a1 = jnp.maximum(a1, s_v[pl.ds((4 * g + 1) * _L, _L)])
                a2 = jnp.maximum(a2, s_v[pl.ds((4 * g + 2) * _L, _L)])
                a3 = jnp.maximum(a3, s_v[pl.ds((4 * g + 3) * _L, _L)])
                return a0, a1, a2, a3
        m = _vmax(jnp.maximum(jnp.maximum(mx_accs[0], mx_accs[1]),
                              jnp.maximum(mx_accs[2], mx_accs[3])))

        z = jnp.zeros((_L,), jnp.float32)
        with jax.named_scope("p2_exp"):
            @plsc.parallel_loop(0, _NV // _L, unroll=2, carry=(z, z))
            def exp_accs(h, accs):
                a0, a1 = accs
                m1vec = neg_inf_v
                for i in range(_L):
                    g = h * _L + i
                    e = jnp.exp(s_v[pl.ds(g * _L, _L)] - m)
                    s_v[pl.ds(g * _L, _L)] = e
                    if i % 2 == 0:
                        a0 = a0 + e
                    else:
                        a1 = a1 + e
                    m1vec = jnp.where(iota == i, _vmax(e), m1vec)
                m1_v[pl.ds(h * _L, _L)] = m1vec
                return a0, a1
        ssum = jnp.sum(exp_accs[0] + exp_accs[1])

        def m2_body(q, _):
            m2vec = neg_inf_v
            for i in range(_L):
                h = q * _L + i
                m2vec = jnp.where(iota == i, _vmax(m1_v[pl.ds(h * _L, _L)]),
                                  m2vec)
            m2_v[pl.ds(q * _L, _L)] = m2vec
            return 0
        lax.fori_loop(0, _NV // _L // _L, m2_body, 0)

        m3 = neg_inf_v
        for q in range(_NV // _L // _L):
            m3 = jnp.where(iota == q, _vmax(m2_v[pl.ds(q * _L, _L)]), m3)

        tk = [s_v[pl.ds(b * _L, _L)] for b in range(4)]
        tv = [iota + b * _L for b in range(4)]
        for b in range(4):
            tk[b], tv[b] = plsc.sort_key_val(tk[b], tv[b])
        (e0k, e1k), (e0v, e1v) = _merge16(tk[0], tv[0], tk[1], tv[1])
        (f0k, f1k), (f0v, f1v) = _merge16(tk[2], tv[2], tk[3], tv[3])
        sks, svs = _merge32((e0k, e1k), (e0v, e1v), (f0k, f1k), (f0v, f1v))
        for b in range(4):
            for l in range(_L):
                plsc.store_scatter(tkey_v, [(iota + b * _L) * _L + l], sks[b])
            tperm_v[pl.ds(b * _L, _L)] = svs[b]

        def ext_body(j, carry):
            m3c, vals, idxs = carry
            mv = _vmax(m3c)
            q = _ffs(m3c == mv)
            v2 = m2_v[pl.ds(q * _L, _L)]
            h = q * _L + _ffs(v2 == mv)
            v1 = m1_v[pl.ds(h * _L, _L)]
            g = h * _L + _ffs(v1 == mv)
            ve = s_v[pl.ds(g * _L, _L)]
            e2 = _ffs(ve == mv)
            flat = g * _L + e2
            jhi = j // _L
            jlo = j - jhi * _L
            vals = tuple(
                jnp.where((jhi == b) & (iota == jlo), mv, vals[b])
                for b in range(4))
            idxs = tuple(
                jnp.where((jhi == b) & (iota == jlo), flat, idxs[b])
                for b in range(4))
            ve = jnp.where(iota == e2, _NEG, ve)
            s_v[pl.ds(g * _L, _L)] = ve
            v1 = jnp.where(iota == (g - (g // _L) * _L), _vmax(ve), v1)
            m1_v[pl.ds(h * _L, _L)] = v1
            v2 = jnp.where(iota == (h - q * _L), _vmax(v1), v2)
            m2_v[pl.ds(q * _L, _L)] = v2
            m3c = jnp.where(iota == q, _vmax(v2), m3c)
            return m3c, vals, idxs

        init_vals = tuple(jnp.zeros((_L,), jnp.float32) for _ in range(4))
        init_idxs = tuple(zeros_i for _ in range(4))
        with jax.named_scope("p3_extract"):
            _, vals, idxs = lax.fori_loop(0, _TOP_K, ext_body,
                                          (m3, init_vals, init_idxs))

        for b in range(4):
            plsc.store_scatter(s_v, [idxs[b]], vals[b])

        svals = tuple(vals[b] / ssum for b in range(4))

        run = jnp.float32(0.0)
        t_cnt = jnp.int32(0)
        for b in range(4):
            cum = plsc.cumsum(svals[b]) + run
            t_cnt = t_cnt + jnp.max(
                plsc.all_reduce_population_count(cum <= _TOP_P))
            run = run + jnp.sum(svals[b])
        kk = jnp.minimum(t_cnt + 1, _TOP_K)

        @plsc.parallel_loop(0, _TOP_K + 1, unroll=4)
        def _hz_loop(c):
            hist_v[pl.ds(c * _L, _L)] = zeros_i

        t15 = _vmax(sks[0])
        t31 = _vmax(sks[1])
        t47 = _vmax(sks[2])
        t63 = _vmax(sks[3])
        t7 = _vmax(jnp.where(iota < 8, sks[0], neg_inf_v))
        t23 = _vmax(jnp.where(iota < 8, sks[1], neg_inf_v))
        t39 = _vmax(jnp.where(iota < 8, sks[2], neg_inf_v))
        t55 = _vmax(jnp.where(iota < 8, sks[3], neg_inf_v))

        with jax.named_scope("p4_bsearch"):
            @plsc.parallel_loop(0, _NV, unroll=32)
            def _bs_loop(g):
                y = s_v[pl.ds(g * _L, _L)]
                c32 = t31 < y
                pos = jnp.where(c32, 32, 0)
                piv = jnp.where(c32, t47, t15)
                c16 = piv < y
                pos = jnp.where(c16, pos + 16, pos)
                piv8 = jnp.where(c32, jnp.where(c16, t55, t39),
                                 jnp.where(c16, t23, t7))
                pos = jnp.where(piv8 < y, pos + 8, pos)
                for w in (4, 2, 1):
                    probe = pos + (w - 1)
                    tkey = plsc.load_gather(tkey_v, [probe * _L + iota])
                    pos = jnp.where(tkey < y, pos + w, pos)
                pos = jnp.where((pos == 63) & (t63 < y), 64, pos)
                plsc.addupdate_scatter(hist_v, [pos * _L + iota], ones_i)

        tot = []
        for b in range(4):
            acc = zeros_i
            base = (iota + b * _L + 1) * _L
            for l in range(_L):
                acc = acc + plsc.load_gather(hist_v, [base + l])
            tot.append(acc)
        carry_sum = jnp.int32(0)
        gvec = [None] * 4
        for b in (3, 2, 1, 0):
            rc = lax.rev(plsc.cumsum(lax.rev(tot[b], (0,))), (0,))
            gvec[b] = rc + carry_sum
            carry_sum = carry_sum + jnp.sum(tot[b])
        for b in range(4):
            plsc.store_scatter(rank_v, [svs[b]], gvec[b])

        def eq_body(u, eqs):
            su = plsc.load_gather(s_v, [zeros_i + u])
            new = []
            for b in range(4):
                gi = iota + b * _L
                sv = s_v[pl.ds(b * _L, _L)]
                new.append(eqs[b] +
                           jnp.where((sv == su) & (gi > u), 1, 0))
            return tuple(new)
        eqs = lax.fori_loop(0, _TOP_K - 1, eq_body,
                            tuple(zeros_i for _ in range(4)))

        prev_ranks, prev_keeps = _carry
        with jax.named_scope("p5_dma_drain"):
            pltpu.make_async_copy(o_v, o_hbm.at[row], sem).wait()
        for b in range(4):
            plsc.store_scatter(o_v, [prev_ranks[b]], neg_inf_v,
                               mask=prev_keeps[b] > 0)

        ranks = []
        keeps = []
        for b in range(4):
            rank_b = rank_v[pl.ds(b * _L, _L)] + eqs[b]
            keep = (iota + b * _L) < kk
            ranks.append(rank_b)
            keeps.append(keep.astype(jnp.int32))
            plsc.store_scatter(o_v, [rank_b], svals[b], mask=keep)

        pltpu.async_copy(o_v, o_hbm.at[row], sem)
        return tuple(ranks), tuple(keeps)

    first_row = wid * _ROWS_PER_W
    pltpu.async_copy(o_v, o_hbm.at[first_row], sem)
    init_carry = (tuple(zeros_i for _ in range(4)),
                  tuple(zeros_i for _ in range(4)))
    lax.fori_loop(0, _ROWS_PER_W, do_row, init_carry)
    pltpu.make_async_copy(o_v, o_hbm.at[first_row], sem).wait()


@jax.jit
def kernel(x):
    mesh = plsc.VectorSubcoreMesh(core_axis_name="c", subcore_axis_name="s", num_cores=2, num_subcores=16)
    f = pl.kernel(
        _sc_body,
        out_type=jax.ShapeDtypeStruct((_ROWS, _N), jnp.float32),
        mesh=mesh,
        scratch_types=[
            pltpu.VMEM((_N,), jnp.float32),
            pltpu.VMEM((_N,), jnp.float32),
            pltpu.VMEM((_NV,), jnp.float32),
            pltpu.VMEM((_NV // _L,), jnp.float32),
            pltpu.VMEM((_TOP_K * _L,), jnp.float32),
            pltpu.VMEM((_TOP_K,), jnp.int32),
            pltpu.VMEM((_TOP_K,), jnp.int32),
            pltpu.VMEM(((_TOP_K + 1) * _L,), jnp.int32),
            pltpu.SemaphoreType.DMA,
        ],
        compiler_params=pltpu.CompilerParams(needs_layout_passes=False),
    )
    return f(x)

# --- scband reference (transcript-rebuilt; emitter-appended) ---
"""Pipeline reference for scband-dynamic-top-k-71296457114397 (READ-ONLY COPY).

The authoritative reference and input builder live on the scoring server;
editing this copy changes nothing except your own understanding.
"""

import jax, jax.numpy as jnp
import numpy as np

TOP_K = 64
TOP_P = 0.6

def setup_inputs(seed: int = 0) -> dict:
    key = jax.random.key(seed)
    x = jax.random.normal(key, (128, 32768), dtype=jnp.float32)
    return {"x": x}

def reference(x):
    filter_value = -jnp.inf
    logits = jax.nn.softmax(x, axis=-1)
    # torch.sort(logits, descending=True)
    sorted_indices = jnp.argsort(-logits, axis=-1)
    sorted_logits = jnp.take_along_axis(logits, sorted_indices, axis=-1)
    cumulative_logits = jnp.cumsum(sorted_logits, axis=-1)
    mask = cumulative_logits > TOP_P
    threshold_indices = jnp.argmax(mask.astype(jnp.int32), axis=-1)
    n = sorted_indices.shape[-1]
    threshold_mask = jnp.arange(n) == threshold_indices[..., None]
    mask = mask & (~threshold_mask)
    top_k_mask = jnp.arange(n) >= TOP_K
    mask = mask | top_k_mask
    sorted_logits = jnp.where(mask, filter_value, sorted_logits)
    # faithful to original: gather (not scatter) with sorted_indices
    out = jnp.take_along_axis(sorted_logits, sorted_indices, axis=-1)
    return out

if __name__ == "__main__":
    import jax
    _d = setup_inputs()
    print(jax.jit(kernel)(*tuple(_d.values())))

</pallas_src>

<mosaic_0001>
#map = affine_map<(d0, d1) -> (0, 0)>
module attributes {stable_mosaic.version = 14 : i64} {
  func.func @_sc_body(%arg0: i32, %arg1: i32, %arg2: memref<128x32768xf32, #tpu.memory_space<hbm>>, %arg3: memref<128x32768xf32, #tpu.memory_space<hbm>>, %arg4: memref<32768xf32, #tpu.memory_space<vmem>>, %arg5: memref<32768xf32, #tpu.memory_space<vmem>>, %arg6: memref<2048xf32, #tpu.memory_space<vmem>>, %arg7: memref<128xf32, #tpu.memory_space<vmem>>, %arg8: memref<1024xf32, #tpu.memory_space<vmem>>, %arg9: memref<64xi32, #tpu.memory_space<vmem>>, %arg10: memref<64xi32, #tpu.memory_space<vmem>>, %arg11: memref<1040xi32, #tpu.memory_space<vmem>>, %arg12: memref<!tpu.dma_semaphore, #tpu.memory_space<semaphore_mem>>) attributes {dimension_semantics = [#tpu.dimension_semantics<core_parallel>, #tpu.dimension_semantics<subcore_parallel>], iteration_bounds = array<i64: 2, 16>, scalar_prefetch = 0 : i64, scratch_operands = 9 : i64, tpu.core_type = #tpu.core_type<sc_vector_subcore>, window_params = [{transform_indices = #map}, {transform_indices = #map}]} {
    %iota3A = tpu.iota {dimensions = array<i32: 0>} : vector<16xi32>
    %broadcast_in_dim3A = arith.constant 0xFF800000 : f32
    %broadcast_in_dim3A_0 = vector.broadcast %broadcast_in_dim3A : f32 to vector<16xf32>
    %broadcast_in_dim3A_1 = arith.constant 0 : i32
    %broadcast_in_dim3A_2 = vector.broadcast %broadcast_in_dim3A_1 : i32 to vector<16xi32>
    %broadcast_in_dim3A_3 = arith.constant 1 : i32
    %broadcast_in_dim3A_4 = vector.broadcast %broadcast_in_dim3A_3 : i32 to vector<16xi32>
    %mul3A = arith.constant 2 : i32
    %mul3A_5 = arith.muli %arg1, %mul3A : i32
    %add3A = arith.addi %mul3A_5, %arg0 : i32
    %parallel_loop3A = arith.constant 0 : i32
    %parallel_loop3A_6 = arith.constant 2048 : i32
    %parallel_loop3A_7 = arith.constant 1 : i32
    scf.for %parallel_loop3A_25 = %parallel_loop3A to %parallel_loop3A_6 step %parallel_loop3A_7  : i32 {
      %parallel_loop3A_26 = arith.constant 16 : i32
      %parallel_loop3A_27 = arith.muli %parallel_loop3A_25, %parallel_loop3A_26 : i32
      %parallel_loop3A_28 = arith.index_cast %parallel_loop3A_27 : i32 to index
      %parallel_loop3A_29 = tpu.vector_load %arg5[%parallel_loop3A_28] {strides = array<i32>} : memref<32768xf32, #tpu.memory_space<vmem>>, vector<16xf32>,
      tpu.vector_store %arg5[%parallel_loop3A_28], %broadcast_in_dim3A_0 {strides = array<i32>} : memref<32768xf32, #tpu.memory_space<vmem>>, vector<16xf32>,
    } {sc.loop_unroll_factor = 8 : i64, sc.parallel_access}
    %mul3A_8 = arith.constant 4 : i32
    %mul3A_9 = arith.muli %add3A, %mul3A_8 : i32
    %dma_start3A = arith.constant 0 : i32
    %dma_start3A_10 = tpu.memref_slice %arg3[%mul3A_9, %dma_start3A] : memref<128x32768xf32, #tpu.memory_space<hbm>> -> memref<1x32768xf32, #tpu.memory_space<hbm>>
    %dma_start3A_11 = tpu.memref_squeeze %dma_start3A_10 : memref<1x32768xf32, #tpu.memory_space<hbm>> -> memref<32768xf32, #tpu.memory_space<hbm>>
    %dma_start3A_12 = arith.constant 0 : i32
    %dma_start3A_13 = tpu.memref_slice %arg3[%mul3A_9, %dma_start3A_12] : memref<128x32768xf32, #tpu.memory_space<hbm>> -> memref<1x32768xf32, #tpu.memory_space<hbm>>
    %dma_start3A_14 = tpu.memref_squeeze %dma_start3A_13 : memref<1x32768xf32, #tpu.memory_space<hbm>> -> memref<32768xf32, #tpu.memory_space<hbm>>
    tpu.enqueue_dma source(%arg5 : memref<32768xf32, #tpu.memory_space<vmem>>) target(%dma_start3A_14 : memref<32768xf32, #tpu.memory_space<hbm>>) target_semaphore(%arg12 : memref<!tpu.dma_semaphore, #tpu.memory_space<semaphore_mem>>)
    %scan3A = arith.constant 0 : i32
    %scan3A_15 = arith.constant 4 : i32
    %scan3A_16 = arith.addi %scan3A, %scan3A_15 : i32
    %scan3A_17 = arith.constant 1 : i32
    %scan3A_18:8 = scf.for %scan3A_25 = %scan3A to %scan3A_16 step %scan3A_17 iter_args(%scan3A_26 = %broadcast_in_dim3A_2, %scan3A_27 = %broadcast_in_dim3A_2, %scan3A_28 = %broadcast_in_dim3A_2, %scan3A_29 = %broadcast_in_dim3A_2, %scan3A_30 = %broadcast_in_dim3A_2, %scan3A_31 = %broadcast_in_dim3A_2, %scan3A_32 = %broadcast_in_dim3A_2, %scan3A_33 = %broadcast_in_dim3A_2) -> (vector<16xi32>, vector<16xi32>, vector<16xi32>, vector<16xi32>, vector<16xi32>, vector<16xi32>, vector<16xi32>, vector<16xi32>)  : i32 {
      %mul3A_34 = arith.constant 4 : i32
      %mul3A_35 = arith.muli %add3A, %mul3A_34 : i32
      %add3A_36 = arith.addi %mul3A_35, %scan3A_25 : i32
      "tpu.region"() ({
        %run_scoped3A = tpu.sem_alloc : memref<!tpu.dma_semaphore, #tpu.memory_space<semaphore_mem>>
        %dma_start3A_1537 = arith.constant 0 : i32
        %dma_start3A_1538 = tpu.memref_slice %arg2[%add3A_36, %dma_start3A_1537] : memref<128x32768xf32, #tpu.memory_space<hbm>> -> memref<1x32768xf32, #tpu.memory_space<hbm>>
        %dma_start3A_1539 = tpu.memref_squeeze %dma_start3A_1538 : memref<1x32768xf32, #tpu.memory_space<hbm>> -> memref<32768xf32, #tpu.memory_space<hbm>>
        %dma_start3A_1540 = arith.constant 0 : i32
        %dma_start3A_1541 = tpu.memref_slice %arg2[%add3A_36, %dma_start3A_1540] : memref<128x32768xf32, #tpu.memory_space<hbm>> -> memref<1x32768xf32, #tpu.memory_space<hbm>>
        %dma_start3A_1542 = tpu.memref_squeeze %dma_start3A_1541 : memref<1x32768xf32, #tpu.memory_space<hbm>> -> memref<32768xf32, #tpu.memory_space<hbm>>
        tpu.enqueue_dma source(%dma_start3A_1542 : memref<32768xf32, #tpu.memory_space<hbm>>) target(%arg4 : memref<32768xf32, #tpu.memory_space<vmem>>) target_semaphore(%run_scoped3A : memref<!tpu.dma_semaphore, #tpu.memory_space<semaphore_mem>>)
        %dma_wait3A_1543 = arith.constant 0 : i32
        %dma_wait3A_1544 = tpu.memref_slice %arg2[%add3A_36, %dma_wait3A_1543] : memref<128x32768xf32, #tpu.memory_space<hbm>> -> memref<1x32768xf32, #tpu.memory_space<hbm>>
        %dma_wait3A_1545 = tpu.memref_squeeze %dma_wait3A_1544 : memref<1x32768xf32, #tpu.memory_space<hbm>> -> memref<32768xf32, #tpu.memory_space<hbm>>
        %dma_wait3A_1546 = arith.constant 0 : i32
        %dma_wait3A_1547 = tpu.memref_slice %arg2[%add3A_36, %dma_wait3A_1546] : memref<128x32768xf32, #tpu.memory_space<hbm>> -> memref<1x32768xf32, #tpu.memory_space<hbm>>
        %dma_wait3A_1548 = tpu.memref_squeeze %dma_wait3A_1547 : memref<1x32768xf32, #tpu.memory_space<hbm>> -> memref<32768xf32, #tpu.memory_space<hbm>>
        tpu.wait_dma2 semaphore(%run_scoped3A : memref<!tpu.dma_semaphore, #tpu.memory_space<semaphore_mem>>) src(%dma_wait3A_1548 : memref<32768xf32, #tpu.memory_space<hbm>>) dst(%arg4 : memref<32768xf32, #tpu.memory_space<vmem>>)
        tpu.yield
      }) : () -> ()
      %parallel_loop3A_37 = arith.constant 0 : i32
      %parallel_loop3A_38 = arith.constant 512 : i32
      %parallel_loop3A_39 = arith.constant 1 : i32
      "tpu.trace_start"() <{level = 10 : i32, message = "p1_max"}> : () -> ()
      %parallel_loop3A_40:4 = scf.for %parallel_loop3A_1537 = %parallel_loop3A_37 to %parallel_loop3A_38 step %parallel_loop3A_39 iter_args(%parallel_loop3A_1538 = %broadcast_in_dim3A_0, %parallel_loop3A_1539 = %broadcast_in_dim3A_0, %parallel_loop3A_1540 = %broadcast_in_dim3A_0, %parallel_loop3A_1541 = %broadcast_in_dim3A_0) -> (vector<16xf32>, vector<16xf32>, vector<16xf32>, vector<16xf32>)  : i32 {
        %parallel_loop3A_1542 = arith.constant 4 : i32
        %parallel_loop3A_1543 = arith.muli %parallel_loop3A_1542, %parallel_loop3A_1537 : i32
        %parallel_loop3A_1544 = arith.constant 16 : i32
        %parallel_loop3A_1545 = arith.muli %parallel_loop3A_1543, %parallel_loop3A_1544 : i32
        %parallel_loop3A_1546 = arith.index_cast %parallel_loop3A_1545 : i32 to index
        %parallel_loop3A_1547 = tpu.vector_load %arg4[%parallel_loop3A_1546] {strides = array<i32>} : memref<32768xf32, #tpu.memory_space<vmem>>, vector<16xf32>,
        %parallel_loop3A_1548 = arith.maximumf %parallel_loop3A_1538, %parallel_loop3A_1547 : vector<16xf32>
        %parallel_loop3A_1549 = arith.constant 4 : i32
        %parallel_loop3A_1550 = arith.muli %parallel_loop3A_1549, %parallel_loop3A_1537 : i32
        %parallel_loop3A_1551 = arith.constant 1 : i32
        %parallel_loop3A_1552 = arith.addi %parallel_loop3A_1550, %parallel_loop3A_1551 : i32
        %parallel_loop3A_1553 = arith.constant 16 : i32
        %parallel_loop3A_1554 = arith.muli %parallel_loop3A_1552, %parallel_loop3A_1553 : i32
        %parallel_loop3A_1555 = arith.index_cast %parallel_loop3A_1554 : i32 to index
        %parallel_loop3A_1556 = tpu.vector_load %arg4[%parallel_loop3A_1555] {strides = array<i32>} : memref<32768xf32, #tpu.memory_space<vmem>>, vector<16xf32>,
        %parallel_loop3A_1557 = arith.maximumf %parallel_loop3A_1539, %parallel_loop3A_1556 : vector<16xf32>
        %parallel_loop3A_1558 = arith.constant 4 : i32
        %parallel_loop3A_1559 = arith.muli %parallel_loop3A_1558, %parallel_loop3A_1537 : i32
        %parallel_loop3A_1560 = arith.constant 2 : i32
        %parallel_loop3A_1561 = arith.addi %parallel_loop3A_1559, %parallel_loop3A_1560 : i32
        %parallel_loop3A_1562 = arith.constant 16 : i32
        %parallel_loop3A_1563 = arith.muli %parallel_loop3A_1561, %parallel_loop3A_1562 : i32
        %parallel_loop3A_1564 = arith.index_cast %parallel_loop3A_1563 : i32 to index
        %parallel_loop3A_1565 = tpu.vector_load %arg4[%parallel_loop3A_1564] {strides = array<i32>} : memref<32768xf32, #tpu.memory_space<vmem>>, vector<16xf32>,
        %parallel_loop3A_1566 = arith.maximumf %parallel_loop3A_1540, %parallel_loop3A_1565 : vector<16xf32>
        %parallel_loop3A_1567 = arith.constant 4 : i32
        %parallel_loop3A_1568 = arith.muli %parallel_loop3A_1567, %parallel_loop3A_1537 : i32
        %parallel_loop3A_1569 = arith.constant 3 : i32
        %parallel_loop3A_1570 = arith.addi %parallel_loop3A_1568, %parallel_loop3A_1569 : i32
        %parallel_loop3A_1571 = arith.constant 16 : i32
        %parallel_loop3A_1572 = arith.muli %parallel_loop3A_1570, %parallel_loop3A_1571 : i32
        %parallel_loop3A_1573 = arith.index_cast %parallel_loop3A_1572 : i32 to index
        %parallel_loop3A_1574 = tpu.vector_load %arg4[%parallel_loop3A_1573] {strides = array<i32>} : memref<32768xf32, #tpu.memory_space<vmem>>, vector<16xf32>,
        %parallel_loop3A_1575 = arith.maximumf %parallel_loop3A_1541, %parallel_loop3A_1574 : vector<16xf32>
        scf.yield %parallel_loop3A_1548, %parallel_loop3A_1557, %parallel_loop3A_1566, %parallel_loop3A_1575 : vector<16xf32>, vector<16xf32>, vector<16xf32>, vector<16xf32>
      } {sc.loop_unroll_factor = 4 : i64, sc.parallel_access}
      "tpu.trace_stop"() : () -> ()
      %max3A = arith.maximumf %parallel_loop3A_40#0, %parallel_loop3A_40#1 : vector<16xf32>
      %max3A_41 = arith.maximumf %parallel_loop3A_40#2, %parallel_loop3A_40#3 : vector<16xf32>
      %max3A_42 = arith.maximumf %max3A, %max3A_41 : vector<16xf32>
      %reduce_max3A = arith.constant true
      %reduce_max3A_43 = vector.broadcast %reduce_max3A : i1 to vector<16xi1>
      %reduce_max3A_44 = tpu.scan <max>, %max3A_42 masked %reduce_max3A_43 : vector<16xf32>, vector<16xi1> -> vector<16xf32>
      %reduce_max3A_45 = vector.extract %reduce_max3A_44[15] : f32 from vector<16xf32>
      %broadcast_in_dim3A_46 = arith.constant 0.000000e+00 : f32
      %broadcast_in_dim3A_47 = vector.broadcast %broadcast_in_dim3A_46 : f32 to vector<16xf32>
      %parallel_loop3A_48 = arith.constant 0 : i32
      %parallel_loop3A_49 = arith.constant 128 : i32
      %parallel_loop3A_50 = arith.constant 1 : i32
      "tpu.trace_start"() <{level = 10 : i32, message = "p2_exp"}> : () -> ()
      %parallel_loop3A_51:2 = scf.for %parallel_loop3A_1537 = %parallel_loop3A_48 to %parallel_loop3A_49 step %parallel_loop3A_50 iter_args(%parallel_loop3A_1538 = %broadcast_in_dim3A_47, %parallel_loop3A_1539 = %broadcast_in_dim3A_47) -> (vector<16xf32>, vector<16xf32>)  : i32 {
        %parallel_loop3A_1540 = arith.constant 16 : i32
        %parallel_loop3A_1541 = arith.muli %parallel_loop3A_1537, %parallel_loop3A_1540 : i32
        %parallel_loop3A_1542 = arith.constant 0 : i32
        %parallel_loop3A_1543 = arith.addi %parallel_loop3A_1541, %parallel_loop3A_1542 : i32
        %parallel_loop3A_1544 = arith.constant 16 : i32
        %parallel_loop3A_1545 = arith.muli %parallel_loop3A_1543, %parallel_loop3A_1544 : i32
        %parallel_loop3A_1546 = arith.index_cast %parallel_loop3A_1545 : i32 to index
        %parallel_loop3A_1547 = tpu.vector_load %arg4[%parallel_loop3A_1546] {strides = array<i32>} : memref<32768xf32, #tpu.memory_space<vmem>>, vector<16xf32>,
        %parallel_loop3A_1548 = vector.broadcast %reduce_max3A_45 : f32 to vector<16xf32>
        %parallel_loop3A_1549 = arith.subf %parallel_loop3A_1547, %parallel_loop3A_1548 : vector<16xf32>
        %parallel_loop3A_1550 = math.exp %parallel_loop3A_1549 : vector<16xf32>
        %parallel_loop3A_1551 = arith.constant 16 : i32
        %parallel_loop3A_1552 = arith.muli %parallel_loop3A_1543, %parallel_loop3A_1551 : i32
        %parallel_loop3A_1553 = arith.index_cast %parallel_loop3A_1552 : i32 to index
        %parallel_loop3A_1554 = tpu.vector_load %arg4[%parallel_loop3A_1553] {strides = array<i32>} : memref<32768xf32, #tpu.memory_space<vmem>>, vector<16xf32>,
        tpu.vector_store %arg4[%parallel_loop3A_1553], %parallel_loop3A_1550 {strides = array<i32>} : memref<32768xf32, #tpu.memory_space<vmem>>, vector<16xf32>,
        %parallel_loop3A_1555 = arith.addf %parallel_loop3A_1538, %parallel_loop3A_1550 : vector<16xf32>
        %parallel_loop3A_1556 = arith.constant 0 : i32
        %parallel_loop3A_1557 = vector.broadcast %parallel_loop3A_1556 : i32 to vector<16xi32>
        %parallel_loop3A_1558 = arith.cmpi eq, %iota3A, %parallel_loop3A_1557 : vector<16xi32>
        %parallel_loop3A_1559 = arith.constant true
        %parallel_loop3A_1560 = vector.broadcast %parallel_loop3A_1559 : i1 to vector<16xi1>
        %parallel_loop3A_1561 = tpu.scan <max>, %parallel_loop3A_1550 masked %parallel_loop3A_1560 : vector<16xf32>, vector<16xi1> -> vector<16xf32>
        %parallel_loop3A_1562 = vector.extract %parallel_loop3A_1561[15] : f32 from vector<16xf32>
        %parallel_loop3A_1563 = vector.broadcast %parallel_loop3A_1562 : f32 to vector<16xf32>
        %parallel_loop3A_1564 = arith.select %parallel_loop3A_1558, %parallel_loop3A_1563, %broadcast_in_dim3A_0 : vector<16xi1>, vector<16xf32>
        %parallel_loop3A_1565 = arith.constant 16 : i32
        %parallel_loop3A_1566 = arith.muli %parallel_loop3A_1537, %parallel_loop3A_1565 : i32
        %parallel_loop3A_1567 = arith.constant 1 : i32
        %parallel_loop3A_1568 = arith.addi %parallel_loop3A_1566, %parallel_loop3A_1567 : i32
        %parallel_loop3A_1569 = arith.constant 16 : i32
        %parallel_loop3A_1570 = arith.muli %parallel_loop3A_1568, %parallel_loop3A_1569 : i32
        %parallel_loop3A_1571 = arith.index_cast %parallel_loop3A_1570 : i32 to index
        %parallel_loop3A_1572 = tpu.vector_load %arg4[%parallel_loop3A_1571] {strides = array<i32>} : memref<32768xf32, #tpu.memory_space<vmem>>, vector<16xf32>,
        %parallel_loop3A_1573 = vector.broadcast %reduce_max3A_45 : f32 to vector<16xf32>
        %parallel_loop3A_1574 = arith.subf %parallel_loop3A_1572, %parallel_loop3A_1573 : vector<16xf32>
        %parallel_loop3A_1575 = math.exp %parallel_loop3A_1574 : vector<16xf32>
        %parallel_loop3A_1576 = arith.constant 16 : i32
        %parallel_loop3A_1577 = arith.muli %parallel_loop3A_1568, %parallel_loop3A_1576 : i32
        %parallel_loop3A_1578 = arith.index_cast %parallel_loop3A_1577 : i32 to index
        %parallel_loop3A_1579 = tpu.vector_load %arg4[%parallel_loop3A_1578] {strides = array<i32>} : memref<32768xf32, #tpu.memory_space<vmem>>, vector<16xf32>,
        tpu.vector_store %arg4[%parallel_loop3A_1578], %parallel_loop3A_1575 {strides = array<i32>} : memref<32768xf32, #tpu.memory_space<vmem>>, vector<16xf32>,
        %parallel_loop3A_1580 = arith.addf %parallel_loop3A_1539, %parallel_loop3A_1575 : vector<16xf32>
        %parallel_loop3A_1581 = arith.constant 1 : i32
        %parallel_loop3A_1582 = vector.broadcast %parallel_loop3A_1581 : i32 to vector<16xi32>
        %parallel_loop3A_1583 = arith.cmpi eq, %iota3A, %parallel_loop3A_1582 : vector<16xi32>
        %parallel_loop3A_1584 = arith.constant true
        %parallel_loop3A_1585 = vector.broadcast %parallel_loop3A_1584 : i1 to vector<16xi1>
        %parallel_loop3A_1586 = tpu.scan <max>, %parallel_loop3A_1575 masked %parallel_loop3A_1585 : vector<16xf32>, vector<16xi1> -> vector<16xf32>
        %parallel_loop3A_1587 = vector.extract %parallel_loop3A_1586[15] : f32 from vector<16xf32>
        %parallel_loop3A_1588 = vector.broadcast %parallel_loop3A_1587 : f32 to vector<16xf32>
        %parallel_loop3A_1589 = arith.select %parallel_loop3A_1583, %parallel_loop3A_1588, %parallel_loop3A_1564 : vector<16xi1>, vector<16xf32>
        %parallel_loop3A_1590 = arith.constant 16 : i32
        %parallel_loop3A_1591 = arith.muli %parallel_loop3A_1537, %parallel_loop3A_1590 : i32
        %parallel_loop3A_1592 = arith.constant 2 : i32
        %parallel_loop3A_1593 = arith.addi %parallel_loop3A_1591, %parallel_loop3A_1592 : i32
        %parallel_loop3A_1594 = arith.constant 16 : i32
        %parallel_loop3A_1595 = arith.muli %parallel_loop3A_1593, %parallel_loop3A_1594 : i32
        %parallel_loop3A_1596 = arith.index_cast %parallel_loop3A_1595 : i32 to index
        %parallel_loop3A_1597 = tpu.vector_load %arg4[%parallel_loop3A_1596] {strides = array<i32>} : memref<32768xf32, #tpu.memory_space<vmem>>, vector<16xf32>,
        %parallel_loop3A_1598 = vector.broadcast %reduce_max3A_45 : f32 to vector<16xf32>
        %parallel_loop3A_1599 = arith.subf %parallel_loop3A_1597, %parallel_loop3A_1598 : vector<16xf32>
        %parallel_loop3A_1600 = math.exp %parallel_loop3A_1599 : vector<16xf32>
        %parallel_loop3A_1601 = arith.constant 16 : i32
        %parallel_loop3A_1602 = arith.muli %parallel_loop3A_1593, %parallel_loop3A_1601 : i32
        %parallel_loop3A_1603 = arith.index_cast %parallel_loop3A_1602 : i32 to index
        %parallel_loop3A_1604 = tpu.vector_load %arg4[%parallel_loop3A_1603] {strides = array<i32>} : memref<32768xf32, #tpu.memory_space<vmem>>, vector<16xf32>,
        tpu.vector_store %arg4[%parallel_loop3A_1603], %parallel_loop3A_1600 {strides = array<i32>} : memref<32768xf32, #tpu.memory_space<vmem>>, vector<16xf32>,
        %parallel_loop3A_1605 = arith.addf %parallel_loop3A_1555, %parallel_loop3A_1600 : vector<16xf32>
        %parallel_loop3A_1606 = arith.constant 2 : i32
        %parallel_loop3A_1607 = vector.broadcast %parallel_loop3A_1606 : i32 to vector<16xi32>
        %parallel_loop3A_1608 = arith.cmpi eq, %iota3A, %parallel_loop3A_1607 : vector<16xi32>
        %parallel_loop3A_1609 = arith.constant true
        %parallel_loop3A_1610 = vector.broadcast %parallel_loop3A_1609 : i1 to vector<16xi1>
        %parallel_loop3A_1611 = tpu.scan <max>, %parallel_loop3A_1600 masked %parallel_loop3A_1610 : vector<16xf32>, vector<16xi1> -> vector<16xf32>
        %parallel_loop3A_1612 = vector.extract %parallel_loop3A_1611[15] : f32 from vector<16xf32>
        %parallel_loop3A_1613 = vector.broadcast %parallel_loop3A_1612 : f32 to vector<16xf32>
        %parallel_loop3A_1614 = arith.select %parallel_loop3A_1608, %parallel_loop3A_1613, %parallel_loop3A_1589 : vector<16xi1>, vector<16xf32>
        %parallel_loop3A_1615 = arith.constant 16 : i32
        %parallel_loop3A_1616 = arith.muli %parallel_loop3A_1537, %parallel_loop3A_1615 : i32
        %parallel_loop3A_1617 = arith.constant 3 : i32
        %parallel_loop3A_1618 = arith.addi %parallel_loop3A_1616, %parallel_loop3A_1617 : i32
        %parallel_loop3A_1619 = arith.constant 16 : i32
        %parallel_loop3A_1620 = arith.muli %parallel_loop3A_1618, %parallel_loop3A_1619 : i32
        %parallel_loop3A_1621 = arith.index_cast %parallel_loop3A_1620 : i32 to index
        %parallel_loop3A_1622 = tpu.vector_load %arg4[%parallel_loop3A_1621] {strides = array<i32>} : memref<32768xf32, #tpu.memory_space<vmem>>, vector<16xf32>,
        %parallel_loop3A_1623 = vector.broadcast %reduce_max3A_45 : f32 to vector<16xf32>
        %parallel_loop3A_1624 = arith.subf %parallel_loop3A_1622, %parallel_loop3A_1623 : vector<16xf32>
        %parallel_loop3A_1625 = math.exp %parallel_loop3A_1624 : vector<16xf32>
        %parallel_loop3A_1626 = arith.constant 16 : i32
        %parallel_loop3A_1627 = arith.muli %parallel_loop3A_1618, %parallel_loop3A_1626 : i32
        %parallel_loop3A_1628 = arith.index_cast %parallel_loop3A_1627 : i32 to index
        %parallel_loop3A_1629 = tpu.vector_load %arg4[%parallel_loop3A_1628] {strides = array<i32>} : memref<32768xf32, #tpu.memory_space<vmem>>, vector<16xf32>,
        tpu.vector_store %arg4[%parallel_loop3A_1628], %parallel_loop3A_1625 {strides = array<i32>} : memref<32768xf32, #tpu.memory_space<vmem>>, vector<16xf32>,
        %parallel_loop3A_1630 = arith.addf %parallel_loop3A_1580, %parallel_loop3A_1625 : vector<16xf32>
        %parallel_loop3A_1631 = arith.constant 3 : i32
        %parallel_loop3A_1632 = vector.broadcast %parallel_loop3A_1631 : i32 to vector<16xi32>
        %parallel_loop3A_1633 = arith.cmpi eq, %iota3A, %parallel_loop3A_1632 : vector<16xi32>
        %parallel_loop3A_1634 = arith.constant true
        %parallel_loop3A_1635 = vector.broadcast %parallel_loop3A_1634 : i1 to vector<16xi1>
        %parallel_loop3A_1636 = tpu.scan <max>, %parallel_loop3A_1625 masked %parallel_loop3A_1635 : vector<16xf32>, vector<16xi1> -> vector<16xf32>
        %parallel_loop3A_1637 = vector.extract %parallel_loop3A_1636[15] : f32 from vector<16xf32>
        %parallel_loop3A_1638 = vector.broadcast %parallel_loop3A_1637 : f32 to vector<16xf32>
        %parallel_loop3A_1639 = arith.select %parallel_loop3A_1633, %parallel_loop3A_1638, %parallel_loop3A_1614 : vector<16xi1>, vector<16xf32>
        %parallel_loop3A_1640 = arith.constant 16 : i32
        %parallel_loop3A_1641 = arith.muli %parallel_loop3A_1537, %parallel_loop3A_1640 : i32
        %parallel_loop3A_1642 = arith.constant 4 : i32
        %parallel_loop3A_1643 = arith.addi %parallel_loop3A_1641, %parallel_loop3A_1642 : i32
        %parallel_loop3A_1644 = arith.constant 16 : i32
        %parallel_loop3A_1645 = arith.muli %parallel_loop3A_1643, %parallel_loop3A_1644 : i32
        %parallel_loop3A_1646 = arith.index_cast %parallel_loop3A_1645 : i32 to index
        %parallel_loop3A_1647 = tpu.vector_load %arg4[%parallel_loop3A_1646] {strides = array<i32>} : memref<32768xf32, #tpu.memory_space<vmem>>, vector<16xf32>,
        %parallel_loop3A_1648 = vector.broadcast %reduce_max3A_45 : f32 to vector<16xf32>
        %parallel_loop3A_1649 = arith.subf %parallel_loop3A_1647, %parallel_loop3A_1648 : vector<16xf32>
        %parallel_loop3A_1650 = math.exp %parallel_loop3A_1649 : vector<16xf32>
        %parallel_loop3A_1651 = arith.constant 16 : i32
        %parallel_loop3A_1652 = arith.muli %parallel_loop3A_1643, %parallel_loop3A_1651 : i32
        %parallel_loop3A_1653 = arith.index_cast %parallel_loop3A_1652 : i32 to index
        %parallel_loop3A_1654 = tpu.vector_load %arg4[%parallel_loop3A_1653] {strides = array<i32>} : memref<32768xf32, #tpu.memory_space<vmem>>, vector<16xf32>,
        tpu.vector_store %arg4[%parallel_loop3A_1653], %parallel_loop3A_1650 {strides = array<i32>} : memref<32768xf32, #tpu.memory_space<vmem>>, vector<16xf32>,
        %parallel_loop3A_1655 = arith.addf %parallel_loop3A_1605, %parallel_loop3A_1650 : vector<16xf32>
        %parallel_loop3A_1656 = arith.constant 4 : i32
        %parallel_loop3A_1657 = vector.broadcast %parallel_loop3A_1656 : i32 to vector<16xi32>
        %parallel_loop3A_1658 = arith.cmpi eq, %iota3A, %parallel_loop3A_1657 : vector<16xi32>
        %parallel_loop3A_1659 = arith.constant true
        %parallel_loop3A_1660 = vector.broadcast %parallel_loop3A_1659 : i1 to vector<16xi1>
        %parallel_loop3A_1661 = tpu.scan <max>, %parallel_loop3A_1650 masked %parallel_loop3A_1660 : vector<16xf32>, vector<16xi1> -> vector<16xf32>
        %parallel_loop3A_1662 = vector.extract %parallel_loop3A_1661[15] : f32 from vector<16xf32>
        %parallel_loop3A_1663 = vector.broadcast %parallel_loop3A_1662 : f32 to vector<16xf32>
        %parallel_loop3A_1664 = arith.select %parallel_loop3A_1658, %parallel_loop3A_1663, %parallel_loop3A_1639 : vector<16xi1>, vector<16xf32>
        %parallel_loop3A_1665 = arith.constant 16 : i32
        %parallel_loop3A_1666 = arith.muli %parallel_loop3A_1537, %parallel_loop3A_1665 : i32
        %parallel_loop3A_1667 = arith.constant 5 : i32
        %parallel_loop3A_1668 = arith.addi %parallel_loop3A_1666, %parallel_loop3A_1667 : i32
        %parallel_loop3A_1669 = arith.constant 16 : i32
        %parallel_loop3A_1670 = arith.muli %parallel_loop3A_1668, %parallel_loop3A_1669 : i32
        %parallel_loop3A_1671 = arith.index_cast %parallel_loop3A_1670 : i32 to index
        %parallel_loop3A_1672 = tpu.vector_load %arg4[%parallel_loop3A_1671] {strides = array<i32>} : memref<32768xf32, #tpu.memory_space<vmem>>, vector<16xf32>,
        %parallel_loop3A_1673 = vector.broadcast %reduce_max3A_45 : f32 to vector<16xf32>
        %parallel_loop3A_1674 = arith.subf %parallel_loop3A_1672, %parallel_loop3A_1673 : vector<16xf32>
        %parallel_loop3A_1675 = math.exp %parallel_loop3A_1674 : vector<16xf32>
        %parallel_loop3A_1676 = arith.constant 16 : i32
        %parallel_loop3A_1677 = arith.muli %parallel_loop3A_1668, %parallel_loop3A_1676 : i32
        %parallel_loop3A_1678 = arith.index_cast %parallel_loop3A_1677 : i32 to index
        %parallel_loop3A_1679 = tpu.vector_load %arg4[%parallel_loop3A_1678] {strides = array<i32>} : memref<32768xf32, #tpu.memory_space<vmem>>, vector<16xf32>,
        tpu.vector_store %arg4[%parallel_loop3A_1678], %parallel_loop3A_1675 {strides = array<i32>} : memref<32768xf32, #tpu.memory_space<vmem>>, vector<16xf32>,
        %parallel_loop3A_1680 = arith.addf %parallel_loop3A_1630, %parallel_loop3A_1675 : vector<16xf32>
        %parallel_loop3A_1681 = arith.constant 5 : i32
        %parallel_loop3A_1682 = vector.broadcast %parallel_loop3A_1681 : i32 to vector<16xi32>
        %parallel_loop3A_1683 = arith.cmpi eq, %iota3A, %parallel_loop3A_1682 : vector<16xi32>
        %parallel_loop3A_1684 = arith.constant true
        %parallel_loop3A_1685 = vector.broadcast %parallel_loop3A_1684 : i1 to vector<16xi1>
        %parallel_loop3A_1686 = tpu.scan <max>, %parallel_loop3A_1675 masked %parallel_loop3A_1685 : vector<16xf32>, vector<16xi1> -> vector<16xf32>
        %parallel_loop3A_1687 = vector.extract %parallel_loop3A_1686[15] : f32 from vector<16xf32>
        %parallel_loop3A_1688 = vector.broadcast %parallel_loop3A_1687 : f32 to vector<16xf32>
        %parallel_loop3A_1689 = arith.select %parallel_loop3A_1683, %parallel_loop3A_1688, %parallel_loop3A_1664 : vector<16xi1>, vector<16xf32>
        %parallel_loop3A_1690 = arith.constant 16 : i32
        %parallel_loop3A_1691 = arith.muli %parallel_loop3A_1537, %parallel_loop3A_1690 : i32
        %parallel_loop3A_1692 = arith.constant 6 : i32
        %parallel_loop3A_1693 = arith.addi %parallel_loop3A_1691, %parallel_loop3A_1692 : i32
        %parallel_loop3A_1694 = arith.constant 16 : i32
        %parallel_loop3A_1695 = arith.muli %parallel_loop3A_1693, %parallel_loop3A_1694 : i32
        %parallel_loop3A_1696 = arith.index_cast %parallel_loop3A_1695 : i32 to index
        %parallel_loop3A_1697 = tpu.vector_load %arg4[%parallel_loop3A_1696] {strides = array<i32>} : memref<32768xf32, #tpu.memory_space<vmem>>, vector<16xf32>,
        %parallel_loop3A_1698 = vector.broadcast %reduce_max3A_45 : f32 to vector<16xf32>
        %parallel_loop3A_1699 = arith.subf %parallel_loop3A_1697, %parallel_loop3A_1698 : vector<16xf32>
        %parallel_loop3A_1700 = math.exp %parallel_loop3A_1699 : vector<16xf32>
        %parallel_loop3A_1701 = arith.constant 16 : i32
        %parallel_loop3A_1702 = arith.muli %parallel_loop3A_1693, %parallel_loop3A_1701 : i32
        %parallel_loop3A_1703 = arith.index_cast %parallel_loop3A_1702 : i32 to index
        %parallel_loop3A_1704 = tpu.vector_load %arg4[%parallel_loop3A_1703] {strides = array<i32>} : memref<32768xf32, #tpu.memory_space<vmem>>, vector<16xf32>,
        tpu.vector_store %arg4[%parallel_loop3A_1703], %parallel_loop3A_1700 {strides = array<i32>} : memref<32768xf32, #tpu.memory_space<vmem>>, vector<16xf32>,
        %parallel_loop3A_1705 = arith.addf %parallel_loop3A_1655, %parallel_loop3A_1700 : vector<16xf32>
        %parallel_loop3A_1706 = arith.constant 6 : i32
        %parallel_loop3A_1707 = vector.broadcast %parallel_loop3A_1706 : i32 to vector<16xi32>
        %parallel_loop3A_1708 = arith.cmpi eq, %iota3A, %parallel_loop3A_1707 : vector<16xi32>
        %parallel_loop3A_1709 = arith.constant true
        %parallel_loop3A_1710 = vector.broadcast %parallel_loop3A_1709 : i1 to vector<16xi1>
        %parallel_loop3A_1711 = tpu.scan <max>, %parallel_loop3A_1700 masked %parallel_loop3A_1710 : vector<16xf32>, vector<16xi1> -> vector<16xf32>
        %parallel_loop3A_1712 = vector.extract %parallel_loop3A_1711[15] : f32 from vector<16xf32>
        %parallel_loop3A_1713 = vector.broadcast %parallel_loop3A_1712 : f32 to vector<16xf32>
        %parallel_loop3A_1714 = arith.select %parallel_loop3A_1708, %parallel_loop3A_1713, %parallel_loop3A_1689 : vector<16xi1>, vector<16xf32>
        %parallel_loop3A_1715 = arith.constant 16 : i32
        %parallel_loop3A_1716 = arith.muli %parallel_loop3A_1537, %parallel_loop3A_1715 : i32
        %parallel_loop3A_1717 = arith.constant 7 : i32
        %parallel_loop3A_1718 = arith.addi %parallel_loop3A_1716, %parallel_loop3A_1717 : i32
        %parallel_loop3A_1719 = arith.constant 16 : i32
        %parallel_loop3A_1720 = arith.muli %parallel_loop3A_1718, %parallel_loop3A_1719 : i32
        %parallel_loop3A_1721 = arith.index_cast %parallel_loop3A_1720 : i32 to index
        %parallel_loop3A_1722 = tpu.vector_load %arg4[%parallel_loop3A_1721] {strides = array<i32>} : memref<32768xf32, #tpu.memory_space<vmem>>, vector<16xf32>,
        %parallel_loop3A_1723 = vector.broadcast %reduce_max3A_45 : f32 to vector<16xf32>
        %parallel_loop3A_1724 = arith.subf %parallel_loop3A_1722, %parallel_loop3A_1723 : vector<16xf32>
        %parallel_loop3A_1725 = math.exp %parallel_loop3A_1724 : vector<16xf32>
        %parallel_loop3A_1726 = arith.constant 16 : i32
        %parallel_loop3A_1727 = arith.muli %parallel_loop3A_1718, %parallel_loop3A_1726 : i32
        %parallel_loop3A_1728 = arith.index_cast %parallel_loop3A_1727 : i32 to index
        %parallel_loop3A_1729 = tpu.vector_load %arg4[%parallel_loop3A_1728] {strides = array<i32>} : memref<32768xf32, #tpu.memory_space<vmem>>, vector<16xf32>,
        tpu.vector_store %arg4[%parallel_loop3A_1728], %parallel_loop3A_1725 {strides = array<i32>} : memref<32768xf32, #tpu.memory_space<vmem>>, vector<16xf32>,
        %parallel_loop3A_1730 = arith.addf %parallel_loop3A_1680, %parallel_loop3A_1725 : vector<16xf32>
        %parallel_loop3A_1731 = arith.constant 7 : i32
        %parallel_loop3A_1732 = vector.broadcast %parallel_loop3A_1731 : i32 to vector<16xi32>
        %parallel_loop3A_1733 = arith.cmpi eq, %iota3A, %parallel_loop3A_1732 : vector<16xi32>
        %parallel_loop3A_1734 = arith.constant true
        %parallel_loop3A_1735 = vector.broadcast %parallel_loop3A_1734 : i1 to vector<16xi1>
        %parallel_loop3A_1736 = tpu.scan <max>, %parallel_loop3A_1725 masked %parallel_loop3A_1735 : vector<16xf32>, vector<16xi1> -> vector<16xf32>
        %parallel_loop3A_1737 = vector.extract %parallel_loop3A_1736[15] : f32 from vector<16xf32>
        %parallel_loop3A_1738 = vector.broadcast %parallel_loop3A_1737 : f32 to vector<16xf32>
        %parallel_loop3A_1739 = arith.select %parallel_loop3A_1733, %parallel_loop3A_1738, %parallel_loop3A_1714 : vector<16xi1>, vector<16xf32>
        %parallel_loop3A_1740 = arith.constant 16 : i32
        %parallel_loop3A_1741 = arith.muli %parallel_loop3A_1537, %parallel_loop3A_1740 : i32
        %parallel_loop3A_1742 = arith.constant 8 : i32
        %parallel_loop3A_1743 = arith.addi %parallel_loop3A_1741, %parallel_loop3A_1742 : i32
        %parallel_loop3A_1744 = arith.constant 16 : i32
        %parallel_loop3A_1745 = arith.muli %parallel_loop3A_1743, %parallel_loop3A_1744 : i32
        %parallel_loop3A_1746 = arith.index_cast %parallel_loop3A_1745 : i32 to index
        %parallel_loop3A_1747 = tpu.vector_load %arg4[%parallel_loop3A_1746] {strides = array<i32>} : memref<32768xf32, #tpu.memory_space<vmem>>, vector<16xf32>,
        %parallel_loop3A_1748 = vector.broadcast %reduce_max3A_45 : f32 to vector<16xf32>
        %parallel_loop3A_1749 = arith.subf %parallel_loop3A_1747, %parallel_loop3A_1748 : vector<16xf32>
        %parallel_loop3A_1750 = math.exp %parallel_loop3A_1749 : vector<16xf32>
        %parallel_loop3A_1751 = arith.constant 16 : i32
        %parallel_loop3A_1752 = arith.muli %parallel_loop3A_1743, %parallel_loop3A_1751 : i32
        %parallel_loop3A_1753 = arith.index_cast %parallel_loop3A_1752 : i32 to index
        %parallel_loop3A_1754 = tpu.vector_load %arg4[%parallel_loop3A_1753] {strides = array<i32>} : memref<32768xf32, #tpu.memory_space<vmem>>, vector<16xf32>,
        tpu.vector_store %arg4[%parallel_loop3A_1753], %parallel_loop3A_1750 {strides = array<i32>} : memref<32768xf32, #tpu.memory_space<vmem>>, vector<16xf32>,
        %parallel_loop3A_1755 = arith.addf %parallel_loop3A_1705, %parallel_loop3A_1750 : vector<16xf32>
        %parallel_loop3A_1756 = arith.constant 8 : i32
        %parallel_loop3A_1757 = vector.broadcast %parallel_loop3A_1756 : i32 to vector<16xi32>
        %parallel_loop3A_1758 = arith.cmpi eq, %iota3A, %parallel_loop3A_1757 : vector<16xi32>
        %parallel_loop3A_1759 = arith.constant true
        %parallel_loop3A_1760 = vector.broadcast %parallel_loop3A_1759 : i1 to vector<16xi1>
        %parallel_loop3A_1761 = tpu.scan <max>, %parallel_loop3A_1750 masked %parallel_loop3A_1760 : vector<16xf32>, vector<16xi1> -> vector<16xf32>
        %parallel_loop3A_1762 = vector.extract %parallel_loop3A_1761[15] : f32 from vector<16xf32>
        %parallel_loop3A_1763 = vector.broadcast %parallel_loop3A_1762 : f32 to vector<16xf32>
        %parallel_loop3A_1764 = arith.select %parallel_loop3A_1758, %parallel_loop3A_1763, %parallel_loop3A_1739 : vector<16xi1>, vector<16xf32>
        %parallel_loop3A_1765 = arith.constant 16 : i32
        %parallel_loop3A_1766 = arith.muli %parallel_loop3A_1537, %parallel_loop3A_1765 : i32
        %parallel_loop3A_1767 = arith.constant 9 : i32
        %parallel_loop3A_1768 = arith.addi %parallel_loop3A_1766, %parallel_loop3A_1767 : i32
        %parallel_loop3A_1769 = arith.constant 16 : i32
        %parallel_loop3A_1770 = arith.muli %parallel_loop3A_1768, %parallel_loop3A_1769 : i32
        %parallel_loop3A_1771 = arith.index_cast %parallel_loop3A_1770 : i32 to index
        %parallel_loop3A_1772 = tpu.vector_load %arg4[%parallel_loop3A_1771] {strides = array<i32>} : memref<32768xf32, #tpu.memory_space<vmem>>, vector<16xf32>,
        %parallel_loop3A_1773 = vector.broadcast %reduce_max3A_45 : f32 to vector<16xf32>
        %parallel_loop3A_1774 = arith.subf %parallel_loop3A_1772, %parallel_loop3A_1773 : vector<16xf32>
        %parallel_loop3A_1775 = math.exp %parallel_loop3A_1774 : vector<16xf32>
        %parallel_loop3A_1776 = arith.constant 16 : i32
        %parallel_loop3A_1777 = arith.muli %parallel_loop3A_1768, %parallel_loop3A_1776 : i32
        %parallel_loop3A_1778 = arith.index_cast %parallel_loop3A_1777 : i32 to index
        %parallel_loop3A_1779 = tpu.vector_load %arg4[%parallel_loop3A_1778] {strides = array<i32>} : memref<32768xf32, #tpu.memory_space<vmem>>, vector<16xf32>,
        tpu.vector_store %arg4[%parallel_loop3A_1778], %parallel_loop3A_1775 {strides = array<i32>} : memref<32768xf32, #tpu.memory_space<vmem>>, vector<16xf32>,
        %parallel_loop3A_1780 = arith.addf %parallel_loop3A_1730, %parallel_loop3A_1775 : vector<16xf32>
        %parallel_loop3A_1781 = arith.constant 9 : i32
        %parallel_loop3A_1782 = vector.broadcast %parallel_loop3A_1781 : i32 to vector<16xi32>
        %parallel_loop3A_1783 = arith.cmpi eq, %iota3A, %parallel_loop3A_1782 : vector<16xi32>
        %parallel_loop3A_1784 = arith.constant true
        %parallel_loop3A_1785 = vector.broadcast %parallel_loop3A_1784 : i1 to vector<16xi1>
        %parallel_loop3A_1786 = tpu.scan <max>, %parallel_loop3A_1775 masked %parallel_loop3A_1785 : vector<16xf32>, vector<16xi1> -> vector<16xf32>
        %parallel_loop3A_1787 = vector.extract %parallel_loop3A_1786[15] : f32 from vector<16xf32>
        %parallel_loop3A_1788 = vector.broadcast %parallel_loop3A_1787 : f32 to vector<16xf32>
        %parallel_loop3A_1789 = arith.select %parallel_loop3A_1783, %parallel_loop3A_1788, %parallel_loop3A_1764 : vector<16xi1>, vector<16xf32>
        %parallel_loop3A_1790 = arith.constant 16 : i32
        %parallel_loop3A_1791 = arith.muli %parallel_loop3A_1537, %parallel_loop3A_1790 : i32
        %parallel_loop3A_1792 = arith.constant 10 : i32
        %parallel_loop3A_1793 = arith.addi %parallel_loop3A_1791, %parallel_loop3A_1792 : i32
        %parallel_loop3A_1794 = arith.constant 16 : i32
        %parallel_loop3A_1795 = arith.muli %parallel_loop3A_1793, %parallel_loop3A_1794 : i32
        %parallel_loop3A_1796 = arith.index_cast %parallel_loop3A_1795 : i32 to index
        %parallel_loop3A_1797 = tpu.vector_load %arg4[%parallel_loop3A_1796] {strides = array<i32>} : memref<32768xf32, #tpu.memory_space<vmem>>, vector<16xf32>,
        %parallel_loop3A_1798 = vector.broadcast %reduce_max3A_45 : f32 to vector<16xf32>
        %parallel_loop3A_1799 = arith.subf %parallel_loop3A_1797, %parallel_loop3A_1798 : vector<16xf32>
        %parallel_loop3A_1800 = math.exp %parallel_loop3A_1799 : vector<16xf32>
        %parallel_loop3A_1801 = arith.constant 16 : i32
        %parallel_loop3A_1802 = arith.muli %parallel_loop3A_1793, %parallel_loop3A_1801 : i32
        %parallel_loop3A_1803 = arith.index_cast %parallel_loop3A_1802 : i32 to index
        %parallel_loop3A_1804 = tpu.vector_load %arg4[%parallel_loop3A_1803] {strides = array<i32>} : memref<32768xf32, #tpu.memory_space<vmem>>, vector<16xf32>,
        tpu.vector_store %arg4[%parallel_loop3A_1803], %parallel_loop3A_1800 {strides = array<i32>} : memref<32768xf32, #tpu.memory_space<vmem>>, vector<16xf32>,
        %parallel_loop3A_1805 = arith.addf %parallel_loop3A_1755, %parallel_loop3A_1800 : vector<16xf32>
        %parallel_loop3A_1806 = arith.constant 10 : i32
        %parallel_loop3A_1807 = vector.broadcast %parallel_loop3A_1806 : i32 to vector<16xi32>
        %parallel_loop3A_1808 = arith.cmpi eq, %iota3A, %parallel_loop3A_1807 : vector<16xi32>
        %parallel_loop3A_1809 = arith.constant true
        %parallel_loop3A_1810 = vector.broadcast %parallel_loop3A_1809 : i1 to vector<16xi1>
        %parallel_loop3A_1811 = tpu.scan <max>, %parallel_loop3A_1800 masked %parallel_loop3A_1810 : vector<16xf32>, vector<16xi1> -> vector<16xf32>
        %parallel_loop3A_1812 = vector.extract %parallel_loop3A_1811[15] : f32 from vector<16xf32>
        %parallel_loop3A_1813 = vector.broadcast %parallel_loop3A_1812 : f32 to vector<16xf32>
        %parallel_loop3A_1814 = arith.select %parallel_loop3A_1808, %parallel_loop3A_1813, %parallel_loop3A_1789 : vector<16xi1>, vector<16xf32>
        %parallel_loop3A_1815 = arith.constant 16 : i32
        %parallel_loop3A_1816 = arith.muli %parallel_loop3A_1537, %parallel_loop3A_1815 : i32
        %parallel_loop3A_1817 = arith.constant 11 : i32
        %parallel_loop3A_1818 = arith.addi %parallel_loop3A_1816, %parallel_loop3A_1817 : i32
        %parallel_loop3A_1819 = arith.constant 16 : i32
        %parallel_loop3A_1820 = arith.muli %parallel_loop3A_1818, %parallel_loop3A_1819 : i32
        %parallel_loop3A_1821 = arith.index_cast %parallel_loop3A_1820 : i32 to index
        %parallel_loop3A_1822 = tpu.vector_load %arg4[%parallel_loop3A_1821] {strides = array<i32>} : memref<32768xf32, #tpu.memory_space<vmem>>, vector<16xf32>,
        %parallel_loop3A_1823 = vector.broadcast %reduce_max3A_45 : f32 to vector<16xf32>
        %parallel_loop3A_1824 = arith.subf %parallel_loop3A_1822, %parallel_loop3A_1823 : vector<16xf32>
        %parallel_loop3A_1825 = math.exp %parallel_loop3A_1824 : vector<16xf32>
        %parallel_loop3A_1826 = arith.constant 16 : i32
        %parallel_loop3A_1827 = arith.muli %parallel_loop3A_1818, %parallel_loop3A_1826 : i32
        %parallel_loop3A_1828 = arith.index_cast %parallel_loop3A_1827 : i32 to index
        %parallel_loop3A_1829 = tpu.vector_load %arg4[%parallel_loop3A_1828] {strides = array<i32>} : memref<32768xf32, #tpu.memory_space<vmem>>, vector<16xf32>,
        tpu.vector_store %arg4[%parallel_loop3A_1828], %parallel_loop3A_1825 {strides = array<i32>} : memref<32768xf32, #tpu.memory_space<vmem>>, vector<16xf32>,
        %parallel_loop3A_1830 = arith.addf %parallel_loop3A_1780, %parallel_loop3A_1825 : vector<16xf32>
        %parallel_loop3A_1831 = arith.constant 11 : i32
        %parallel_loop3A_1832 = vector.broadcast %parallel_loop3A_1831 : i32 to vector<16xi32>
        %parallel_loop3A_1833 = arith.cmpi eq, %iota3A, %parallel_loop3A_1832 : vector<16xi32>
        %parallel_loop3A_1834 = arith.constant true
        %parallel_loop3A_1835 = vector.broadcast %parallel_loop3A_1834 : i1 to vector<16xi1>
        %parallel_loop3A_1836 = tpu.scan <max>, %parallel_loop3A_1825 masked %parallel_loop3A_1835 : vector<16xf32>, vector<16xi1> -> vector<16xf32>
        %parallel_loop3A_1837 = vector.extract %parallel_loop3A_1836[15] : f32 from vector<16xf32>
        %parallel_loop3A_1838 = vector.broadcast %parallel_loop3A_1837 : f32 to vector<16xf32>
        %parallel_loop3A_1839 = arith.select %parallel_loop3A_1833, %parallel_loop3A_1838, %parallel_loop3A_1814 : vector<16xi1>, vector<16xf32>
        %parallel_loop3A_1840 = arith.constant 16 : i32
        %parallel_loop3A_1841 = arith.muli %parallel_loop3A_1537, %parallel_loop3A_1840 : i32
        %parallel_loop3A_1842 = arith.constant 12 : i32
        %parallel_loop3A_1843 = arith.addi %parallel_loop3A_1841, %parallel_loop3A_1842 : i32
        %parallel_loop3A_1844 = arith.constant 16 : i32
        %parallel_loop3A_1845 = arith.muli %parallel_loop3A_1843, %parallel_loop3A_1844 : i32
        %parallel_loop3A_1846 = arith.index_cast %parallel_loop3A_1845 : i32 to index
        %parallel_loop3A_1847 = tpu.vector_load %arg4[%parallel_loop3A_1846] {strides = array<i32>} : memref<32768xf32, #tpu.memory_space<vmem>>, vector<16xf32>,
        %parallel_loop3A_1848 = vector.broadcast %reduce_max3A_45 : f32 to vector<16xf32>
        %parallel_loop3A_1849 = arith.subf %parallel_loop3A_1847, %parallel_loop3A_1848 : vector<16xf32>
        %parallel_loop3A_1850 = math.exp %parallel_loop3A_1849 : vector<16xf32>
        %parallel_loop3A_1851 = arith.constant 16 : i32
        %parallel_loop3A_1852 = arith.muli %parallel_loop3A_1843, %parallel_loop3A_1851 : i32
        %parallel_loop3A_1853 = arith.index_cast %parallel_loop3A_1852 : i32 to index
        %parallel_loop3A_1854 = tpu.vector_load %arg4[%parallel_loop3A_1853] {strides = array<i32>} : memref<32768xf32, #tpu.memory_space<vmem>>, vector<16xf32>,
        tpu.vector_store %arg4[%parallel_loop3A_1853], %parallel_loop3A_1850 {strides = array<i32>} : memref<32768xf32, #tpu.memory_space<vmem>>, vector<16xf32>,
        %parallel_loop3A_1855 = arith.addf %parallel_loop3A_1805, %parallel_loop3A_1850 : vector<16xf32>
        %parallel_loop3A_1856 = arith.constant 12 : i32
        %parallel_loop3A_1857 = vector.broadcast %parallel_loop3A_1856 : i32 to vector<16xi32>
        %parallel_loop3A_1858 = arith.cmpi eq, %iota3A, %parallel_loop3A_1857 : vector<16xi32>
        %parallel_loop3A_1859 = arith.constant true
        %parallel_loop3A_1860 = vector.broadcast %parallel_loop3A_1859 : i1 to vector<16xi1>
        %parallel_loop3A_1861 = tpu.scan <max>, %parallel_loop3A_1850 masked %parallel_loop3A_1860 : vector<16xf32>, vector<16xi1> -> vector<16xf32>
        %parallel_loop3A_1862 = vector.extract %parallel_loop3A_1861[15] : f32 from vector<16xf32>
        %parallel_loop3A_1863 = vector.broadcast %parallel_loop3A_1862 : f32 to vector<16xf32>
        %parallel_loop3A_1864 = arith.select %parallel_loop3A_1858, %parallel_loop3A_1863, %parallel_loop3A_1839 : vector<16xi1>, vector<16xf32>
        %parallel_loop3A_1865 = arith.constant 16 : i32
        %parallel_loop3A_1866 = arith.muli %parallel_loop3A_1537, %parallel_loop3A_1865 : i32
        %parallel_loop3A_1867 = arith.constant 13 : i32
        %parallel_loop3A_1868 = arith.addi %parallel_loop3A_1866, %parallel_loop3A_1867 : i32
        %parallel_loop3A_1869 = arith.constant 16 : i32
        %parallel_loop3A_1870 = arith.muli %parallel_loop3A_1868, %parallel_loop3A_1869 : i32
        %parallel_loop3A_1871 = arith.index_cast %parallel_loop3A_1870 : i32 to index
        %parallel_loop3A_1872 = tpu.vector_load %arg4[%parallel_loop3A_1871] {strides = array<i32>} : memref<32768xf32, #tpu.memory_space<vmem>>, vector<16xf32>,
        %parallel_loop3A_1873 = vector.broadcast %reduce_max3A_45 : f32 to vector<16xf32>
        %parallel_loop3A_1874 = arith.subf %parallel_loop3A_1872, %parallel_loop3A_1873 : vector<16xf32>
        %parallel_loop3A_1875 = math.exp %parallel_loop3A_1874 : vector<16xf32>
        %parallel_loop3A_1876 = arith.constant 16 : i32
        %parallel_loop3A_1877 = arith.muli %parallel_loop3A_1868, %parallel_loop3A_1876 : i32
        %parallel_loop3A_1878 = arith.index_cast %parallel_loop3A_1877 : i32 to index
        %parallel_loop3A_1879 = tpu.vector_load %arg4[%parallel_loop3A_1878] {strides = array<i32>} : memref<32768xf32, #tpu.memory_space<vmem>>, vector<16xf32>,
        tpu.vector_store %arg4[%parallel_loop3A_1878], %parallel_loop3A_1875 {strides = array<i32>} : memref<32768xf32, #tpu.memory_space<vmem>>, vector<16xf32>,
        %parallel_loop3A_1880 = arith.addf %parallel_loop3A_1830, %parallel_loop3A_1875 : vector<16xf32>
        %parallel_loop3A_1881 = arith.constant 13 : i32
        %parallel_loop3A_1882 = vector.broadcast %parallel_loop3A_1881 : i32 to vector<16xi32>
        %parallel_loop3A_1883 = arith.cmpi eq, %iota3A, %parallel_loop3A_1882 : vector<16xi32>
        %parallel_loop3A_1884 = arith.constant true
        %parallel_loop3A_1885 = vector.broadcast %parallel_loop3A_1884 : i1 to vector<16xi1>
        %parallel_loop3A_1886 = tpu.scan <max>, %parallel_loop3A_1875 masked %parallel_loop3A_1885 : vector<16xf32>, vector<16xi1> -> vector<16xf32>
        %parallel_loop3A_1887 = vector.extract %parallel_loop3A_1886[15] : f32 from vector<16xf32>
        %parallel_loop3A_1888 = vector.broadcast %parallel_loop3A_1887 : f32 to vector<16xf32>
        %parallel_loop3A_1889 = arith.select %parallel_loop3A_1883, %parallel_loop3A_1888, %parallel_loop3A_1864 : vector<16xi1>, vector<16xf32>
        %parallel_loop3A_1890 = arith.constant 16 : i32
        %parallel_loop3A_1891 = arith.muli %parallel_loop3A_1537, %parallel_loop3A_1890 : i32
        %parallel_loop3A_1892 = arith.constant 14 : i32
        %parallel_loop3A_1893 = arith.addi %parallel_loop3A_1891, %parallel_loop3A_1892 : i32
        %parallel_loop3A_1894 = arith.constant 16 : i32
        %parallel_loop3A_1895 = arith.muli %parallel_loop3A_1893, %parallel_loop3A_1894 : i32
        %parallel_loop3A_1896 = arith.index_cast %parallel_loop3A_1895 : i32 to index
        %parallel_loop3A_1897 = tpu.vector_load %arg4[%parallel_loop3A_1896] {strides = array<i32>} : memref<32768xf32, #tpu.memory_space<vmem>>, vector<16xf32>,
        %parallel_loop3A_1898 = vector.broadcast %reduce_max3A_45 : f32 to vector<16xf32>
        %parallel_loop3A_1899 = arith.subf %parallel_loop3A_1897, %parallel_loop3A_1898 : vector<16xf32>
        %parallel_loop3A_1900 = math.exp %parallel_loop3A_1899 : vector<16xf32>
        %parallel_loop3A_1901 = arith.constant 16 : i32
        %parallel_loop3A_1902 = arith.muli %parallel_loop3A_1893, %parallel_loop3A_1901 : i32
        %parallel_loop3A_1903 = arith.index_cast %parallel_loop3A_1902 : i32 to index
        %parallel_loop3A_1904 = tpu.vector_load %arg4[%parallel_loop3A_1903] {strides = array<i32>} : memref<32768xf32, #tpu.memory_space<vmem>>, vector<16xf32>,
        tpu.vector_store %arg4[%parallel_loop3A_1903], %parallel_loop3A_1900 {strides = array<i32>} : memref<32768xf32, #tpu.memory_space<vmem>>, vector<16xf32>,
        %parallel_loop3A_1905 = arith.addf %parallel_loop3A_1855, %parallel_loop3A_1900 : vector<16xf32>
        %parallel_loop3A_1906 = arith.constant 14 : i32
        %parallel_loop3A_1907 = vector.broadcast %parallel_loop3A_1906 : i32 to vector<16xi32>
        %parallel_loop3A_1908 = arith.cmpi eq, %iota3A, %parallel_loop3A_1907 : vector<16xi32>
        %parallel_loop3A_1909 = arith.constant true
        %parallel_loop3A_1910 = vector.broadcast %parallel_loop3A_1909 : i1 to vector<16xi1>
        %parallel_loop3A_1911 = tpu.scan <max>, %parallel_loop3A_1900 masked %parallel_loop3A_1910 : vector<16xf32>, vector<16xi1> -> vector<16xf32>
        %parallel_loop3A_1912 = vector.extract %parallel_loop3A_1911[15] : f32 from vector<16xf32>
        %parallel_loop3A_1913 = vector.broadcast %parallel_loop3A_1912 : f32 to vector<16xf32>
        %parallel_loop3A_1914 = arith.select %parallel_loop3A_1908, %parallel_loop3A_1913, %parallel_loop3A_1889 : vector<16xi1>, vector<16xf32>
        %parallel_loop3A_1915 = arith.constant 16 : i32
        %parallel_loop3A_1916 = arith.muli %parallel_loop3A_1537, %parallel_loop3A_1915 : i32
        %parallel_loop3A_1917 = arith.constant 15 : i32
        %parallel_loop3A_1918 = arith.addi %parallel_loop3A_1916, %parallel_loop3A_1917 : i32
        %parallel_loop3A_1919 = arith.constant 16 : i32
        %parallel_loop3A_1920 = arith.muli %parallel_loop3A_1918, %parallel_loop3A_1919 : i32
        %parallel_loop3A_1921 = arith.index_cast %parallel_loop3A_1920 : i32 to index
        %parallel_loop3A_1922 = tpu.vector_load %arg4[%parallel_loop3A_1921] {strides = array<i32>} : memref<32768xf32, #tpu.memory_space<vmem>>, vector<16xf32>,
        %parallel_loop3A_1923 = vector.broadcast %reduce_max3A_45 : f32 to vector<16xf32>
        %parallel_loop3A_1924 = arith.subf %parallel_loop3A_1922, %parallel_loop3A_1923 : vector<16xf32>
        %parallel_loop3A_1925 = math.exp %parallel_loop3A_1924 : vector<16xf32>
        %parallel_loop3A_1926 = arith.constant 16 : i32
        %parallel_loop3A_1927 = arith.muli %parallel_loop3A_1918, %parallel_loop3A_1926 : i32
        %parallel_loop3A_1928 = arith.index_cast %parallel_loop3A_1927 : i32 to index
        %parallel_loop3A_1929 = tpu.vector_load %arg4[%parallel_loop3A_1928] {strides = array<i32>} : memref<32768xf32, #tpu.memory_space<vmem>>, vector<16xf32>,
        tpu.vector_store %arg4[%parallel_loop3A_1928], %parallel_loop3A_1925 {strides = array<i32>} : memref<32768xf32, #tpu.memory_space<vmem>>, vector<16xf32>,
        %parallel_loop3A_1930 = arith.addf %parallel_loop3A_1880, %parallel_loop3A_1925 : vector<16xf32>
        %parallel_loop3A_1931 = arith.constant 15 : i32
        %parallel_loop3A_1932 = vector.broadcast %parallel_loop3A_1931 : i32 to vector<16xi32>
        %parallel_loop3A_1933 = arith.cmpi eq, %iota3A, %parallel_loop3A_1932 : vector<16xi32>
        %parallel_loop3A_1934 = arith.constant true
        %parallel_loop3A_1935 = vector.broadcast %parallel_loop3A_1934 : i1 to vector<16xi1>
        %parallel_loop3A_1936 = tpu.scan <max>, %parallel_loop3A_1925 masked %parallel_loop3A_1935 : vector<16xf32>, vector<16xi1> -> vector<16xf32>
        %parallel_loop3A_1937 = vector.extract %parallel_loop3A_1936[15] : f32 from vector<16xf32>
        %parallel_loop3A_1938 = vector.broadcast %parallel_loop3A_1937 : f32 to vector<16xf32>
        %parallel_loop3A_1939 = arith.select %parallel_loop3A_1933, %parallel_loop3A_1938, %parallel_loop3A_1914 : vector<16xi1>, vector<16xf32>
        %parallel_loop3A_1940 = arith.constant 16 : i32
        %parallel_loop3A_1941 = arith.muli %parallel_loop3A_1537, %parallel_loop3A_1940 : i32
        %parallel_loop3A_1942 = arith.index_cast %parallel_loop3A_1941 : i32 to index
        %parallel_loop3A_1943 = tpu.vector_load %arg6[%parallel_loop3A_1942] {strides = array<i32>} : memref<2048xf32, #tpu.memory_space<vmem>>, vector<16xf32>,
        tpu.vector_store %arg6[%parallel_loop3A_1942], %parallel_loop3A_1939 {strides = array<i32>} : memref<2048xf32, #tpu.memory_space<vmem>>, vector<16xf32>,
        scf.yield %parallel_loop3A_1905, %parallel_loop3A_1930 : vector<16xf32>, vector<16xf32>
      } {sc.loop_unroll_factor = 2 : i64, sc.parallel_access}
      "tpu.trace_stop"() : () -> ()
      %add3A_52 = arith.addf %parallel_loop3A_51#0, %parallel_loop3A_51#1 : vector<16xf32>
      %reduce_sum3A = arith.constant true
      %reduce_sum3A_53 = vector.broadcast %reduce_sum3A : i1 to vector<16xi1>
      %reduce_sum3A_54 = tpu.scan <sum>, %add3A_52 masked %reduce_sum3A_53 : vector<16xf32>, vector<16xi1> -> vector<16xf32>
      %reduce_sum3A_55 = vector.extract %reduce_sum3A_54[15] : f32 from vector<16xf32>
      %scan3A_56 = arith.constant 0 : i32
      %scan3A_57 = arith.constant 0 : i32
      %scan3A_58 = arith.constant 8 : i32
      %scan3A_59 = arith.addi %scan3A_57, %scan3A_58 : i32
      %scan3A_60 = arith.constant 1 : i32
      %scan3A_61 = scf.for %scan3A_1537 = %scan3A_57 to %scan3A_59 step %scan3A_60 iter_args(%scan3A_1538 = %scan3A_56) -> (i32)  : i32 {
        %mul3A_1539 = arith.constant 16 : i32
        %mul3A_1540 = arith.muli %scan3A_1537, %mul3A_1539 : i32
        %add3A_1541 = arith.constant 0 : i32
        %add3A_1542 = arith.addi %mul3A_1540, %add3A_1541 : i32
        %eq3A_1543 = arith.constant 0 : i32
        %eq3A_1544 = vector.broadcast %eq3A_1543 : i32 to vector<16xi32>
        %eq3A_1545 = arith.cmpi eq, %iota3A, %eq3A_1544 : vector<16xi32>
        %mul3A_1546 = arith.constant 16 : i32
        %mul3A_1547 = arith.muli %add3A_1542, %mul3A_1546 : i32
        %get3A_1548 = arith.index_cast %mul3A_1547 : i32 to index
        %get3A_1549 = tpu.vector_load %arg6[%get3A_1548] {strides = array<i32>} : memref<2048xf32, #tpu.memory_space<vmem>>, vector<16xf32>,
        %reduce_max3A_1550 = arith.constant true
        %reduce_max3A_1551 = vector.broadcast %reduce_max3A_1550 : i1 to vector<16xi1>
        %reduce_max3A_1552 = tpu.scan <max>, %get3A_1549 masked %reduce_max3A_1551 : vector<16xf32>, vector<16xi1> -> vector<16xf32>
        %reduce_max3A_1553 = vector.extract %reduce_max3A_1552[15] : f32 from vector<16xf32>
        %broadcast_in_dim3A_1554 = vector.broadcast %reduce_max3A_1553 : f32 to vector<16xf32>
        %select_n3A_1555 = arith.select %eq3A_1545, %broadcast_in_dim3A_1554, %broadcast_in_dim3A_0 : vector<16xi1>, vector<16xf32>
        %mul3A_1556 = arith.constant 16 : i32
        %mul3A_1557 = arith.muli %scan3A_1537, %mul3A_1556 : i32
        %add3A_1558 = arith.constant 1 : i32
        %add3A_1559 = arith.addi %mul3A_1557, %add3A_1558 : i32
        %eq3A_1560 = arith.constant 1 : i32
        %eq3A_1561 = vector.broadcast %eq3A_1560 : i32 to vector<16xi32>
        %eq3A_1562 = arith.cmpi eq, %iota3A, %eq3A_1561 : vector<16xi32>
        %mul3A_1563 = arith.constant 16 : i32
        %mul3A_1564 = arith.muli %add3A_1559, %mul3A_1563 : i32
        %get3A_1565 = arith.index_cast %mul3A_1564 : i32 to index
        %get3A_1566 = tpu.vector_load %arg6[%get3A_1565] {strides = array<i32>} : memref<2048xf32, #tpu.memory_space<vmem>>, vector<16xf32>,
        %reduce_max3A_1567 = arith.constant true
        %reduce_max3A_1568 = vector.broadcast %reduce_max3A_1567 : i1 to vector<16xi1>
        %reduce_max3A_1569 = tpu.scan <max>, %get3A_1566 masked %reduce_max3A_1568 : vector<16xf32>, vector<16xi1> -> vector<16xf32>
        %reduce_max3A_1570 = vector.extract %reduce_max3A_1569[15] : f32 from vector<16xf32>
        %broadcast_in_dim3A_1571 = vector.broadcast %reduce_max3A_1570 : f32 to vector<16xf32>
        %select_n3A_1572 = arith.select %eq3A_1562, %broadcast_in_dim3A_1571, %select_n3A_1555 : vector<16xi1>, vector<16xf32>
        %mul3A_1573 = arith.constant 16 : i32
        %mul3A_1574 = arith.muli %scan3A_1537, %mul3A_1573 : i32
        %add3A_1575 = arith.constant 2 : i32
        %add3A_1576 = arith.addi %mul3A_1574, %add3A_1575 : i32
        %eq3A_1577 = arith.constant 2 : i32
        %eq3A_1578 = vector.broadcast %eq3A_1577 : i32 to vector<16xi32>
        %eq3A_1579 = arith.cmpi eq, %iota3A, %eq3A_1578 : vector<16xi32>
        %mul3A_1580 = arith.constant 16 : i32
        %mul3A_1581 = arith.muli %add3A_1576, %mul3A_1580 : i32
        %get3A_1582 = arith.index_cast %mul3A_1581 : i32 to index
        %get3A_1583 = tpu.vector_load %arg6[%get3A_1582] {strides = array<i32>} : memref<2048xf32, #tpu.memory_space<vmem>>, vector<16xf32>,
        %reduce_max3A_1584 = arith.constant true
        %reduce_max3A_1585 = vector.broadcast %reduce_max3A_1584 : i1 to vector<16xi1>
        %reduce_max3A_1586 = tpu.scan <max>, %get3A_1583 masked %reduce_max3A_1585 : vector<16xf32>, vector<16xi1> -> vector<16xf32>
        %reduce_max3A_1587 = vector.extract %reduce_max3A_1586[15] : f32 from vector<16xf32>
        %broadcast_in_dim3A_1588 = vector.broadcast %reduce_max3A_1587 : f32 to vector<16xf32>
        %select_n3A_1589 = arith.select %eq3A_1579, %broadcast_in_dim3A_1588, %select_n3A_1572 : vector<16xi1>, vector<16xf32>
        %mul3A_1590 = arith.constant 16 : i32
        %mul3A_1591 = arith.muli %scan3A_1537, %mul3A_1590 : i32
        %add3A_1592 = arith.constant 3 : i32
        %add3A_1593 = arith.addi %mul3A_1591, %add3A_1592 : i32
        %eq3A_1594 = arith.constant 3 : i32
        %eq3A_1595 = vector.broadcast %eq3A_1594 : i32 to vector<16xi32>
        %eq3A_1596 = arith.cmpi eq, %iota3A, %eq3A_1595 : vector<16xi32>
        %mul3A_1597 = arith.constant 16 : i32
        %mul3A_1598 = arith.muli %add3A_1593, %mul3A_1597 : i32
        %get3A_1599 = arith.index_cast %mul3A_1598 : i32 to index
        %get3A_1600 = tpu.vector_load %arg6[%get3A_1599] {strides = array<i32>} : memref<2048xf32, #tpu.memory_space<vmem>>, vector<16xf32>,
        %reduce_max3A_1601 = arith.constant true
        %reduce_max3A_1602 = vector.broadcast %reduce_max3A_1601 : i1 to vector<16xi1>
        %reduce_max3A_1603 = tpu.scan <max>, %get3A_1600 masked %reduce_max3A_1602 : vector<16xf32>, vector<16xi1> -> vector<16xf32>
        %reduce_max3A_1604 = vector.extract %reduce_max3A_1603[15] : f32 from vector<16xf32>
        %broadcast_in_dim3A_1605 = vector.broadcast %reduce_max3A_1604 : f32 to vector<16xf32>
        %select_n3A_1606 = arith.select %eq3A_1596, %broadcast_in_dim3A_1605, %select_n3A_1589 : vector<16xi1>, vector<16xf32>
        %mul3A_1607 = arith.constant 16 : i32
        %mul3A_1608 = arith.muli %scan3A_1537, %mul3A_1607 : i32
        %add3A_1609 = arith.constant 4 : i32
        %add3A_1610 = arith.addi %mul3A_1608, %add3A_1609 : i32
        %eq3A_1611 = arith.constant 4 : i32
        %eq3A_1612 = vector.broadcast %eq3A_1611 : i32 to vector<16xi32>
        %eq3A_1613 = arith.cmpi eq, %iota3A, %eq3A_1612 : vector<16xi32>
        %mul3A_1614 = arith.constant 16 : i32
        %mul3A_1615 = arith.muli %add3A_1610, %mul3A_1614 : i32
        %get3A_1616 = arith.index_cast %mul3A_1615 : i32 to index
        %get3A_1617 = tpu.vector_load %arg6[%get3A_1616] {strides = array<i32>} : memref<2048xf32, #tpu.memory_space<vmem>>, vector<16xf32>,
        %reduce_max3A_1618 = arith.constant true
        %reduce_max3A_1619 = vector.broadcast %reduce_max3A_1618 : i1 to vector<16xi1>
        %reduce_max3A_1620 = tpu.scan <max>, %get3A_1617 masked %reduce_max3A_1619 : vector<16xf32>, vector<16xi1> -> vector<16xf32>
        %reduce_max3A_1621 = vector.extract %reduce_max3A_1620[15] : f32 from vector<16xf32>
        %broadcast_in_dim3A_1622 = vector.broadcast %reduce_max3A_1621 : f32 to vector<16xf32>
        %select_n3A_1623 = arith.select %eq3A_1613, %broadcast_in_dim3A_1622, %select_n3A_1606 : vector<16xi1>, vector<16xf32>
        %mul3A_1624 = arith.constant 16 : i32
        %mul3A_1625 = arith.muli %scan3A_1537, %mul3A_1624 : i32
        %add3A_1626 = arith.constant 5 : i32
        %add3A_1627 = arith.addi %mul3A_1625, %add3A_1626 : i32
        %eq3A_1628 = arith.constant 5 : i32
        %eq3A_1629 = vector.broadcast %eq3A_1628 : i32 to vector<16xi32>
        %eq3A_1630 = arith.cmpi eq, %iota3A, %eq3A_1629 : vector<16xi32>
        %mul3A_1631 = arith.constant 16 : i32
        %mul3A_1632 = arith.muli %add3A_1627, %mul3A_1631 : i32
        %get3A_1633 = arith.index_cast %mul3A_1632 : i32 to index
        %get3A_1634 = tpu.vector_load %arg6[%get3A_1633] {strides = array<i32>} : memref<2048xf32, #tpu.memory_space<vmem>>, vector<16xf32>,
        %reduce_max3A_1635 = arith.constant true
        %reduce_max3A_1636 = vector.broadcast %reduce_max3A_1635 : i1 to vector<16xi1>
        %reduce_max3A_1637 = tpu.scan <max>, %get3A_1634 masked %reduce_max3A_1636 : vector<16xf32>, vector<16xi1> -> vector<16xf32>
        %reduce_max3A_1638 = vector.extract %reduce_max3A_1637[15] : f32 from vector<16xf32>
        %broadcast_in_dim3A_1639 = vector.broadcast %reduce_max3A_1638 : f32 to vector<16xf32>
        %select_n3A_1640 = arith.select %eq3A_1630, %broadcast_in_dim3A_1639, %select_n3A_1623 : vector<16xi1>, vector<16xf32>
        %mul3A_1641 = arith.constant 16 : i32
        %mul3A_1642 = arith.muli %scan3A_1537, %mul3A_1641 : i32
        %add3A_1643 = arith.constant 6 : i32
        %add3A_1644 = arith.addi %mul3A_1642, %add3A_1643 : i32
        %eq3A_1645 = arith.constant 6 : i32
        %eq3A_1646 = vector.broadcast %eq3A_1645 : i32 to vector<16xi32>
        %eq3A_1647 = arith.cmpi eq, %iota3A, %eq3A_1646 : vector<16xi32>
        %mul3A_1648 = arith.constant 16 : i32
        %mul3A_1649 = arith.muli %add3A_1644, %mul3A_1648 : i32
        %get3A_1650 = arith.index_cast %mul3A_1649 : i32 to index
        %get3A_1651 = tpu.vector_load %arg6[%get3A_1650] {strides = array<i32>} : memref<2048xf32, #tpu.memory_space<vmem>>, vector<16xf32>,
        %reduce_max3A_1652 = arith.constant true
        %reduce_max3A_1653 = vector.broadcast %reduce_max3A_1652 : i1 to vector<16xi1>
        %reduce_max3A_1654 = tpu.scan <max>, %get3A_1651 masked %reduce_max3A_1653 : vector<16xf32>, vector<16xi1> -> vector<16xf32>
        %reduce_max3A_1655 = vector.extract %reduce_max3A_1654[15] : f32 from vector<16xf32>
        %broadcast_in_dim3A_1656 = vector.broadcast %reduce_max3A_1655 : f32 to vector<16xf32>
        %select_n3A_1657 = arith.select %eq3A_1647, %broadcast_in_dim3A_1656, %select_n3A_1640 : vector<16xi1>, vector<16xf32>
        %mul3A_1658 = arith.constant 16 : i32
        %mul3A_1659 = arith.muli %scan3A_1537, %mul3A_1658 : i32
        %add3A_1660 = arith.constant 7 : i32
        %add3A_1661 = arith.addi %mul3A_1659, %add3A_1660 : i32
        %eq3A_1662 = arith.constant 7 : i32
        %eq3A_1663 = vector.broadcast %eq3A_1662 : i32 to vector<16xi32>
        %eq3A_1664 = arith.cmpi eq, %iota3A, %eq3A_1663 : vector<16xi32>
        %mul3A_1665 = arith.constant 16 : i32
        %mul3A_1666 = arith.muli %add3A_1661, %mul3A_1665 : i32
        %get3A_1667 = arith.index_cast %mul3A_1666 : i32 to index
        %get3A_1668 = tpu.vector_load %arg6[%get3A_1667] {strides = array<i32>} : memref<2048xf32, #tpu.memory_space<vmem>>, vector<16xf32>,
        %reduce_max3A_1669 = arith.constant true
        %reduce_max3A_1670 = vector.broadcast %reduce_max3A_1669 : i1 to vector<16xi1>
        %reduce_max3A_1671 = tpu.scan <max>, %get3A_1668 masked %reduce_max3A_1670 : vector<16xf32>, vector<16xi1> -> vector<16xf32>
        %reduce_max3A_1672 = vector.extract %reduce_max3A_1671[15] : f32 from vector<16xf32>
        %broadcast_in_dim3A_1673 = vector.broadcast %reduce_max3A_1672 : f32 to vector<16xf32>
        %select_n3A_1674 = arith.select %eq3A_1664, %broadcast_in_dim3A_1673, %select_n3A_1657 : vector<16xi1>, vector<16xf32>
        %mul3A_1675 = arith.constant 16 : i32
        %mul3A_1676 = arith.muli %scan3A_1537, %mul3A_1675 : i32
        %add3A_1677 = arith.constant 8 : i32
        %add3A_1678 = arith.addi %mul3A_1676, %add3A_1677 : i32
        %eq3A_1679 = arith.constant 8 : i32
        %eq3A_1680 = vector.broadcast %eq3A_1679 : i32 to vector<16xi32>
        %eq3A_1681 = arith.cmpi eq, %iota3A, %eq3A_1680 : vector<16xi32>
        %mul3A_1682 = arith.constant 16 : i32
        %mul3A_1683 = arith.muli %add3A_1678, %mul3A_1682 : i32
        %get3A_1684 = arith.index_cast %mul3A_1683 : i32 to index
        %get3A_1685 = tpu.vector_load %arg6[%get3A_1684] {strides = array<i32>} : memref<2048xf32, #tpu.memory_space<vmem>>, vector<16xf32>,
        %reduce_max3A_1686 = arith.constant true
        %reduce_max3A_1687 = vector.broadcast %reduce_max3A_1686 : i1 to vector<16xi1>
        %reduce_max3A_1688 = tpu.scan <max>, %get3A_1685 masked %reduce_max3A_1687 : vector<16xf32>, vector<16xi1> -> vector<16xf32>
        %reduce_max3A_1689 = vector.extract %reduce_max3A_1688[15] : f32 from vector<16xf32>
        %broadcast_in_dim3A_1690 = vector.broadcast %reduce_max3A_1689 : f32 to vector<16xf32>
        %select_n3A_1691 = arith.select %eq3A_1681, %broadcast_in_dim3A_1690, %select_n3A_1674 : vector<16xi1>, vector<16xf32>
        %mul3A_1692 = arith.constant 16 : i32
        %mul3A_1693 = arith.muli %scan3A_1537, %mul3A_1692 : i32
        %add3A_1694 = arith.constant 9 : i32
        %add3A_1695 = arith.addi %mul3A_1693, %add3A_1694 : i32
        %eq3A_1696 = arith.constant 9 : i32
        %eq3A_1697 = vector.broadcast %eq3A_1696 : i32 to vector<16xi32>
        %eq3A_1698 = arith.cmpi eq, %iota3A, %eq3A_1697 : vector<16xi32>
        %mul3A_1699 = arith.constant 16 : i32
        %mul3A_1700 = arith.muli %add3A_1695, %mul3A_1699 : i32
        %get3A_1701 = arith.index_cast %mul3A_1700 : i32 to index
        %get3A_1702 = tpu.vector_load %arg6[%get3A_1701] {strides = array<i32>} : memref<2048xf32, #tpu.memory_space<vmem>>, vector<16xf32>,
        %reduce_max3A_1703 = arith.constant true
        %reduce_max3A_1704 = vector.broadcast %reduce_max3A_1703 : i1 to vector<16xi1>
        %reduce_max3A_1705 = tpu.scan <max>, %get3A_1702 masked %reduce_max3A_1704 : vector<16xf32>, vector<16xi1> -> vector<16xf32>
        %reduce_max3A_1706 = vector.extract %reduce_max3A_1705[15] : f32 from vector<16xf32>
        %broadcast_in_dim3A_1707 = vector.broadcast %reduce_max3A_1706 : f32 to vector<16xf32>
        %select_n3A_1708 = arith.select %eq3A_1698, %broadcast_in_dim3A_1707, %select_n3A_1691 : vector<16xi1>, vector<16xf32>
        %mul3A_1709 = arith.constant 16 : i32
        %mul3A_1710 = arith.muli %scan3A_1537, %mul3A_1709 : i32
        %add3A_1711 = arith.constant 10 : i32
        %add3A_1712 = arith.addi %mul3A_1710, %add3A_1711 : i32
        %eq3A_1713 = arith.constant 10 : i32
        %eq3A_1714 = vector.broadcast %eq3A_1713 : i32 to vector<16xi32>
        %eq3A_1715 = arith.cmpi eq, %iota3A, %eq3A_1714 : vector<16xi32>
        %mul3A_1716 = arith.constant 16 : i32
        %mul3A_1717 = arith.muli %add3A_1712, %mul3A_1716 : i32
        %get3A_1718 = arith.index_cast %mul3A_1717 : i32 to index
        %get3A_1719 = tpu.vector_load %arg6[%get3A_1718] {strides = array<i32>} : memref<2048xf32, #tpu.memory_space<vmem>>, vector<16xf32>,
        %reduce_max3A_1720 = arith.constant true
        %reduce_max3A_1721 = vector.broadcast %reduce_max3A_1720 : i1 to vector<16xi1>
        %reduce_max3A_1722 = tpu.scan <max>, %get3A_1719 masked %reduce_max3A_1721 : vector<16xf32>, vector<16xi1> -> vector<16xf32>
        %reduce_max3A_1723 = vector.extract %reduce_max3A_1722[15] : f32 from vector<16xf32>
        %broadcast_in_dim3A_1724 = vector.broadcast %reduce_max3A_1723 : f32 to vector<16xf32>
        %select_n3A_1725 = arith.select %eq3A_1715, %broadcast_in_dim3A_1724, %select_n3A_1708 : vector<16xi1>, vector<16xf32>
        %mul3A_1726 = arith.constant 16 : i32
        %mul3A_1727 = arith.muli %scan3A_1537, %mul3A_1726 : i32
        %add3A_1728 = arith.constant 11 : i32
        %add3A_1729 = arith.addi %mul3A_1727, %add3A_1728 : i32
        %eq3A_1730 = arith.constant 11 : i32
        %eq3A_1731 = vector.broadcast %eq3A_1730 : i32 to vector<16xi32>
        %eq3A_1732 = arith.cmpi eq, %iota3A, %eq3A_1731 : vector<16xi32>
        %mul3A_1733 = arith.constant 16 : i32
        %mul3A_1734 = arith.muli %add3A_1729, %mul3A_1733 : i32
        %get3A_1735 = arith.index_cast %mul3A_1734 : i32 to index
        %get3A_1736 = tpu.vector_load %arg6[%get3A_1735] {strides = array<i32>} : memref<2048xf32, #tpu.memory_space<vmem>>, vector<16xf32>,
        %reduce_max3A_1737 = arith.constant true
        %reduce_max3A_1738 = vector.broadcast %reduce_max3A_1737 : i1 to vector<16xi1>
        %reduce_max3A_1739 = tpu.scan <max>, %get3A_1736 masked %reduce_max3A_1738 : vector<16xf32>, vector<16xi1> -> vector<16xf32>
        %reduce_max3A_1740 = vector.extract %reduce_max3A_1739[15] : f32 from vector<16xf32>
        %broadcast_in_dim3A_1741 = vector.broadcast %reduce_max3A_1740 : f32 to vector<16xf32>
        %select_n3A_1742 = arith.select %eq3A_1732, %broadcast_in_dim3A_1741, %select_n3A_1725 : vector<16xi1>, vector<16xf32>
        %mul3A_1743 = arith.constant 16 : i32
        %mul3A_1744 = arith.muli %scan3A_1537, %mul3A_1743 : i32
        %add3A_1745 = arith.constant 12 : i32
        %add3A_1746 = arith.addi %mul3A_1744, %add3A_1745 : i32
        %eq3A_1747 = arith.constant 12 : i32
        %eq3A_1748 = vector.broadcast %eq3A_1747 : i32 to vector<16xi32>
        %eq3A_1749 = arith.cmpi eq, %iota3A, %eq3A_1748 : vector<16xi32>
        %mul3A_1750 = arith.constant 16 : i32
        %mul3A_1751 = arith.muli %add3A_1746, %mul3A_1750 : i32
        %get3A_1752 = arith.index_cast %mul3A_1751 : i32 to index
        %get3A_1753 = tpu.vector_load %arg6[%get3A_1752] {strides = array<i32>} : memref<2048xf32, #tpu.memory_space<vmem>>, vector<16xf32>,
        %reduce_max3A_1754 = arith.constant true
        %reduce_max3A_1755 = vector.broadcast %reduce_max3A_1754 : i1 to vector<16xi1>
        %reduce_max3A_1756 = tpu.scan <max>, %get3A_1753 masked %reduce_max3A_1755 : vector<16xf32>, vector<16xi1> -> vector<16xf32>
        %reduce_max3A_1757 = vector.extract %reduce_max3A_1756[15] : f32 from vector<16xf32>
        %broadcast_in_dim3A_1758 = vector.broadcast %reduce_max3A_1757 : f32 to vector<16xf32>
        %select_n3A_1759 = arith.select %eq3A_1749, %broadcast_in_dim3A_1758, %select_n3A_1742 : vector<16xi1>, vector<16xf32>
        %mul3A_1760 = arith.constant 16 : i32
        %mul3A_1761 = arith.muli %scan3A_1537, %mul3A_1760 : i32
        %add3A_1762 = arith.constant 13 : i32
        %add3A_1763 = arith.addi %mul3A_1761, %add3A_1762 : i32
        %eq3A_1764 = arith.constant 13 : i32
        %eq3A_1765 = vector.broadcast %eq3A_1764 : i32 to vector<16xi32>
        %eq3A_1766 = arith.cmpi eq, %iota3A, %eq3A_1765 : vector<16xi32>
        %mul3A_1767 = arith.constant 16 : i32
        %mul3A_1768 = arith.muli %add3A_1763, %mul3A_1767 : i32
        %get3A_1769 = arith.index_cast %mul3A_1768 : i32 to index
        %get3A_1770 = tpu.vector_load %arg6[%get3A_1769] {strides = array<i32>} : memref<2048xf32, #tpu.memory_space<vmem>>, vector<16xf32>,
        %reduce_max3A_1771 = arith.constant true
        %reduce_max3A_1772 = vector.broadcast %reduce_max3A_1771 : i1 to vector<16xi1>
        %reduce_max3A_1773 = tpu.scan <max>, %get3A_1770 masked %reduce_max3A_1772 : vector<16xf32>, vector<16xi1> -> vector<16xf32>
        %reduce_max3A_1774 = vector.extract %reduce_max3A_1773[15] : f32 from vector<16xf32>
        %broadcast_in_dim3A_1775 = vector.broadcast %reduce_max3A_1774 : f32 to vector<16xf32>
        %select_n3A_1776 = arith.select %eq3A_1766, %broadcast_in_dim3A_1775, %select_n3A_1759 : vector<16xi1>, vector<16xf32>
        %mul3A_1777 = arith.constant 16 : i32
        %mul3A_1778 = arith.muli %scan3A_1537, %mul3A_1777 : i32
        %add3A_1779 = arith.constant 14 : i32
        %add3A_1780 = arith.addi %mul3A_1778, %add3A_1779 : i32
        %eq3A_1781 = arith.constant 14 : i32
        %eq3A_1782 = vector.broadcast %eq3A_1781 : i32 to vector<16xi32>
        %eq3A_1783 = arith.cmpi eq, %iota3A, %eq3A_1782 : vector<16xi32>
        %mul3A_1784 = arith.constant 16 : i32
        %mul3A_1785 = arith.muli %add3A_1780, %mul3A_1784 : i32
        %get3A_1786 = arith.index_cast %mul3A_1785 : i32 to index
        %get3A_1787 = tpu.vector_load %arg6[%get3A_1786] {strides = array<i32>} : memref<2048xf32, #tpu.memory_space<vmem>>, vector<16xf32>,
        %reduce_max3A_1788 = arith.constant true
        %reduce_max3A_1789 = vector.broadcast %reduce_max3A_1788 : i1 to vector<16xi1>
        %reduce_max3A_1790 = tpu.scan <max>, %get3A_1787 masked %reduce_max3A_1789 : vector<16xf32>, vector<16xi1> -> vector<16xf32>
        %reduce_max3A_1791 = vector.extract %reduce_max3A_1790[15] : f32 from vector<16xf32>
        %broadcast_in_dim3A_1792 = vector.broadcast %reduce_max3A_1791 : f32 to vector<16xf32>
        %select_n3A_1793 = arith.select %eq3A_1783, %broadcast_in_dim3A_1792, %select_n3A_1776 : vector<16xi1>, vector<16xf32>
        %mul3A_1794 = arith.constant 16 : i32
        %mul3A_1795 = arith.muli %scan3A_1537, %mul3A_1794 : i32
        %add3A_1796 = arith.constant 15 : i32
        %add3A_1797 = arith.addi %mul3A_1795, %add3A_1796 : i32
        %eq3A_1798 = arith.constant 15 : i32
        %eq3A_1799 = vector.broadcast %eq3A_1798 : i32 to vector<16xi32>
        %eq3A_1800 = arith.cmpi eq, %iota3A, %eq3A_1799 : vector<16xi32>
        %mul3A_1801 = arith.constant 16 : i32
        %mul3A_1802 = arith.muli %add3A_1797, %mul3A_1801 : i32
        %get3A_1803 = arith.index_cast %mul3A_1802 : i32 to index
        %get3A_1804 = tpu.vector_load %arg6[%get3A_1803] {strides = array<i32>} : memref<2048xf32, #tpu.memory_space<vmem>>, vector<16xf32>,
        %reduce_max3A_1805 = arith.constant true
        %reduce_max3A_1806 = vector.broadcast %reduce_max3A_1805 : i1 to vector<16xi1>
        %reduce_max3A_1807 = tpu.scan <max>, %get3A_1804 masked %reduce_max3A_1806 : vector<16xf32>, vector<16xi1> -> vector<16xf32>
        %reduce_max3A_1808 = vector.extract %reduce_max3A_1807[15] : f32 from vector<16xf32>
        %broadcast_in_dim3A_1809 = vector.broadcast %reduce_max3A_1808 : f32 to vector<16xf32>
        %select_n3A_1810 = arith.select %eq3A_1800, %broadcast_in_dim3A_1809, %select_n3A_1793 : vector<16xi1>, vector<16xf32>
        %mul3A_1811 = arith.constant 16 : i32
        %mul3A_1812 = arith.muli %scan3A_1537, %mul3A_1811 : i32
        %swap3A_1813 = arith.index_cast %mul3A_1812 : i32 to index
        %swap3A_1814 = tpu.vector_load %arg7[%swap3A_1813] {strides = array<i32>} : memref<128xf32, #tpu.memory_space<vmem>>, vector<16xf32>,
        tpu.vector_store %arg7[%swap3A_1813], %select_n3A_1810 {strides = array<i32>} : memref<128xf32, #tpu.memory_space<vmem>>, vector<16xf32>,
        %scan3A_1815 = arith.constant 0 : i32
        scf.yield %scan3A_1815 : i32
      }
      %scan3A_62 = arith.constant 8 : i32
      %eq3A = arith.constant 0 : i32
      %eq3A_63 = vector.broadcast %eq3A : i32 to vector<16xi32>
      %eq3A_64 = arith.cmpi eq, %iota3A, %eq3A_63 : vector<16xi32>
      %get3A = arith.constant 0 : index
      %get3A_65 = tpu.vector_load %arg7[%get3A] {strides = array<i32>} : memref<128xf32, #tpu.memory_space<vmem>>, vector<16xf32>,
      %reduce_max3A_66 = arith.constant true
      %reduce_max3A_67 = vector.broadcast %reduce_max3A_66 : i1 to vector<16xi1>
      %reduce_max3A_68 = tpu.scan <max>, %get3A_65 masked %reduce_max3A_67 : vector<16xf32>, vector<16xi1> -> vector<16xf32>
      %reduce_max3A_69 = vector.extract %reduce_max3A_68[15] : f32 from vector<16xf32>
      %broadcast_in_dim3A_70 = vector.broadcast %reduce_max3A_69 : f32 to vector<16xf32>
      %select_n3A = arith.select %eq3A_64, %broadcast_in_dim3A_70, %broadcast_in_dim3A_0 : vector<16xi1>, vector<16xf32>
      %eq3A_71 = arith.constant 1 : i32
      %eq3A_72 = vector.broadcast %eq3A_71 : i32 to vector<16xi32>
      %eq3A_73 = arith.cmpi eq, %iota3A, %eq3A_72 : vector<16xi32>
      %get3A_74 = arith.constant 16 : index
      %get3A_75 = tpu.vector_load %arg7[%get3A_74] {strides = array<i32>} : memref<128xf32, #tpu.memory_space<vmem>>, vector<16xf32>,
      %reduce_max3A_76 = arith.constant true
      %reduce_max3A_77 = vector.broadcast %reduce_max3A_76 : i1 to vector<16xi1>
      %reduce_max3A_78 = tpu.scan <max>, %get3A_75 masked %reduce_max3A_77 : vector<16xf32>, vector<16xi1> -> vector<16xf32>
      %reduce_max3A_79 = vector.extract %reduce_max3A_78[15] : f32 from vector<16xf32>
      %broadcast_in_dim3A_80 = vector.broadcast %reduce_max3A_79 : f32 to vector<16xf32>
      %select_n3A_81 = arith.select %eq3A_73, %broadcast_in_dim3A_80, %select_n3A : vector<16xi1>, vector<16xf32>
      %eq3A_82 = arith.constant 2 : i32
      %eq3A_83 = vector.broadcast %eq3A_82 : i32 to vector<16xi32>
      %eq3A_84 = arith.cmpi eq, %iota3A, %eq3A_83 : vector<16xi32>
      %get3A_85 = arith.constant 32 : index
      %get3A_86 = tpu.vector_load %arg7[%get3A_85] {strides = array<i32>} : memref<128xf32, #tpu.memory_space<vmem>>, vector<16xf32>,
      %reduce_max3A_87 = arith.constant true
      %reduce_max3A_88 = vector.broadcast %reduce_max3A_87 : i1 to vector<16xi1>
      %reduce_max3A_89 = tpu.scan <max>, %get3A_86 masked %reduce_max3A_88 : vector<16xf32>, vector<16xi1> -> vector<16xf32>
      %reduce_max3A_90 = vector.extract %reduce_max3A_89[15] : f32 from vector<16xf32>
      %broadcast_in_dim3A_91 = vector.broadcast %reduce_max3A_90 : f32 to vector<16xf32>
      %select_n3A_92 = arith.select %eq3A_84, %broadcast_in_dim3A_91, %select_n3A_81 : vector<16xi1>, vector<16xf32>
      %eq3A_93 = arith.constant 3 : i32
      %eq3A_94 = vector.broadcast %eq3A_93 : i32 to vector<16xi32>
      %eq3A_95 = arith.cmpi eq, %iota3A, %eq3A_94 : vector<16xi32>
      %get3A_96 = arith.constant 48 : index
      %get3A_97 = tpu.vector_load %arg7[%get3A_96] {strides = array<i32>} : memref<128xf32, #tpu.memory_space<vmem>>, vector<16xf32>,
      %reduce_max3A_98 = arith.constant true
      %reduce_max3A_99 = vector.broadcast %reduce_max3A_98 : i1 to vector<16xi1>
      %reduce_max3A_100 = tpu.scan <max>, %get3A_97 masked %reduce_max3A_99 : vector<16xf32>, vector<16xi1> -> vector<16xf32>
      %reduce_max3A_101 = vector.extract %reduce_max3A_100[15] : f32 from vector<16xf32>
      %broadcast_in_dim3A_102 = vector.broadcast %reduce_max3A_101 : f32 to vector<16xf32>
      %select_n3A_103 = arith.select %eq3A_95, %broadcast_in_dim3A_102, %select_n3A_92 : vector<16xi1>, vector<16xf32>
      %eq3A_104 = arith.constant 4 : i32
      %eq3A_105 = vector.broadcast %eq3A_104 : i32 to vector<16xi32>
      %eq3A_106 = arith.cmpi eq, %iota3A, %eq3A_105 : vector<16xi32>
      %get3A_107 = arith.constant 64 : index
      %get3A_108 = tpu.vector_load %arg7[%get3A_107] {strides = array<i32>} : memref<128xf32, #tpu.memory_space<vmem>>, vector<16xf32>,
      %reduce_max3A_109 = arith.constant true
      %reduce_max3A_110 = vector.broadcast %reduce_max3A_109 : i1 to vector<16xi1>
      %reduce_max3A_111 = tpu.scan <max>, %get3A_108 masked %reduce_max3A_110 : vector<16xf32>, vector<16xi1> -> vector<16xf32>
      %reduce_max3A_112 = vector.extract %reduce_max3A_111[15] : f32 from vector<16xf32>
      %broadcast_in_dim3A_113 = vector.broadcast %reduce_max3A_112 : f32 to vector<16xf32>
      %select_n3A_114 = arith.select %eq3A_106, %broadcast_in_dim3A_113, %select_n3A_103 : vector<16xi1>, vector<16xf32>
      %eq3A_115 = arith.constant 5 : i32
      %eq3A_116 = vector.broadcast %eq3A_115 : i32 to vector<16xi32>
      %eq3A_117 = arith.cmpi eq, %iota3A, %eq3A_116 : vector<16xi32>
      %get3A_118 = arith.constant 80 : index
      %get3A_119 = tpu.vector_load %arg7[%get3A_118] {strides = array<i32>} : memref<128xf32, #tpu.memory_space<vmem>>, vector<16xf32>,
      %reduce_max3A_120 = arith.constant true
      %reduce_max3A_121 = vector.broadcast %reduce_max3A_120 : i1 to vector<16xi1>
      %reduce_max3A_122 = tpu.scan <max>, %get3A_119 masked %reduce_max3A_121 : vector<16xf32>, vector<16xi1> -> vector<16xf32>
      %reduce_max3A_123 = vector.extract %reduce_max3A_122[15] : f32 from vector<16xf32>
      %broadcast_in_dim3A_124 = vector.broadcast %reduce_max3A_123 : f32 to vector<16xf32>
      %select_n3A_125 = arith.select %eq3A_117, %broadcast_in_dim3A_124, %select_n3A_114 : vector<16xi1>, vector<16xf32>
      %eq3A_126 = arith.constant 6 : i32
      %eq3A_127 = vector.broadcast %eq3A_126 : i32 to vector<16xi32>
      %eq3A_128 = arith.cmpi eq, %iota3A, %eq3A_127 : vector<16xi32>
      %get3A_129 = arith.constant 96 : index
      %get3A_130 = tpu.vector_load %arg7[%get3A_129] {strides = array<i32>} : memref<128xf32, #tpu.memory_space<vmem>>, vector<16xf32>,
      %reduce_max3A_131 = arith.constant true
      %reduce_max3A_132 = vector.broadcast %reduce_max3A_131 : i1 to vector<16xi1>
      %reduce_max3A_133 = tpu.scan <max>, %get3A_130 masked %reduce_max3A_132 : vector<16xf32>, vector<16xi1> -> vector<16xf32>
      %reduce_max3A_134 = vector.extract %reduce_max3A_133[15] : f32 from vector<16xf32>
      %broadcast_in_dim3A_135 = vector.broadcast %reduce_max3A_134 : f32 to vector<16xf32>
      %select_n3A_136 = arith.select %eq3A_128, %broadcast_in_dim3A_135, %select_n3A_125 : vector<16xi1>, vector<16xf32>
      %eq3A_137 = arith.constant 7 : i32
      %eq3A_138 = vector.broadcast %eq3A_137 : i32 to vector<16xi32>
      %eq3A_139 = arith.cmpi eq, %iota3A, %eq3A_138 : vector<16xi32>
      %get3A_140 = arith.constant 112 : index
      %get3A_141 = tpu.vector_load %arg7[%get3A_140] {strides = array<i32>} : memref<128xf32, #tpu.memory_space<vmem>>, vector<16xf32>,
      %reduce_max3A_142 = arith.constant true
      %reduce_max3A_143 = vector.broadcast %reduce_max3A_142 : i1 to vector<16xi1>
      %reduce_max3A_144 = tpu.scan <max>, %get3A_141 masked %reduce_max3A_143 : vector<16xf32>, vector<16xi1> -> vector<16xf32>
      %reduce_max3A_145 = vector.extract %reduce_max3A_144[15] : f32 from vector<16xf32>
      %broadcast_in_dim3A_146 = vector.broadcast %reduce_max3A_145 : f32 to vector<16xf32>
      %select_n3A_147 = arith.select %eq3A_139, %broadcast_in_dim3A_146, %select_n3A_136 : vector<16xi1>, vector<16xf32>
      %get3A_148 = arith.constant 0 : index
      %get3A_149 = tpu.vector_load %arg4[%get3A_148] {strides = array<i32>} : memref<32768xf32, #tpu.memory_space<vmem>>, vector<16xf32>,
      %get3A_150 = arith.constant 16 : index
      %get3A_151 = tpu.vector_load %arg4[%get3A_150] {strides = array<i32>} : memref<32768xf32, #tpu.memory_space<vmem>>, vector<16xf32>,
      %get3A_152 = arith.constant 32 : index
      %get3A_153 = tpu.vector_load %arg4[%get3A_152] {strides = array<i32>} : memref<32768xf32, #tpu.memory_space<vmem>>, vector<16xf32>,
      %get3A_154 = arith.constant 48 : index
      %get3A_155 = tpu.vector_load %arg4[%get3A_154] {strides = array<i32>} : memref<32768xf32, #tpu.memory_space<vmem>>, vector<16xf32>,
      %add3A_156 = arith.constant 0 : i32
      %add3A_157 = vector.broadcast %add3A_156 : i32 to vector<16xi32>
      %add3A_158 = arith.addi %iota3A, %add3A_157 : vector<16xi32>
      %add3A_159 = arith.constant 16 : i32
      %add3A_160 = vector.broadcast %add3A_159 : i32 to vector<16xi32>
      %add3A_161 = arith.addi %iota3A, %add3A_160 : vector<16xi32>
      %add3A_162 = arith.constant 32 : i32
      %add3A_163 = vector.broadcast %add3A_162 : i32 to vector<16xi32>
      %add3A_164 = arith.addi %iota3A, %add3A_163 : vector<16xi32>
      %add3A_165 = arith.constant 48 : i32
      %add3A_166 = vector.broadcast %add3A_165 : i32 to vector<16xi32>
      %add3A_167 = arith.addi %iota3A, %add3A_166 : vector<16xi32>
      %masked_sort3A = arith.constant dense<true> : vector<16xi1>
      %masked_sort3A_168, %masked_sort3A_169, %masked_sort3A_170 = tpu.sort %get3A_149, %add3A_158 masked %masked_sort3A : (vector<16xf32>, vector<16xi32>, vector<16xi1>) -> (vector<16xi1>, vector<16xf32>, vector<16xi32>)
      %masked_sort3A_171 = arith.constant dense<true> : vector<16xi1>
      %masked_sort3A_172, %masked_sort3A_173, %masked_sort3A_174 = tpu.sort %get3A_151, %add3A_161 masked %masked_sort3A_171 : (vector<16xf32>, vector<16xi32>, vector<16xi1>) -> (vector<16xi1>, vector<16xf32>, vector<16xi32>)
      %masked_sort3A_175 = arith.constant dense<true> : vector<16xi1>
      %masked_sort3A_176, %masked_sort3A_177, %masked_sort3A_178 = tpu.sort %get3A_153, %add3A_164 masked %masked_sort3A_175 : (vector<16xf32>, vector<16xi32>, vector<16xi1>) -> (vector<16xi1>, vector<16xf32>, vector<16xi32>)
      %masked_sort3A_179 = arith.constant dense<true> : vector<16xi1>
      %masked_sort3A_180, %masked_sort3A_181, %masked_sort3A_182 = tpu.sort %get3A_155, %add3A_167 masked %masked_sort3A_179 : (vector<16xf32>, vector<16xi32>, vector<16xi1>) -> (vector<16xi1>, vector<16xf32>, vector<16xi32>)
      %rev3A = arith.constant 15 : i32
      %rev3A_183 = vector.broadcast %rev3A : i32 to vector<16xi32>
      %rev3A_184 = tpu.iota {dimensions = array<i32: 0>} : vector<16xi32>
      %rev3A_185 = arith.subi %rev3A_183, %rev3A_184 : vector<16xi32>
      %rev3A_186 = tpu.dynamic_gather %masked_sort3A_173[%rev3A_185] in [0] : vector<16xf32>, vector<16xi32> -> vector<16xf32>
      %rev3A_187 = arith.constant 15 : i32
      %rev3A_188 = vector.broadcast %rev3A_187 : i32 to vector<16xi32>
      %rev3A_189 = tpu.iota {dimensions = array<i32: 0>} : vector<16xi32>
      %rev3A_190 = arith.subi %rev3A_188, %rev3A_189 : vector<16xi32>
      %rev3A_191 = tpu.dynamic_gather %masked_sort3A_174[%rev3A_190] in [0] : vector<16xi32>, vector<16xi32> -> vector<16xi32>
      %le3A = arith.cmpf ole, %masked_sort3A_169, %rev3A_186 : vector<16xf32>
      %select_n3A_192 = arith.select %le3A, %masked_sort3A_169, %rev3A_186 : vector<16xi1>, vector<16xf32>
      %select_n3A_193 = arith.select %le3A, %masked_sort3A_170, %rev3A_191 : vector<16xi1>, vector<16xi32>
      %select_n3A_194 = arith.select %le3A, %rev3A_186, %masked_sort3A_169 : vector<16xi1>, vector<16xf32>
      %select_n3A_195 = arith.select %le3A, %rev3A_191, %masked_sort3A_170 : vector<16xi1>, vector<16xi32>
      %masked_sort3A_196 = arith.constant dense<true> : vector<16xi1>
      %masked_sort3A_197, %masked_sort3A_198, %masked_sort3A_199 = tpu.sort %select_n3A_192, %select_n3A_193 masked %masked_sort3A_196 : (vector<16xf32>, vector<16xi32>, vector<16xi1>) -> (vector<16xi1>, vector<16xf32>, vector<16xi32>)
      %masked_sort3A_200 = arith.constant dense<true> : vector<16xi1>
      %masked_sort3A_201, %masked_sort3A_202, %masked_sort3A_203 = tpu.sort %select_n3A_194, %select_n3A_195 masked %masked_sort3A_200 : (vector<16xf32>, vector<16xi32>, vector<16xi1>) -> (vector<16xi1>, vector<16xf32>, vector<16xi32>)
      %rev3A_204 = arith.constant 15 : i32
      %rev3A_205 = vector.broadcast %rev3A_204 : i32 to vector<16xi32>
      %rev3A_206 = tpu.iota {dimensions = array<i32: 0>} : vector<16xi32>
      %rev3A_207 = arith.subi %rev3A_205, %rev3A_206 : vector<16xi32>
      %rev3A_208 = tpu.dynamic_gather %masked_sort3A_181[%rev3A_207] in [0] : vector<16xf32>, vector<16xi32> -> vector<16xf32>
      %rev3A_209 = arith.constant 15 : i32
      %rev3A_210 = vector.broadcast %rev3A_209 : i32 to vector<16xi32>
      %rev3A_211 = tpu.iota {dimensions = array<i32: 0>} : vector<16xi32>
      %rev3A_212 = arith.subi %rev3A_210, %rev3A_211 : vector<16xi32>
      %rev3A_213 = tpu.dynamic_gather %masked_sort3A_182[%rev3A_212] in [0] : vector<16xi32>, vector<16xi32> -> vector<16xi32>
      %le3A_214 = arith.cmpf ole, %masked_sort3A_177, %rev3A_208 : vector<16xf32>
      %select_n3A_215 = arith.select %le3A_214, %masked_sort3A_177, %rev3A_208 : vector<16xi1>, vector<16xf32>
      %select_n3A_216 = arith.select %le3A_214, %masked_sort3A_178, %rev3A_213 : vector<16xi1>, vector<16xi32>
      %select_n3A_217 = arith.select %le3A_214, %rev3A_208, %masked_sort3A_177 : vector<16xi1>, vector<16xf32>
      %select_n3A_218 = arith.select %le3A_214, %rev3A_213, %masked_sort3A_178 : vector<16xi1>, vector<16xi32>
      %masked_sort3A_219 = arith.constant dense<true> : vector<16xi1>
      %masked_sort3A_220, %masked_sort3A_221, %masked_sort3A_222 = tpu.sort %select_n3A_215, %select_n3A_216 masked %masked_sort3A_219 : (vector<16xf32>, vector<16xi32>, vector<16xi1>) -> (vector<16xi1>, vector<16xf32>, vector<16xi32>)
      %masked_sort3A_223 = arith.constant dense<true> : vector<16xi1>
      %masked_sort3A_224, %masked_sort3A_225, %masked_sort3A_226 = tpu.sort %select_n3A_217, %select_n3A_218 masked %masked_sort3A_223 : (vector<16xf32>, vector<16xi32>, vector<16xi1>) -> (vector<16xi1>, vector<16xf32>, vector<16xi32>)
      %rev3A_227 = arith.constant 15 : i32
      %rev3A_228 = vector.broadcast %rev3A_227 : i32 to vector<16xi32>
      %rev3A_229 = tpu.iota {dimensions = array<i32: 0>} : vector<16xi32>
      %rev3A_230 = arith.subi %rev3A_228, %rev3A_229 : vector<16xi32>
      %rev3A_231 = tpu.dynamic_gather %masked_sort3A_225[%rev3A_230] in [0] : vector<16xf32>, vector<16xi32> -> vector<16xf32>
      %rev3A_232 = arith.constant 15 : i32
      %rev3A_233 = vector.broadcast %rev3A_232 : i32 to vector<16xi32>
      %rev3A_234 = tpu.iota {dimensions = array<i32: 0>} : vector<16xi32>
      %rev3A_235 = arith.subi %rev3A_233, %rev3A_234 : vector<16xi32>
      %rev3A_236 = tpu.dynamic_gather %masked_sort3A_221[%rev3A_235] in [0] : vector<16xf32>, vector<16xi32> -> vector<16xf32>
      %rev3A_237 = arith.constant 15 : i32
      %rev3A_238 = vector.broadcast %rev3A_237 : i32 to vector<16xi32>
      %rev3A_239 = tpu.iota {dimensions = array<i32: 0>} : vector<16xi32>
      %rev3A_240 = arith.subi %rev3A_238, %rev3A_239 : vector<16xi32>
      %rev3A_241 = tpu.dynamic_gather %masked_sort3A_226[%rev3A_240] in [0] : vector<16xi32>, vector<16xi32> -> vector<16xi32>
      %rev3A_242 = arith.constant 15 : i32
      %rev3A_243 = vector.broadcast %rev3A_242 : i32 to vector<16xi32>
      %rev3A_244 = tpu.iota {dimensions = array<i32: 0>} : vector<16xi32>
      %rev3A_245 = arith.subi %rev3A_243, %rev3A_244 : vector<16xi32>
      %rev3A_246 = tpu.dynamic_gather %masked_sort3A_222[%rev3A_245] in [0] : vector<16xi32>, vector<16xi32> -> vector<16xi32>
      %le3A_247 = arith.cmpf ole, %masked_sort3A_198, %rev3A_231 : vector<16xf32>
      %select_n3A_248 = arith.select %le3A_247, %masked_sort3A_198, %rev3A_231 : vector<16xi1>, vector<16xf32>
      %select_n3A_249 = arith.select %le3A_247, %masked_sort3A_199, %rev3A_241 : vector<16xi1>, vector<16xi32>
      %select_n3A_250 = arith.select %le3A_247, %rev3A_231, %masked_sort3A_198 : vector<16xi1>, vector<16xf32>
      %select_n3A_251 = arith.select %le3A_247, %rev3A_241, %masked_sort3A_199 : vector<16xi1>, vector<16xi32>
      %le3A_252 = arith.cmpf ole, %masked_sort3A_202, %rev3A_236 : vector<16xf32>
      %select_n3A_253 = arith.select %le3A_252, %masked_sort3A_202, %rev3A_236 : vector<16xi1>, vector<16xf32>
      %select_n3A_254 = arith.select %le3A_252, %masked_sort3A_203, %rev3A_246 : vector<16xi1>, vector<16xi32>
      %select_n3A_255 = arith.select %le3A_252, %rev3A_236, %masked_sort3A_202 : vector<16xi1>, vector<16xf32>
      %select_n3A_256 = arith.select %le3A_252, %rev3A_246, %masked_sort3A_203 : vector<16xi1>, vector<16xi32>
      %le3A_257 = arith.cmpf ole, %select_n3A_248, %select_n3A_253 : vector<16xf32>
      %select_n3A_258 = arith.select %le3A_257, %select_n3A_248, %select_n3A_253 : vector<16xi1>, vector<16xf32>
      %select_n3A_259 = arith.select %le3A_257, %select_n3A_249, %select_n3A_254 : vector<16xi1>, vector<16xi32>
      %select_n3A_260 = arith.select %le3A_257, %select_n3A_253, %select_n3A_248 : vector<16xi1>, vector<16xf32>
      %select_n3A_261 = arith.select %le3A_257, %select_n3A_254, %select_n3A_249 : vector<16xi1>, vector<16xi32>
      %le3A_262 = arith.cmpf ole, %select_n3A_250, %select_n3A_255 : vector<16xf32>
      %select_n3A_263 = arith.select %le3A_262, %select_n3A_250, %select_n3A_255 : vector<16xi1>, vector<16xf32>
      %select_n3A_264 = arith.select %le3A_262, %select_n3A_251, %select_n3A_256 : vector<16xi1>, vector<16xi32>
      %select_n3A_265 = arith.select %le3A_262, %select_n3A_255, %select_n3A_250 : vector<16xi1>, vector<16xf32>
      %select_n3A_266 = arith.select %le3A_262, %select_n3A_256, %select_n3A_251 : vector<16xi1>, vector<16xi32>
      %masked_sort3A_267 = arith.constant dense<true> : vector<16xi1>
      %masked_sort3A_268, %masked_sort3A_269, %masked_sort3A_270 = tpu.sort %select_n3A_258, %select_n3A_259 masked %masked_sort3A_267 : (vector<16xf32>, vector<16xi32>, vector<16xi1>) -> (vector<16xi1>, vector<16xf32>, vector<16xi32>)
      %masked_sort3A_271 = arith.constant dense<true> : vector<16xi1>
      %masked_sort3A_272, %masked_sort3A_273, %masked_sort3A_274 = tpu.sort %select_n3A_260, %select_n3A_261 masked %masked_sort3A_271 : (vector<16xf32>, vector<16xi32>, vector<16xi1>) -> (vector<16xi1>, vector<16xf32>, vector<16xi32>)
      %masked_sort3A_275 = arith.constant dense<true> : vector<16xi1>
      %masked_sort3A_276, %masked_sort3A_277, %masked_sort3A_278 = tpu.sort %select_n3A_263, %select_n3A_264 masked %masked_sort3A_275 : (vector<16xf32>, vector<16xi32>, vector<16xi1>) -> (vector<16xi1>, vector<16xf32>, vector<16xi32>)
      %masked_sort3A_279 = arith.constant dense<true> : vector<16xi1>
      %masked_sort3A_280, %masked_sort3A_281, %masked_sort3A_282 = tpu.sort %select_n3A_265, %select_n3A_266 masked %masked_sort3A_279 : (vector<16xf32>, vector<16xi32>, vector<16xi1>) -> (vector<16xi1>, vector<16xf32>, vector<16xi32>)
      %add3A_283 = arith.constant 0 : i32
      %add3A_284 = vector.broadcast %add3A_283 : i32 to vector<16xi32>
      %add3A_285 = arith.addi %iota3A, %add3A_284 : vector<16xi32>
      %mul3A_286 = arith.constant 16 : i32
      %mul3A_287 = vector.broadcast %mul3A_286 : i32 to vector<16xi32>
      %mul3A_288 = arith.muli %add3A_285, %mul3A_287 : vector<16xi32>
      %add3A_289 = arith.constant 0 : i32
      %add3A_290 = vector.broadcast %add3A_289 : i32 to vector<16xi32>
      %add3A_291 = arith.addi %mul3A_288, %add3A_290 : vector<16xi32>
      tpu.vector_store_idx %arg8[%add3A_291], %masked_sort3A_269 : memref<1024xf32, #tpu.memory_space<vmem>>[vector<16xi32>], vector<16xf32>,
      %add3A_292 = arith.constant 0 : i32
      %add3A_293 = vector.broadcast %add3A_292 : i32 to vector<16xi32>
      %add3A_294 = arith.addi %iota3A, %add3A_293 : vector<16xi32>
      %mul3A_295 = arith.constant 16 : i32
      %mul3A_296 = vector.broadcast %mul3A_295 : i32 to vector<16xi32>
      %mul3A_297 = arith.muli %add3A_294, %mul3A_296 : vector<16xi32>
      %add3A_298 = arith.constant 1 : i32
      %add3A_299 = vector.broadcast %add3A_298 : i32 to vector<16xi32>
      %add3A_300 = arith.addi %mul3A_297, %add3A_299 : vector<16xi32>
      tpu.vector_store_idx %arg8[%add3A_300], %masked_sort3A_269 : memref<1024xf32, #tpu.memory_space<vmem>>[vector<16xi32>], vector<16xf32>,
      %add3A_301 = arith.constant 0 : i32
      %add3A_302 = vector.broadcast %add3A_301 : i32 to vector<16xi32>
      %add3A_303 = arith.addi %iota3A, %add3A_302 : vector<16xi32>
      %mul3A_304 = arith.constant 16 : i32
      %mul3A_305 = vector.broadcast %mul3A_304 : i32 to vector<16xi32>
      %mul3A_306 = arith.muli %add3A_303, %mul3A_305 : vector<16xi32>
      %add3A_307 = arith.constant 2 : i32
      %add3A_308 = vector.broadcast %add3A_307 : i32 to vector<16xi32>
      %add3A_309 = arith.addi %mul3A_306, %add3A_308 : vector<16xi32>
      tpu.vector_store_idx %arg8[%add3A_309], %masked_sort3A_269 : memref<1024xf32, #tpu.memory_space<vmem>>[vector<16xi32>], vector<16xf32>,
      %add3A_310 = arith.constant 0 : i32
      %add3A_311 = vector.broadcast %add3A_310 : i32 to vector<16xi32>
      %add3A_312 = arith.addi %iota3A, %add3A_311 : vector<16xi32>
      %mul3A_313 = arith.constant 16 : i32
      %mul3A_314 = vector.broadcast %mul3A_313 : i32 to vector<16xi32>
      %mul3A_315 = arith.muli %add3A_312, %mul3A_314 : vector<16xi32>
      %add3A_316 = arith.constant 3 : i32
      %add3A_317 = vector.broadcast %add3A_316 : i32 to vector<16xi32>
      %add3A_318 = arith.addi %mul3A_315, %add3A_317 : vector<16xi32>
      tpu.vector_store_idx %arg8[%add3A_318], %masked_sort3A_269 : memref<1024xf32, #tpu.memory_space<vmem>>[vector<16xi32>], vector<16xf32>,
      %add3A_319 = arith.constant 0 : i32
      %add3A_320 = vector.broadcast %add3A_319 : i32 to vector<16xi32>
      %add3A_321 = arith.addi %iota3A, %add3A_320 : vector<16xi32>
      %mul3A_322 = arith.constant 16 : i32
      %mul3A_323 = vector.broadcast %mul3A_322 : i32 to vector<16xi32>
      %mul3A_324 = arith.muli %add3A_321, %mul3A_323 : vector<16xi32>
      %add3A_325 = arith.constant 4 : i32
      %add3A_326 = vector.broadcast %add3A_325 : i32 to vector<16xi32>
      %add3A_327 = arith.addi %mul3A_324, %add3A_326 : vector<16xi32>
      tpu.vector_store_idx %arg8[%add3A_327], %masked_sort3A_269 : memref<1024xf32, #tpu.memory_space<vmem>>[vector<16xi32>], vector<16xf32>,
      %add3A_328 = arith.constant 0 : i32
      %add3A_329 = vector.broadcast %add3A_328 : i32 to vector<16xi32>
      %add3A_330 = arith.addi %iota3A, %add3A_329 : vector<16xi32>
      %mul3A_331 = arith.constant 16 : i32
      %mul3A_332 = vector.broadcast %mul3A_331 : i32 to vector<16xi32>
      %mul3A_333 = arith.muli %add3A_330, %mul3A_332 : vector<16xi32>
      %add3A_334 = arith.constant 5 : i32
      %add3A_335 = vector.broadcast %add3A_334 : i32 to vector<16xi32>
      %add3A_336 = arith.addi %mul3A_333, %add3A_335 : vector<16xi32>
      tpu.vector_store_idx %arg8[%add3A_336], %masked_sort3A_269 : memref<1024xf32, #tpu.memory_space<vmem>>[vector<16xi32>], vector<16xf32>,
      %add3A_337 = arith.constant 0 : i32
      %add3A_338 = vector.broadcast %add3A_337 : i32 to vector<16xi32>
      %add3A_339 = arith.addi %iota3A, %add3A_338 : vector<16xi32>
      %mul3A_340 = arith.constant 16 : i32
      %mul3A_341 = vector.broadcast %mul3A_340 : i32 to vector<16xi32>
      %mul3A_342 = arith.muli %add3A_339, %mul3A_341 : vector<16xi32>
      %add3A_343 = arith.constant 6 : i32
      %add3A_344 = vector.broadcast %add3A_343 : i32 to vector<16xi32>
      %add3A_345 = arith.addi %mul3A_342, %add3A_344 : vector<16xi32>
      tpu.vector_store_idx %arg8[%add3A_345], %masked_sort3A_269 : memref<1024xf32, #tpu.memory_space<vmem>>[vector<16xi32>], vector<16xf32>,
      %add3A_346 = arith.constant 0 : i32
      %add3A_347 = vector.broadcast %add3A_346 : i32 to vector<16xi32>
      %add3A_348 = arith.addi %iota3A, %add3A_347 : vector<16xi32>
      %mul3A_349 = arith.constant 16 : i32
      %mul3A_350 = vector.broadcast %mul3A_349 : i32 to vector<16xi32>
      %mul3A_351 = arith.muli %add3A_348, %mul3A_350 : vector<16xi32>
      %add3A_352 = arith.constant 7 : i32
      %add3A_353 = vector.broadcast %add3A_352 : i32 to vector<16xi32>
      %add3A_354 = arith.addi %mul3A_351, %add3A_353 : vector<16xi32>
      tpu.vector_store_idx %arg8[%add3A_354], %masked_sort3A_269 : memref<1024xf32, #tpu.memory_space<vmem>>[vector<16xi32>], vector<16xf32>,
      %add3A_355 = arith.constant 0 : i32
      %add3A_356 = vector.broadcast %add3A_355 : i32 to vector<16xi32>
      %add3A_357 = arith.addi %iota3A, %add3A_356 : vector<16xi32>
      %mul3A_358 = arith.constant 16 : i32
      %mul3A_359 = vector.broadcast %mul3A_358 : i32 to vector<16xi32>
      %mul3A_360 = arith.muli %add3A_357, %mul3A_359 : vector<16xi32>
      %add3A_361 = arith.constant 8 : i32
      %add3A_362 = vector.broadcast %add3A_361 : i32 to vector<16xi32>
      %add3A_363 = arith.addi %mul3A_360, %add3A_362 : vector<16xi32>
      tpu.vector_store_idx %arg8[%add3A_363], %masked_sort3A_269 : memref<1024xf32, #tpu.memory_space<vmem>>[vector<16xi32>], vector<16xf32>,
      %add3A_364 = arith.constant 0 : i32
      %add3A_365 = vector.broadcast %add3A_364 : i32 to vector<16xi32>
      %add3A_366 = arith.addi %iota3A, %add3A_365 : vector<16xi32>
      %mul3A_367 = arith.constant 16 : i32
      %mul3A_368 = vector.broadcast %mul3A_367 : i32 to vector<16xi32>
      %mul3A_369 = arith.muli %add3A_366, %mul3A_368 : vector<16xi32>
      %add3A_370 = arith.constant 9 : i32
      %add3A_371 = vector.broadcast %add3A_370 : i32 to vector<16xi32>
      %add3A_372 = arith.addi %mul3A_369, %add3A_371 : vector<16xi32>
      tpu.vector_store_idx %arg8[%add3A_372], %masked_sort3A_269 : memref<1024xf32, #tpu.memory_space<vmem>>[vector<16xi32>], vector<16xf32>,
      %add3A_373 = arith.constant 0 : i32
      %add3A_374 = vector.broadcast %add3A_373 : i32 to vector<16xi32>
      %add3A_375 = arith.addi %iota3A, %add3A_374 : vector<16xi32>
      %mul3A_376 = arith.constant 16 : i32
      %mul3A_377 = vector.broadcast %mul3A_376 : i32 to vector<16xi32>
      %mul3A_378 = arith.muli %add3A_375, %mul3A_377 : vector<16xi32>
      %add3A_379 = arith.constant 10 : i32
      %add3A_380 = vector.broadcast %add3A_379 : i32 to vector<16xi32>
      %add3A_381 = arith.addi %mul3A_378, %add3A_380 : vector<16xi32>
      tpu.vector_store_idx %arg8[%add3A_381], %masked_sort3A_269 : memref<1024xf32, #tpu.memory_space<vmem>>[vector<16xi32>], vector<16xf32>,
      %add3A_382 = arith.constant 0 : i32
      %add3A_383 = vector.broadcast %add3A_382 : i32 to vector<16xi32>
      %add3A_384 = arith.addi %iota3A, %add3A_383 : vector<16xi32>
      %mul3A_385 = arith.constant 16 : i32
      %mul3A_386 = vector.broadcast %mul3A_385 : i32 to vector<16xi32>
      %mul3A_387 = arith.muli %add3A_384, %mul3A_386 : vector<16xi32>
      %add3A_388 = arith.constant 11 : i32
      %add3A_389 = vector.broadcast %add3A_388 : i32 to vector<16xi32>
      %add3A_390 = arith.addi %mul3A_387, %add3A_389 : vector<16xi32>
      tpu.vector_store_idx %arg8[%add3A_390], %masked_sort3A_269 : memref<1024xf32, #tpu.memory_space<vmem>>[vector<16xi32>], vector<16xf32>,
      %add3A_391 = arith.constant 0 : i32
      %add3A_392 = vector.broadcast %add3A_391 : i32 to vector<16xi32>
      %add3A_393 = arith.addi %iota3A, %add3A_392 : vector<16xi32>
      %mul3A_394 = arith.constant 16 : i32
      %mul3A_395 = vector.broadcast %mul3A_394 : i32 to vector<16xi32>
      %mul3A_396 = arith.muli %add3A_393, %mul3A_395 : vector<16xi32>
      %add3A_397 = arith.constant 12 : i32
      %add3A_398 = vector.broadcast %add3A_397 : i32 to vector<16xi32>
      %add3A_399 = arith.addi %mul3A_396, %add3A_398 : vector<16xi32>
      tpu.vector_store_idx %arg8[%add3A_399], %masked_sort3A_269 : memref<1024xf32, #tpu.memory_space<vmem>>[vector<16xi32>], vector<16xf32>,
      %add3A_400 = arith.constant 0 : i32
      %add3A_401 = vector.broadcast %add3A_400 : i32 to vector<16xi32>
      %add3A_402 = arith.addi %iota3A, %add3A_401 : vector<16xi32>
      %mul3A_403 = arith.constant 16 : i32
      %mul3A_404 = vector.broadcast %mul3A_403 : i32 to vector<16xi32>
      %mul3A_405 = arith.muli %add3A_402, %mul3A_404 : vector<16xi32>
      %add3A_406 = arith.constant 13 : i32
      %add3A_407 = vector.broadcast %add3A_406 : i32 to vector<16xi32>
      %add3A_408 = arith.addi %mul3A_405, %add3A_407 : vector<16xi32>
      tpu.vector_store_idx %arg8[%add3A_408], %masked_sort3A_269 : memref<1024xf32, #tpu.memory_space<vmem>>[vector<16xi32>], vector<16xf32>,
      %add3A_409 = arith.constant 0 : i32
      %add3A_410 = vector.broadcast %add3A_409 : i32 to vector<16xi32>
      %add3A_411 = arith.addi %iota3A, %add3A_410 : vector<16xi32>
      %mul3A_412 = arith.constant 16 : i32
      %mul3A_413 = vector.broadcast %mul3A_412 : i32 to vector<16xi32>
      %mul3A_414 = arith.muli %add3A_411, %mul3A_413 : vector<16xi32>
      %add3A_415 = arith.constant 14 : i32
      %add3A_416 = vector.broadcast %add3A_415 : i32 to vector<16xi32>
      %add3A_417 = arith.addi %mul3A_414, %add3A_416 : vector<16xi32>
      tpu.vector_store_idx %arg8[%add3A_417], %masked_sort3A_269 : memref<1024xf32, #tpu.memory_space<vmem>>[vector<16xi32>], vector<16xf32>,
      %add3A_418 = arith.constant 0 : i32
      %add3A_419 = vector.broadcast %add3A_418 : i32 to vector<16xi32>
      %add3A_420 = arith.addi %iota3A, %add3A_419 : vector<16xi32>
      %mul3A_421 = arith.constant 16 : i32
      %mul3A_422 = vector.broadcast %mul3A_421 : i32 to vector<16xi32>
      %mul3A_423 = arith.muli %add3A_420, %mul3A_422 : vector<16xi32>
      %add3A_424 = arith.constant 15 : i32
      %add3A_425 = vector.broadcast %add3A_424 : i32 to vector<16xi32>
      %add3A_426 = arith.addi %mul3A_423, %add3A_425 : vector<16xi32>
      tpu.vector_store_idx %arg8[%add3A_426], %masked_sort3A_269 : memref<1024xf32, #tpu.memory_space<vmem>>[vector<16xi32>], vector<16xf32>,
      %swap3A = arith.constant 0 : index
      %swap3A_427 = tpu.vector_load %arg9[%swap3A] {strides = array<i32>} : memref<64xi32, #tpu.memory_space<vmem>>, vector<16xi32>,
      tpu.vector_store %arg9[%swap3A], %masked_sort3A_270 {strides = array<i32>} : memref<64xi32, #tpu.memory_space<vmem>>, vector<16xi32>,
      %add3A_428 = arith.constant 16 : i32
      %add3A_429 = vector.broadcast %add3A_428 : i32 to vector<16xi32>
      %add3A_430 = arith.addi %iota3A, %add3A_429 : vector<16xi32>
      %mul3A_431 = arith.constant 16 : i32
      %mul3A_432 = vector.broadcast %mul3A_431 : i32 to vector<16xi32>
      %mul3A_433 = arith.muli %add3A_430, %mul3A_432 : vector<16xi32>
      %add3A_434 = arith.constant 0 : i32
      %add3A_435 = vector.broadcast %add3A_434 : i32 to vector<16xi32>
      %add3A_436 = arith.addi %mul3A_433, %add3A_435 : vector<16xi32>
      tpu.vector_store_idx %arg8[%add3A_436], %masked_sort3A_273 : memref<1024xf32, #tpu.memory_space<vmem>>[vector<16xi32>], vector<16xf32>,
      %add3A_437 = arith.constant 16 : i32
      %add3A_438 = vector.broadcast %add3A_437 : i32 to vector<16xi32>
      %add3A_439 = arith.addi %iota3A, %add3A_438 : vector<16xi32>
      %mul3A_440 = arith.constant 16 : i32
      %mul3A_441 = vector.broadcast %mul3A_440 : i32 to vector<16xi32>
      %mul3A_442 = arith.muli %add3A_439, %mul3A_441 : vector<16xi32>
      %add3A_443 = arith.constant 1 : i32
      %add3A_444 = vector.broadcast %add3A_443 : i32 to vector<16xi32>
      %add3A_445 = arith.addi %mul3A_442, %add3A_444 : vector<16xi32>
      tpu.vector_store_idx %arg8[%add3A_445], %masked_sort3A_273 : memref<1024xf32, #tpu.memory_space<vmem>>[vector<16xi32>], vector<16xf32>,
      %add3A_446 = arith.constant 16 : i32
      %add3A_447 = vector.broadcast %add3A_446 : i32 to vector<16xi32>
      %add3A_448 = arith.addi %iota3A, %add3A_447 : vector<16xi32>
      %mul3A_449 = arith.constant 16 : i32
      %mul3A_450 = vector.broadcast %mul3A_449 : i32 to vector<16xi32>
      %mul3A_451 = arith.muli %add3A_448, %mul3A_450 : vector<16xi32>
      %add3A_452 = arith.constant 2 : i32
      %add3A_453 = vector.broadcast %add3A_452 : i32 to vector<16xi32>
      %add3A_454 = arith.addi %mul3A_451, %add3A_453 : vector<16xi32>
      tpu.vector_store_idx %arg8[%add3A_454], %masked_sort3A_273 : memref<1024xf32, #tpu.memory_space<vmem>>[vector<16xi32>], vector<16xf32>,
      %add3A_455 = arith.constant 16 : i32
      %add3A_456 = vector.broadcast %add3A_455 : i32 to vector<16xi32>
      %add3A_457 = arith.addi %iota3A, %add3A_456 : vector<16xi32>
      %mul3A_458 = arith.constant 16 : i32
      %mul3A_459 = vector.broadcast %mul3A_458 : i32 to vector<16xi32>
      %mul3A_460 = arith.muli %add3A_457, %mul3A_459 : vector<16xi32>
      %add3A_461 = arith.constant 3 : i32
      %add3A_462 = vector.broadcast %add3A_461 : i32 to vector<16xi32>
      %add3A_463 = arith.addi %mul3A_460, %add3A_462 : vector<16xi32>
      tpu.vector_store_idx %arg8[%add3A_463], %masked_sort3A_273 : memref<1024xf32, #tpu.memory_space<vmem>>[vector<16xi32>], vector<16xf32>,
      %add3A_464 = arith.constant 16 : i32
      %add3A_465 = vector.broadcast %add3A_464 : i32 to vector<16xi32>
      %add3A_466 = arith.addi %iota3A, %add3A_465 : vector<16xi32>
      %mul3A_467 = arith.constant 16 : i32
      %mul3A_468 = vector.broadcast %mul3A_467 : i32 to vector<16xi32>
      %mul3A_469 = arith.muli %add3A_466, %mul3A_468 : vector<16xi32>
      %add3A_470 = arith.constant 4 : i32
      %add3A_471 = vector.broadcast %add3A_470 : i32 to vector<16xi32>
      %add3A_472 = arith.addi %mul3A_469, %add3A_471 : vector<16xi32>
      tpu.vector_store_idx %arg8[%add3A_472], %masked_sort3A_273 : memref<1024xf32, #tpu.memory_space<vmem>>[vector<16xi32>], vector<16xf32>,
      %add3A_473 = arith.constant 16 : i32
      %add3A_474 = vector.broadcast %add3A_473 : i32 to vector<16xi32>
      %add3A_475 = arith.addi %iota3A, %add3A_474 : vector<16xi32>
      %mul3A_476 = arith.constant 16 : i32
      %mul3A_477 = vector.broadcast %mul3A_476 : i32 to vector<16xi32>
      %mul3A_478 = arith.muli %add3A_475, %mul3A_477 : vector<16xi32>
      %add3A_479 = arith.constant 5 : i32
      %add3A_480 = vector.broadcast %add3A_479 : i32 to vector<16xi32>
      %add3A_481 = arith.addi %mul3A_478, %add3A_480 : vector<16xi32>
      tpu.vector_store_idx %arg8[%add3A_481], %masked_sort3A_273 : memref<1024xf32, #tpu.memory_space<vmem>>[vector<16xi32>], vector<16xf32>,
      %add3A_482 = arith.constant 16 : i32
      %add3A_483 = vector.broadcast %add3A_482 : i32 to vector<16xi32>
      %add3A_484 = arith.addi %iota3A, %add3A_483 : vector<16xi32>
      %mul3A_485 = arith.constant 16 : i32
      %mul3A_486 = vector.broadcast %mul3A_485 : i32 to vector<16xi32>
      %mul3A_487 = arith.muli %add3A_484, %mul3A_486 : vector<16xi32>
      %add3A_488 = arith.constant 6 : i32
      %add3A_489 = vector.broadcast %add3A_488 : i32 to vector<16xi32>
      %add3A_490 = arith.addi %mul3A_487, %add3A_489 : vector<16xi32>
      tpu.vector_store_idx %arg8[%add3A_490], %masked_sort3A_273 : memref<1024xf32, #tpu.memory_space<vmem>>[vector<16xi32>], vector<16xf32>,
      %add3A_491 = arith.constant 16 : i32
      %add3A_492 = vector.broadcast %add3A_491 : i32 to vector<16xi32>
      %add3A_493 = arith.addi %iota3A, %add3A_492 : vector<16xi32>
      %mul3A_494 = arith.constant 16 : i32
      %mul3A_495 = vector.broadcast %mul3A_494 : i32 to vector<16xi32>
      %mul3A_496 = arith.muli %add3A_493, %mul3A_495 : vector<16xi32>
      %add3A_497 = arith.constant 7 : i32
      %add3A_498 = vector.broadcast %add3A_497 : i32 to vector<16xi32>
      %add3A_499 = arith.addi %mul3A_496, %add3A_498 : vector<16xi32>
      tpu.vector_store_idx %arg8[%add3A_499], %masked_sort3A_273 : memref<1024xf32, #tpu.memory_space<vmem>>[vector<16xi32>], vector<16xf32>,
      %add3A_500 = arith.constant 16 : i32
      %add3A_501 = vector.broadcast %add3A_500 : i32 to vector<16xi32>
      %add3A_502 = arith.addi %iota3A, %add3A_501 : vector<16xi32>
      %mul3A_503 = arith.constant 16 : i32
      %mul3A_504 = vector.broadcast %mul3A_503 : i32 to vector<16xi32>
      %mul3A_505 = arith.muli %add3A_502, %mul3A_504 : vector<16xi32>
      %add3A_506 = arith.constant 8 : i32
      %add3A_507 = vector.broadcast %add3A_506 : i32 to vector<16xi32>
      %add3A_508 = arith.addi %mul3A_505, %add3A_507 : vector<16xi32>
      tpu.vector_store_idx %arg8[%add3A_508], %masked_sort3A_273 : memref<1024xf32, #tpu.memory_space<vmem>>[vector<16xi32>], vector<16xf32>,
      %add3A_509 = arith.constant 16 : i32
      %add3A_510 = vector.broadcast %add3A_509 : i32 to vector<16xi32>
      %add3A_511 = arith.addi %iota3A, %add3A_510 : vector<16xi32>
      %mul3A_512 = arith.constant 16 : i32
      %mul3A_513 = vector.broadcast %mul3A_512 : i32 to vector<16xi32>
      %mul3A_514 = arith.muli %add3A_511, %mul3A_513 : vector<16xi32>
      %add3A_515 = arith.constant 9 : i32
      %add3A_516 = vector.broadcast %add3A_515 : i32 to vector<16xi32>
      %add3A_517 = arith.addi %mul3A_514, %add3A_516 : vector<16xi32>
      tpu.vector_store_idx %arg8[%add3A_517], %masked_sort3A_273 : memref<1024xf32, #tpu.memory_space<vmem>>[vector<16xi32>], vector<16xf32>,
      %add3A_518 = arith.constant 16 : i32
      %add3A_519 = vector.broadcast %add3A_518 : i32 to vector<16xi32>
      %add3A_520 = arith.addi %iota3A, %add3A_519 : vector<16xi32>
      %mul3A_521 = arith.constant 16 : i32
      %mul3A_522 = vector.broadcast %mul3A_521 : i32 to vector<16xi32>
      %mul3A_523 = arith.muli %add3A_520, %mul3A_522 : vector<16xi32>
      %add3A_524 = arith.constant 10 : i32
      %add3A_525 = vector.broadcast %add3A_524 : i32 to vector<16xi32>
      %add3A_526 = arith.addi %mul3A_523, %add3A_525 : vector<16xi32>
      tpu.vector_store_idx %arg8[%add3A_526], %masked_sort3A_273 : memref<1024xf32, #tpu.memory_space<vmem>>[vector<16xi32>], vector<16xf32>,
      %add3A_527 = arith.constant 16 : i32
      %add3A_528 = vector.broadcast %add3A_527 : i32 to vector<16xi32>
      %add3A_529 = arith.addi %iota3A, %add3A_528 : vector<16xi32>
      %mul3A_530 = arith.constant 16 : i32
      %mul3A_531 = vector.broadcast %mul3A_530 : i32 to vector<16xi32>
      %mul3A_532 = arith.muli %add3A_529, %mul3A_531 : vector<16xi32>
      %add3A_533 = arith.constant 11 : i32
      %add3A_534 = vector.broadcast %add3A_533 : i32 to vector<16xi32>
      %add3A_535 = arith.addi %mul3A_532, %add3A_534 : vector<16xi32>
      tpu.vector_store_idx %arg8[%add3A_535], %masked_sort3A_273 : memref<1024xf32, #tpu.memory_space<vmem>>[vector<16xi32>], vector<16xf32>,
      %add3A_536 = arith.constant 16 : i32
      %add3A_537 = vector.broadcast %add3A_536 : i32 to vector<16xi32>
      %add3A_538 = arith.addi %iota3A, %add3A_537 : vector<16xi32>
      %mul3A_539 = arith.constant 16 : i32
      %mul3A_540 = vector.broadcast %mul3A_539 : i32 to vector<16xi32>
      %mul3A_541 = arith.muli %add3A_538, %mul3A_540 : vector<16xi32>
      %add3A_542 = arith.constant 12 : i32
      %add3A_543 = vector.broadcast %add3A_542 : i32 to vector<16xi32>
      %add3A_544 = arith.addi %mul3A_541, %add3A_543 : vector<16xi32>
      tpu.vector_store_idx %arg8[%add3A_544], %masked_sort3A_273 : memref<1024xf32, #tpu.memory_space<vmem>>[vector<16xi32>], vector<16xf32>,
      %add3A_545 = arith.constant 16 : i32
      %add3A_546 = vector.broadcast %add3A_545 : i32 to vector<16xi32>
      %add3A_547 = arith.addi %iota3A, %add3A_546 : vector<16xi32>
      %mul3A_548 = arith.constant 16 : i32
      %mul3A_549 = vector.broadcast %mul3A_548 : i32 to vector<16xi32>
      %mul3A_550 = arith.muli %add3A_547, %mul3A_549 : vector<16xi32>
      %add3A_551 = arith.constant 13 : i32
      %add3A_552 = vector.broadcast %add3A_551 : i32 to vector<16xi32>
      %add3A_553 = arith.addi %mul3A_550, %add3A_552 : vector<16xi32>
      tpu.vector_store_idx %arg8[%add3A_553], %masked_sort3A_273 : memref<1024xf32, #tpu.memory_space<vmem>>[vector<16xi32>], vector<16xf32>,
      %add3A_554 = arith.constant 16 : i32
      %add3A_555 = vector.broadcast %add3A_554 : i32 to vector<16xi32>
      %add3A_556 = arith.addi %iota3A, %add3A_555 : vector<16xi32>
      %mul3A_557 = arith.constant 16 : i32
      %mul3A_558 = vector.broadcast %mul3A_557 : i32 to vector<16xi32>
      %mul3A_559 = arith.muli %add3A_556, %mul3A_558 : vector<16xi32>
      %add3A_560 = arith.constant 14 : i32
      %add3A_561 = vector.broadcast %add3A_560 : i32 to vector<16xi32>
      %add3A_562 = arith.addi %mul3A_559, %add3A_561 : vector<16xi32>
      tpu.vector_store_idx %arg8[%add3A_562], %masked_sort3A_273 : memref<1024xf32, #tpu.memory_space<vmem>>[vector<16xi32>], vector<16xf32>,
      %add3A_563 = arith.constant 16 : i32
      %add3A_564 = vector.broadcast %add3A_563 : i32 to vector<16xi32>
      %add3A_565 = arith.addi %iota3A, %add3A_564 : vector<16xi32>
      %mul3A_566 = arith.constant 16 : i32
      %mul3A_567 = vector.broadcast %mul3A_566 : i32 to vector<16xi32>
      %mul3A_568 = arith.muli %add3A_565, %mul3A_567 : vector<16xi32>
      %add3A_569 = arith.constant 15 : i32
      %add3A_570 = vector.broadcast %add3A_569 : i32 to vector<16xi32>
      %add3A_571 = arith.addi %mul3A_568, %add3A_570 : vector<16xi32>
      tpu.vector_store_idx %arg8[%add3A_571], %masked_sort3A_273 : memref<1024xf32, #tpu.memory_space<vmem>>[vector<16xi32>], vector<16xf32>,
      %swap3A_572 = arith.constant 16 : index
      %swap3A_573 = tpu.vector_load %arg9[%swap3A_572] {strides = array<i32>} : memref<64xi32, #tpu.memory_space<vmem>>, vector<16xi32>,
      tpu.vector_store %arg9[%swap3A_572], %masked_sort3A_274 {strides = array<i32>} : memref<64xi32, #tpu.memory_space<vmem>>, vector<16xi32>,
      %add3A_574 = arith.constant 32 : i32
      %add3A_575 = vector.broadcast %add3A_574 : i32 to vector<16xi32>
      %add3A_576 = arith.addi %iota3A, %add3A_575 : vector<16xi32>
      %mul3A_577 = arith.constant 16 : i32
      %mul3A_578 = vector.broadcast %mul3A_577 : i32 to vector<16xi32>
      %mul3A_579 = arith.muli %add3A_576, %mul3A_578 : vector<16xi32>
      %add3A_580 = arith.constant 0 : i32
      %add3A_581 = vector.broadcast %add3A_580 : i32 to vector<16xi32>
      %add3A_582 = arith.addi %mul3A_579, %add3A_581 : vector<16xi32>
      tpu.vector_store_idx %arg8[%add3A_582], %masked_sort3A_277 : memref<1024xf32, #tpu.memory_space<vmem>>[vector<16xi32>], vector<16xf32>,
      %add3A_583 = arith.constant 32 : i32
      %add3A_584 = vector.broadcast %add3A_583 : i32 to vector<16xi32>
      %add3A_585 = arith.addi %iota3A, %add3A_584 : vector<16xi32>
      %mul3A_586 = arith.constant 16 : i32
      %mul3A_587 = vector.broadcast %mul3A_586 : i32 to vector<16xi32>
      %mul3A_588 = arith.muli %add3A_585, %mul3A_587 : vector<16xi32>
      %add3A_589 = arith.constant 1 : i32
      %add3A_590 = vector.broadcast %add3A_589 : i32 to vector<16xi32>
      %add3A_591 = arith.addi %mul3A_588, %add3A_590 : vector<16xi32>
      tpu.vector_store_idx %arg8[%add3A_591], %masked_sort3A_277 : memref<1024xf32, #tpu.memory_space<vmem>>[vector<16xi32>], vector<16xf32>,
      %add3A_592 = arith.constant 32 : i32
      %add3A_593 = vector.broadcast %add3A_592 : i32 to vector<16xi32>
      %add3A_594 = arith.addi %iota3A, %add3A_593 : vector<16xi32>
      %mul3A_595 = arith.constant 16 : i32
      %mul3A_596 = vector.broadcast %mul3A_595 : i32 to vector<16xi32>
      %mul3A_597 = arith.muli %add3A_594, %mul3A_596 : vector<16xi32>
      %add3A_598 = arith.constant 2 : i32
      %add3A_599 = vector.broadcast %add3A_598 : i32 to vector<16xi32>
      %add3A_600 = arith.addi %mul3A_597, %add3A_599 : vector<16xi32>
      tpu.vector_store_idx %arg8[%add3A_600], %masked_sort3A_277 : memref<1024xf32, #tpu.memory_space<vmem>>[vector<16xi32>], vector<16xf32>,
      %add3A_601 = arith.constant 32 : i32
      %add3A_602 = vector.broadcast %add3A_601 : i32 to vector<16xi32>
      %add3A_603 = arith.addi %iota3A, %add3A_602 : vector<16xi32>
      %mul3A_604 = arith.constant 16 : i32
      %mul3A_605 = vector.broadcast %mul3A_604 : i32 to vector<16xi32>
      %mul3A_606 = arith.muli %add3A_603, %mul3A_605 : vector<16xi32>
      %add3A_607 = arith.constant 3 : i32
      %add3A_608 = vector.broadcast %add3A_607 : i32 to vector<16xi32>
      %add3A_609 = arith.addi %mul3A_606, %add3A_608 : vector<16xi32>
      tpu.vector_store_idx %arg8[%add3A_609], %masked_sort3A_277 : memref<1024xf32, #tpu.memory_space<vmem>>[vector<16xi32>], vector<16xf32>,
      %add3A_610 = arith.constant 32 : i32
      %add3A_611 = vector.broadcast %add3A_610 : i32 to vector<16xi32>
      %add3A_612 = arith.addi %iota3A, %add3A_611 : vector<16xi32>
      %mul3A_613 = arith.constant 16 : i32
      %mul3A_614 = vector.broadcast %mul3A_613 : i32 to vector<16xi32>
      %mul3A_615 = arith.muli %add3A_612, %mul3A_614 : vector<16xi32>
      %add3A_616 = arith.constant 4 : i32
      %add3A_617 = vector.broadcast %add3A_616 : i32 to vector<16xi32>
      %add3A_618 = arith.addi %mul3A_615, %add3A_617 : vector<16xi32>
      tpu.vector_store_idx %arg8[%add3A_618], %masked_sort3A_277 : memref<1024xf32, #tpu.memory_space<vmem>>[vector<16xi32>], vector<16xf32>,
      %add3A_619 = arith.constant 32 : i32
      %add3A_620 = vector.broadcast %add3A_619 : i32 to vector<16xi32>
      %add3A_621 = arith.addi %iota3A, %add3A_620 : vector<16xi32>
      %mul3A_622 = arith.constant 16 : i32
      %mul3A_623 = vector.broadcast %mul3A_622 : i32 to vector<16xi32>
      %mul3A_624 = arith.muli %add3A_621, %mul3A_623 : vector<16xi32>
      %add3A_625 = arith.constant 5 : i32
      %add3A_626 = vector.broadcast %add3A_625 : i32 to vector<16xi32>
      %add3A_627 = arith.addi %mul3A_624, %add3A_626 : vector<16xi32>
      tpu.vector_store_idx %arg8[%add3A_627], %masked_sort3A_277 : memref<1024xf32, #tpu.memory_space<vmem>>[vector<16xi32>], vector<16xf32>,
      %add3A_628 = arith.constant 32 : i32
      %add3A_629 = vector.broadcast %add3A_628 : i32 to vector<16xi32>
      %add3A_630 = arith.addi %iota3A, %add3A_629 : vector<16xi32>
      %mul3A_631 = arith.constant 16 : i32
      %mul3A_632 = vector.broadcast %mul3A_631 : i32 to vector<16xi32>
      %mul3A_633 = arith.muli %add3A_630, %mul3A_632 : vector<16xi32>
      %add3A_634 = arith.constant 6 : i32
      %add3A_635 = vector.broadcast %add3A_634 : i32 to vector<16xi32>
      %add3A_636 = arith.addi %mul3A_633, %add3A_635 : vector<16xi32>
      tpu.vector_store_idx %arg8[%add3A_636], %masked_sort3A_277 : memref<1024xf32, #tpu.memory_space<vmem>>[vector<16xi32>], vector<16xf32>,
      %add3A_637 = arith.constant 32 : i32
      %add3A_638 = vector.broadcast %add3A_637 : i32 to vector<16xi32>
      %add3A_639 = arith.addi %iota3A, %add3A_638 : vector<16xi32>
      %mul3A_640 = arith.constant 16 : i32
      %mul3A_641 = vector.broadcast %mul3A_640 : i32 to vector<16xi32>
      %mul3A_642 = arith.muli %add3A_639, %mul3A_641 : vector<16xi32>
      %add3A_643 = arith.constant 7 : i32
      %add3A_644 = vector.broadcast %add3A_643 : i32 to vector<16xi32>
      %add3A_645 = arith.addi %mul3A_642, %add3A_644 : vector<16xi32>
      tpu.vector_store_idx %arg8[%add3A_645], %masked_sort3A_277 : memref<1024xf32, #tpu.memory_space<vmem>>[vector<16xi32>], vector<16xf32>,
      %add3A_646 = arith.constant 32 : i32
      %add3A_647 = vector.broadcast %add3A_646 : i32 to vector<16xi32>
      %add3A_648 = arith.addi %iota3A, %add3A_647 : vector<16xi32>
      %mul3A_649 = arith.constant 16 : i32
      %mul3A_650 = vector.broadcast %mul3A_649 : i32 to vector<16xi32>
      %mul3A_651 = arith.muli %add3A_648, %mul3A_650 : vector<16xi32>
      %add3A_652 = arith.constant 8 : i32
      %add3A_653 = vector.broadcast %add3A_652 : i32 to vector<16xi32>
      %add3A_654 = arith.addi %mul3A_651, %add3A_653 : vector<16xi32>
      tpu.vector_store_idx %arg8[%add3A_654], %masked_sort3A_277 : memref<1024xf32, #tpu.memory_space<vmem>>[vector<16xi32>], vector<16xf32>,
      %add3A_655 = arith.constant 32 : i32
      %add3A_656 = vector.broadcast %add3A_655 : i32 to vector<16xi32>
      %add3A_657 = arith.addi %iota3A, %add3A_656 : vector<16xi32>
      %mul3A_658 = arith.constant 16 : i32
      %mul3A_659 = vector.broadcast %mul3A_658 : i32 to vector<16xi32>
      %mul3A_660 = arith.muli %add3A_657, %mul3A_659 : vector<16xi32>
      %add3A_661 = arith.constant 9 : i32
      %add3A_662 = vector.broadcast %add3A_661 : i32 to vector<16xi32>
      %add3A_663 = arith.addi %mul3A_660, %add3A_662 : vector<16xi32>
      tpu.vector_store_idx %arg8[%add3A_663], %masked_sort3A_277 : memref<1024xf32, #tpu.memory_space<vmem>>[vector<16xi32>], vector<16xf32>,
      %add3A_664 = arith.constant 32 : i32
      %add3A_665 = vector.broadcast %add3A_664 : i32 to vector<16xi32>
      %add3A_666 = arith.addi %iota3A, %add3A_665 : vector<16xi32>
      %mul3A_667 = arith.constant 16 : i32
      %mul3A_668 = vector.broadcast %mul3A_667 : i32 to vector<16xi32>
      %mul3A_669 = arith.muli %add3A_666, %mul3A_668 : vector<16xi32>
      %add3A_670 = arith.constant 10 : i32
      %add3A_671 = vector.broadcast %add3A_670 : i32 to vector<16xi32>
      %add3A_672 = arith.addi %mul3A_669, %add3A_671 : vector<16xi32>
      tpu.vector_store_idx %arg8[%add3A_672], %masked_sort3A_277 : memref<1024xf32, #tpu.memory_space<vmem>>[vector<16xi32>], vector<16xf32>,
      %add3A_673 = arith.constant 32 : i32
      %add3A_674 = vector.broadcast %add3A_673 : i32 to vector<16xi32>
      %add3A_675 = arith.addi %iota3A, %add3A_674 : vector<16xi32>
      %mul3A_676 = arith.constant 16 : i32
      %mul3A_677 = vector.broadcast %mul3A_676 : i32 to vector<16xi32>
      %mul3A_678 = arith.muli %add3A_675, %mul3A_677 : vector<16xi32>
      %add3A_679 = arith.constant 11 : i32
      %add3A_680 = vector.broadcast %add3A_679 : i32 to vector<16xi32>
      %add3A_681 = arith.addi %mul3A_678, %add3A_680 : vector<16xi32>
      tpu.vector_store_idx %arg8[%add3A_681], %masked_sort3A_277 : memref<1024xf32, #tpu.memory_space<vmem>>[vector<16xi32>], vector<16xf32>,
      %add3A_682 = arith.constant 32 : i32
      %add3A_683 = vector.broadcast %add3A_682 : i32 to vector<16xi32>
      %add3A_684 = arith.addi %iota3A, %add3A_683 : vector<16xi32>
      %mul3A_685 = arith.constant 16 : i32
      %mul3A_686 = vector.broadcast %mul3A_685 : i32 to vector<16xi32>
      %mul3A_687 = arith.muli %add3A_684, %mul3A_686 : vector<16xi32>
      %add3A_688 = arith.constant 12 : i32
      %add3A_689 = vector.broadcast %add3A_688 : i32 to vector<16xi32>
      %add3A_690 = arith.addi %mul3A_687, %add3A_689 : vector<16xi32>
      tpu.vector_store_idx %arg8[%add3A_690], %masked_sort3A_277 : memref<1024xf32, #tpu.memory_space<vmem>>[vector<16xi32>], vector<16xf32>,
      %add3A_691 = arith.constant 32 : i32
      %add3A_692 = vector.broadcast %add3A_691 : i32 to vector<16xi32>
      %add3A_693 = arith.addi %iota3A, %add3A_692 : vector<16xi32>
      %mul3A_694 = arith.constant 16 : i32
      %mul3A_695 = vector.broadcast %mul3A_694 : i32 to vector<16xi32>
      %mul3A_696 = arith.muli %add3A_693, %mul3A_695 : vector<16xi32>
      %add3A_697 = arith.constant 13 : i32
      %add3A_698 = vector.broadcast %add3A_697 : i32 to vector<16xi32>
      %add3A_699 = arith.addi %mul3A_696, %add3A_698 : vector<16xi32>
      tpu.vector_store_idx %arg8[%add3A_699], %masked_sort3A_277 : memref<1024xf32, #tpu.memory_space<vmem>>[vector<16xi32>], vector<16xf32>,
      %add3A_700 = arith.constant 32 : i32
      %add3A_701 = vector.broadcast %add3A_700 : i32 to vector<16xi32>
      %add3A_702 = arith.addi %iota3A, %add3A_701 : vector<16xi32>
      %mul3A_703 = arith.constant 16 : i32
      %mul3A_704 = vector.broadcast %mul3A_703 : i32 to vector<16xi32>
      %mul3A_705 = arith.muli %add3A_702, %mul3A_704 : vector<16xi32>
      %add3A_706 = arith.constant 14 : i32
      %add3A_707 = vector.broadcast %add3A_706 : i32 to vector<16xi32>
      %add3A_708 = arith.addi %mul3A_705, %add3A_707 : vector<16xi32>
      tpu.vector_store_idx %arg8[%add3A_708], %masked_sort3A_277 : memref<1024xf32, #tpu.memory_space<vmem>>[vector<16xi32>], vector<16xf32>,
      %add3A_709 = arith.constant 32 : i32
      %add3A_710 = vector.broadcast %add3A_709 : i32 to vector<16xi32>
      %add3A_711 = arith.addi %iota3A, %add3A_710 : vector<16xi32>
      %mul3A_712 = arith.constant 16 : i32
      %mul3A_713 = vector.broadcast %mul3A_712 : i32 to vector<16xi32>
      %mul3A_714 = arith.muli %add3A_711, %mul3A_713 : vector<16xi32>
      %add3A_715 = arith.constant 15 : i32
      %add3A_716 = vector.broadcast %add3A_715 : i32 to vector<16xi32>
      %add3A_717 = arith.addi %mul3A_714, %add3A_716 : vector<16xi32>
      tpu.vector_store_idx %arg8[%add3A_717], %masked_sort3A_277 : memref<1024xf32, #tpu.memory_space<vmem>>[vector<16xi32>], vector<16xf32>,
      %swap3A_718 = arith.constant 32 : index
      %swap3A_719 = tpu.vector_load %arg9[%swap3A_718] {strides = array<i32>} : memref<64xi32, #tpu.memory_space<vmem>>, vector<16xi32>,
      tpu.vector_store %arg9[%swap3A_718], %masked_sort3A_278 {strides = array<i32>} : memref<64xi32, #tpu.memory_space<vmem>>, vector<16xi32>,
      %add3A_720 = arith.constant 48 : i32
      %add3A_721 = vector.broadcast %add3A_720 : i32 to vector<16xi32>
      %add3A_722 = arith.addi %iota3A, %add3A_721 : vector<16xi32>
      %mul3A_723 = arith.constant 16 : i32
      %mul3A_724 = vector.broadcast %mul3A_723 : i32 to vector<16xi32>
      %mul3A_725 = arith.muli %add3A_722, %mul3A_724 : vector<16xi32>
      %add3A_726 = arith.constant 0 : i32
      %add3A_727 = vector.broadcast %add3A_726 : i32 to vector<16xi32>
      %add3A_728 = arith.addi %mul3A_725, %add3A_727 : vector<16xi32>
      tpu.vector_store_idx %arg8[%add3A_728], %masked_sort3A_281 : memref<1024xf32, #tpu.memory_space<vmem>>[vector<16xi32>], vector<16xf32>,
      %add3A_729 = arith.constant 48 : i32
      %add3A_730 = vector.broadcast %add3A_729 : i32 to vector<16xi32>
      %add3A_731 = arith.addi %iota3A, %add3A_730 : vector<16xi32>
      %mul3A_732 = arith.constant 16 : i32
      %mul3A_733 = vector.broadcast %mul3A_732 : i32 to vector<16xi32>
      %mul3A_734 = arith.muli %add3A_731, %mul3A_733 : vector<16xi32>
      %add3A_735 = arith.constant 1 : i32
      %add3A_736 = vector.broadcast %add3A_735 : i32 to vector<16xi32>
      %add3A_737 = arith.addi %mul3A_734, %add3A_736 : vector<16xi32>
      tpu.vector_store_idx %arg8[%add3A_737], %masked_sort3A_281 : memref<1024xf32, #tpu.memory_space<vmem>>[vector<16xi32>], vector<16xf32>,
      %add3A_738 = arith.constant 48 : i32
      %add3A_739 = vector.broadcast %add3A_738 : i32 to vector<16xi32>
      %add3A_740 = arith.addi %iota3A, %add3A_739 : vector<16xi32>
      %mul3A_741 = arith.constant 16 : i32
      %mul3A_742 = vector.broadcast %mul3A_741 : i32 to vector<16xi32>
      %mul3A_743 = arith.muli %add3A_740, %mul3A_742 : vector<16xi32>
      %add3A_744 = arith.constant 2 : i32
      %add3A_745 = vector.broadcast %add3A_744 : i32 to vector<16xi32>
      %add3A_746 = arith.addi %mul3A_743, %add3A_745 : vector<16xi32>
      tpu.vector_store_idx %arg8[%add3A_746], %masked_sort3A_281 : memref<1024xf32, #tpu.memory_space<vmem>>[vector<16xi32>], vector<16xf32>,
      %add3A_747 = arith.constant 48 : i32
      %add3A_748 = vector.broadcast %add3A_747 : i32 to vector<16xi32>
      %add3A_749 = arith.addi %iota3A, %add3A_748 : vector<16xi32>
      %mul3A_750 = arith.constant 16 : i32
      %mul3A_751 = vector.broadcast %mul3A_750 : i32 to vector<16xi32>
      %mul3A_752 = arith.muli %add3A_749, %mul3A_751 : vector<16xi32>
      %add3A_753 = arith.constant 3 : i32
      %add3A_754 = vector.broadcast %add3A_753 : i32 to vector<16xi32>
      %add3A_755 = arith.addi %mul3A_752, %add3A_754 : vector<16xi32>
      tpu.vector_store_idx %arg8[%add3A_755], %masked_sort3A_281 : memref<1024xf32, #tpu.memory_space<vmem>>[vector<16xi32>], vector<16xf32>,
      %add3A_756 = arith.constant 48 : i32
      %add3A_757 = vector.broadcast %add3A_756 : i32 to vector<16xi32>
      %add3A_758 = arith.addi %iota3A, %add3A_757 : vector<16xi32>
      %mul3A_759 = arith.constant 16 : i32
      %mul3A_760 = vector.broadcast %mul3A_759 : i32 to vector<16xi32>
      %mul3A_761 = arith.muli %add3A_758, %mul3A_760 : vector<16xi32>
      %add3A_762 = arith.constant 4 : i32
      %add3A_763 = vector.broadcast %add3A_762 : i32 to vector<16xi32>
      %add3A_764 = arith.addi %mul3A_761, %add3A_763 : vector<16xi32>
      tpu.vector_store_idx %arg8[%add3A_764], %masked_sort3A_281 : memref<1024xf32, #tpu.memory_space<vmem>>[vector<16xi32>], vector<16xf32>,
      %add3A_765 = arith.constant 48 : i32
      %add3A_766 = vector.broadcast %add3A_765 : i32 to vector<16xi32>
      %add3A_767 = arith.addi %iota3A, %add3A_766 : vector<16xi32>
      %mul3A_768 = arith.constant 16 : i32
      %mul3A_769 = vector.broadcast %mul3A_768 : i32 to vector<16xi32>
      %mul3A_770 = arith.muli %add3A_767, %mul3A_769 : vector<16xi32>
      %add3A_771 = arith.constant 5 : i32
      %add3A_772 = vector.broadcast %add3A_771 : i32 to vector<16xi32>
      %add3A_773 = arith.addi %mul3A_770, %add3A_772 : vector<16xi32>
      tpu.vector_store_idx %arg8[%add3A_773], %masked_sort3A_281 : memref<1024xf32, #tpu.memory_space<vmem>>[vector<16xi32>], vector<16xf32>,
      %add3A_774 = arith.constant 48 : i32
      %add3A_775 = vector.broadcast %add3A_774 : i32 to vector<16xi32>
      %add3A_776 = arith.addi %iota3A, %add3A_775 : vector<16xi32>
      %mul3A_777 = arith.constant 16 : i32
      %mul3A_778 = vector.broadcast %mul3A_777 : i32 to vector<16xi32>
      %mul3A_779 = arith.muli %add3A_776, %mul3A_778 : vector<16xi32>
      %add3A_780 = arith.constant 6 : i32
      %add3A_781 = vector.broadcast %add3A_780 : i32 to vector<16xi32>
      %add3A_782 = arith.addi %mul3A_779, %add3A_781 : vector<16xi32>
      tpu.vector_store_idx %arg8[%add3A_782], %masked_sort3A_281 : memref<1024xf32, #tpu.memory_space<vmem>>[vector<16xi32>], vector<16xf32>,
      %add3A_783 = arith.constant 48 : i32
      %add3A_784 = vector.broadcast %add3A_783 : i32 to vector<16xi32>
      %add3A_785 = arith.addi %iota3A, %add3A_784 : vector<16xi32>
      %mul3A_786 = arith.constant 16 : i32
      %mul3A_787 = vector.broadcast %mul3A_786 : i32 to vector<16xi32>
      %mul3A_788 = arith.muli %add3A_785, %mul3A_787 : vector<16xi32>
      %add3A_789 = arith.constant 7 : i32
      %add3A_790 = vector.broadcast %add3A_789 : i32 to vector<16xi32>
      %add3A_791 = arith.addi %mul3A_788, %add3A_790 : vector<16xi32>
      tpu.vector_store_idx %arg8[%add3A_791], %masked_sort3A_281 : memref<1024xf32, #tpu.memory_space<vmem>>[vector<16xi32>], vector<16xf32>,
      %add3A_792 = arith.constant 48 : i32
      %add3A_793 = vector.broadcast %add3A_792 : i32 to vector<16xi32>
      %add3A_794 = arith.addi %iota3A, %add3A_793 : vector<16xi32>
      %mul3A_795 = arith.constant 16 : i32
      %mul3A_796 = vector.broadcast %mul3A_795 : i32 to vector<16xi32>
      %mul3A_797 = arith.muli %add3A_794, %mul3A_796 : vector<16xi32>
      %add3A_798 = arith.constant 8 : i32
      %add3A_799 = vector.broadcast %add3A_798 : i32 to vector<16xi32>
      %add3A_800 = arith.addi %mul3A_797, %add3A_799 : vector<16xi32>
      tpu.vector_store_idx %arg8[%add3A_800], %masked_sort3A_281 : memref<1024xf32, #tpu.memory_space<vmem>>[vector<16xi32>], vector<16xf32>,
      %add3A_801 = arith.constant 48 : i32
      %add3A_802 = vector.broadcast %add3A_801 : i32 to vector<16xi32>
      %add3A_803 = arith.addi %iota3A, %add3A_802 : vector<16xi32>
      %mul3A_804 = arith.constant 16 : i32
      %mul3A_805 = vector.broadcast %mul3A_804 : i32 to vector<16xi32>
      %mul3A_806 = arith.muli %add3A_803, %mul3A_805 : vector<16xi32>
      %add3A_807 = arith.constant 9 : i32
      %add3A_808 = vector.broadcast %add3A_807 : i32 to vector<16xi32>
      %add3A_809 = arith.addi %mul3A_806, %add3A_808 : vector<16xi32>
      tpu.vector_store_idx %arg8[%add3A_809], %masked_sort3A_281 : memref<1024xf32, #tpu.memory_space<vmem>>[vector<16xi32>], vector<16xf32>,
      %add3A_810 = arith.constant 48 : i32
      %add3A_811 = vector.broadcast %add3A_810 : i32 to vector<16xi32>
      %add3A_812 = arith.addi %iota3A, %add3A_811 : vector<16xi32>
      %mul3A_813 = arith.constant 16 : i32
      %mul3A_814 = vector.broadcast %mul3A_813 : i32 to vector<16xi32>
      %mul3A_815 = arith.muli %add3A_812, %mul3A_814 : vector<16xi32>
      %add3A_816 = arith.constant 10 : i32
      %add3A_817 = vector.broadcast %add3A_816 : i32 to vector<16xi32>
      %add3A_818 = arith.addi %mul3A_815, %add3A_817 : vector<16xi32>
      tpu.vector_store_idx %arg8[%add3A_818], %masked_sort3A_281 : memref<1024xf32, #tpu.memory_space<vmem>>[vector<16xi32>], vector<16xf32>,
      %add3A_819 = arith.constant 48 : i32
      %add3A_820 = vector.broadcast %add3A_819 : i32 to vector<16xi32>
      %add3A_821 = arith.addi %iota3A, %add3A_820 : vector<16xi32>
      %mul3A_822 = arith.constant 16 : i32
      %mul3A_823 = vector.broadcast %mul3A_822 : i32 to vector<16xi32>
      %mul3A_824 = arith.muli %add3A_821, %mul3A_823 : vector<16xi32>
      %add3A_825 = arith.constant 11 : i32
      %add3A_826 = vector.broadcast %add3A_825 : i32 to vector<16xi32>
      %add3A_827 = arith.addi %mul3A_824, %add3A_826 : vector<16xi32>
      tpu.vector_store_idx %arg8[%add3A_827], %masked_sort3A_281 : memref<1024xf32, #tpu.memory_space<vmem>>[vector<16xi32>], vector<16xf32>,
      %add3A_828 = arith.constant 48 : i32
      %add3A_829 = vector.broadcast %add3A_828 : i32 to vector<16xi32>
      %add3A_830 = arith.addi %iota3A, %add3A_829 : vector<16xi32>
      %mul3A_831 = arith.constant 16 : i32
      %mul3A_832 = vector.broadcast %mul3A_831 : i32 to vector<16xi32>
      %mul3A_833 = arith.muli %add3A_830, %mul3A_832 : vector<16xi32>
      %add3A_834 = arith.constant 12 : i32
      %add3A_835 = vector.broadcast %add3A_834 : i32 to vector<16xi32>
      %add3A_836 = arith.addi %mul3A_833, %add3A_835 : vector<16xi32>
      tpu.vector_store_idx %arg8[%add3A_836], %masked_sort3A_281 : memref<1024xf32, #tpu.memory_space<vmem>>[vector<16xi32>], vector<16xf32>,
      %add3A_837 = arith.constant 48 : i32
      %add3A_838 = vector.broadcast %add3A_837 : i32 to vector<16xi32>
      %add3A_839 = arith.addi %iota3A, %add3A_838 : vector<16xi32>
      %mul3A_840 = arith.constant 16 : i32
      %mul3A_841 = vector.broadcast %mul3A_840 : i32 to vector<16xi32>
      %mul3A_842 = arith.muli %add3A_839, %mul3A_841 : vector<16xi32>
      %add3A_843 = arith.constant 13 : i32
      %add3A_844 = vector.broadcast %add3A_843 : i32 to vector<16xi32>
      %add3A_845 = arith.addi %mul3A_842, %add3A_844 : vector<16xi32>
      tpu.vector_store_idx %arg8[%add3A_845], %masked_sort3A_281 : memref<1024xf32, #tpu.memory_space<vmem>>[vector<16xi32>], vector<16xf32>,
      %add3A_846 = arith.constant 48 : i32
      %add3A_847 = vector.broadcast %add3A_846 : i32 to vector<16xi32>
      %add3A_848 = arith.addi %iota3A, %add3A_847 : vector<16xi32>
      %mul3A_849 = arith.constant 16 : i32
      %mul3A_850 = vector.broadcast %mul3A_849 : i32 to vector<16xi32>
      %mul3A_851 = arith.muli %add3A_848, %mul3A_850 : vector<16xi32>
      %add3A_852 = arith.constant 14 : i32
      %add3A_853 = vector.broadcast %add3A_852 : i32 to vector<16xi32>
      %add3A_854 = arith.addi %mul3A_851, %add3A_853 : vector<16xi32>
      tpu.vector_store_idx %arg8[%add3A_854], %masked_sort3A_281 : memref<1024xf32, #tpu.memory_space<vmem>>[vector<16xi32>], vector<16xf32>,
      %add3A_855 = arith.constant 48 : i32
      %add3A_856 = vector.broadcast %add3A_855 : i32 to vector<16xi32>
      %add3A_857 = arith.addi %iota3A, %add3A_856 : vector<16xi32>
      %mul3A_858 = arith.constant 16 : i32
      %mul3A_859 = vector.broadcast %mul3A_858 : i32 to vector<16xi32>
      %mul3A_860 = arith.muli %add3A_857, %mul3A_859 : vector<16xi32>
      %add3A_861 = arith.constant 15 : i32
      %add3A_862 = vector.broadcast %add3A_861 : i32 to vector<16xi32>
      %add3A_863 = arith.addi %mul3A_860, %add3A_862 : vector<16xi32>
      tpu.vector_store_idx %arg8[%add3A_863], %masked_sort3A_281 : memref<1024xf32, #tpu.memory_space<vmem>>[vector<16xi32>], vector<16xf32>,
      %swap3A_864 = arith.constant 48 : index
      %swap3A_865 = tpu.vector_load %arg9[%swap3A_864] {strides = array<i32>} : memref<64xi32, #tpu.memory_space<vmem>>, vector<16xi32>,
      tpu.vector_store %arg9[%swap3A_864], %masked_sort3A_282 {strides = array<i32>} : memref<64xi32, #tpu.memory_space<vmem>>, vector<16xi32>,
      %broadcast_in_dim3A_866 = arith.constant 0.000000e+00 : f32
      %broadcast_in_dim3A_867 = vector.broadcast %broadcast_in_dim3A_866 : f32 to vector<16xf32>
      %broadcast_in_dim3A_868 = arith.constant 0.000000e+00 : f32
      %broadcast_in_dim3A_869 = vector.broadcast %broadcast_in_dim3A_868 : f32 to vector<16xf32>
      %broadcast_in_dim3A_870 = arith.constant 0.000000e+00 : f32
      %broadcast_in_dim3A_871 = vector.broadcast %broadcast_in_dim3A_870 : f32 to vector<16xf32>
      %broadcast_in_dim3A_872 = arith.constant 0.000000e+00 : f32
      %broadcast_in_dim3A_873 = vector.broadcast %broadcast_in_dim3A_872 : f32 to vector<16xf32>
      "tpu.trace_start"() <{level = 10 : i32, message = "p3_extract"}> : () -> ()
      %scan3A_874 = arith.constant 0 : i32
      %scan3A_875 = arith.constant 64 : i32
      %scan3A_876 = arith.addi %scan3A_874, %scan3A_875 : i32
      %scan3A_877 = arith.constant 1 : i32
      %scan3A_878:9 = scf.for %scan3A_1537 = %scan3A_874 to %scan3A_876 step %scan3A_877 iter_args(%scan3A_1538 = %select_n3A_147, %scan3A_1539 = %broadcast_in_dim3A_867, %scan3A_1540 = %broadcast_in_dim3A_869, %scan3A_1541 = %broadcast_in_dim3A_871, %scan3A_1542 = %broadcast_in_dim3A_873, %scan3A_1543 = %broadcast_in_dim3A_2, %scan3A_1544 = %broadcast_in_dim3A_2, %scan3A_1545 = %broadcast_in_dim3A_2, %scan3A_1546 = %broadcast_in_dim3A_2) -> (vector<16xf32>, vector<16xf32>, vector<16xf32>, vector<16xf32>, vector<16xf32>, vector<16xi32>, vector<16xi32>, vector<16xi32>, vector<16xi32>)  : i32 {
        %reduce_max3A_1547 = arith.constant true
        %reduce_max3A_1548 = vector.broadcast %reduce_max3A_1547 : i1 to vector<16xi1>
        %reduce_max3A_1549 = tpu.scan <max>, %scan3A_1538 masked %reduce_max3A_1548 : vector<16xf32>, vector<16xi1> -> vector<16xf32>
        %reduce_max3A_1550 = vector.extract %reduce_max3A_1549[15] : f32 from vector<16xf32>
        %eq3A_1551 = vector.broadcast %reduce_max3A_1550 : f32 to vector<16xf32>
        %eq3A_1552 = arith.cmpf oeq, %scan3A_1538, %eq3A_1551 : vector<16xf32>
        %all_reduce_ffs3A = tpu.all_reduce %eq3A_1552 {dim = 0 : i64, kind = #tpu.reduction_kind<find_first_set>} : vector<16xi1> -> vector<16xi32>
        %reduce_max3A_1553 = arith.constant true
        %reduce_max3A_1554 = vector.broadcast %reduce_max3A_1553 : i1 to vector<16xi1>
        %reduce_max3A_1555 = arith.constant -2147483648 : i32
        %reduce_max3A_1556 = vector.broadcast %reduce_max3A_1555 : i32 to vector<16xi32>
        %reduce_max3A_1557 = arith.xori %all_reduce_ffs3A, %reduce_max3A_1556 : vector<16xi32>
        %reduce_max3A_1558 = tpu.scan <max>, %reduce_max3A_1557 masked %reduce_max3A_1554 : vector<16xi32>, vector<16xi1> -> vector<16xi32>
        %reduce_max3A_1559 = arith.xori %reduce_max3A_1558, %reduce_max3A_1556 : vector<16xi32>
        %reduce_max3A_1560 = vector.extract %reduce_max3A_1559[15] : i32 from vector<16xi32>
        %mul3A_1561 = arith.constant 16 : i32
        %mul3A_1562 = arith.muli %reduce_max3A_1560, %mul3A_1561 : i32
        %get3A_1563 = arith.index_cast %mul3A_1562 : i32 to index
        %get3A_1564 = tpu.vector_load %arg7[%get3A_1563] {strides = array<i32>} : memref<128xf32, #tpu.memory_space<vmem>>, vector<16xf32>,
        %mul3A_1565 = arith.constant 16 : i32
        %mul3A_1566 = arith.muli %reduce_max3A_1560, %mul3A_1565 : i32
        %eq3A_1567 = vector.broadcast %reduce_max3A_1550 : f32 to vector<16xf32>
        %eq3A_1568 = arith.cmpf oeq, %get3A_1564, %eq3A_1567 : vector<16xf32>
        %all_reduce_ffs3A_1569 = tpu.all_reduce %eq3A_1568 {dim = 0 : i64, kind = #tpu.reduction_kind<find_first_set>} : vector<16xi1> -> vector<16xi32>
        %reduce_max3A_1570 = arith.constant true
        %reduce_max3A_1571 = vector.broadcast %reduce_max3A_1570 : i1 to vector<16xi1>
        %reduce_max3A_1572 = arith.constant -2147483648 : i32
        %reduce_max3A_1573 = vector.broadcast %reduce_max3A_1572 : i32 to vector<16xi32>
        %reduce_max3A_1574 = arith.xori %all_reduce_ffs3A_1569, %reduce_max3A_1573 : vector<16xi32>
        %reduce_max3A_1575 = tpu.scan <max>, %reduce_max3A_1574 masked %reduce_max3A_1571 : vector<16xi32>, vector<16xi1> -> vector<16xi32>
        %reduce_max3A_1576 = arith.xori %reduce_max3A_1575, %reduce_max3A_1573 : vector<16xi32>
        %reduce_max3A_1577 = vector.extract %reduce_max3A_1576[15] : i32 from vector<16xi32>
        %add3A_1578 = arith.addi %mul3A_1566, %reduce_max3A_1577 : i32
        %mul3A_1579 = arith.constant 16 : i32
        %mul3A_1580 = arith.muli %add3A_1578, %mul3A_1579 : i32
        %get3A_1581 = arith.index_cast %mul3A_1580 : i32 to index
        %get3A_1582 = tpu.vector_load %arg6[%get3A_1581] {strides = array<i32>} : memref<2048xf32, #tpu.memory_space<vmem>>, vector<16xf32>,
        %mul3A_1583 = arith.constant 16 : i32
        %mul3A_1584 = arith.muli %add3A_1578, %mul3A_1583 : i32
        %eq3A_1585 = vector.broadcast %reduce_max3A_1550 : f32 to vector<16xf32>
        %eq3A_1586 = arith.cmpf oeq, %get3A_1582, %eq3A_1585 : vector<16xf32>
        %all_reduce_ffs3A_1587 = tpu.all_reduce %eq3A_1586 {dim = 0 : i64, kind = #tpu.reduction_kind<find_first_set>} : vector<16xi1> -> vector<16xi32>
        %reduce_max3A_1588 = arith.constant true
        %reduce_max3A_1589 = vector.broadcast %reduce_max3A_1588 : i1 to vector<16xi1>
        %reduce_max3A_1590 = arith.constant -2147483648 : i32
        %reduce_max3A_1591 = vector.broadcast %reduce_max3A_1590 : i32 to vector<16xi32>
        %reduce_max3A_1592 = arith.xori %all_reduce_ffs3A_1587, %reduce_max3A_1591 : vector<16xi32>
        %reduce_max3A_1593 = tpu.scan <max>, %reduce_max3A_1592 masked %reduce_max3A_1589 : vector<16xi32>, vector<16xi1> -> vector<16xi32>
        %reduce_max3A_1594 = arith.xori %reduce_max3A_1593, %reduce_max3A_1591 : vector<16xi32>
        %reduce_max3A_1595 = vector.extract %reduce_max3A_1594[15] : i32 from vector<16xi32>
        %add3A_1596 = arith.addi %mul3A_1584, %reduce_max3A_1595 : i32
        %mul3A_1597 = arith.constant 16 : i32
        %mul3A_1598 = arith.muli %add3A_1596, %mul3A_1597 : i32
        %get3A_1599 = arith.index_cast %mul3A_1598 : i32 to index
        %get3A_1600 = tpu.vector_load %arg4[%get3A_1599] {strides = array<i32>} : memref<32768xf32, #tpu.memory_space<vmem>>, vector<16xf32>,
        %eq3A_1601 = vector.broadcast %reduce_max3A_1550 : f32 to vector<16xf32>
        %eq3A_1602 = arith.cmpf oeq, %get3A_1600, %eq3A_1601 : vector<16xf32>
        %all_reduce_ffs3A_1603 = tpu.all_reduce %eq3A_1602 {dim = 0 : i64, kind = #tpu.reduction_kind<find_first_set>} : vector<16xi1> -> vector<16xi32>
        %reduce_max3A_1604 = arith.constant true
        %reduce_max3A_1605 = vector.broadcast %reduce_max3A_1604 : i1 to vector<16xi1>
        %reduce_max3A_1606 = arith.constant -2147483648 : i32
        %reduce_max3A_1607 = vector.broadcast %reduce_max3A_1606 : i32 to vector<16xi32>
        %reduce_max3A_1608 = arith.xori %all_reduce_ffs3A_1603, %reduce_max3A_1607 : vector<16xi32>
        %reduce_max3A_1609 = tpu.scan <max>, %reduce_max3A_1608 masked %reduce_max3A_1605 : vector<16xi32>, vector<16xi1> -> vector<16xi32>
        %reduce_max3A_1610 = arith.xori %reduce_max3A_1609, %reduce_max3A_1607 : vector<16xi32>
        %reduce_max3A_1611 = vector.extract %reduce_max3A_1610[15] : i32 from vector<16xi32>
        %mul3A_1612 = arith.constant 16 : i32
        %mul3A_1613 = arith.muli %add3A_1596, %mul3A_1612 : i32
        %add3A_1614 = arith.addi %mul3A_1613, %reduce_max3A_1611 : i32
        %jit3A = arith.constant 16 : i32
        %div3A_1615 = arith.divsi %scan3A_1537, %jit3A : i32
        %sign3A = arith.constant 0 : i32
        %sign3A_1616 = arith.cmpi sgt, %scan3A_1537, %sign3A : i32
        %sign3A_1617 = arith.extui %sign3A_1616 : i1 to i32
        %sign3A_1618 = arith.constant 0 : i32
        %sign3A_1619 = arith.cmpi slt, %scan3A_1537, %sign3A_1618 : i32
        %sign3A_1620 = arith.extui %sign3A_1619 : i1 to i32
        %sign3A_1621 = arith.subi %sign3A_1617, %sign3A_1620 : i32
        %sign3A_1622 = arith.constant 0 : i32
        %sign3A_1623 = arith.cmpi sgt, %jit3A, %sign3A_1622 : i32
        %sign3A_1624 = arith.extui %sign3A_1623 : i1 to i32
        %sign3A_1625 = arith.constant 0 : i32
        %sign3A_1626 = arith.cmpi slt, %jit3A, %sign3A_1625 : i32
        %sign3A_1627 = arith.extui %sign3A_1626 : i1 to i32
        %sign3A_1628 = arith.subi %sign3A_1624, %sign3A_1627 : i32
        %ne3A = arith.cmpi ne, %sign3A_1621, %sign3A_1628 : i32
        %rem3A = arith.remsi %scan3A_1537, %jit3A : i32
        %ne3A_1629 = arith.constant 0 : i32
        %ne3A_1630 = arith.cmpi ne, %rem3A, %ne3A_1629 : i32
        %and3A = arith.andi %ne3A, %ne3A_1630 : i1
        %sub3A = arith.constant 1 : i32
        %sub3A_1631 = arith.subi %div3A_1615, %sub3A : i32
        %select_n3A_1632 = arith.select %and3A, %sub3A_1631, %div3A_1615 : i32
        %mul3A_1633 = arith.constant 16 : i32
        %mul3A_1634 = arith.muli %select_n3A_1632, %mul3A_1633 : i32
        %sub3A_1635 = arith.subi %scan3A_1537, %mul3A_1634 : i32
        %eq3A_1636 = arith.constant 0 : i32
        %eq3A_1637 = arith.cmpi eq, %select_n3A_1632, %eq3A_1636 : i32
        %eq3A_1638 = vector.broadcast %sub3A_1635 : i32 to vector<16xi32>
        %eq3A_1639 = arith.cmpi eq, %iota3A, %eq3A_1638 : vector<16xi32>
        %and3A_1640 = vector.broadcast %eq3A_1637 : i1 to vector<16xi1>
        %and3A_1641 = arith.andi %and3A_1640, %eq3A_1639 : vector<16xi1>
        %broadcast_in_dim3A_1642 = vector.broadcast %reduce_max3A_1550 : f32 to vector<16xf32>
        %select_n3A_1643 = arith.select %and3A_1641, %broadcast_in_dim3A_1642, %scan3A_1539 : vector<16xi1>, vector<16xf32>
        %eq3A_1644 = arith.constant 1 : i32
        %eq3A_1645 = arith.cmpi eq, %select_n3A_1632, %eq3A_1644 : i32
        %eq3A_1646 = vector.broadcast %sub3A_1635 : i32 to vector<16xi32>
        %eq3A_1647 = arith.cmpi eq, %iota3A, %eq3A_1646 : vector<16xi32>
        %and3A_1648 = vector.broadcast %eq3A_1645 : i1 to vector<16xi1>
        %and3A_1649 = arith.andi %and3A_1648, %eq3A_1647 : vector<16xi1>
        %broadcast_in_dim3A_1650 = vector.broadcast %reduce_max3A_1550 : f32 to vector<16xf32>
        %select_n3A_1651 = arith.select %and3A_1649, %broadcast_in_dim3A_1650, %scan3A_1540 : vector<16xi1>, vector<16xf32>
        %eq3A_1652 = arith.constant 2 : i32
        %eq3A_1653 = arith.cmpi eq, %select_n3A_1632, %eq3A_1652 : i32
        %eq3A_1654 = vector.broadcast %sub3A_1635 : i32 to vector<16xi32>
        %eq3A_1655 = arith.cmpi eq, %iota3A, %eq3A_1654 : vector<16xi32>
        %and3A_1656 = vector.broadcast %eq3A_1653 : i1 to vector<16xi1>
        %and3A_1657 = arith.andi %and3A_1656, %eq3A_1655 : vector<16xi1>
        %broadcast_in_dim3A_1658 = vector.broadcast %reduce_max3A_1550 : f32 to vector<16xf32>
        %select_n3A_1659 = arith.select %and3A_1657, %broadcast_in_dim3A_1658, %scan3A_1541 : vector<16xi1>, vector<16xf32>
        %eq3A_1660 = arith.constant 3 : i32
        %eq3A_1661 = arith.cmpi eq, %select_n3A_1632, %eq3A_1660 : i32
        %eq3A_1662 = vector.broadcast %sub3A_1635 : i32 to vector<16xi32>
        %eq3A_1663 = arith.cmpi eq, %iota3A, %eq3A_1662 : vector<16xi32>
        %and3A_1664 = vector.broadcast %eq3A_1661 : i1 to vector<16xi1>
        %and3A_1665 = arith.andi %and3A_1664, %eq3A_1663 : vector<16xi1>
        %broadcast_in_dim3A_1666 = vector.broadcast %reduce_max3A_1550 : f32 to vector<16xf32>
        %select_n3A_1667 = arith.select %and3A_1665, %broadcast_in_dim3A_1666, %scan3A_1542 : vector<16xi1>, vector<16xf32>
        %eq3A_1668 = arith.constant 0 : i32
        %eq3A_1669 = arith.cmpi eq, %select_n3A_1632, %eq3A_1668 : i32
        %eq3A_1670 = vector.broadcast %sub3A_1635 : i32 to vector<16xi32>
        %eq3A_1671 = arith.cmpi eq, %iota3A, %eq3A_1670 : vector<16xi32>
        %and3A_1672 = vector.broadcast %eq3A_1669 : i1 to vector<16xi1>
        %and3A_1673 = arith.andi %and3A_1672, %eq3A_1671 : vector<16xi1>
        %broadcast_in_dim3A_1674 = vector.broadcast %add3A_1614 : i32 to vector<16xi32>
        %select_n3A_1675 = arith.select %and3A_1673, %broadcast_in_dim3A_1674, %scan3A_1543 : vector<16xi1>, vector<16xi32>
        %eq3A_1676 = arith.constant 1 : i32
        %eq3A_1677 = arith.cmpi eq, %select_n3A_1632, %eq3A_1676 : i32
        %eq3A_1678 = vector.broadcast %sub3A_1635 : i32 to vector<16xi32>
        %eq3A_1679 = arith.cmpi eq, %iota3A, %eq3A_1678 : vector<16xi32>
        %and3A_1680 = vector.broadcast %eq3A_1677 : i1 to vector<16xi1>
        %and3A_1681 = arith.andi %and3A_1680, %eq3A_1679 : vector<16xi1>
        %broadcast_in_dim3A_1682 = vector.broadcast %add3A_1614 : i32 to vector<16xi32>
        %select_n3A_1683 = arith.select %and3A_1681, %broadcast_in_dim3A_1682, %scan3A_1544 : vector<16xi1>, vector<16xi32>
        %eq3A_1684 = arith.constant 2 : i32
        %eq3A_1685 = arith.cmpi eq, %select_n3A_1632, %eq3A_1684 : i32
        %eq3A_1686 = vector.broadcast %sub3A_1635 : i32 to vector<16xi32>
        %eq3A_1687 = arith.cmpi eq, %iota3A, %eq3A_1686 : vector<16xi32>
        %and3A_1688 = vector.broadcast %eq3A_1685 : i1 to vector<16xi1>
        %and3A_1689 = arith.andi %and3A_1688, %eq3A_1687 : vector<16xi1>
        %broadcast_in_dim3A_1690 = vector.broadcast %add3A_1614 : i32 to vector<16xi32>
        %select_n3A_1691 = arith.select %and3A_1689, %broadcast_in_dim3A_1690, %scan3A_1545 : vector<16xi1>, vector<16xi32>
        %eq3A_1692 = arith.constant 3 : i32
        %eq3A_1693 = arith.cmpi eq, %select_n3A_1632, %eq3A_1692 : i32
        %eq3A_1694 = vector.broadcast %sub3A_1635 : i32 to vector<16xi32>
        %eq3A_1695 = arith.cmpi eq, %iota3A, %eq3A_1694 : vector<16xi32>
        %and3A_1696 = vector.broadcast %eq3A_1693 : i1 to vector<16xi1>
        %and3A_1697 = arith.andi %and3A_1696, %eq3A_1695 : vector<16xi1>
        %broadcast_in_dim3A_1698 = vector.broadcast %add3A_1614 : i32 to vector<16xi32>
        %select_n3A_1699 = arith.select %and3A_1697, %broadcast_in_dim3A_1698, %scan3A_1546 : vector<16xi1>, vector<16xi32>
        %eq3A_1700 = vector.broadcast %reduce_max3A_1611 : i32 to vector<16xi32>
        %eq3A_1701 = arith.cmpi eq, %iota3A, %eq3A_1700 : vector<16xi32>
        %jit3A_1702 = arith.constant -1.000000e+00 : f32
        %broadcast_in_dim3A_1703 = vector.broadcast %jit3A_1702 : f32 to vector<16xf32>
        %select_n3A_1704 = arith.select %eq3A_1701, %broadcast_in_dim3A_1703, %get3A_1600 : vector<16xi1>, vector<16xf32>
        %mul3A_1705 = arith.constant 16 : i32
        %mul3A_1706 = arith.muli %add3A_1596, %mul3A_1705 : i32
        %swap3A_1707 = arith.index_cast %mul3A_1706 : i32 to index
        %swap3A_1708 = tpu.vector_load %arg4[%swap3A_1707] {strides = array<i32>} : memref<32768xf32, #tpu.memory_space<vmem>>, vector<16xf32>,
        tpu.vector_store %arg4[%swap3A_1707], %select_n3A_1704 {strides = array<i32>} : memref<32768xf32, #tpu.memory_space<vmem>>, vector<16xf32>,
        %jit3A_1709 = arith.constant 16 : i32
        %div3A_1710 = arith.divsi %add3A_1596, %jit3A_1709 : i32
        %sign3A_1711 = arith.constant 0 : i32
        %sign3A_1712 = arith.cmpi sgt, %add3A_1596, %sign3A_1711 : i32
        %sign3A_1713 = arith.extui %sign3A_1712 : i1 to i32
        %sign3A_1714 = arith.constant 0 : i32
        %sign3A_1715 = arith.cmpi slt, %add3A_1596, %sign3A_1714 : i32
        %sign3A_1716 = arith.extui %sign3A_1715 : i1 to i32
        %sign3A_1717 = arith.subi %sign3A_1713, %sign3A_1716 : i32
        %sign3A_1718 = arith.constant 0 : i32
        %sign3A_1719 = arith.cmpi sgt, %jit3A_1709, %sign3A_1718 : i32
        %sign3A_1720 = arith.extui %sign3A_1719 : i1 to i32
        %sign3A_1721 = arith.constant 0 : i32
        %sign3A_1722 = arith.cmpi slt, %jit3A_1709, %sign3A_1721 : i32
        %sign3A_1723 = arith.extui %sign3A_1722 : i1 to i32
        %sign3A_1724 = arith.subi %sign3A_1720, %sign3A_1723 : i32
        %ne3A_1725 = arith.cmpi ne, %sign3A_1717, %sign3A_1724 : i32
        %rem3A_1726 = arith.remsi %add3A_1596, %jit3A_1709 : i32
        %ne3A_1727 = arith.constant 0 : i32
        %ne3A_1728 = arith.cmpi ne, %rem3A_1726, %ne3A_1727 : i32
        %and3A_1729 = arith.andi %ne3A_1725, %ne3A_1728 : i1
        %sub3A_1730 = arith.constant 1 : i32
        %sub3A_1731 = arith.subi %div3A_1710, %sub3A_1730 : i32
        %select_n3A_1732 = arith.select %and3A_1729, %sub3A_1731, %div3A_1710 : i32
        %mul3A_1733 = arith.constant 16 : i32
        %mul3A_1734 = arith.muli %select_n3A_1732, %mul3A_1733 : i32
        %sub3A_1735 = arith.subi %add3A_1596, %mul3A_1734 : i32
        %eq3A_1736 = vector.broadcast %sub3A_1735 : i32 to vector<16xi32>
        %eq3A_1737 = arith.cmpi eq, %iota3A, %eq3A_1736 : vector<16xi32>
        %reduce_max3A_1738 = arith.constant true
        %reduce_max3A_1739 = vector.broadcast %reduce_max3A_1738 : i1 to vector<16xi1>
        %reduce_max3A_1740 = tpu.scan <max>, %select_n3A_1704 masked %reduce_max3A_1739 : vector<16xf32>, vector<16xi1> -> vector<16xf32>
        %reduce_max3A_1741 = vector.extract %reduce_max3A_1740[15] : f32 from vector<16xf32>
        %broadcast_in_dim3A_1742 = vector.broadcast %reduce_max3A_1741 : f32 to vector<16xf32>
        %select_n3A_1743 = arith.select %eq3A_1737, %broadcast_in_dim3A_1742, %get3A_1582 : vector<16xi1>, vector<16xf32>
        %mul3A_1744 = arith.constant 16 : i32
        %mul3A_1745 = arith.muli %add3A_1578, %mul3A_1744 : i32
        %swap3A_1746 = arith.index_cast %mul3A_1745 : i32 to index
        %swap3A_1747 = tpu.vector_load %arg6[%swap3A_1746] {strides = array<i32>} : memref<2048xf32, #tpu.memory_space<vmem>>, vector<16xf32>,
        tpu.vector_store %arg6[%swap3A_1746], %select_n3A_1743 {strides = array<i32>} : memref<2048xf32, #tpu.memory_space<vmem>>, vector<16xf32>,
        %mul3A_1748 = arith.constant 16 : i32
        %mul3A_1749 = arith.muli %reduce_max3A_1560, %mul3A_1748 : i32
        %sub3A_1750 = arith.subi %add3A_1578, %mul3A_1749 : i32
        %eq3A_1751 = vector.broadcast %sub3A_1750 : i32 to vector<16xi32>
        %eq3A_1752 = arith.cmpi eq, %iota3A, %eq3A_1751 : vector<16xi32>
        %reduce_max3A_1753 = arith.constant true
        %reduce_max3A_1754 = vector.broadcast %reduce_max3A_1753 : i1 to vector<16xi1>
        %reduce_max3A_1755 = tpu.scan <max>, %select_n3A_1743 masked %reduce_max3A_1754 : vector<16xf32>, vector<16xi1> -> vector<16xf32>
        %reduce_max3A_1756 = vector.extract %reduce_max3A_1755[15] : f32 from vector<16xf32>
        %broadcast_in_dim3A_1757 = vector.broadcast %reduce_max3A_1756 : f32 to vector<16xf32>
        %select_n3A_1758 = arith.select %eq3A_1752, %broadcast_in_dim3A_1757, %get3A_1564 : vector<16xi1>, vector<16xf32>
        %mul3A_1759 = arith.constant 16 : i32
        %mul3A_1760 = arith.muli %reduce_max3A_1560, %mul3A_1759 : i32
        %swap3A_1761 = arith.index_cast %mul3A_1760 : i32 to index
        %swap3A_1762 = tpu.vector_load %arg7[%swap3A_1761] {strides = array<i32>} : memref<128xf32, #tpu.memory_space<vmem>>, vector<16xf32>,
        tpu.vector_store %arg7[%swap3A_1761], %select_n3A_1758 {strides = array<i32>} : memref<128xf32, #tpu.memory_space<vmem>>, vector<16xf32>,
        %eq3A_1763 = vector.broadcast %reduce_max3A_1560 : i32 to vector<16xi32>
        %eq3A_1764 = arith.cmpi eq, %iota3A, %eq3A_1763 : vector<16xi32>
        %reduce_max3A_1765 = arith.constant true
        %reduce_max3A_1766 = vector.broadcast %reduce_max3A_1765 : i1 to vector<16xi1>
        %reduce_max3A_1767 = tpu.scan <max>, %select_n3A_1758 masked %reduce_max3A_1766 : vector<16xf32>, vector<16xi1> -> vector<16xf32>
        %reduce_max3A_1768 = vector.extract %reduce_max3A_1767[15] : f32 from vector<16xf32>
        %broadcast_in_dim3A_1769 = vector.broadcast %reduce_max3A_1768 : f32 to vector<16xf32>
        %select_n3A_1770 = arith.select %eq3A_1764, %broadcast_in_dim3A_1769, %scan3A_1538 : vector<16xi1>, vector<16xf32>
        scf.yield %select_n3A_1770, %select_n3A_1643, %select_n3A_1651, %select_n3A_1659, %select_n3A_1667, %select_n3A_1675, %select_n3A_1683, %select_n3A_1691, %select_n3A_1699 : vector<16xf32>, vector<16xf32>, vector<16xf32>, vector<16xf32>, vector<16xf32>, vector<16xi32>, vector<16xi32>, vector<16xi32>, vector<16xi32>
      }
      %scan3A_879 = arith.constant 64 : i32
      "tpu.trace_stop"() : () -> ()
      tpu.vector_store_idx %arg4[%scan3A_878#5], %scan3A_878#1 : memref<32768xf32, #tpu.memory_space<vmem>>[vector<16xi32>], vector<16xf32>,
      tpu.vector_store_idx %arg4[%scan3A_878#6], %scan3A_878#2 : memref<32768xf32, #tpu.memory_space<vmem>>[vector<16xi32>], vector<16xf32>,
      tpu.vector_store_idx %arg4[%scan3A_878#7], %scan3A_878#3 : memref<32768xf32, #tpu.memory_space<vmem>>[vector<16xi32>], vector<16xf32>,
      tpu.vector_store_idx %arg4[%scan3A_878#8], %scan3A_878#4 : memref<32768xf32, #tpu.memory_space<vmem>>[vector<16xi32>], vector<16xf32>,
      %div3A = vector.broadcast %reduce_sum3A_55 : f32 to vector<16xf32>
      %div3A_880 = arith.divf %scan3A_878#1, %div3A : vector<16xf32>
      %div3A_881 = vector.broadcast %reduce_sum3A_55 : f32 to vector<16xf32>
      %div3A_882 = arith.divf %scan3A_878#2, %div3A_881 : vector<16xf32>
      %div3A_883 = vector.broadcast %reduce_sum3A_55 : f32 to vector<16xf32>
      %div3A_884 = arith.divf %scan3A_878#3, %div3A_883 : vector<16xf32>
      %div3A_885 = vector.broadcast %reduce_sum3A_55 : f32 to vector<16xf32>
      %div3A_886 = arith.divf %scan3A_878#4, %div3A_885 : vector<16xf32>
      %broadcast_in_dim3A_887 = arith.constant true
      %broadcast_in_dim3A_888 = vector.broadcast %broadcast_in_dim3A_887 : i1 to vector<16xi1>
      %masked_cumsum3A = tpu.scan <sum>, %div3A_880 masked %broadcast_in_dim3A_888 : vector<16xf32>, vector<16xi1> -> vector<16xf32>
      %add3A_889 = arith.constant 0.000000e+00 : f32
      %add3A_890 = vector.broadcast %add3A_889 : f32 to vector<16xf32>
      %add3A_891 = arith.addf %masked_cumsum3A, %add3A_890 : vector<16xf32>
      %le3A_892 = arith.constant 6.000000e-01 : f32
      %le3A_893 = vector.broadcast %le3A_892 : f32 to vector<16xf32>
      %le3A_894 = arith.cmpf ole, %add3A_891, %le3A_893 : vector<16xf32>
      %all_reduce_population_count3A = tpu.all_reduce %le3A_894 {dim = 0 : i64, kind = #tpu.reduction_kind<sum>} : vector<16xi1> -> vector<16xi32>
      %reduce_max3A_895 = arith.constant true
      %reduce_max3A_896 = vector.broadcast %reduce_max3A_895 : i1 to vector<16xi1>
      %reduce_max3A_897 = arith.constant -2147483648 : i32
      %reduce_max3A_898 = vector.broadcast %reduce_max3A_897 : i32 to vector<16xi32>
      %reduce_max3A_899 = arith.xori %all_reduce_population_count3A, %reduce_max3A_898 : vector<16xi32>
      %reduce_max3A_900 = tpu.scan <max>, %reduce_max3A_899 masked %reduce_max3A_896 : vector<16xi32>, vector<16xi1> -> vector<16xi32>
      %reduce_max3A_901 = arith.xori %reduce_max3A_900, %reduce_max3A_898 : vector<16xi32>
      %reduce_max3A_902 = vector.extract %reduce_max3A_901[15] : i32 from vector<16xi32>
      %add3A_903 = arith.constant 0 : i32
      %add3A_904 = arith.addi %add3A_903, %reduce_max3A_902 : i32
      %reduce_sum3A_905 = arith.constant true
      %reduce_sum3A_906 = vector.broadcast %reduce_sum3A_905 : i1 to vector<16xi1>
      %reduce_sum3A_907 = tpu.scan <sum>, %div3A_880 masked %reduce_sum3A_906 : vector<16xf32>, vector<16xi1> -> vector<16xf32>
      %reduce_sum3A_908 = vector.extract %reduce_sum3A_907[15] : f32 from vector<16xf32>
      %add3A_909 = arith.constant 0.000000e+00 : f32
      %add3A_910 = arith.addf %add3A_909, %reduce_sum3A_908 : f32
      %broadcast_in_dim3A_911 = arith.constant true
      %broadcast_in_dim3A_912 = vector.broadcast %broadcast_in_dim3A_911 : i1 to vector<16xi1>
      %masked_cumsum3A_913 = tpu.scan <sum>, %div3A_882 masked %broadcast_in_dim3A_912 : vector<16xf32>, vector<16xi1> -> vector<16xf32>
      %add3A_914 = vector.broadcast %add3A_910 : f32 to vector<16xf32>
      %add3A_915 = arith.addf %masked_cumsum3A_913, %add3A_914 : vector<16xf32>
      %le3A_916 = arith.constant 6.000000e-01 : f32
      %le3A_917 = vector.broadcast %le3A_916 : f32 to vector<16xf32>
      %le3A_918 = arith.cmpf ole, %add3A_915, %le3A_917 : vector<16xf32>
      %all_reduce_population_count3A_919 = tpu.all_reduce %le3A_918 {dim = 0 : i64, kind = #tpu.reduction_kind<sum>} : vector<16xi1> -> vector<16xi32>
      %reduce_max3A_920 = arith.constant true
      %reduce_max3A_921 = vector.broadcast %reduce_max3A_920 : i1 to vector<16xi1>
      %reduce_max3A_922 = arith.constant -2147483648 : i32
      %reduce_max3A_923 = vector.broadcast %reduce_max3A_922 : i32 to vector<16xi32>
      %reduce_max3A_924 = arith.xori %all_reduce_population_count3A_919, %reduce_max3A_923 : vector<16xi32>
      %reduce_max3A_925 = tpu.scan <max>, %reduce_max3A_924 masked %reduce_max3A_921 : vector<16xi32>, vector<16xi1> -> vector<16xi32>
      %reduce_max3A_926 = arith.xori %reduce_max3A_925, %reduce_max3A_923 : vector<16xi32>
      %reduce_max3A_927 = vector.extract %reduce_max3A_926[15] : i32 from vector<16xi32>
      %add3A_928 = arith.addi %add3A_904, %reduce_max3A_927 : i32
      %reduce_sum3A_929 = arith.constant true
      %reduce_sum3A_930 = vector.broadcast %reduce_sum3A_929 : i1 to vector<16xi1>
      %reduce_sum3A_931 = tpu.scan <sum>, %div3A_882 masked %reduce_sum3A_930 : vector<16xf32>, vector<16xi1> -> vector<16xf32>
      %reduce_sum3A_932 = vector.extract %reduce_sum3A_931[15] : f32 from vector<16xf32>
      %add3A_933 = arith.addf %add3A_910, %reduce_sum3A_932 : f32
      %broadcast_in_dim3A_934 = arith.constant true
      %broadcast_in_dim3A_935 = vector.broadcast %broadcast_in_dim3A_934 : i1 to vector<16xi1>
      %masked_cumsum3A_936 = tpu.scan <sum>, %div3A_884 masked %broadcast_in_dim3A_935 : vector<16xf32>, vector<16xi1> -> vector<16xf32>
      %add3A_937 = vector.broadcast %add3A_933 : f32 to vector<16xf32>
      %add3A_938 = arith.addf %masked_cumsum3A_936, %add3A_937 : vector<16xf32>
      %le3A_939 = arith.constant 6.000000e-01 : f32
      %le3A_940 = vector.broadcast %le3A_939 : f32 to vector<16xf32>
      %le3A_941 = arith.cmpf ole, %add3A_938, %le3A_940 : vector<16xf32>
      %all_reduce_population_count3A_942 = tpu.all_reduce %le3A_941 {dim = 0 : i64, kind = #tpu.reduction_kind<sum>} : vector<16xi1> -> vector<16xi32>
      %reduce_max3A_943 = arith.constant true
      %reduce_max3A_944 = vector.broadcast %reduce_max3A_943 : i1 to vector<16xi1>
      %reduce_max3A_945 = arith.constant -2147483648 : i32
      %reduce_max3A_946 = vector.broadcast %reduce_max3A_945 : i32 to vector<16xi32>
      %reduce_max3A_947 = arith.xori %all_reduce_population_count3A_942, %reduce_max3A_946 : vector<16xi32>
      %reduce_max3A_948 = tpu.scan <max>, %reduce_max3A_947 masked %reduce_max3A_944 : vector<16xi32>, vector<16xi1> -> vector<16xi32>
      %reduce_max3A_949 = arith.xori %reduce_max3A_948, %reduce_max3A_946 : vector<16xi32>
      %reduce_max3A_950 = vector.extract %reduce_max3A_949[15] : i32 from vector<16xi32>
      %add3A_951 = arith.addi %add3A_928, %reduce_max3A_950 : i32
      %reduce_sum3A_952 = arith.constant true
      %reduce_sum3A_953 = vector.broadcast %reduce_sum3A_952 : i1 to vector<16xi1>
      %reduce_sum3A_954 = tpu.scan <sum>, %div3A_884 masked %reduce_sum3A_953 : vector<16xf32>, vector<16xi1> -> vector<16xf32>
      %reduce_sum3A_955 = vector.extract %reduce_sum3A_954[15] : f32 from vector<16xf32>
      %add3A_956 = arith.addf %add3A_933, %reduce_sum3A_955 : f32
      %broadcast_in_dim3A_957 = arith.constant true
      %broadcast_in_dim3A_958 = vector.broadcast %broadcast_in_dim3A_957 : i1 to vector<16xi1>
      %masked_cumsum3A_959 = tpu.scan <sum>, %div3A_886 masked %broadcast_in_dim3A_958 : vector<16xf32>, vector<16xi1> -> vector<16xf32>
      %add3A_960 = vector.broadcast %add3A_956 : f32 to vector<16xf32>
      %add3A_961 = arith.addf %masked_cumsum3A_959, %add3A_960 : vector<16xf32>
      %le3A_962 = arith.constant 6.000000e-01 : f32
      %le3A_963 = vector.broadcast %le3A_962 : f32 to vector<16xf32>
      %le3A_964 = arith.cmpf ole, %add3A_961, %le3A_963 : vector<16xf32>
      %all_reduce_population_count3A_965 = tpu.all_reduce %le3A_964 {dim = 0 : i64, kind = #tpu.reduction_kind<sum>} : vector<16xi1> -> vector<16xi32>
      %reduce_max3A_966 = arith.constant true
      %reduce_max3A_967 = vector.broadcast %reduce_max3A_966 : i1 to vector<16xi1>
      %reduce_max3A_968 = arith.constant -2147483648 : i32
      %reduce_max3A_969 = vector.broadcast %reduce_max3A_968 : i32 to vector<16xi32>
      %reduce_max3A_970 = arith.xori %all_reduce_population_count3A_965, %reduce_max3A_969 : vector<16xi32>
      %reduce_max3A_971 = tpu.scan <max>, %reduce_max3A_970 masked %reduce_max3A_967 : vector<16xi32>, vector<16xi1> -> vector<16xi32>
      %reduce_max3A_972 = arith.xori %reduce_max3A_971, %reduce_max3A_969 : vector<16xi32>
      %reduce_max3A_973 = vector.extract %reduce_max3A_972[15] : i32 from vector<16xi32>
      %add3A_974 = arith.addi %add3A_951, %reduce_max3A_973 : i32
      %reduce_sum3A_975 = arith.constant true
      %reduce_sum3A_976 = vector.broadcast %reduce_sum3A_975 : i1 to vector<16xi1>
      %reduce_sum3A_977 = tpu.scan <sum>, %div3A_886 masked %reduce_sum3A_976 : vector<16xf32>, vector<16xi1> -> vector<16xf32>
      %reduce_sum3A_978 = vector.extract %reduce_sum3A_977[15] : f32 from vector<16xf32>
      %add3A_979 = arith.addf %add3A_956, %reduce_sum3A_978 : f32
      %add3A_980 = arith.constant 1 : i32
      %add3A_981 = arith.addi %add3A_974, %add3A_980 : i32
      %min3A = arith.constant 64 : i32
      %min3A_982 = arith.minsi %add3A_981, %min3A : i32
      %parallel_loop3A_983 = arith.constant 0 : i32
      %parallel_loop3A_984 = arith.constant 65 : i32
      %parallel_loop3A_985 = arith.constant 1 : i32
      scf.for %parallel_loop3A_1537 = %parallel_loop3A_983 to %parallel_loop3A_984 step %parallel_loop3A_985  : i32 {
        %parallel_loop3A_1538 = arith.constant 16 : i32
        %parallel_loop3A_1539 = arith.muli %parallel_loop3A_1537, %parallel_loop3A_1538 : i32
        %parallel_loop3A_1540 = arith.index_cast %parallel_loop3A_1539 : i32 to index
        %parallel_loop3A_1541 = tpu.vector_load %arg11[%parallel_loop3A_1540] {strides = array<i32>} : memref<1040xi32, #tpu.memory_space<vmem>>, vector<16xi32>,
        tpu.vector_store %arg11[%parallel_loop3A_1540], %broadcast_in_dim3A_2 {strides = array<i32>} : memref<1040xi32, #tpu.memory_space<vmem>>, vector<16xi32>,
      } {sc.loop_unroll_factor = 4 : i64, sc.parallel_access}
      %reduce_max3A_986 = arith.constant true
      %reduce_max3A_987 = vector.broadcast %reduce_max3A_986 : i1 to vector<16xi1>
      %reduce_max3A_988 = tpu.scan <max>, %masked_sort3A_269 masked %reduce_max3A_987 : vector<16xf32>, vector<16xi1> -> vector<16xf32>
      %reduce_max3A_989 = vector.extract %reduce_max3A_988[15] : f32 from vector<16xf32>
      %reduce_max3A_990 = arith.constant true
      %reduce_max3A_991 = vector.broadcast %reduce_max3A_990 : i1 to vector<16xi1>
      %reduce_max3A_992 = tpu.scan <max>, %masked_sort3A_273 masked %reduce_max3A_991 : vector<16xf32>, vector<16xi1> -> vector<16xf32>
      %reduce_max3A_993 = vector.extract %reduce_max3A_992[15] : f32 from vector<16xf32>
      %reduce_max3A_994 = arith.constant true
      %reduce_max3A_995 = vector.broadcast %reduce_max3A_994 : i1 to vector<16xi1>
      %reduce_max3A_996 = tpu.scan <max>, %masked_sort3A_277 masked %reduce_max3A_995 : vector<16xf32>, vector<16xi1> -> vector<16xf32>
      %reduce_max3A_997 = vector.extract %reduce_max3A_996[15] : f32 from vector<16xf32>
      %reduce_max3A_998 = arith.constant true
      %reduce_max3A_999 = vector.broadcast %reduce_max3A_998 : i1 to vector<16xi1>
      %reduce_max3A_1000 = tpu.scan <max>, %masked_sort3A_281 masked %reduce_max3A_999 : vector<16xf32>, vector<16xi1> -> vector<16xf32>
      %reduce_max3A_1001 = vector.extract %reduce_max3A_1000[15] : f32 from vector<16xf32>
      %lt3A = arith.constant 8 : i32
      %lt3A_1002 = vector.broadcast %lt3A : i32 to vector<16xi32>
      %lt3A_1003 = arith.cmpi slt, %iota3A, %lt3A_1002 : vector<16xi32>
      %select_n3A_1004 = arith.select %lt3A_1003, %masked_sort3A_269, %broadcast_in_dim3A_0 : vector<16xi1>, vector<16xf32>
      %reduce_max3A_1005 = arith.constant true
      %reduce_max3A_1006 = vector.broadcast %reduce_max3A_1005 : i1 to vector<16xi1>
      %reduce_max3A_1007 = tpu.scan <max>, %select_n3A_1004 masked %reduce_max3A_1006 : vector<16xf32>, vector<16xi1> -> vector<16xf32>
      %reduce_max3A_1008 = vector.extract %reduce_max3A_1007[15] : f32 from vector<16xf32>
      %lt3A_1009 = arith.constant 8 : i32
      %lt3A_1010 = vector.broadcast %lt3A_1009 : i32 to vector<16xi32>
      %lt3A_1011 = arith.cmpi slt, %iota3A, %lt3A_1010 : vector<16xi32>
      %select_n3A_1012 = arith.select %lt3A_1011, %masked_sort3A_273, %broadcast_in_dim3A_0 : vector<16xi1>, vector<16xf32>
      %reduce_max3A_1013 = arith.constant true
      %reduce_max3A_1014 = vector.broadcast %reduce_max3A_1013 : i1 to vector<16xi1>
      %reduce_max3A_1015 = tpu.scan <max>, %select_n3A_1012 masked %reduce_max3A_1014 : vector<16xf32>, vector<16xi1> -> vector<16xf32>
      %reduce_max3A_1016 = vector.extract %reduce_max3A_1015[15] : f32 from vector<16xf32>
      %lt3A_1017 = arith.constant 8 : i32
      %lt3A_1018 = vector.broadcast %lt3A_1017 : i32 to vector<16xi32>
      %lt3A_1019 = arith.cmpi slt, %iota3A, %lt3A_1018 : vector<16xi32>
      %select_n3A_1020 = arith.select %lt3A_1019, %masked_sort3A_277, %broadcast_in_dim3A_0 : vector<16xi1>, vector<16xf32>
      %reduce_max3A_1021 = arith.constant true
      %reduce_max3A_1022 = vector.broadcast %reduce_max3A_1021 : i1 to vector<16xi1>
      %reduce_max3A_1023 = tpu.scan <max>, %select_n3A_1020 masked %reduce_max3A_1022 : vector<16xf32>, vector<16xi1> -> vector<16xf32>
      %reduce_max3A_1024 = vector.extract %reduce_max3A_1023[15] : f32 from vector<16xf32>
      %lt3A_1025 = arith.constant 8 : i32
      %lt3A_1026 = vector.broadcast %lt3A_1025 : i32 to vector<16xi32>
      %lt3A_1027 = arith.cmpi slt, %iota3A, %lt3A_1026 : vector<16xi32>
      %select_n3A_1028 = arith.select %lt3A_1027, %masked_sort3A_281, %broadcast_in_dim3A_0 : vector<16xi1>, vector<16xf32>
      %reduce_max3A_1029 = arith.constant true
      %reduce_max3A_1030 = vector.broadcast %reduce_max3A_1029 : i1 to vector<16xi1>
      %reduce_max3A_1031 = tpu.scan <max>, %select_n3A_1028 masked %reduce_max3A_1030 : vector<16xf32>, vector<16xi1> -> vector<16xf32>
      %reduce_max3A_1032 = vector.extract %reduce_max3A_1031[15] : f32 from vector<16xf32>
      %parallel_loop3A_1033 = arith.constant 0 : i32
      %parallel_loop3A_1034 = arith.constant 2048 : i32
      %parallel_loop3A_1035 = arith.constant 1 : i32
      "tpu.trace_start"() <{level = 10 : i32, message = "p4_bsearch"}> : () -> ()
      scf.for %parallel_loop3A_1537 = %parallel_loop3A_1033 to %parallel_loop3A_1034 step %parallel_loop3A_1035  : i32 {
        %parallel_loop3A_1538 = arith.constant 16 : i32
        %parallel_loop3A_1539 = arith.muli %parallel_loop3A_1537, %parallel_loop3A_1538 : i32
        %parallel_loop3A_1540 = arith.index_cast %parallel_loop3A_1539 : i32 to index
        %parallel_loop3A_1541 = tpu.vector_load %arg4[%parallel_loop3A_1540] {strides = array<i32>} : memref<32768xf32, #tpu.memory_space<vmem>>, vector<16xf32>,
        %parallel_loop3A_1542 = vector.broadcast %reduce_max3A_993 : f32 to vector<16xf32>
        %parallel_loop3A_1543 = arith.cmpf olt, %parallel_loop3A_1542, %parallel_loop3A_1541 : vector<16xf32>
        %parallel_loop3A_1544 = arith.constant 32 : i32
        %parallel_loop3A_1545 = arith.constant 0 : i32
        %parallel_loop3A_1546 = vector.broadcast %parallel_loop3A_1544 : i32 to vector<16xi32>
        %parallel_loop3A_1547 = vector.broadcast %parallel_loop3A_1545 : i32 to vector<16xi32>
        %parallel_loop3A_1548 = arith.select %parallel_loop3A_1543, %parallel_loop3A_1546, %parallel_loop3A_1547 : vector<16xi1>, vector<16xi32>
        %parallel_loop3A_1549 = vector.broadcast %reduce_max3A_997 : f32 to vector<16xf32>
        %parallel_loop3A_1550 = vector.broadcast %reduce_max3A_989 : f32 to vector<16xf32>
        %parallel_loop3A_1551 = arith.select %parallel_loop3A_1543, %parallel_loop3A_1549, %parallel_loop3A_1550 : vector<16xi1>, vector<16xf32>
        %parallel_loop3A_1552 = arith.cmpf olt, %parallel_loop3A_1551, %parallel_loop3A_1541 : vector<16xf32>
        %parallel_loop3A_1553 = arith.constant 16 : i32
        %parallel_loop3A_1554 = vector.broadcast %parallel_loop3A_1553 : i32 to vector<16xi32>
        %parallel_loop3A_1555 = arith.addi %parallel_loop3A_1548, %parallel_loop3A_1554 : vector<16xi32>
        %parallel_loop3A_1556 = arith.select %parallel_loop3A_1552, %parallel_loop3A_1555, %parallel_loop3A_1548 : vector<16xi1>, vector<16xi32>
        %parallel_loop3A_1557 = vector.broadcast %reduce_max3A_1032 : f32 to vector<16xf32>
        %parallel_loop3A_1558 = vector.broadcast %reduce_max3A_1024 : f32 to vector<16xf32>
        %parallel_loop3A_1559 = arith.select %parallel_loop3A_1552, %parallel_loop3A_1557, %parallel_loop3A_1558 : vector<16xi1>, vector<16xf32>
        %parallel_loop3A_1560 = vector.broadcast %reduce_max3A_1016 : f32 to vector<16xf32>
        %parallel_loop3A_1561 = vector.broadcast %reduce_max3A_1008 : f32 to vector<16xf32>
        %parallel_loop3A_1562 = arith.select %parallel_loop3A_1552, %parallel_loop3A_1560, %parallel_loop3A_1561 : vector<16xi1>, vector<16xf32>
        %parallel_loop3A_1563 = arith.select %parallel_loop3A_1543, %parallel_loop3A_1559, %parallel_loop3A_1562 : vector<16xi1>, vector<16xf32>
        %parallel_loop3A_1564 = arith.cmpf olt, %parallel_loop3A_1563, %parallel_loop3A_1541 : vector<16xf32>
        %parallel_loop3A_1565 = arith.constant 8 : i32
        %parallel_loop3A_1566 = vector.broadcast %parallel_loop3A_1565 : i32 to vector<16xi32>
        %parallel_loop3A_1567 = arith.addi %parallel_loop3A_1556, %parallel_loop3A_1566 : vector<16xi32>
        %parallel_loop3A_1568 = arith.select %parallel_loop3A_1564, %parallel_loop3A_1567, %parallel_loop3A_1556 : vector<16xi1>, vector<16xi32>
        %parallel_loop3A_1569 = arith.constant 3 : i32
        %parallel_loop3A_1570 = vector.broadcast %parallel_loop3A_1569 : i32 to vector<16xi32>
        %parallel_loop3A_1571 = arith.addi %parallel_loop3A_1568, %parallel_loop3A_1570 : vector<16xi32>
        %parallel_loop3A_1572 = arith.constant 16 : i32
        %parallel_loop3A_1573 = vector.broadcast %parallel_loop3A_1572 : i32 to vector<16xi32>
        %parallel_loop3A_1574 = arith.muli %parallel_loop3A_1571, %parallel_loop3A_1573 : vector<16xi32>
        %parallel_loop3A_1575 = arith.addi %parallel_loop3A_1574, %iota3A : vector<16xi32>
        %parallel_loop3A_1576 = tpu.vector_load_idx %arg8[%parallel_loop3A_1575] : memref<1024xf32, #tpu.memory_space<vmem>>[vector<16xi32>], vector<16xf32>,
        %parallel_loop3A_1577 = arith.cmpf olt, %parallel_loop3A_1576, %parallel_loop3A_1541 : vector<16xf32>
        %parallel_loop3A_1578 = arith.constant 4 : i32
        %parallel_loop3A_1579 = vector.broadcast %parallel_loop3A_1578 : i32 to vector<16xi32>
        %parallel_loop3A_1580 = arith.addi %parallel_loop3A_1568, %parallel_loop3A_1579 : vector<16xi32>
        %parallel_loop3A_1581 = arith.select %parallel_loop3A_1577, %parallel_loop3A_1580, %parallel_loop3A_1568 : vector<16xi1>, vector<16xi32>
        %parallel_loop3A_1582 = arith.constant 1 : i32
        %parallel_loop3A_1583 = vector.broadcast %parallel_loop3A_1582 : i32 to vector<16xi32>
        %parallel_loop3A_1584 = arith.addi %parallel_loop3A_1581, %parallel_loop3A_1583 : vector<16xi32>
        %parallel_loop3A_1585 = arith.constant 16 : i32
        %parallel_loop3A_1586 = vector.broadcast %parallel_loop3A_1585 : i32 to vector<16xi32>
        %parallel_loop3A_1587 = arith.muli %parallel_loop3A_1584, %parallel_loop3A_1586 : vector<16xi32>
        %parallel_loop3A_1588 = arith.addi %parallel_loop3A_1587, %iota3A : vector<16xi32>
        %parallel_loop3A_1589 = tpu.vector_load_idx %arg8[%parallel_loop3A_1588] : memref<1024xf32, #tpu.memory_space<vmem>>[vector<16xi32>], vector<16xf32>,
        %parallel_loop3A_1590 = arith.cmpf olt, %parallel_loop3A_1589, %parallel_loop3A_1541 : vector<16xf32>
        %parallel_loop3A_1591 = arith.constant 2 : i32
        %parallel_loop3A_1592 = vector.broadcast %parallel_loop3A_1591 : i32 to vector<16xi32>
        %parallel_loop3A_1593 = arith.addi %parallel_loop3A_1581, %parallel_loop3A_1592 : vector<16xi32>
        %parallel_loop3A_1594 = arith.select %parallel_loop3A_1590, %parallel_loop3A_1593, %parallel_loop3A_1581 : vector<16xi1>, vector<16xi32>
        %parallel_loop3A_1595 = arith.constant 0 : i32
        %parallel_loop3A_1596 = vector.broadcast %parallel_loop3A_1595 : i32 to vector<16xi32>
        %parallel_loop3A_1597 = arith.addi %parallel_loop3A_1594, %parallel_loop3A_1596 : vector<16xi32>
        %parallel_loop3A_1598 = arith.constant 16 : i32
        %parallel_loop3A_1599 = vector.broadcast %parallel_loop3A_1598 : i32 to vector<16xi32>
        %parallel_loop3A_1600 = arith.muli %parallel_loop3A_1597, %parallel_loop3A_1599 : vector<16xi32>
        %parallel_loop3A_1601 = arith.addi %parallel_loop3A_1600, %iota3A : vector<16xi32>
        %parallel_loop3A_1602 = tpu.vector_load_idx %arg8[%parallel_loop3A_1601] : memref<1024xf32, #tpu.memory_space<vmem>>[vector<16xi32>], vector<16xf32>,
        %parallel_loop3A_1603 = arith.cmpf olt, %parallel_loop3A_1602, %parallel_loop3A_1541 : vector<16xf32>
        %parallel_loop3A_1604 = arith.constant 1 : i32
        %parallel_loop3A_1605 = vector.broadcast %parallel_loop3A_1604 : i32 to vector<16xi32>
        %parallel_loop3A_1606 = arith.addi %parallel_loop3A_1594, %parallel_loop3A_1605 : vector<16xi32>
        %parallel_loop3A_1607 = arith.select %parallel_loop3A_1603, %parallel_loop3A_1606, %parallel_loop3A_1594 : vector<16xi1>, vector<16xi32>
        %parallel_loop3A_1608 = arith.constant 63 : i32
        %parallel_loop3A_1609 = vector.broadcast %parallel_loop3A_1608 : i32 to vector<16xi32>
        %parallel_loop3A_1610 = arith.cmpi eq, %parallel_loop3A_1607, %parallel_loop3A_1609 : vector<16xi32>
        %parallel_loop3A_1611 = vector.broadcast %reduce_max3A_1001 : f32 to vector<16xf32>
        %parallel_loop3A_1612 = arith.cmpf olt, %parallel_loop3A_1611, %parallel_loop3A_1541 : vector<16xf32>
        %parallel_loop3A_1613 = arith.andi %parallel_loop3A_1610, %parallel_loop3A_1612 : vector<16xi1>
        %parallel_loop3A_1614 = arith.constant 64 : i32
        %parallel_loop3A_1615 = vector.broadcast %parallel_loop3A_1614 : i32 to vector<16xi32>
        %parallel_loop3A_1616 = arith.select %parallel_loop3A_1613, %parallel_loop3A_1615, %parallel_loop3A_1607 : vector<16xi1>, vector<16xi32>
        %parallel_loop3A_1617 = arith.constant 16 : i32
        %parallel_loop3A_1618 = vector.broadcast %parallel_loop3A_1617 : i32 to vector<16xi32>
        %parallel_loop3A_1619 = arith.muli %parallel_loop3A_1616, %parallel_loop3A_1618 : vector<16xi32>
        %parallel_loop3A_1620 = arith.addi %parallel_loop3A_1619, %iota3A : vector<16xi32>
        tpu.vector_store_idx %arg11[%parallel_loop3A_1620], %broadcast_in_dim3A_4 {add = true} : memref<1040xi32, #tpu.memory_space<vmem>>[vector<16xi32>], vector<16xi32>,
      } {sc.loop_unroll_factor = 32 : i64, sc.parallel_access}
      "tpu.trace_stop"() : () -> ()
      %add3A_1036 = arith.constant 0 : i32
      %add3A_1037 = vector.broadcast %add3A_1036 : i32 to vector<16xi32>
      %add3A_1038 = arith.addi %iota3A, %add3A_1037 : vector<16xi32>
      %add3A_1039 = arith.constant 1 : i32
      %add3A_1040 = vector.broadcast %add3A_1039 : i32 to vector<16xi32>
      %add3A_1041 = arith.addi %add3A_1038, %add3A_1040 : vector<16xi32>
      %mul3A_1042 = arith.constant 16 : i32
      %mul3A_1043 = vector.broadcast %mul3A_1042 : i32 to vector<16xi32>
      %mul3A_1044 = arith.muli %add3A_1041, %mul3A_1043 : vector<16xi32>
      %add3A_1045 = arith.constant 0 : i32
      %add3A_1046 = vector.broadcast %add3A_1045 : i32 to vector<16xi32>
      %add3A_1047 = arith.addi %mul3A_1044, %add3A_1046 : vector<16xi32>
      %gather3A = tpu.vector_load_idx %arg11[%add3A_1047] : memref<1040xi32, #tpu.memory_space<vmem>>[vector<16xi32>], vector<16xi32>,
      %add3A_1048 = arith.addi %broadcast_in_dim3A_2, %gather3A : vector<16xi32>
      %add3A_1049 = arith.constant 1 : i32
      %add3A_1050 = vector.broadcast %add3A_1049 : i32 to vector<16xi32>
      %add3A_1051 = arith.addi %mul3A_1044, %add3A_1050 : vector<16xi32>
      %gather3A_1052 = tpu.vector_load_idx %arg11[%add3A_1051] : memref<1040xi32, #tpu.memory_space<vmem>>[vector<16xi32>], vector<16xi32>,
      %add3A_1053 = arith.addi %add3A_1048, %gather3A_1052 : vector<16xi32>
      %add3A_1054 = arith.constant 2 : i32
      %add3A_1055 = vector.broadcast %add3A_1054 : i32 to vector<16xi32>
      %add3A_1056 = arith.addi %mul3A_1044, %add3A_1055 : vector<16xi32>
      %gather3A_1057 = tpu.vector_load_idx %arg11[%add3A_1056] : memref<1040xi32, #tpu.memory_space<vmem>>[vector<16xi32>], vector<16xi32>,
      %add3A_1058 = arith.addi %add3A_1053, %gather3A_1057 : vector<16xi32>
      %add3A_1059 = arith.constant 3 : i32
      %add3A_1060 = vector.broadcast %add3A_1059 : i32 to vector<16xi32>
      %add3A_1061 = arith.addi %mul3A_1044, %add3A_1060 : vector<16xi32>
      %gather3A_1062 = tpu.vector_load_idx %arg11[%add3A_1061] : memref<1040xi32, #tpu.memory_space<vmem>>[vector<16xi32>], vector<16xi32>,
      %add3A_1063 = arith.addi %add3A_1058, %gather3A_1062 : vector<16xi32>
      %add3A_1064 = arith.constant 4 : i32
      %add3A_1065 = vector.broadcast %add3A_1064 : i32 to vector<16xi32>
      %add3A_1066 = arith.addi %mul3A_1044, %add3A_1065 : vector<16xi32>
      %gather3A_1067 = tpu.vector_load_idx %arg11[%add3A_1066] : memref<1040xi32, #tpu.memory_space<vmem>>[vector<16xi32>], vector<16xi32>,
      %add3A_1068 = arith.addi %add3A_1063, %gather3A_1067 : vector<16xi32>
      %add3A_1069 = arith.constant 5 : i32
      %add3A_1070 = vector.broadcast %add3A_1069 : i32 to vector<16xi32>
      %add3A_1071 = arith.addi %mul3A_1044, %add3A_1070 : vector<16xi32>
      %gather3A_1072 = tpu.vector_load_idx %arg11[%add3A_1071] : memref<1040xi32, #tpu.memory_space<vmem>>[vector<16xi32>], vector<16xi32>,
      %add3A_1073 = arith.addi %add3A_1068, %gather3A_1072 : vector<16xi32>
      %add3A_1074 = arith.constant 6 : i32
      %add3A_1075 = vector.broadcast %add3A_1074 : i32 to vector<16xi32>
      %add3A_1076 = arith.addi %mul3A_1044, %add3A_1075 : vector<16xi32>
      %gather3A_1077 = tpu.vector_load_idx %arg11[%add3A_1076] : memref<1040xi32, #tpu.memory_space<vmem>>[vector<16xi32>], vector<16xi32>,
      %add3A_1078 = arith.addi %add3A_1073, %gather3A_1077 : vector<16xi32>
      %add3A_1079 = arith.constant 7 : i32
      %add3A_1080 = vector.broadcast %add3A_1079 : i32 to vector<16xi32>
      %add3A_1081 = arith.addi %mul3A_1044, %add3A_1080 : vector<16xi32>
      %gather3A_1082 = tpu.vector_load_idx %arg11[%add3A_1081] : memref<1040xi32, #tpu.memory_space<vmem>>[vector<16xi32>], vector<16xi32>,
      %add3A_1083 = arith.addi %add3A_1078, %gather3A_1082 : vector<16xi32>
      %add3A_1084 = arith.constant 8 : i32
      %add3A_1085 = vector.broadcast %add3A_1084 : i32 to vector<16xi32>
      %add3A_1086 = arith.addi %mul3A_1044, %add3A_1085 : vector<16xi32>
      %gather3A_1087 = tpu.vector_load_idx %arg11[%add3A_1086] : memref<1040xi32, #tpu.memory_space<vmem>>[vector<16xi32>], vector<16xi32>,
      %add3A_1088 = arith.addi %add3A_1083, %gather3A_1087 : vector<16xi32>
      %add3A_1089 = arith.constant 9 : i32
      %add3A_1090 = vector.broadcast %add3A_1089 : i32 to vector<16xi32>
      %add3A_1091 = arith.addi %mul3A_1044, %add3A_1090 : vector<16xi32>
      %gather3A_1092 = tpu.vector_load_idx %arg11[%add3A_1091] : memref<1040xi32, #tpu.memory_space<vmem>>[vector<16xi32>], vector<16xi32>,
      %add3A_1093 = arith.addi %add3A_1088, %gather3A_1092 : vector<16xi32>
      %add3A_1094 = arith.constant 10 : i32
      %add3A_1095 = vector.broadcast %add3A_1094 : i32 to vector<16xi32>
      %add3A_1096 = arith.addi %mul3A_1044, %add3A_1095 : vector<16xi32>
      %gather3A_1097 = tpu.vector_load_idx %arg11[%add3A_1096] : memref<1040xi32, #tpu.memory_space<vmem>>[vector<16xi32>], vector<16xi32>,
      %add3A_1098 = arith.addi %add3A_1093, %gather3A_1097 : vector<16xi32>
      %add3A_1099 = arith.constant 11 : i32
      %add3A_1100 = vector.broadcast %add3A_1099 : i32 to vector<16xi32>
      %add3A_1101 = arith.addi %mul3A_1044, %add3A_1100 : vector<16xi32>
      %gather3A_1102 = tpu.vector_load_idx %arg11[%add3A_1101] : memref<1040xi32, #tpu.memory_space<vmem>>[vector<16xi32>], vector<16xi32>,
      %add3A_1103 = arith.addi %add3A_1098, %gather3A_1102 : vector<16xi32>
      %add3A_1104 = arith.constant 12 : i32
      %add3A_1105 = vector.broadcast %add3A_1104 : i32 to vector<16xi32>
      %add3A_1106 = arith.addi %mul3A_1044, %add3A_1105 : vector<16xi32>
      %gather3A_1107 = tpu.vector_load_idx %arg11[%add3A_1106] : memref<1040xi32, #tpu.memory_space<vmem>>[vector<16xi32>], vector<16xi32>,
      %add3A_1108 = arith.addi %add3A_1103, %gather3A_1107 : vector<16xi32>
      %add3A_1109 = arith.constant 13 : i32
      %add3A_1110 = vector.broadcast %add3A_1109 : i32 to vector<16xi32>
      %add3A_1111 = arith.addi %mul3A_1044, %add3A_1110 : vector<16xi32>
      %gather3A_1112 = tpu.vector_load_idx %arg11[%add3A_1111] : memref<1040xi32, #tpu.memory_space<vmem>>[vector<16xi32>], vector<16xi32>,
      %add3A_1113 = arith.addi %add3A_1108, %gather3A_1112 : vector<16xi32>
      %add3A_1114 = arith.constant 14 : i32
      %add3A_1115 = vector.broadcast %add3A_1114 : i32 to vector<16xi32>
      %add3A_1116 = arith.addi %mul3A_1044, %add3A_1115 : vector<16xi32>
      %gather3A_1117 = tpu.vector_load_idx %arg11[%add3A_1116] : memref<1040xi32, #tpu.memory_space<vmem>>[vector<16xi32>], vector<16xi32>,
      %add3A_1118 = arith.addi %add3A_1113, %gather3A_1117 : vector<16xi32>
      %add3A_1119 = arith.constant 15 : i32
      %add3A_1120 = vector.broadcast %add3A_1119 : i32 to vector<16xi32>
      %add3A_1121 = arith.addi %mul3A_1044, %add3A_1120 : vector<16xi32>
      %gather3A_1122 = tpu.vector_load_idx %arg11[%add3A_1121] : memref<1040xi32, #tpu.memory_space<vmem>>[vector<16xi32>], vector<16xi32>,
      %add3A_1123 = arith.addi %add3A_1118, %gather3A_1122 : vector<16xi32>
      %add3A_1124 = arith.constant 16 : i32
      %add3A_1125 = vector.broadcast %add3A_1124 : i32 to vector<16xi32>
      %add3A_1126 = arith.addi %iota3A, %add3A_1125 : vector<16xi32>
      %add3A_1127 = arith.constant 1 : i32
      %add3A_1128 = vector.broadcast %add3A_1127 : i32 to vector<16xi32>
      %add3A_1129 = arith.addi %add3A_1126, %add3A_1128 : vector<16xi32>
      %mul3A_1130 = arith.constant 16 : i32
      %mul3A_1131 = vector.broadcast %mul3A_1130 : i32 to vector<16xi32>
      %mul3A_1132 = arith.muli %add3A_1129, %mul3A_1131 : vector<16xi32>
      %add3A_1133 = arith.constant 0 : i32
      %add3A_1134 = vector.broadcast %add3A_1133 : i32 to vector<16xi32>
      %add3A_1135 = arith.addi %mul3A_1132, %add3A_1134 : vector<16xi32>
      %gather3A_1136 = tpu.vector_load_idx %arg11[%add3A_1135] : memref<1040xi32, #tpu.memory_space<vmem>>[vector<16xi32>], vector<16xi32>,
      %add3A_1137 = arith.addi %broadcast_in_dim3A_2, %gather3A_1136 : vector<16xi32>
      %add3A_1138 = arith.constant 1 : i32
      %add3A_1139 = vector.broadcast %add3A_1138 : i32 to vector<16xi32>
      %add3A_1140 = arith.addi %mul3A_1132, %add3A_1139 : vector<16xi32>
      %gather3A_1141 = tpu.vector_load_idx %arg11[%add3A_1140] : memref<1040xi32, #tpu.memory_space<vmem>>[vector<16xi32>], vector<16xi32>,
      %add3A_1142 = arith.addi %add3A_1137, %gather3A_1141 : vector<16xi32>
      %add3A_1143 = arith.constant 2 : i32
      %add3A_1144 = vector.broadcast %add3A_1143 : i32 to vector<16xi32>
      %add3A_1145 = arith.addi %mul3A_1132, %add3A_1144 : vector<16xi32>
      %gather3A_1146 = tpu.vector_load_idx %arg11[%add3A_1145] : memref<1040xi32, #tpu.memory_space<vmem>>[vector<16xi32>], vector<16xi32>,
      %add3A_1147 = arith.addi %add3A_1142, %gather3A_1146 : vector<16xi32>
      %add3A_1148 = arith.constant 3 : i32
      %add3A_1149 = vector.broadcast %add3A_1148 : i32 to vector<16xi32>
      %add3A_1150 = arith.addi %mul3A_1132, %add3A_1149 : vector<16xi32>
      %gather3A_1151 = tpu.vector_load_idx %arg11[%add3A_1150] : memref<1040xi32, #tpu.memory_space<vmem>>[vector<16xi32>], vector<16xi32>,
      %add3A_1152 = arith.addi %add3A_1147, %gather3A_1151 : vector<16xi32>
      %add3A_1153 = arith.constant 4 : i32
      %add3A_1154 = vector.broadcast %add3A_1153 : i32 to vector<16xi32>
      %add3A_1155 = arith.addi %mul3A_1132, %add3A_1154 : vector<16xi32>
      %gather3A_1156 = tpu.vector_load_idx %arg11[%add3A_1155] : memref<1040xi32, #tpu.memory_space<vmem>>[vector<16xi32>], vector<16xi32>,
      %add3A_1157 = arith.addi %add3A_1152, %gather3A_1156 : vector<16xi32>
      %add3A_1158 = arith.constant 5 : i32
      %add3A_1159 = vector.broadcast %add3A_1158 : i32 to vector<16xi32>
      %add3A_1160 = arith.addi %mul3A_1132, %add3A_1159 : vector<16xi32>
      %gather3A_1161 = tpu.vector_load_idx %arg11[%add3A_1160] : memref<1040xi32, #tpu.memory_space<vmem>>[vector<16xi32>], vector<16xi32>,
      %add3A_1162 = arith.addi %add3A_1157, %gather3A_1161 : vector<16xi32>
      %add3A_1163 = arith.constant 6 : i32
      %add3A_1164 = vector.broadcast %add3A_1163 : i32 to vector<16xi32>
      %add3A_1165 = arith.addi %mul3A_1132, %add3A_1164 : vector<16xi32>
      %gather3A_1166 = tpu.vector_load_idx %arg11[%add3A_1165] : memref<1040xi32, #tpu.memory_space<vmem>>[vector<16xi32>], vector<16xi32>,
      %add3A_1167 = arith.addi %add3A_1162, %gather3A_1166 : vector<16xi32>
      %add3A_1168 = arith.constant 7 : i32
      %add3A_1169 = vector.broadcast %add3A_1168 : i32 to vector<16xi32>
      %add3A_1170 = arith.addi %mul3A_1132, %add3A_1169 : vector<16xi32>
      %gather3A_1171 = tpu.vector_load_idx %arg11[%add3A_1170] : memref<1040xi32, #tpu.memory_space<vmem>>[vector<16xi32>], vector<16xi32>,
      %add3A_1172 = arith.addi %add3A_1167, %gather3A_1171 : vector<16xi32>
      %add3A_1173 = arith.constant 8 : i32
      %add3A_1174 = vector.broadcast %add3A_1173 : i32 to vector<16xi32>
      %add3A_1175 = arith.addi %mul3A_1132, %add3A_1174 : vector<16xi32>
      %gather3A_1176 = tpu.vector_load_idx %arg11[%add3A_1175] : memref<1040xi32, #tpu.memory_space<vmem>>[vector<16xi32>], vector<16xi32>,
      %add3A_1177 = arith.addi %add3A_1172, %gather3A_1176 : vector<16xi32>
      %add3A_1178 = arith.constant 9 : i32
      %add3A_1179 = vector.broadcast %add3A_1178 : i32 to vector<16xi32>
      %add3A_1180 = arith.addi %mul3A_1132, %add3A_1179 : vector<16xi32>
      %gather3A_1181 = tpu.vector_load_idx %arg11[%add3A_1180] : memref<1040xi32, #tpu.memory_space<vmem>>[vector<16xi32>], vector<16xi32>,
      %add3A_1182 = arith.addi %add3A_1177, %gather3A_1181 : vector<16xi32>
      %add3A_1183 = arith.constant 10 : i32
      %add3A_1184 = vector.broadcast %add3A_1183 : i32 to vector<16xi32>
      %add3A_1185 = arith.addi %mul3A_1132, %add3A_1184 : vector<16xi32>
      %gather3A_1186 = tpu.vector_load_idx %arg11[%add3A_1185] : memref<1040xi32, #tpu.memory_space<vmem>>[vector<16xi32>], vector<16xi32>,
      %add3A_1187 = arith.addi %add3A_1182, %gather3A_1186 : vector<16xi32>
      %add3A_1188 = arith.constant 11 : i32
      %add3A_1189 = vector.broadcast %add3A_1188 : i32 to vector<16xi32>
      %add3A_1190 = arith.addi %mul3A_1132, %add3A_1189 : vector<16xi32>
      %gather3A_1191 = tpu.vector_load_idx %arg11[%add3A_1190] : memref<1040xi32, #tpu.memory_space<vmem>>[vector<16xi32>], vector<16xi32>,
      %add3A_1192 = arith.addi %add3A_1187, %gather3A_1191 : vector<16xi32>
      %add3A_1193 = arith.constant 12 : i32
      %add3A_1194 = vector.broadcast %add3A_1193 : i32 to vector<16xi32>
      %add3A_1195 = arith.addi %mul3A_1132, %add3A_1194 : vector<16xi32>
      %gather3A_1196 = tpu.vector_load_idx %arg11[%add3A_1195] : memref<1040xi32, #tpu.memory_space<vmem>>[vector<16xi32>], vector<16xi32>,
      %add3A_1197 = arith.addi %add3A_1192, %gather3A_1196 : vector<16xi32>
      %add3A_1198 = arith.constant 13 : i32
      %add3A_1199 = vector.broadcast %add3A_1198 : i32 to vector<16xi32>
      %add3A_1200 = arith.addi %mul3A_1132, %add3A_1199 : vector<16xi32>
      %gather3A_1201 = tpu.vector_load_idx %arg11[%add3A_1200] : memref<1040xi32, #tpu.memory_space<vmem>>[vector<16xi32>], vector<16xi32>,
      %add3A_1202 = arith.addi %add3A_1197, %gather3A_1201 : vector<16xi32>
      %add3A_1203 = arith.constant 14 : i32
      %add3A_1204 = vector.broadcast %add3A_1203 : i32 to vector<16xi32>
      %add3A_1205 = arith.addi %mul3A_1132, %add3A_1204 : vector<16xi32>
      %gather3A_1206 = tpu.vector_load_idx %arg11[%add3A_1205] : memref<1040xi32, #tpu.memory_space<vmem>>[vector<16xi32>], vector<16xi32>,
      %add3A_1207 = arith.addi %add3A_1202, %gather3A_1206 : vector<16xi32>
      %add3A_1208 = arith.constant 15 : i32
      %add3A_1209 = vector.broadcast %add3A_1208 : i32 to vector<16xi32>
      %add3A_1210 = arith.addi %mul3A_1132, %add3A_1209 : vector<16xi32>
      %gather3A_1211 = tpu.vector_load_idx %arg11[%add3A_1210] : memref<1040xi32, #tpu.memory_space<vmem>>[vector<16xi32>], vector<16xi32>,
      %add3A_1212 = arith.addi %add3A_1207, %gather3A_1211 : vector<16xi32>
      %add3A_1213 = arith.constant 32 : i32
      %add3A_1214 = vector.broadcast %add3A_1213 : i32 to vector<16xi32>
      %add3A_1215 = arith.addi %iota3A, %add3A_1214 : vector<16xi32>
      %add3A_1216 = arith.constant 1 : i32
      %add3A_1217 = vector.broadcast %add3A_1216 : i32 to vector<16xi32>
      %add3A_1218 = arith.addi %add3A_1215, %add3A_1217 : vector<16xi32>
      %mul3A_1219 = arith.constant 16 : i32
      %mul3A_1220 = vector.broadcast %mul3A_1219 : i32 to vector<16xi32>
      %mul3A_1221 = arith.muli %add3A_1218, %mul3A_1220 : vector<16xi32>
      %add3A_1222 = arith.constant 0 : i32
      %add3A_1223 = vector.broadcast %add3A_1222 : i32 to vector<16xi32>
      %add3A_1224 = arith.addi %mul3A_1221, %add3A_1223 : vector<16xi32>
      %gather3A_1225 = tpu.vector_load_idx %arg11[%add3A_1224] : memref<1040xi32, #tpu.memory_space<vmem>>[vector<16xi32>], vector<16xi32>,
      %add3A_1226 = arith.addi %broadcast_in_dim3A_2, %gather3A_1225 : vector<16xi32>
      %add3A_1227 = arith.constant 1 : i32
      %add3A_1228 = vector.broadcast %add3A_1227 : i32 to vector<16xi32>
      %add3A_1229 = arith.addi %mul3A_1221, %add3A_1228 : vector<16xi32>
      %gather3A_1230 = tpu.vector_load_idx %arg11[%add3A_1229] : memref<1040xi32, #tpu.memory_space<vmem>>[vector<16xi32>], vector<16xi32>,
      %add3A_1231 = arith.addi %add3A_1226, %gather3A_1230 : vector<16xi32>
      %add3A_1232 = arith.constant 2 : i32
      %add3A_1233 = vector.broadcast %add3A_1232 : i32 to vector<16xi32>
      %add3A_1234 = arith.addi %mul3A_1221, %add3A_1233 : vector<16xi32>
      %gather3A_1235 = tpu.vector_load_idx %arg11[%add3A_1234] : memref<1040xi32, #tpu.memory_space<vmem>>[vector<16xi32>], vector<16xi32>,
      %add3A_1236 = arith.addi %add3A_1231, %gather3A_1235 : vector<16xi32>
      %add3A_1237 = arith.constant 3 : i32
      %add3A_1238 = vector.broadcast %add3A_1237 : i32 to vector<16xi32>
      %add3A_1239 = arith.addi %mul3A_1221, %add3A_1238 : vector<16xi32>
      %gather3A_1240 = tpu.vector_load_idx %arg11[%add3A_1239] : memref<1040xi32, #tpu.memory_space<vmem>>[vector<16xi32>], vector<16xi32>,
      %add3A_1241 = arith.addi %add3A_1236, %gather3A_1240 : vector<16xi32>
      %add3A_1242 = arith.constant 4 : i32
      %add3A_1243 = vector.broadcast %add3A_1242 : i32 to vector<16xi32>
      %add3A_1244 = arith.addi %mul3A_1221, %add3A_1243 : vector<16xi32>
      %gather3A_1245 = tpu.vector_load_idx %arg11[%add3A_1244] : memref<1040xi32, #tpu.memory_space<vmem>>[vector<16xi32>], vector<16xi32>,
      %add3A_1246 = arith.addi %add3A_1241, %gather3A_1245 : vector<16xi32>
      %add3A_1247 = arith.constant 5 : i32
      %add3A_1248 = vector.broadcast %add3A_1247 : i32 to vector<16xi32>
      %add3A_1249 = arith.addi %mul3A_1221, %add3A_1248 : vector<16xi32>
      %gather3A_1250 = tpu.vector_load_idx %arg11[%add3A_1249] : memref<1040xi32, #tpu.memory_space<vmem>>[vector<16xi32>], vector<16xi32>,
      %add3A_1251 = arith.addi %add3A_1246, %gather3A_1250 : vector<16xi32>
      %add3A_1252 = arith.constant 6 : i32
      %add3A_1253 = vector.broadcast %add3A_1252 : i32 to vector<16xi32>
      %add3A_1254 = arith.addi %mul3A_1221, %add3A_1253 : vector<16xi32>
      %gather3A_1255 = tpu.vector_load_idx %arg11[%add3A_1254] : memref<1040xi32, #tpu.memory_space<vmem>>[vector<16xi32>], vector<16xi32>,
      %add3A_1256 = arith.addi %add3A_1251, %gather3A_1255 : vector<16xi32>
      %add3A_1257 = arith.constant 7 : i32
      %add3A_1258 = vector.broadcast %add3A_1257 : i32 to vector<16xi32>
      %add3A_1259 = arith.addi %mul3A_1221, %add3A_1258 : vector<16xi32>
      %gather3A_1260 = tpu.vector_load_idx %arg11[%add3A_1259] : memref<1040xi32, #tpu.memory_space<vmem>>[vector<16xi32>], vector<16xi32>,
      %add3A_1261 = arith.addi %add3A_1256, %gather3A_1260 : vector<16xi32>
      %add3A_1262 = arith.constant 8 : i32
      %add3A_1263 = vector.broadcast %add3A_1262 : i32 to vector<16xi32>
      %add3A_1264 = arith.addi %mul3A_1221, %add3A_1263 : vector<16xi32>
      %gather3A_1265 = tpu.vector_load_idx %arg11[%add3A_1264] : memref<1040xi32, #tpu.memory_space<vmem>>[vector<16xi32>], vector<16xi32>,
      %add3A_1266 = arith.addi %add3A_1261, %gather3A_1265 : vector<16xi32>
      %add3A_1267 = arith.constant 9 : i32
      %add3A_1268 = vector.broadcast %add3A_1267 : i32 to vector<16xi32>
      %add3A_1269 = arith.addi %mul3A_1221, %add3A_1268 : vector<16xi32>
      %gather3A_1270 = tpu.vector_load_idx %arg11[%add3A_1269] : memref<1040xi32, #tpu.memory_space<vmem>>[vector<16xi32>], vector<16xi32>,
      %add3A_1271 = arith.addi %add3A_1266, %gather3A_1270 : vector<16xi32>
      %add3A_1272 = arith.constant 10 : i32
      %add3A_1273 = vector.broadcast %add3A_1272 : i32 to vector<16xi32>
      %add3A_1274 = arith.addi %mul3A_1221, %add3A_1273 : vector<16xi32>
      %gather3A_1275 = tpu.vector_load_idx %arg11[%add3A_1274] : memref<1040xi32, #tpu.memory_space<vmem>>[vector<16xi32>], vector<16xi32>,
      %add3A_1276 = arith.addi %add3A_1271, %gather3A_1275 : vector<16xi32>
      %add3A_1277 = arith.constant 11 : i32
      %add3A_1278 = vector.broadcast %add3A_1277 : i32 to vector<16xi32>
      %add3A_1279 = arith.addi %mul3A_1221, %add3A_1278 : vector<16xi32>
      %gather3A_1280 = tpu.vector_load_idx %arg11[%add3A_1279] : memref<1040xi32, #tpu.memory_space<vmem>>[vector<16xi32>], vector<16xi32>,
      %add3A_1281 = arith.addi %add3A_1276, %gather3A_1280 : vector<16xi32>
      %add3A_1282 = arith.constant 12 : i32
      %add3A_1283 = vector.broadcast %add3A_1282 : i32 to vector<16xi32>
      %add3A_1284 = arith.addi %mul3A_1221, %add3A_1283 : vector<16xi32>
      %gather3A_1285 = tpu.vector_load_idx %arg11[%add3A_1284] : memref<1040xi32, #tpu.memory_space<vmem>>[vector<16xi32>], vector<16xi32>,
      %add3A_1286 = arith.addi %add3A_1281, %gather3A_1285 : vector<16xi32>
      %add3A_1287 = arith.constant 13 : i32
      %add3A_1288 = vector.broadcast %add3A_1287 : i32 to vector<16xi32>
      %add3A_1289 = arith.addi %mul3A_1221, %add3A_1288 : vector<16xi32>
      %gather3A_1290 = tpu.vector_load_idx %arg11[%add3A_1289] : memref<1040xi32, #tpu.memory_space<vmem>>[vector<16xi32>], vector<16xi32>,
      %add3A_1291 = arith.addi %add3A_1286, %gather3A_1290 : vector<16xi32>
      %add3A_1292 = arith.constant 14 : i32
      %add3A_1293 = vector.broadcast %add3A_1292 : i32 to vector<16xi32>
      %add3A_1294 = arith.addi %mul3A_1221, %add3A_1293 : vector<16xi32>
      %gather3A_1295 = tpu.vector_load_idx %arg11[%add3A_1294] : memref<1040xi32, #tpu.memory_space<vmem>>[vector<16xi32>], vector<16xi32>,
      %add3A_1296 = arith.addi %add3A_1291, %gather3A_1295 : vector<16xi32>
      %add3A_1297 = arith.constant 15 : i32
      %add3A_1298 = vector.broadcast %add3A_1297 : i32 to vector<16xi32>
      %add3A_1299 = arith.addi %mul3A_1221, %add3A_1298 : vector<16xi32>
      %gather3A_1300 = tpu.vector_load_idx %arg11[%add3A_1299] : memref<1040xi32, #tpu.memory_space<vmem>>[vector<16xi32>], vector<16xi32>,
      %add3A_1301 = arith.addi %add3A_1296, %gather3A_1300 : vector<16xi32>
      %add3A_1302 = arith.constant 48 : i32
      %add3A_1303 = vector.broadcast %add3A_1302 : i32 to vector<16xi32>
      %add3A_1304 = arith.addi %iota3A, %add3A_1303 : vector<16xi32>
      %add3A_1305 = arith.constant 1 : i32
      %add3A_1306 = vector.broadcast %add3A_1305 : i32 to vector<16xi32>
      %add3A_1307 = arith.addi %add3A_1304, %add3A_1306 : vector<16xi32>
      %mul3A_1308 = arith.constant 16 : i32
      %mul3A_1309 = vector.broadcast %mul3A_1308 : i32 to vector<16xi32>
      %mul3A_1310 = arith.muli %add3A_1307, %mul3A_1309 : vector<16xi32>
      %add3A_1311 = arith.constant 0 : i32
      %add3A_1312 = vector.broadcast %add3A_1311 : i32 to vector<16xi32>
      %add3A_1313 = arith.addi %mul3A_1310, %add3A_1312 : vector<16xi32>
      %gather3A_1314 = tpu.vector_load_idx %arg11[%add3A_1313] : memref<1040xi32, #tpu.memory_space<vmem>>[vector<16xi32>], vector<16xi32>,
      %add3A_1315 = arith.addi %broadcast_in_dim3A_2, %gather3A_1314 : vector<16xi32>
      %add3A_1316 = arith.constant 1 : i32
      %add3A_1317 = vector.broadcast %add3A_1316 : i32 to vector<16xi32>
      %add3A_1318 = arith.addi %mul3A_1310, %add3A_1317 : vector<16xi32>
      %gather3A_1319 = tpu.vector_load_idx %arg11[%add3A_1318] : memref<1040xi32, #tpu.memory_space<vmem>>[vector<16xi32>], vector<16xi32>,
      %add3A_1320 = arith.addi %add3A_1315, %gather3A_1319 : vector<16xi32>
      %add3A_1321 = arith.constant 2 : i32
      %add3A_1322 = vector.broadcast %add3A_1321 : i32 to vector<16xi32>
      %add3A_1323 = arith.addi %mul3A_1310, %add3A_1322 : vector<16xi32>
      %gather3A_1324 = tpu.vector_load_idx %arg11[%add3A_1323] : memref<1040xi32, #tpu.memory_space<vmem>>[vector<16xi32>], vector<16xi32>,
      %add3A_1325 = arith.addi %add3A_1320, %gather3A_1324 : vector<16xi32>
      %add3A_1326 = arith.constant 3 : i32
      %add3A_1327 = vector.broadcast %add3A_1326 : i32 to vector<16xi32>
      %add3A_1328 = arith.addi %mul3A_1310, %add3A_1327 : vector<16xi32>
      %gather3A_1329 = tpu.vector_load_idx %arg11[%add3A_1328] : memref<1040xi32, #tpu.memory_space<vmem>>[vector<16xi32>], vector<16xi32>,
      %add3A_1330 = arith.addi %add3A_1325, %gather3A_1329 : vector<16xi32>
      %add3A_1331 = arith.constant 4 : i32
      %add3A_1332 = vector.broadcast %add3A_1331 : i32 to vector<16xi32>
      %add3A_1333 = arith.addi %mul3A_1310, %add3A_1332 : vector<16xi32>
      %gather3A_1334 = tpu.vector_load_idx %arg11[%add3A_1333] : memref<1040xi32, #tpu.memory_space<vmem>>[vector<16xi32>], vector<16xi32>,
      %add3A_1335 = arith.addi %add3A_1330, %gather3A_1334 : vector<16xi32>
      %add3A_1336 = arith.constant 5 : i32
      %add3A_1337 = vector.broadcast %add3A_1336 : i32 to vector<16xi32>
      %add3A_1338 = arith.addi %mul3A_1310, %add3A_1337 : vector<16xi32>
      %gather3A_1339 = tpu.vector_load_idx %arg11[%add3A_1338] : memref<1040xi32, #tpu.memory_space<vmem>>[vector<16xi32>], vector<16xi32>,
      %add3A_1340 = arith.addi %add3A_1335, %gather3A_1339 : vector<16xi32>
      %add3A_1341 = arith.constant 6 : i32
      %add3A_1342 = vector.broadcast %add3A_1341 : i32 to vector<16xi32>
      %add3A_1343 = arith.addi %mul3A_1310, %add3A_1342 : vector<16xi32>
      %gather3A_1344 = tpu.vector_load_idx %arg11[%add3A_1343] : memref<1040xi32, #tpu.memory_space<vmem>>[vector<16xi32>], vector<16xi32>,
      %add3A_1345 = arith.addi %add3A_1340, %gather3A_1344 : vector<16xi32>
      %add3A_1346 = arith.constant 7 : i32
      %add3A_1347 = vector.broadcast %add3A_1346 : i32 to vector<16xi32>
      %add3A_1348 = arith.addi %mul3A_1310, %add3A_1347 : vector<16xi32>
      %gather3A_1349 = tpu.vector_load_idx %arg11[%add3A_1348] : memref<1040xi32, #tpu.memory_space<vmem>>[vector<16xi32>], vector<16xi32>,
      %add3A_1350 = arith.addi %add3A_1345, %gather3A_1349 : vector<16xi32>
      %add3A_1351 = arith.constant 8 : i32
      %add3A_1352 = vector.broadcast %add3A_1351 : i32 to vector<16xi32>
      %add3A_1353 = arith.addi %mul3A_1310, %add3A_1352 : vector<16xi32>
      %gather3A_1354 = tpu.vector_load_idx %arg11[%add3A_1353] : memref<1040xi32, #tpu.memory_space<vmem>>[vector<16xi32>], vector<16xi32>,
      %add3A_1355 = arith.addi %add3A_1350, %gather3A_1354 : vector<16xi32>
      %add3A_1356 = arith.constant 9 : i32
      %add3A_1357 = vector.broadcast %add3A_1356 : i32 to vector<16xi32>
      %add3A_1358 = arith.addi %mul3A_1310, %add3A_1357 : vector<16xi32>
      %gather3A_1359 = tpu.vector_load_idx %arg11[%add3A_1358] : memref<1040xi32, #tpu.memory_space<vmem>>[vector<16xi32>], vector<16xi32>,
      %add3A_1360 = arith.addi %add3A_1355, %gather3A_1359 : vector<16xi32>
      %add3A_1361 = arith.constant 10 : i32
      %add3A_1362 = vector.broadcast %add3A_1361 : i32 to vector<16xi32>
      %add3A_1363 = arith.addi %mul3A_1310, %add3A_1362 : vector<16xi32>
      %gather3A_1364 = tpu.vector_load_idx %arg11[%add3A_1363] : memref<1040xi32, #tpu.memory_space<vmem>>[vector<16xi32>], vector<16xi32>,
      %add3A_1365 = arith.addi %add3A_1360, %gather3A_1364 : vector<16xi32>
      %add3A_1366 = arith.constant 11 : i32
      %add3A_1367 = vector.broadcast %add3A_1366 : i32 to vector<16xi32>
      %add3A_1368 = arith.addi %mul3A_1310, %add3A_1367 : vector<16xi32>
      %gather3A_1369 = tpu.vector_load_idx %arg11[%add3A_1368] : memref<1040xi32, #tpu.memory_space<vmem>>[vector<16xi32>], vector<16xi32>,
      %add3A_1370 = arith.addi %add3A_1365, %gather3A_1369 : vector<16xi32>
      %add3A_1371 = arith.constant 12 : i32
      %add3A_1372 = vector.broadcast %add3A_1371 : i32 to vector<16xi32>
      %add3A_1373 = arith.addi %mul3A_1310, %add3A_1372 : vector<16xi32>
      %gather3A_1374 = tpu.vector_load_idx %arg11[%add3A_1373] : memref<1040xi32, #tpu.memory_space<vmem>>[vector<16xi32>], vector<16xi32>,
      %add3A_1375 = arith.addi %add3A_1370, %gather3A_1374 : vector<16xi32>
      %add3A_1376 = arith.constant 13 : i32
      %add3A_1377 = vector.broadcast %add3A_1376 : i32 to vector<16xi32>
      %add3A_1378 = arith.addi %mul3A_1310, %add3A_1377 : vector<16xi32>
      %gather3A_1379 = tpu.vector_load_idx %arg11[%add3A_1378] : memref<1040xi32, #tpu.memory_space<vmem>>[vector<16xi32>], vector<16xi32>,
      %add3A_1380 = arith.addi %add3A_1375, %gather3A_1379 : vector<16xi32>
      %add3A_1381 = arith.constant 14 : i32
      %add3A_1382 = vector.broadcast %add3A_1381 : i32 to vector<16xi32>
      %add3A_1383 = arith.addi %mul3A_1310, %add3A_1382 : vector<16xi32>
      %gather3A_1384 = tpu.vector_load_idx %arg11[%add3A_1383] : memref<1040xi32, #tpu.memory_space<vmem>>[vector<16xi32>], vector<16xi32>,
      %add3A_1385 = arith.addi %add3A_1380, %gather3A_1384 : vector<16xi32>
      %add3A_1386 = arith.constant 15 : i32
      %add3A_1387 = vector.broadcast %add3A_1386 : i32 to vector<16xi32>
      %add3A_1388 = arith.addi %mul3A_1310, %add3A_1387 : vector<16xi32>
      %gather3A_1389 = tpu.vector_load_idx %arg11[%add3A_1388] : memref<1040xi32, #tpu.memory_space<vmem>>[vector<16xi32>], vector<16xi32>,
      %add3A_1390 = arith.addi %add3A_1385, %gather3A_1389 : vector<16xi32>
      %rev3A_1391 = arith.constant 15 : i32
      %rev3A_1392 = vector.broadcast %rev3A_1391 : i32 to vector<16xi32>
      %rev3A_1393 = tpu.iota {dimensions = array<i32: 0>} : vector<16xi32>
      %rev3A_1394 = arith.subi %rev3A_1392, %rev3A_1393 : vector<16xi32>
      %rev3A_1395 = tpu.dynamic_gather %add3A_1390[%rev3A_1394] in [0] : vector<16xi32>, vector<16xi32> -> vector<16xi32>
      %broadcast_in_dim3A_1396 = arith.constant true
      %broadcast_in_dim3A_1397 = vector.broadcast %broadcast_in_dim3A_1396 : i1 to vector<16xi1>
      %masked_cumsum3A_1398 = tpu.scan <sum>, %rev3A_1395 masked %broadcast_in_dim3A_1397 : vector<16xi32>, vector<16xi1> -> vector<16xi32>
      %rev3A_1399 = arith.constant 15 : i32
      %rev3A_1400 = vector.broadcast %rev3A_1399 : i32 to vector<16xi32>
      %rev3A_1401 = tpu.iota {dimensions = array<i32: 0>} : vector<16xi32>
      %rev3A_1402 = arith.subi %rev3A_1400, %rev3A_1401 : vector<16xi32>
      %rev3A_1403 = tpu.dynamic_gather %masked_cumsum3A_1398[%rev3A_1402] in [0] : vector<16xi32>, vector<16xi32> -> vector<16xi32>
      %add3A_1404 = arith.constant 0 : i32
      %add3A_1405 = vector.broadcast %add3A_1404 : i32 to vector<16xi32>
      %add3A_1406 = arith.addi %rev3A_1403, %add3A_1405 : vector<16xi32>
      %reduce_sum3A_1407 = arith.constant true
      %reduce_sum3A_1408 = vector.broadcast %reduce_sum3A_1407 : i1 to vector<16xi1>
      %reduce_sum3A_1409 = tpu.scan <sum>, %add3A_1390 masked %reduce_sum3A_1408 : vector<16xi32>, vector<16xi1> -> vector<16xi32>
      %reduce_sum3A_1410 = vector.extract %reduce_sum3A_1409[15] : i32 from vector<16xi32>
      %add3A_1411 = arith.constant 0 : i32
      %add3A_1412 = arith.addi %add3A_1411, %reduce_sum3A_1410 : i32
      %rev3A_1413 = arith.constant 15 : i32
      %rev3A_1414 = vector.broadcast %rev3A_1413 : i32 to vector<16xi32>
      %rev3A_1415 = tpu.iota {dimensions = array<i32: 0>} : vector<16xi32>
      %rev3A_1416 = arith.subi %rev3A_1414, %rev3A_1415 : vector<16xi32>
      %rev3A_1417 = tpu.dynamic_gather %add3A_1301[%rev3A_1416] in [0] : vector<16xi32>, vector<16xi32> -> vector<16xi32>
      %broadcast_in_dim3A_1418 = arith.constant true
      %broadcast_in_dim3A_1419 = vector.broadcast %broadcast_in_dim3A_1418 : i1 to vector<16xi1>
      %masked_cumsum3A_1420 = tpu.scan <sum>, %rev3A_1417 masked %broadcast_in_dim3A_1419 : vector<16xi32>, vector<16xi1> -> vector<16xi32>
      %rev3A_1421 = arith.constant 15 : i32
      %rev3A_1422 = vector.broadcast %rev3A_1421 : i32 to vector<16xi32>
      %rev3A_1423 = tpu.iota {dimensions = array<i32: 0>} : vector<16xi32>
      %rev3A_1424 = arith.subi %rev3A_1422, %rev3A_1423 : vector<16xi32>
      %rev3A_1425 = tpu.dynamic_gather %masked_cumsum3A_1420[%rev3A_1424] in [0] : vector<16xi32>, vector<16xi32> -> vector<16xi32>
      %add3A_1426 = vector.broadcast %add3A_1412 : i32 to vector<16xi32>
      %add3A_1427 = arith.addi %rev3A_1425, %add3A_1426 : vector<16xi32>
      %reduce_sum3A_1428 = arith.constant true
      %reduce_sum3A_1429 = vector.broadcast %reduce_sum3A_1428 : i1 to vector<16xi1>
      %reduce_sum3A_1430 = tpu.scan <sum>, %add3A_1301 masked %reduce_sum3A_1429 : vector<16xi32>, vector<16xi1> -> vector<16xi32>
      %reduce_sum3A_1431 = vector.extract %reduce_sum3A_1430[15] : i32 from vector<16xi32>
      %add3A_1432 = arith.addi %add3A_1412, %reduce_sum3A_1431 : i32
      %rev3A_1433 = arith.constant 15 : i32
      %rev3A_1434 = vector.broadcast %rev3A_1433 : i32 to vector<16xi32>
      %rev3A_1435 = tpu.iota {dimensions = array<i32: 0>} : vector<16xi32>
      %rev3A_1436 = arith.subi %rev3A_1434, %rev3A_1435 : vector<16xi32>
      %rev3A_1437 = tpu.dynamic_gather %add3A_1212[%rev3A_1436] in [0] : vector<16xi32>, vector<16xi32> -> vector<16xi32>
      %broadcast_in_dim3A_1438 = arith.constant true
      %broadcast_in_dim3A_1439 = vector.broadcast %broadcast_in_dim3A_1438 : i1 to vector<16xi1>
      %masked_cumsum3A_1440 = tpu.scan <sum>, %rev3A_1437 masked %broadcast_in_dim3A_1439 : vector<16xi32>, vector<16xi1> -> vector<16xi32>
      %rev3A_1441 = arith.constant 15 : i32
      %rev3A_1442 = vector.broadcast %rev3A_1441 : i32 to vector<16xi32>
      %rev3A_1443 = tpu.iota {dimensions = array<i32: 0>} : vector<16xi32>
      %rev3A_1444 = arith.subi %rev3A_1442, %rev3A_1443 : vector<16xi32>
      %rev3A_1445 = tpu.dynamic_gather %masked_cumsum3A_1440[%rev3A_1444] in [0] : vector<16xi32>, vector<16xi32> -> vector<16xi32>
      %add3A_1446 = vector.broadcast %add3A_1432 : i32 to vector<16xi32>
      %add3A_1447 = arith.addi %rev3A_1445, %add3A_1446 : vector<16xi32>
      %reduce_sum3A_1448 = arith.constant true
      %reduce_sum3A_1449 = vector.broadcast %reduce_sum3A_1448 : i1 to vector<16xi1>
      %reduce_sum3A_1450 = tpu.scan <sum>, %add3A_1212 masked %reduce_sum3A_1449 : vector<16xi32>, vector<16xi1> -> vector<16xi32>
      %reduce_sum3A_1451 = vector.extract %reduce_sum3A_1450[15] : i32 from vector<16xi32>
      %add3A_1452 = arith.addi %add3A_1432, %reduce_sum3A_1451 : i32
      %rev3A_1453 = arith.constant 15 : i32
      %rev3A_1454 = vector.broadcast %rev3A_1453 : i32 to vector<16xi32>
      %rev3A_1455 = tpu.iota {dimensions = array<i32: 0>} : vector<16xi32>
      %rev3A_1456 = arith.subi %rev3A_1454, %rev3A_1455 : vector<16xi32>
      %rev3A_1457 = tpu.dynamic_gather %add3A_1123[%rev3A_1456] in [0] : vector<16xi32>, vector<16xi32> -> vector<16xi32>
      %broadcast_in_dim3A_1458 = arith.constant true
      %broadcast_in_dim3A_1459 = vector.broadcast %broadcast_in_dim3A_1458 : i1 to vector<16xi1>
      %masked_cumsum3A_1460 = tpu.scan <sum>, %rev3A_1457 masked %broadcast_in_dim3A_1459 : vector<16xi32>, vector<16xi1> -> vector<16xi32>
      %rev3A_1461 = arith.constant 15 : i32
      %rev3A_1462 = vector.broadcast %rev3A_1461 : i32 to vector<16xi32>
      %rev3A_1463 = tpu.iota {dimensions = array<i32: 0>} : vector<16xi32>
      %rev3A_1464 = arith.subi %rev3A_1462, %rev3A_1463 : vector<16xi32>
      %rev3A_1465 = tpu.dynamic_gather %masked_cumsum3A_1460[%rev3A_1464] in [0] : vector<16xi32>, vector<16xi32> -> vector<16xi32>
      %add3A_1466 = vector.broadcast %add3A_1452 : i32 to vector<16xi32>
      %add3A_1467 = arith.addi %rev3A_1465, %add3A_1466 : vector<16xi32>
      %reduce_sum3A_1468 = arith.constant true
      %reduce_sum3A_1469 = vector.broadcast %reduce_sum3A_1468 : i1 to vector<16xi1>
      %reduce_sum3A_1470 = tpu.scan <sum>, %add3A_1123 masked %reduce_sum3A_1469 : vector<16xi32>, vector<16xi1> -> vector<16xi32>
      %reduce_sum3A_1471 = vector.extract %reduce_sum3A_1470[15] : i32 from vector<16xi32>
      %add3A_1472 = arith.addi %add3A_1452, %reduce_sum3A_1471 : i32
      tpu.vector_store_idx %arg10[%masked_sort3A_270], %add3A_1467 : memref<64xi32, #tpu.memory_space<vmem>>[vector<16xi32>], vector<16xi32>,
      tpu.vector_store_idx %arg10[%masked_sort3A_274], %add3A_1447 : memref<64xi32, #tpu.memory_space<vmem>>[vector<16xi32>], vector<16xi32>,
      tpu.vector_store_idx %arg10[%masked_sort3A_278], %add3A_1427 : memref<64xi32, #tpu.memory_space<vmem>>[vector<16xi32>], vector<16xi32>,
      tpu.vector_store_idx %arg10[%masked_sort3A_282], %add3A_1406 : memref<64xi32, #tpu.memory_space<vmem>>[vector<16xi32>], vector<16xi32>,
      %scan3A_1473 = arith.constant 0 : i32
      %scan3A_1474 = arith.constant 63 : i32
      %scan3A_1475 = arith.addi %scan3A_1473, %scan3A_1474 : i32
      %scan3A_1476 = arith.constant 1 : i32
      %scan3A_1477:4 = scf.for %scan3A_1537 = %scan3A_1473 to %scan3A_1475 step %scan3A_1476 iter_args(%scan3A_1538 = %broadcast_in_dim3A_2, %scan3A_1539 = %broadcast_in_dim3A_2, %scan3A_1540 = %broadcast_in_dim3A_2, %scan3A_1541 = %broadcast_in_dim3A_2) -> (vector<16xi32>, vector<16xi32>, vector<16xi32>, vector<16xi32>)  : i32 {
        %add3A_1542 = vector.broadcast %scan3A_1537 : i32 to vector<16xi32>
        %add3A_1543 = arith.addi %broadcast_in_dim3A_2, %add3A_1542 : vector<16xi32>
        %gather3A_1544 = tpu.vector_load_idx %arg4[%add3A_1543] : memref<32768xf32, #tpu.memory_space<vmem>>[vector<16xi32>], vector<16xf32>,
        %add3A_1545 = arith.constant 0 : i32
        %add3A_1546 = vector.broadcast %add3A_1545 : i32 to vector<16xi32>
        %add3A_1547 = arith.addi %iota3A, %add3A_1546 : vector<16xi32>
        %get3A_1548 = arith.constant 0 : index
        %get3A_1549 = tpu.vector_load %arg4[%get3A_1548] {strides = array<i32>} : memref<32768xf32, #tpu.memory_space<vmem>>, vector<16xf32>,
        %eq3A_1550 = arith.cmpf oeq, %get3A_1549, %gather3A_1544 : vector<16xf32>
        %gt3A_1551 = vector.broadcast %scan3A_1537 : i32 to vector<16xi32>
        %gt3A_1552 = arith.cmpi sgt, %add3A_1547, %gt3A_1551 : vector<16xi32>
        %and3A = arith.andi %eq3A_1550, %gt3A_1552 : vector<16xi1>
        %jit3A = arith.constant 1 : i32
        %jit3A_1553 = arith.constant 0 : i32
        %broadcast_in_dim3A_1554 = vector.broadcast %jit3A : i32 to vector<16xi32>
        %broadcast_in_dim3A_1555 = vector.broadcast %jit3A_1553 : i32 to vector<16xi32>
        %select_n3A_1556 = arith.select %and3A, %broadcast_in_dim3A_1554, %broadcast_in_dim3A_1555 : vector<16xi1>, vector<16xi32>
        %add3A_1557 = arith.addi %scan3A_1538, %select_n3A_1556 : vector<16xi32>
        %add3A_1558 = arith.constant 16 : i32
        %add3A_1559 = vector.broadcast %add3A_1558 : i32 to vector<16xi32>
        %add3A_1560 = arith.addi %iota3A, %add3A_1559 : vector<16xi32>
        %get3A_1561 = arith.constant 16 : index
        %get3A_1562 = tpu.vector_load %arg4[%get3A_1561] {strides = array<i32>} : memref<32768xf32, #tpu.memory_space<vmem>>, vector<16xf32>,
        %eq3A_1563 = arith.cmpf oeq, %get3A_1562, %gather3A_1544 : vector<16xf32>
        %gt3A_1564 = vector.broadcast %scan3A_1537 : i32 to vector<16xi32>
        %gt3A_1565 = arith.cmpi sgt, %add3A_1560, %gt3A_1564 : vector<16xi32>
        %and3A_1566 = arith.andi %eq3A_1563, %gt3A_1565 : vector<16xi1>
        %jit3A_1567 = arith.constant 1 : i32
        %jit3A_1568 = arith.constant 0 : i32
        %broadcast_in_dim3A_1569 = vector.broadcast %jit3A_1567 : i32 to vector<16xi32>
        %broadcast_in_dim3A_1570 = vector.broadcast %jit3A_1568 : i32 to vector<16xi32>
        %select_n3A_1571 = arith.select %and3A_1566, %broadcast_in_dim3A_1569, %broadcast_in_dim3A_1570 : vector<16xi1>, vector<16xi32>
        %add3A_1572 = arith.addi %scan3A_1539, %select_n3A_1571 : vector<16xi32>
        %add3A_1573 = arith.constant 32 : i32
        %add3A_1574 = vector.broadcast %add3A_1573 : i32 to vector<16xi32>
        %add3A_1575 = arith.addi %iota3A, %add3A_1574 : vector<16xi32>
        %get3A_1576 = arith.constant 32 : index
        %get3A_1577 = tpu.vector_load %arg4[%get3A_1576] {strides = array<i32>} : memref<32768xf32, #tpu.memory_space<vmem>>, vector<16xf32>,
        %eq3A_1578 = arith.cmpf oeq, %get3A_1577, %gather3A_1544 : vector<16xf32>
        %gt3A_1579 = vector.broadcast %scan3A_1537 : i32 to vector<16xi32>
        %gt3A_1580 = arith.cmpi sgt, %add3A_1575, %gt3A_1579 : vector<16xi32>
        %and3A_1581 = arith.andi %eq3A_1578, %gt3A_1580 : vector<16xi1>
        %jit3A_1582 = arith.constant 1 : i32
        %jit3A_1583 = arith.constant 0 : i32
        %broadcast_in_dim3A_1584 = vector.broadcast %jit3A_1582 : i32 to vector<16xi32>
        %broadcast_in_dim3A_1585 = vector.broadcast %jit3A_1583 : i32 to vector<16xi32>
        %select_n3A_1586 = arith.select %and3A_1581, %broadcast_in_dim3A_1584, %broadcast_in_dim3A_1585 : vector<16xi1>, vector<16xi32>
        %add3A_1587 = arith.addi %scan3A_1540, %select_n3A_1586 : vector<16xi32>
        %add3A_1588 = arith.constant 48 : i32
        %add3A_1589 = vector.broadcast %add3A_1588 : i32 to vector<16xi32>
        %add3A_1590 = arith.addi %iota3A, %add3A_1589 : vector<16xi32>
        %get3A_1591 = arith.constant 48 : index
        %get3A_1592 = tpu.vector_load %arg4[%get3A_1591] {strides = array<i32>} : memref<32768xf32, #tpu.memory_space<vmem>>, vector<16xf32>,
        %eq3A_1593 = arith.cmpf oeq, %get3A_1592, %gather3A_1544 : vector<16xf32>
        %gt3A_1594 = vector.broadcast %scan3A_1537 : i32 to vector<16xi32>
        %gt3A_1595 = arith.cmpi sgt, %add3A_1590, %gt3A_1594 : vector<16xi32>
        %and3A_1596 = arith.andi %eq3A_1593, %gt3A_1595 : vector<16xi1>
        %jit3A_1597 = arith.constant 1 : i32
        %jit3A_1598 = arith.constant 0 : i32
        %broadcast_in_dim3A_1599 = vector.broadcast %jit3A_1597 : i32 to vector<16xi32>
        %broadcast_in_dim3A_1600 = vector.broadcast %jit3A_1598 : i32 to vector<16xi32>
        %select_n3A_1601 = arith.select %and3A_1596, %broadcast_in_dim3A_1599, %broadcast_in_dim3A_1600 : vector<16xi1>, vector<16xi32>
        %add3A_1602 = arith.addi %scan3A_1541, %select_n3A_1601 : vector<16xi32>
        scf.yield %add3A_1557, %add3A_1572, %add3A_1587, %add3A_1602 : vector<16xi32>, vector<16xi32>, vector<16xi32>, vector<16xi32>
      }
      %scan3A_1478 = arith.constant 63 : i32
      "tpu.trace_start"() <{level = 10 : i32, message = "p5_dma_drain"}> : () -> ()
      %dma_wait3A_1479 = arith.constant 0 : i32
      %dma_wait3A_1480 = tpu.memref_slice %arg3[%add3A_36, %dma_wait3A_1479] : memref<128x32768xf32, #tpu.memory_space<hbm>> -> memref<1x32768xf32, #tpu.memory_space<hbm>>
      %dma_wait3A_1481 = tpu.memref_squeeze %dma_wait3A_1480 : memref<1x32768xf32, #tpu.memory_space<hbm>> -> memref<32768xf32, #tpu.memory_space<hbm>>
      %dma_wait3A_1482 = arith.constant 0 : i32
      %dma_wait3A_1483 = tpu.memref_slice %arg3[%add3A_36, %dma_wait3A_1482] : memref<128x32768xf32, #tpu.memory_space<hbm>> -> memref<1x32768xf32, #tpu.memory_space<hbm>>
      %dma_wait3A_1484 = tpu.memref_squeeze %dma_wait3A_1483 : memref<1x32768xf32, #tpu.memory_space<hbm>> -> memref<32768xf32, #tpu.memory_space<hbm>>
      tpu.wait_dma2 semaphore(%arg12 : memref<!tpu.dma_semaphore, #tpu.memory_space<semaphore_mem>>) src(%arg5 : memref<32768xf32, #tpu.memory_space<vmem>>) dst(%dma_wait3A_1484 : memref<32768xf32, #tpu.memory_space<hbm>>)
      %gt3A = arith.constant 0 : i32
      "tpu.trace_stop"() : () -> ()
      %gt3A_1485 = vector.broadcast %gt3A : i32 to vector<16xi32>
      %gt3A_1486 = arith.cmpi sgt, %scan3A_30, %gt3A_1485 : vector<16xi32>
      tpu.vector_store_idx %arg5[%scan3A_26], %broadcast_in_dim3A_0 masked %gt3A_1486 : memref<32768xf32, #tpu.memory_space<vmem>>[vector<16xi32>], vector<16xf32>, vector<16xi1>
      %gt3A_1487 = arith.constant 0 : i32
      %gt3A_1488 = vector.broadcast %gt3A_1487 : i32 to vector<16xi32>
      %gt3A_1489 = arith.cmpi sgt, %scan3A_31, %gt3A_1488 : vector<16xi32>
      tpu.vector_store_idx %arg5[%scan3A_27], %broadcast_in_dim3A_0 masked %gt3A_1489 : memref<32768xf32, #tpu.memory_space<vmem>>[vector<16xi32>], vector<16xf32>, vector<16xi1>
      %gt3A_1490 = arith.constant 0 : i32
      %gt3A_1491 = vector.broadcast %gt3A_1490 : i32 to vector<16xi32>
      %gt3A_1492 = arith.cmpi sgt, %scan3A_32, %gt3A_1491 : vector<16xi32>
      tpu.vector_store_idx %arg5[%scan3A_28], %broadcast_in_dim3A_0 masked %gt3A_1492 : memref<32768xf32, #tpu.memory_space<vmem>>[vector<16xi32>], vector<16xf32>, vector<16xi1>
      %gt3A_1493 = arith.constant 0 : i32
      %gt3A_1494 = vector.broadcast %gt3A_1493 : i32 to vector<16xi32>
      %gt3A_1495 = arith.cmpi sgt, %scan3A_33, %gt3A_1494 : vector<16xi32>
      tpu.vector_store_idx %arg5[%scan3A_29], %broadcast_in_dim3A_0 masked %gt3A_1495 : memref<32768xf32, #tpu.memory_space<vmem>>[vector<16xi32>], vector<16xf32>, vector<16xi1>
      %get3A_1496 = arith.constant 0 : index
      %get3A_1497 = tpu.vector_load %arg10[%get3A_1496] {strides = array<i32>} : memref<64xi32, #tpu.memory_space<vmem>>, vector<16xi32>,
      %add3A_1498 = arith.addi %get3A_1497, %scan3A_1477#0 : vector<16xi32>
      %add3A_1499 = arith.constant 0 : i32
      %add3A_1500 = vector.broadcast %add3A_1499 : i32 to vector<16xi32>
      %add3A_1501 = arith.addi %iota3A, %add3A_1500 : vector<16xi32>
      %lt3A_1502 = vector.broadcast %min3A_982 : i32 to vector<16xi32>
      %lt3A_1503 = arith.cmpi slt, %add3A_1501, %lt3A_1502 : vector<16xi32>
      %convert_element_type3A = arith.extui %lt3A_1503 : vector<16xi1> to vector<16xi32>
      tpu.vector_store_idx %arg5[%add3A_1498], %div3A_880 masked %lt3A_1503 : memref<32768xf32, #tpu.memory_space<vmem>>[vector<16xi32>], vector<16xf32>, vector<16xi1>
      %get3A_1504 = arith.constant 16 : index
      %get3A_1505 = tpu.vector_load %arg10[%get3A_1504] {strides = array<i32>} : memref<64xi32, #tpu.memory_space<vmem>>, vector<16xi32>,
      %add3A_1506 = arith.addi %get3A_1505, %scan3A_1477#1 : vector<16xi32>
      %add3A_1507 = arith.constant 16 : i32
      %add3A_1508 = vector.broadcast %add3A_1507 : i32 to vector<16xi32>
      %add3A_1509 = arith.addi %iota3A, %add3A_1508 : vector<16xi32>
      %lt3A_1510 = vector.broadcast %min3A_982 : i32 to vector<16xi32>
      %lt3A_1511 = arith.cmpi slt, %add3A_1509, %lt3A_1510 : vector<16xi32>
      %convert_element_type3A_1512 = arith.extui %lt3A_1511 : vector<16xi1> to vector<16xi32>
      tpu.vector_store_idx %arg5[%add3A_1506], %div3A_882 masked %lt3A_1511 : memref<32768xf32, #tpu.memory_space<vmem>>[vector<16xi32>], vector<16xf32>, vector<16xi1>
      %get3A_1513 = arith.constant 32 : index
      %get3A_1514 = tpu.vector_load %arg10[%get3A_1513] {strides = array<i32>} : memref<64xi32, #tpu.memory_space<vmem>>, vector<16xi32>,
      %add3A_1515 = arith.addi %get3A_1514, %scan3A_1477#2 : vector<16xi32>
      %add3A_1516 = arith.constant 32 : i32
      %add3A_1517 = vector.broadcast %add3A_1516 : i32 to vector<16xi32>
      %add3A_1518 = arith.addi %iota3A, %add3A_1517 : vector<16xi32>
      %lt3A_1519 = vector.broadcast %min3A_982 : i32 to vector<16xi32>
      %lt3A_1520 = arith.cmpi slt, %add3A_1518, %lt3A_1519 : vector<16xi32>
      %convert_element_type3A_1521 = arith.extui %lt3A_1520 : vector<16xi1> to vector<16xi32>
      tpu.vector_store_idx %arg5[%add3A_1515], %div3A_884 masked %lt3A_1520 : memref<32768xf32, #tpu.memory_space<vmem>>[vector<16xi32>], vector<16xf32>, vector<16xi1>
      %get3A_1522 = arith.constant 48 : index
      %get3A_1523 = tpu.vector_load %arg10[%get3A_1522] {strides = array<i32>} : memref<64xi32, #tpu.memory_space<vmem>>, vector<16xi32>,
      %add3A_1524 = arith.addi %get3A_1523, %scan3A_1477#3 : vector<16xi32>
      %add3A_1525 = arith.constant 48 : i32
      %add3A_1526 = vector.broadcast %add3A_1525 : i32 to vector<16xi32>
      %add3A_1527 = arith.addi %iota3A, %add3A_1526 : vector<16xi32>
      %lt3A_1528 = vector.broadcast %min3A_982 : i32 to vector<16xi32>
      %lt3A_1529 = arith.cmpi slt, %add3A_1527, %lt3A_1528 : vector<16xi32>
      %convert_element_type3A_1530 = arith.extui %lt3A_1529 : vector<16xi1> to vector<16xi32>
      tpu.vector_store_idx %arg5[%add3A_1524], %div3A_886 masked %lt3A_1529 : memref<32768xf32, #tpu.memory_space<vmem>>[vector<16xi32>], vector<16xf32>, vector<16xi1>
      %dma_start3A_1531 = arith.constant 0 : i32
      %dma_start3A_1532 = tpu.memref_slice %arg3[%add3A_36, %dma_start3A_1531] : memref<128x32768xf32, #tpu.memory_space<hbm>> -> memref<1x32768xf32, #tpu.memory_space<hbm>>
      %dma_start3A_1533 = tpu.memref_squeeze %dma_start3A_1532 : memref<1x32768xf32, #tpu.memory_space<hbm>> -> memref<32768xf32, #tpu.memory_space<hbm>>
      %dma_start3A_1534 = arith.constant 0 : i32
      %dma_start3A_1535 = tpu.memref_slice %arg3[%add3A_36, %dma_start3A_1534] : memref<128x32768xf32, #tpu.memory_space<hbm>> -> memref<1x32768xf32, #tpu.memory_space<hbm>>
      %dma_start3A_1536 = tpu.memref_squeeze %dma_start3A_1535 : memref<1x32768xf32, #tpu.memory_space<hbm>> -> memref<32768xf32, #tpu.memory_space<hbm>>
      tpu.enqueue_dma source(%arg5 : memref<32768xf32, #tpu.memory_space<vmem>>) target(%dma_start3A_1536 : memref<32768xf32, #tpu.memory_space<hbm>>) target_semaphore(%arg12 : memref<!tpu.dma_semaphore, #tpu.memory_space<semaphore_mem>>)
      scf.yield %add3A_1498, %add3A_1506, %add3A_1515, %add3A_1524, %convert_element_type3A, %convert_element_type3A_1512, %convert_element_type3A_1521, %convert_element_type3A_1530 : vector<16xi32>, vector<16xi32>, vector<16xi32>, vector<16xi32>, vector<16xi32>, vector<16xi32>, vector<16xi32>, vector<16xi32>
    }
    %scan3A_19 = arith.constant 4 : i32
    %dma_wait3A = arith.constant 0 : i32
    %dma_wait3A_20 = tpu.memref_slice %arg3[%mul3A_9, %dma_wait3A] : memref<128x32768xf32, #tpu.memory_space<hbm>> -> memref<1x32768xf32, #tpu.memory_space<hbm>>
    %dma_wait3A_21 = tpu.memref_squeeze %dma_wait3A_20 : memref<1x32768xf32, #tpu.memory_space<hbm>> -> memref<32768xf32, #tpu.memory_space<hbm>>
    %dma_wait3A_22 = arith.constant 0 : i32
    %dma_wait3A_23 = tpu.memref_slice %arg3[%mul3A_9, %dma_wait3A_22] : memref<128x32768xf32, #tpu.memory_space<hbm>> -> memref<1x32768xf32, #tpu.memory_space<hbm>>
    %dma_wait3A_24 = tpu.memref_squeeze %dma_wait3A_23 : memref<1x32768xf32, #tpu.memory_space<hbm>> -> memref<32768xf32, #tpu.memory_space<hbm>>
    tpu.wait_dma2 semaphore(%arg12 : memref<!tpu.dma_semaphore, #tpu.memory_space<semaphore_mem>>) src(%arg5 : memref<32768xf32, #tpu.memory_space<vmem>>) dst(%dma_wait3A_24 : memref<32768xf32, #tpu.memory_space<hbm>>)
    return
  }
}

</mosaic_0001>

<sc_bundles>
// kernel: kernel.3.cloned.1.call-start
scs
__scs_entry_jumppad:
0x0: {  	(pc) =	sbr.rel $0x88, $3  }
0x1: {  	(tag) =	ssettag $0x0;
	lr =	simm.s32 $0x1  }
0x2: {  	[smem:$0x3FA0] =	sst lr;
	_ =	strace $0xD0000000  }
0x3: {  	_ = 	snop  }
0x4: {  	_ = 	snop  }
0x5: {  	_ = 	snop  }
0x6: {  	_ = 	snop  }
0x7: {  	_ = 	snop  }
__scs_overlays_trampoline_lowered:
0x8: {  	[smem:$0x3FAF] =	sst s0  }
0x9: {  	[smem:$0x3FB0] =	sst s1  }
0xa: {  	[smem:$0x3FB1] =	sst s2  }
0xb: {  	[smem:$0x3FB2] =	sst s3  }
0xc: {  	[smem:$0x3FB3] =	sst s4  }
0xd: {  	[smem:$0x3FB4] =	sst s5  }
0xe: {  	[smem:$0x3FB5] =	sst s6  }
0xf: {  	[smem:$0x3FB6] =	sst s7  }
0x10: {  	[smem:$0x3FB7] =	sst s8  }
0x11: {  	[smem:$0x3FB8] =	sst s9;
	s0 =	simm.s32 @!p0 $0x0  }
0x12: {  	s1 =	sld [smem:$0x3F9E];
	s0 =	simm.s32 @p0 $0x1  }
0x13: {  	[smem:$0x3FB9] =	sst s0;
	s0 =	simm.s32 @!p1 $0x0  }
0x14: {  	s2 =	sld [smem:$0x3F9D];
	s0 =	simm.s32 @p1 $0x1  }
0x15: {  	[smem:$0x3FBA] =	sst s0;
	s0 =	simm.s32 @!p2 $0x0  }
0x16: {  	s3 =	sld [smem:$0x3FDB];
	s0 =	simm.s32 @p2 $0x1  }
0x17: {  	s4 =	simm.s32 $0x1BF5;
	[smem:$0x3FBC] =	sst s0  }
0x18: {  	s0 =	sld [smem:$0x3F9F];
	_ =	swait.ge [sflag:s4], $0x0  }
0x19: {  	s7 =	sld [smem:$0x3FA0]  }
0x1a: {  	s8 =	sadd.s32 $0xFFFFE003, lr  }
0x1b: {  	s9 =	sadd.s32 $0xFFFFFEF7, lr;
	s5 =	simm.s32 $0xFFFFFFFF;
	p2 =	slt.u32 s8, $0xFFFFF086  }
0x1c: {  	p1 =	slt.u32 s9, $0xF7A;
	s5 =	simm.s32 @!p2 $0x0  }
0x1d: {  	s5 =	simm.s32 @p1 $0x1;
	p0 =	seq.s32 s7, s2  }
0x1e: {  	s7 =	smul.u32 @!p0 $0xF7A, s2;
	p2 =	seq.s32 @!p0 s5, $0x0  }
0x1f: {  	s9 =	smul.u32 $0xF7A, s1;
	s8 =	simm.s32 @!p0 $0x1BF5;
	p2 =	por !p2, p0  }
0x20: {  	[sflag:s8] =	ssyncset.s32 @!p0 $0xFFFFF086;
	s6 =	sadd.s32 @!p0 s3, s7;
	s7 =	simm.s32 @!p0 $0x108  }
0x21: {  	s3 =	sadd.s32 s3, s9;
	s6 =	sadd.s32 @!p0 $0x88, s6;
	s7 =	simm.s32 @p2 $0x1082  }
0x22: {  	[simem:s7], [sflag:s8] =	dma.local @!p0 [hbm:s6], $0xF7A  }
0x23: {  	s9 =	sor.u32 $0xD0000000, s2;
	s6 =	simm.s32 $0x108;
	_ =	swait.ge @!p0 [sflag:s8], $0x0  }
0x24: {  	s3 =	sadd.s32 $0x88, s3;
	s6 =	simm.s32 @!p1 $0x1082;
	[sflag:s4] =	ssyncset.s32 $0xFFFFF086  }
0x25: {  	[simem:s6], [sflag:s4] =	dma.local [hbm:s3], $0xF7A  }
0x26: {  	[smem:$0x3FA0] =	sst s1;
	(tag) =	ssettag s2;
	_ =	strace s9  }
0x27: {  	s1 =	sld [smem:$0x3FB0]  }
0x28: {  	s2 =	sld [smem:$0x3FB1]  }
0x29: {  	s4 =	sld [smem:$0x3FB3]  }
0x2a: {  	p0 =	seq.s32 s5, $0x0;
	s5 =	sld [smem:$0x3FB4]  }
0x2b: {  	s6 =	sld [smem:$0x3FB5]  }
0x2c: {  	s7 =	sld [smem:$0x3FB6]  }
0x2d: {  	s3 =	simm.s32 $0x108;
	s8 =	sld [smem:$0x3FB7]  }
0x2e: {  	s3 =	simm.s32 @!p0 $0x1082;
	s9 =	sld [smem:$0x3FB8]  }
0x2f: {  	lr =	sadd.s32 s0, s3;
	s0 =	sld [smem:$0x3FAF]  }
0x30: {  	s3 =	sld [smem:$0x3FB2]  }
0x31: {  	[smem:$0x3FBB] =	sst s10  }
0x32: {  	s10 =	sld [smem:$0x3FB9];
	_ =	sdelay $0x3  }
0x33: {  	p0 =	seq.s32 s10, $0x1;
	s10 =	sld [smem:$0x3FBB];
	_ =	sdelay $0x3  }
0x34: {  	[smem:$0x3FBB] =	sst s10  }
0x35: {  	s10 =	sld [smem:$0x3FBA];
	_ =	sdelay $0x3  }
0x36: {  	p1 =	seq.s32 s10, $0x1;
	s10 =	sld [smem:$0x3FBB];
	_ =	sdelay $0x3  }
0x37: {  	[smem:$0x3FBB] =	sst s10  }
0x38: {  	s10 =	sld [smem:$0x3FBC]  }
0x39: {  	_ = 	snop;
	(pc) =	sbr.ind lr, $3  }
0x3a: {  	_ = 	snop  }
0x3b: {  	_ = 	snop  }
0x3c: {  	p2 =	seq.s32 s10, $0x1;
	s10 =	sld [smem:$0x3FBB]  }
0x3d: {  	_ =	shalt  }
0x3e: {  	_ =	shalt  }
0x3f: {  	_ =	shalt  }
0x40: {  	_ =	shalt  }
0x41: {  	_ =	shalt  }
0x42: {  	_ =	shalt  }
0x43: {  	_ =	shalt  }
0x44: {  	_ =	shalt  }
0x45: {  	_ =	shalt  }
0x46: {  	_ =	shalt  }
0x47: {  	_ =	shalt  }
0x48: {  	_ =	shalt  }
0x49: {  	_ =	shalt  }
0x4a: {  	_ =	shalt  }
0x4b: {  	_ =	shalt  }
0x4c: {  	_ =	shalt  }
0x4d: {  	_ =	shalt  }
0x4e: {  	_ =	shalt  }
0x4f: {  	_ =	shalt  }
0x50: {  	_ =	shalt  }
0x51: {  	_ =	shalt  }
0x52: {  	_ =	shalt  }
0x53: {  	_ =	shalt  }
0x54: {  	_ =	shalt  }
0x55: {  	_ =	shalt  }
0x56: {  	_ =	shalt  }
0x57: {  	_ =	shalt  }
0x58: {  	_ =	shalt  }
0x59: {  	_ =	shalt  }
0x5a: {  	_ =	shalt  }
0x5b: {  	_ =	shalt  }
0x5c: {  	_ =	shalt  }
0x5d: {  	_ =	shalt  }
0x5e: {  	_ =	shalt  }
0x5f: {  	_ =	shalt  }
0x60: {  	_ =	shalt  }
0x61: {  	_ =	shalt  }
0x62: {  	_ =	shalt  }
0x63: {  	_ =	shalt  }
0x64: {  	_ =	shalt  }
0x65: {  	_ =	shalt  }
0x66: {  	_ =	shalt  }
0x67: {  	_ =	shalt  }
0x68: {  	_ =	shalt  }
0x69: {  	_ =	shalt  }
0x6a: {  	_ =	shalt  }
0x6b: {  	_ =	shalt  }
0x6c: {  	_ =	shalt  }
0x6d: {  	_ =	shalt  }
0x6e: {  	_ =	shalt  }
0x6f: {  	_ =	shalt  }
0x70: {  	_ =	shalt  }
0x71: {  	_ =	shalt  }
0x72: {  	_ =	shalt  }
0x73: {  	_ =	shalt  }
0x74: {  	_ =	shalt  }
0x75: {  	_ =	shalt  }
0x76: {  	_ =	shalt  }
0x77: {  	_ =	shalt  }
0x78: {  	_ =	shalt  }
0x79: {  	_ =	shalt  }
0x7a: {  	_ =	shalt  }
0x7b: {  	_ =	shalt  }
0x7c: {  	_ =	shalt  }
0x7d: {  	_ =	shalt  }
0x7e: {  	_ =	shalt  }
0x7f: {  	_ =	shalt  }
0x80: {  	_ =	shalt  }
0x81: {  	_ =	shalt  }
0x82: {  	_ =	shalt  }
0x83: {  	_ =	shalt  }
0x84: {  	_ =	shalt  }
0x85: {  	_ =	shalt  }
0x86: {  	_ =	shalt  }
0x87: {  	_ =	shalt  }
.Lfunc_end0:
.L_simem_size_0:
called_computation_lowered:
.L_overlay_start_0:
0x88: {  	s2 =	sld [smem:$0x3FD9]  }
0x89: {  	s3 =	sld [smem:$0x3FFE];
	_ =	sdelay $0x1  }
0x8a: {  	s1 =	srdreg.scid  }
0x8b: {  	s0 =	sand.u32 $0x1, s1  }
0x8c: {  	s18 =	sshll.u32 s0, $0xA;
	s2 =	sadd.s32 s3, s2  }
0x8d: {  	s2 =	sadd.s32 s2, s18  }
0x8e: {  	[smem:$0x3FC7] =	sst s2  }
0x8f: {  	_ = 	snop  }
0x90: {  	s2 =	sld [smem:$0x3FC9]  }
0x91: {  	s19 =	sld [smem:$0x3FD0];
	(tm) =	ssettm $0x1  }
0x92: {  	s4 =	sld [smem:$0x3FFB];
	_ =	sdelay $0x3  }
0x93: {  	_ =	strace s4  }
0x94: {  	s4 =	sld [smem:$0x3FFC];
	_ =	sdelay $0x3  }
0x95: {  	_ =	strace s4  }
0x96: {  	s4 =	sld [smem:$0x3FFD];
	_ =	sdelay $0x3  }
0x97: {  	_ =	strace s4  }
0x98: {  	_ =	strace $0x8FFFFFFF  }
0x99: {  	s20 =	sld [smem:$0x3FDB];
	_ =	sdelay $0x1  }
0x9a: {  	s5 =	simm.s32 $_scs_section_size  }
0x9b: {  	s6 =	simm.s32 $_size__tile_overlayer_lowered;
	s7 =	simm.s32 $_tile_overlayer_lowered  }
0x9c: {  	s23 =	simm.s32 $0x1BFF;
	s22 =	sshll.u32 s7, $0x1;
	s4 =	sadd.s32 s5, s20  }
0x9d: {  	s8 =	simm.s32 $0x0;
	s21 =	sshll.u32 s6, $0x1;
	s6 =	sadd.s32 s22, s4  }
0x9e: {  	[timem:s8], [sflag:s23] =	dma.local [hbm:s6], s21  }
0x9f: {  	_ =	swait.ge [sflag:s23], s21  }
0xa0: {  	s5 =	ssub.s32 $0x0, s21;
	[sflag:s23] =	ssyncset.done $0x0  }
0xa1: {  	[sflag:s23] =	ssyncadd.s32 s5;
	_ =	sdelay $0x1  }
0xa2: {  	s24 =	simm.s32 $0x1B8B  }
0xa3: {  	_ =	swait.ge [sflag:s24], $0x1  }
0xa4: {  	[sflag:s24] =	ssyncset.done $0x0  }
0xa5: {  	s25 =	simm.s32 $0x1B8E;
	[sflag:s24] =	ssyncadd.s32 $0xFFFFFFFF  }
0xa6: {  	s26 =	simm.s32 $execute0_lowered;
	[smem:$0x3FD2] =	sst s25  }
0xa7: {  	s5 =	sshll.u32 s26, $0x1;
	_ =	strace $0x80000046;
	[dreg:$0x1] =	wrdreg $0xFFFFFFFF  }
0xa8: {  	s28 =	simm.s32 $_size_execute0_lowered;
	s4 =	sadd.s32 s4, s5;
	[dreg:$0x0] =	wrdreg $0x0  }
0xa9: {  	s5 =	sshll.u32 s28, $0x1;
	[dreg:$0x2] =	wrdreg s4  }
0xaa: {  	[dreg:$0x3] =	wrdreg s5  }
0xab: {  	[dreg:$0x4] =	wrdreg $0xC0  }
0xac: {  	_ =	task [dreg:s8], $0x5FFFF  }
0xad: {  	[dreg:$0x1] =	wrdreg $0xFFFFFFFF  }
0xae: {  	[dreg:$0x0] =	wrdreg $0x60  }
0xaf: {  	[dreg:$0x2] =	wrdreg s2  }
0xb0: {  	[dreg:$0x3] =	wrdreg s19  }
0xb1: {  	[dreg:$0x4] =	wrdreg $0x9  }
0xb2: {  	_ =	task.clear_ibuf [dreg:s8], $0x5FFFF;
	_ =	strace $0x90000046  }
0xb3: {  	s29 =	simm.s32 $0x9;
	_ =	strace $0x8000004D  }
0xb4: {  	_ =	swait.ge [sflag:s29], $0x1  }
0xb5: {  	[sflag:s29] =	ssyncadd.s32 $0xFFFFFFFF  }
0xb6: {  	_ =	strace $0x9000004D  }
0xb7: {  	_ =	sfence  }
0xb8: {  	s30 =	sld [smem:$0x0];
	_ =	sdelay $0x2  }
0xb9: {  	s31 =	sshll.u32 s1, $0xD;
	s1 =	sshrl.u32 s1, $0x2  }
0xba: {  	s3 =	sand.u32 $0x4000, s31;
	s1 =	sadd.s32 s1, s30  }
0xbb: {  	s0 =	sor.u32 s3, s0;
	s1 =	sshll.u32 s1, $0x11  }
0xbc: {  	s0 =	sor.u32 s1, s0  }
0xbd: {  	s0 =	sadd.s32 $0x8F2B, s0  }
0xbe: {  	[sflag:s0] =	ssyncadd.remote.s32 $0x1  }
0xbf: {  	_ =	sfence.sel $0xFFFF  }
0xc0: {  	[dreg:$0x0] =	wrdreg $0xFFFFFFFF;
	(pc) =	sbr.abs _section_cstart, $3  }
0xc1: {  	[dreg:$0x1] =	wrdreg $0xFFFFFFFF  }
0xc2: {  	_ =	task.clear_ibuf [dreg:s8], $0x2FFFF;
	_ =	strace $0x9FFFFFFF  }
0xc3: {  	(tm) =	ssettm $0x7FFFFFFF  }
tec
execute0_lowered:
.L_overlay_start_1:
0x0: {  	(tag) =	ssettag $0x1  }
0x1: {  	s1 =	rddreg [dreg:$0x0]  }
0x2: {  	s2 =	rddreg [dreg:$0x1];
	s3 =	simm.s32 $0x0;
	vm3 =	vmmov $0x1;
	v0 =	vimm.s32 $0x0  }
0x3: {  	[smem:$0x7FF] =	sst s3;
	v0 =	vsel vm3, $0xFFFFFFFF, v0  }
0x4: {  	s0 =	rddreg [dreg:$0x2];
	vm0 =	vmmov $0x3;
	_ =	strace $0x80000047;
	[tilespmem:$0x1FFA0] =	vst v0;
	v0 =	vimm.s32 $0x0  }
0x5: {  	v0 =	vsel vm0, $0xFFFFFFFF, v0  }
0x6: {  	vm1 =	vmmov $0x7;
	[tilespmem:$0x1FFB0] =	vst v0;
	v0 =	vimm.s32 $0x0  }
0x7: {  	v23 =	vimm.f32 $-Inf;
	v0 =	vsel vm1, $0xFFFFFFFF, v0  }
0x8: {  	s4 =	srdreg.scid;
	vm6 =	vmxor vm6, vm6;
	vm2 =	vmmov $0xf;
	s9 =	simm.s32 $0x400;
	s10 =	simm.s32 $0x8000;
	[tilespmem:$0x1FFC0] =	vst v0;
	v0 =	vimm.s32 $0x0  }
0x9: {  	vm4 =	vmmov $0x1f;
	vm5 =	vmmov $0x3f;
	s11 =	simm.s32 $0x2;
	s12 =	simm.s32 $0x10880;
	s13 =	simm.s32 $0x1;
	v0 =	vsel vm2, $0xFFFFFFFF, v0  }
0xa: {  	vm7 =	vmmov $0x7f;
	vm8 =	vmmov $0xff;
	s14 =	simm.s32 $0x10D80;
	s15 =	simm.s32 $0x10D00;
	s5 =	sand.u32 $0x1, s4;
	[tilespmem:$0x1FFD0] =	vst v0;
	v0 =	vimm.s32 $0x0  }
0xb: {  	vm9 =	vmmov $0x1ff;
	vm10 =	vmmov $0x3ff;
	s4 =	stileid.u32;
	s6 =	ssub.s32 $0x2, s5;
	s8 =	sshll.u32 s5, $0x6;
	v0 =	vsel vm4, $0xFFFFFFFF, v0  }
0xc: {  	vm11 =	vmmov $0x7ff;
	vm12 =	vmmov $0xfff;
	s31 =	sshll.u32 s4, $0xF;
	s7 =	sshrl.u32 s6, $0x1;
	s5 =	sadd.s32 s2, s8;
	[tilespmem:$0x1FFE0] =	vst v0;
	v0 =	vimm.s32 $0x0  }
0xd: {  	vm13 =	vmmov $0x1fff;
	vm14 =	vmmov $0x3fff;
	s16 =	simm.s32 $0x0;
	s7 =	ssub.s32 s6, s7;
	s5 =	sadd.s32 s31, s5;
	v0 =	vsel vm5, $0xFFFFFFFF, v0  }
0xe: {  	vm15 =	vmmov $0x7fff;
	v1 =	vlaneseq.u32;
	v2 =	vimm.s32 $0x0;
	s6 =	sor.u32 s31, s8;
	s8 =	simm.s32 $0x80;
	s7 =	smax.u32 s7, $0x1;
	[tilespmem:$0x1FFF0] =	vst v0  }
.LBB2_1:
0xf: {  	s17 =	simm.s32 $0x8040  }
0x10: {  	[tilespmem:s17+$0xFFFFFFC0] =	vst v23  }
0x11: {  	[tilespmem:s17+$0x30] =	vst v23  }
0x12: {  	[tilespmem:s17+$0x20] =	vst v23  }
0x13: {  	[tilespmem:s17+$0x10] =	vst v23  }
0x14: {  	[tilespmem:s17+$0x0] =	vst v23  }
0x15: {  	[tilespmem:s17+$0xFFFFFFF0] =	vst v23  }
0x16: {  	s18 =	simm.s32 $0x0;
	[tilespmem:s17+$0xFFFFFFE0] =	vst v23  }
.LBB2_2:
0x17: {  	s18 =	sadd.s32 $0x8, s18;
	[tilespmem:s17+$0xFFFFFFD0] =	vst v23;
	s17 =	sadd.s32 $0x80, s17  }
0x18: {  	[tilespmem:s17+$0xFFFFFFC0] =	vst v23;
	p0 =	slt.u32 s18, $0x7F8  }
0x19: {  	[tilespmem:s17+$0x30] =	vst v23  }
.Ltmp0:
0x1a: {  	[tilespmem:s17+$0x20] =	vst v23;
	(pc) =	sbr.rel @p0 .LBB2_2-.Ltmp0, $4  }
0x1b: {  	[tilespmem:s17+$0x10] =	vst v23  }
0x1c: {  	[tilespmem:s17+$0x0] =	vst v23  }
0x1d: {  	[tilespmem:s17+$0xFFFFFFF0] =	vst v23  }
0x1e: {  	[tilespmem:s17+$0xFFFFFFE0] =	vst v23  }
0x1f: {  	v3 =	vimm.s32 $0x0  }
0x20: {  	[tilespmem:s17+$0xFFFFFFD0] =	vst v23;
	v3 =	vsel vm6, $0xFFFFFFFF, v3  }
0x21: {  	[tilespmem:$0x1FF60] =	vst v3;
	v3 =	vimm.s32 $0x0  }
0x22: {  	v3 =	vsel vm6, $0xFFFFFFFF, v3  }
0x23: {  	[tilespmem:$0x1FF70] =	vst v3;
	v3 =	vimm.s32 $0x0  }
0x24: {  	v3 =	vsel vm6, $0xFFFFFFFF, v3  }
0x25: {  	[tilespmem:$0x1FF80] =	vst v3;
	v3 =	vimm.s32 $0x0  }
0x26: {  	v0 =	vimm.s32 $0x0;
	[hbm4b:s5+s8] =	stream.strided.scatter [tilespmem:s10], [sflag:$0x1], $0x8000, s9, s8, $0x38;
	v3 =	vsel vm6, $0xFFFFFFFF, v3;
	[tilespmem:$0x11200] =	vst v63  }
0x27: {  	s17 =	simm.s32 $0x0;
	v6 =	vimm.s32 $0x0;
	v13 =	vimm.s32 $0x0;
	v19 =	vimm.s32 $0x0;
	[tilespmem:$0x1FF90] =	vst v3  }
.LBB2_4:
0x28: {  	[tilespmem:$0x1FF30] =	vst v6;
	s18 =	sshll.u32 s17, $0x4  }
0x29: {  	[tilespmem:$0x1FF40] =	vst v13;
	s18 =	sadd.s32 s6, s18  }
0x2a: {  	[tilespmem:$0x1FF50] =	vst v19;
	s19 =	sadd.s32 s1, s18  }
0x2b: {  	[tilespmem:s3], [sflag:$0x2] =	stream.strided.gather [hbm4b:s19+s8], $0x8000, s9, s8, $0x38;
	[tilespmem:$0x11200] =	vst v63  }
0x2c: {  	_ =	swait.ge [sflag:s11], $0x8000  }
0x2d: {  	[sflag:s11] =	ssyncset.done $0x0  }
0x2e: {  	[sflag:s11] =	ssyncadd.s32 $0xFFFF8000  }
0x2f: {  	s20 =	simm.s32 $0x60;
	_ =	strace $0x80000048  }
0x30: {  	v6 =	vld [tilespmem:s20+$0x60]  }
0x31: {  	v15 =	vld [tilespmem:s20+$0x20]  }
0x32: {  	v7 =	vld [tilespmem:s20+$0x30]  }
0x33: {  	v4 =	vld [tilespmem:s20+$0x40]  }
0x34: {  	v5 =	vld [tilespmem:s20+$0x50]  }
0x35: {  	v13 =	vld [tilespmem:s20+$0xFFFFFFE0]  }
0x36: {  	v8 =	vld [tilespmem:s20+$0xFFFFFFF0]  }
0x37: {  	v9 =	vld [tilespmem:s20+$0x0]  }
0x38: {  	v12 =	vld [tilespmem:s20+$0xFFFFFFA0]  }
0x39: {  	v10 =	vld [tilespmem:s20+$0x10]  }
0x3a: {  	v14 =	vld [tilespmem:s20+$0xFFFFFFB0]  }
0x3b: {  	s19 =	simm.s32 $0xC0;
	v17 =	vld [tilespmem:s20+$0xFFFFFFC0]  }
0x3c: {  	v11 =	vimm.f32 $-Inf;
	s21 =	sor.u32 $0x70, s19;
	v18 =	vld [tilespmem:s20+$0xFFFFFFD0]  }
0x3d: {  	s30 =	sor.u32 $0x50, s19;
	v19 =	vld [tilespmem:s21+$0x0];
	v16 =	vmax.f32 v11, v12  }
0x3e: {  	s31 =	sor.u32 $0x60, s19;
	v12 =	vld [tilespmem:s30+$0x0];
	v16 =	vmax.f32 v16, v13  }
0x3f: {  	s20 =	simm.s32 $0x0;
	s21 =	simm.s32 $0x160;
	v13 =	vld [tilespmem:s31+$0x0];
	v20 =	vmax.f32 v16, v15;
	v15 =	vimm.f32 $-Inf;
	v16 =	vimm.f32 $-Inf  }
.LBB2_5:
0x40: {  	v20 =	vmax.f32 v20, v6;
	v6 =	vld [tilespmem:s21+$0x60]  }
0x41: {  	v11 =	vmax.f32 v11, v14;
	v14 =	vmax.f32 v15, v17;
	v21 =	vld [tilespmem:s21+$0x20];
	v15 =	vmax.f32 v16, v18  }
0x42: {  	v8 =	vmax.f32 v11, v8;
	v9 =	vmax.f32 v14, v9;
	v17 =	vld [tilespmem:s21+$0x30];
	v10 =	vmax.f32 v15, v10  }
0x43: {  	v7 =	vmax.f32 v8, v7;
	v8 =	vmax.f32 v9, v4;
	v4 =	vld [tilespmem:s21+$0x40];
	v9 =	vmax.f32 v10, v5  }
0x44: {  	v11 =	vmax.f32 v7, v12;
	v15 =	vmax.f32 v8, v13;
	v5 =	vld [tilespmem:s21+$0x50];
	v16 =	vmax.f32 v9, v19  }
0x45: {  	v13 =	vld [tilespmem:s21+$0xFFFFFFE0]  }
0x46: {  	v8 =	vld [tilespmem:s21+$0xFFFFFFF0]  }
0x47: {  	v9 =	vld [tilespmem:s21+$0x0];
	v7 =	vmov v17  }
0x48: {  	v12 =	vld [tilespmem:s21+$0xFFFFFFA0]  }
0x49: {  	s20 =	sadd.s32 $0x4, s20;
	v10 =	vld [tilespmem:s21+$0x10]  }
0x4a: {  	p0 =	slt.u32 s20, $0x1FC;
	v14 =	vld [tilespmem:s21+$0xFFFFFFB0]  }
.Ltmp1:
0x4b: {  	s19 =	sadd.s32 $0x100, s19;
	v17 =	vld [tilespmem:s21+$0xFFFFFFC0];
	(pc) =	sbr.rel @p0 .LBB2_5-.Ltmp1, $4  }
0x4c: {  	s22 =	sor.u32 $0x50, s19;
	v18 =	vld [tilespmem:s21+$0xFFFFFFD0]  }
0x4d: {  	v19 =	vmax.f32 v20, v12;
	v12 =	vld [tilespmem:s22+$0x0];
	s22 =	sor.u32 $0x60, s19  }
0x4e: {  	v19 =	vmax.f32 v19, v13;
	v13 =	vld [tilespmem:s22+$0x0];
	s22 =	sor.u32 $0x70, s19  }
0x4f: {  	s21 =	sadd.s32 $0x100, s21;
	v20 =	vmax.f32 v19, v21;
	v19 =	vld [tilespmem:s22+$0x0]  }
0x50: {  	v6 =	vmax.f32 v20, v6  }
0x51: {  	v11 =	vmax.f32 v11, v14;
	v14 =	vmax.f32 v15, v17;
	v15 =	vmax.f32 v16, v18  }
0x52: {  	v8 =	vmax.f32 v11, v8;
	v9 =	vmax.f32 v14, v9;
	v10 =	vmax.f32 v15, v10  }
0x53: {  	v7 =	vmax.f32 v8, v7;
	v4 =	vmax.f32 v9, v4;
	v5 =	vmax.f32 v10, v5  }
0x54: {  	v7 =	vmax.f32 v7, v12;
	v4 =	vmax.f32 v4, v13;
	v5 =	vmax.f32 v5, v19  }
0x55: {  	v6 =	vmax.f32 v6, v7;
	v4 =	vmax.f32 v4, v5  }
0x56: {  	_ =	strace $0x90000048;
	v4 =	vmax.f32 v6, v4  }
0x57: {  	(xrf0) =	vmax.scan.msk.f32 $0xffff, v4;
	_ =	sdelay $0x5  }
0x58: {  	v4, _, _ =	vpop (xrf0)  }
0x59: {  	s19 =	simm.s32 $0x100;
	_ =	strace $0x80000049  }
0x5a: {  	v5 =	vld [tilespmem:s19+$0xF0]  }
0x5b: {  	v6 =	vld [tilespmem:s19+$0xD0]  }
0x5c: {  	v7 =	vld [tilespmem:s19+$0xB0]  }
0x5d: {  	v9 =	vld [tilespmem:s19+$0xFFFFFFE0]  }
0x5e: {  	v10 =	vld [tilespmem:s19+$0xFFFFFFF0]  }
0x5f: {  	v11 =	vld [tilespmem:s19+$0x90]  }
0x60: {  	v12 =	vld [tilespmem:s19+$0xFFFFFFC0]  }
0x61: {  	v13 =	vld [tilespmem:s19+$0xFFFFFFD0]  }
0x62: {  	v14 =	vld [tilespmem:s19+$0x70]  }
0x63: {  	v16 =	vld [tilespmem:s19+$0xFFFFFF00]  }
0x64: {  	v8 =	vbroadcast v4, $0xF;
	v17 =	vld [tilespmem:s19+$0xFFFFFF10]  }
0x65: {  	v19 =	vld [tilespmem:s19+$0xFFFFFF30]  }
0x66: {  	v18 =	vld [tilespmem:s19+$0xFFFFFF20];
	v4 =	vsub.f32 v6, v8  }
0x67: {  	v15 =	vld [tilespmem:s19+$0xFFFFFFA0];
	v6 =	vsub.f32 v9, v8;
	v7 =	vsub.f32 v7, v8  }
0x68: {  	v9 =	vld [tilespmem:s19+$0xFFFFFF40];
	v16 =	vsub.f32 v16, v8;
	v10 =	vsub.f32 v10, v8  }
0x69: {  	v20 =	vimm.f32 $0.0e+00;
	v21 =	vld [tilespmem:s19+$0xFFFFFF50];
	v11 =	vsub.f32 v11, v8;
	v17 =	vsub.f32 v17, v8  }
0x6a: {  	v22 =	vld [tilespmem:s19+$0xFFFFFF60];
	v19 =	vsub.f32 v19, v8;
	v6 =	vmul.f32 $1.442695020e+00, v6;
	v16 =	vmul.f32 $1.442695020e+00, v16  }
0x6b: {  	v23 =	vld [tilespmem:s19+$0xFFFFFF70];
	v24 =	vmul.f32 $1.442695020e+00, v7;
	v7 =	vmul.f32 $1.442695020e+00, v10;
	v10 =	vsub.f32 v18, v8  }
0x6c: {  	v13 =	vsub.f32 v13, v8;
	v18 =	vld [tilespmem:s19+$0xFFFFFF80];
	v17 =	vmul.f32 $1.442695020e+00, v17;
	v26 =	vmul.f32 $1.442695020e+00, v11  }
0x6d: {  	v25 =	vld [tilespmem:s19+$0xFFFFFF90];
	(erf) = vpow2.f32 v16;
	v10 =	vmul.f32 $1.442695020e+00, v10;
	v9 =	vsub.f32 v9, v8  }
0x6e: {  	v16 =	vmul.f32 $1.442695020e+00, v19;
	v19 =	vsub.f32 v21, v8;
	v11 =	vld [tilespmem:s19+$0xFFFFFFB0];
	(erf) = vpow2.f32 v17  }
0x6f: {  	v17 =	vsub.f32 v22, v8;
	(erf) = vpow2.f32 v10;
	v9 =	vmul.f32 $1.442695020e+00, v9  }
0x70: {  	v10 =	vmul.f32 $1.442695020e+00, v19;
	v19 =	vsub.f32 v23, v8;
	(erf) = vpow2.f32 v16  }
0x71: {  	v16 =	vmul.f32 $1.442695020e+00, v17;
	v17 =	vsub.f32 v18, v8;
	(erf) = vpow2.f32 v9  }
0x72: {  	v18 =	vsub.f32 v25, v8;
	v9 =	vmul.f32 $1.442695020e+00, v19;
	(erf) = vpow2.f32 v10  }
0x73: {  	v17 =	vmul.f32 $1.442695020e+00, v17;
	v10 =	vsub.f32 v15, v8;
	v15 =	vld [tilespmem:s19+$0x50];
	(erf) = vpow2.f32 v16  }
0x74: {  	v18 =	vmul.f32 $1.442695020e+00, v18;
	v11 =	vsub.f32 v11, v8;
	v16 =	vld [tilespmem:s19+$0x0];
	(erf) = vpow2.f32 v9  }
0x75: {  	v9 =	vsub.f32 v12, v8;
	v10 =	vmul.f32 $1.442695020e+00, v10;
	v12 =	vld [tilespmem:s19+$0x10];
	(erf) = vpow2.f32 v17  }
0x76: {  	v14 =	vsub.f32 v14, v8;
	v19 =	vld [tilespmem:s19+$0x30];
	v11 =	vmul.f32 $1.442695020e+00, v11;
	v21 =	vpop (erf);
	(erf) = vpow2.f32 v18  }
0x77: {  	v9 =	vmul.f32 $1.442695020e+00, v9;
	v18 =	vld [tilespmem:s19+$0x20];
	v22 =	vpop (erf);
	v27 =	vadd.f32 v21, v20;
	(erf) = vpow2.f32 v10  }
0x78: {  	v10 =	vmul.f32 $1.442695020e+00, v13;
	v13 =	vsub.f32 v15, v8;
	v20 =	vadd.f32 v22, v20  }
0x79: {  	v23 =	vpop (erf);
	v15 =	vld [tilespmem:s19+$0x40];
	(erf) = vpow2.f32 v11;
	v11 =	vmul.f32 $1.442695020e+00, v14;
	v14 =	vsub.f32 v16, v8  }
0x7a: {  	v28 =	vpop (erf);
	(erf) = vpow2.f32 v9;
	v25 =	vmul.f32 $1.442695020e+00, v13;
	v9 =	vsub.f32 v12, v8  }
0x7b: {  	v17 =	vpop (erf);
	(erf) = vpow2.f32 v10;
	v10 =	vsub.f32 v19, v8;
	v14 =	vmul.f32 $1.442695020e+00, v14  }
0x7c: {  	v19 =	vld [tilespmem:s19+$0x60];
	v16 =	vpop (erf);
	(erf) = vpow2.f32 v6;
	v6 =	vmul.f32 $1.442695020e+00, v9;
	v9 =	vsub.f32 v18, v8  }
0x7d: {  	v18 =	vsub.f32 v5, v8;
	v13 =	vpop (erf);
	(erf) = vpow2.f32 v7;
	v5 =	vmul.f32 $1.442695020e+00, v10;
	v7 =	vld [tilespmem:s19+$0x80]  }
0x7e: {  	v15 =	vsub.f32 v15, v8;
	v12 =	vpop (erf);
	(erf) = vpow2.f32 v14;
	v14 =	vmul.f32 $1.442695020e+00, v9  }
0x7f: {  	v10 =	vpop (erf);
	(erf) = vpow2.f32 v6  }
0x80: {  	v29 =	vld [tilespmem:s19+$0xA0];
	v20 =	vadd.f32 v28, v20;
	v9 =	vpop (erf);
	(erf) = vpow2.f32 v5;
	v5 =	vmul.f32 $1.442695020e+00, v15  }
0x81: {  	v15 =	vsub.f32 v19, v8;
	v19 =	vadd.f32 v23, v27;
	v6 =	vpop (erf);
	(erf) = vpow2.f32 v14  }
0x82: {  	v27 =	vld [tilespmem:s19+$0xC0];
	v14 =	vpop (erf);
	(erf) = vpow2.f32 v25;
	v30 =	vsub.f32 v7, v8  }
0x83: {  	v7 =	vpop (erf);
	(erf) = vpow2.f32 v5;
	v5 =	vadd.f32 v17, v19;
	v19 =	vadd.f32 v16, v20;
	v20 =	vld [tilespmem:s19+$0xE0]  }
0x84: {  	v4 =	vmul.f32 $1.442695020e+00, v4;
	v25 =	vmul.f32 $1.442695020e+00, v15  }
0x85: {  	v29 =	vsub.f32 v29, v8;
	v15 =	vpop (erf);
	(erf) = vpow2.f32 v11;
	v30 =	vmul.f32 $1.442695020e+00, v30  }
0x86: {  	v11 =	vpop (erf);
	(erf) = vpow2.f32 v25;
	v25 =	vadd.f32 v13, v5;
	v19 =	vadd.f32 v12, v19  }
0x87: {  	v27 =	vsub.f32 v27, v8;
	v5 =	vpop (erf);
	(erf) = vpow2.f32 v26;
	v26 =	vmul.f32 $1.442695020e+00, v29  }
0x88: {  	v25 =	vadd.f32 v10, v25;
	v31 =	vpop (erf);
	(erf) = vpow2.f32 v30;
	v20 =	vsub.f32 v20, v8  }
0x89: {  	v18 =	vmul.f32 $1.442695020e+00, v18;
	v19 =	vadd.f32 v9, v19;
	v30 =	vpop (erf);
	(erf) = vpow2.f32 v24  }
0x8a: {  	(xrf0) =	vmax.scan.msk.f32 $0xffff, v21;
	v24 =	vmul.f32 $1.442695020e+00, v27;
	v25 =	vadd.f32 v6, v25;
	v33 =	vpop (erf);
	(erf) = vpow2.f32 v26  }
0x8b: {  	[tilespmem:s19+$0xFFFFFF00] =	vst v21;
	(xrf0) =	vmax.scan.msk.f32 $0xffff, v22;
	v34 =	vpop (erf);
	(erf) = vpow2.f32 v4;
	v4 =	vadd.f32 v14, v19  }
0x8c: {  	(xrf0) =	vmax.scan.msk.f32 $0xffff, v31;
	v19 =	vmul.f32 $1.442695020e+00, v20;
	v20 =	vpop (erf);
	(erf) = vpow2.f32 v24;
	v24 =	vadd.f32 v7, v25  }
0x8d: {  	[tilespmem:s19+$0xFFFFFF10] =	vst v22;
	(xrf0) =	vmax.scan.msk.f32 $0xffff, v30;
	v35 =	vpop (erf);
	(erf) = vpow2.f32 v18;
	v4 =	vadd.f32 v15, v4  }
0x8e: {  	[tilespmem:s19+$0xFFFFFF20] =	vst v23;
	(xrf0) =	vmax.scan.msk.f32 $0xffff, v23;
	v18 =	vpop (erf);
	(erf) = vpow2.f32 v19;
	v19 =	vadd.f32 v11, v24  }
0x8f: {  	[tilespmem:s19+$0xFFFFFF30] =	vst v28;
	(xrf0) =	vmax.scan.msk.f32 $0xffff, v34;
	v4 =	vadd.f32 v5, v4  }
0x90: {  	[tilespmem:s19+$0xFFFFFF40] =	vst v17;
	v23, _, _ =	vpop (xrf0);
	(xrf0) =	vmax.scan.msk.f32 $0xffff, v28;
	v19 =	vadd.f32 v31, v19  }
0x91: {  	[tilespmem:s19+$0xFFFFFF50] =	vst v16;
	v28, _, _ =	vpop (xrf0);
	(xrf0) =	vmax.scan.msk.f32 $0xffff, v33;
	v4 =	vadd.f32 v30, v4  }
0x92: {  	[tilespmem:s19+$0xFFFFFF60] =	vst v13;
	(xrf0) =	vmax.scan.msk.f32 $0xffff, v17;
	v17, _, _ =	vpop (xrf0);
	v19 =	vadd.f32 v34, v19  }
0x93: {  	[tilespmem:s19+$0xFFFFFF70] =	vst v12;
	v24 =	vpop (erf);
	v4 =	vadd.f32 v33, v4  }
0x94: {  	[tilespmem:s19+$0xFFFFFF80] =	vst v10;
	v29 =	vpop (erf);
	v19 =	vadd.f32 v35, v19  }
0x95: {  	[tilespmem:s19+$0x10] =	vst v30;
	v30, _, _ =	vpop (xrf0);
	v22 =	vadd.f32 v20, v4  }
0x96: {  	s21 =	simm.s32 $0x300;
	[tilespmem:s19+$0xFFFFFF90] =	vst v9;
	v25 =	vpop (erf);
	v19 =	vadd.f32 v24, v19  }
0x97: {  	v50 =	vld [tilespmem:s21+$0xFFFFFFF0];
	[tilespmem:s19+$0xFFFFFFA0] =	vst v6;
	v49, _, _ =	vpop (xrf0);
	v22 =	vadd.f32 v18, v22  }
0x98: {  	[tilespmem:s19+$0x0] =	vst v31;
	v27 =	vpop (erf);
	v19 =	vadd.f32 v25, v19  }
0x99: {  	[tilespmem:s19+$0x30] =	vst v33;
	v26 =	vpop (erf);
	v22 =	vadd.f32 v29, v22  }
0x9a: {  	[tilespmem:s19+$0x50] =	vst v20;
	v21 =	vpop (erf);
	v19 =	vadd.f32 v26, v19  }
0x9b: {  	[tilespmem:s19+$0x40] =	vst v35;
	(xrf0) =	vmax.scan.msk.f32 $0xffff, v35;
	v32 =	vpop (erf);
	v22 =	vadd.f32 v27, v22  }
0x9c: {  	v39 =	vld [tilespmem:s21+$0xFFFFFF10];
	v40 =	vsub.f32 v50, v8;
	[tilespmem:s19+$0x70] =	vst v18;
	(xrf0) =	vmax.scan.msk.f32 $0xffff, v16;
	v4 =	vpop (erf);
	v16 =	vadd.f32 v32, v19  }
0x9d: {  	(xrf0) =	vmax.scan.msk.f32 $0xffff, v20;
	v31 =	vpop (erf);
	v20 =	vadd.f32 v21, v22;
	v22 =	vbroadcast v23, $0xF;
	v23 =	vbroadcast v28, $0xF  }
0x9e: {  	v55 =	vld [tilespmem:s21+$0xFFFFFF60];
	v36, _, _ =	vpop (xrf0);
	(xrf0) =	vmax.scan.msk.f32 $0xffff, v13;
	v13 =	vbroadcast v17, $0xF;
	v33 =	vadd.f32 v31, v16;
	v16 =	vbroadcast v30, $0xF  }
0x9f: {  	v43 =	vld [tilespmem:s21+$0xFFFFFF90];
	v37, _, _ =	vpop (xrf0);
	(xrf0) =	vmax.scan.msk.f32 $0xffff, v24;
	v35 =	vadd.f32 v4, v20;
	v20 =	vsel vm3, v22, v23;
	v22 =	vbroadcast v49, $0xF  }
0xa0: {  	v17 =	vld [tilespmem:s21+$0xB0];
	(xrf0) =	vmax.scan.msk.f32 $0xffff, v12;
	v30, _, _ =	vpop (xrf0);
	v12 =	vsel vm3, v13, v16;
	v13 =	vbroadcast v36, $0xF;
	v16 =	vbroadcast v37, $0xF  }
0xa1: {  	v39 =	vsub.f32 v39, v8;
	[tilespmem:s19+$0x60] =	vst v24;
	v19 =	vld [tilespmem:s21+$0xF0];
	(xrf0) =	vmax.scan.msk.f32 $0xffff, v18;
	v24, _, _ =	vpop (xrf0);
	v18 =	vsel vm0, v20, v22  }
0xa2: {  	[tilespmem:s19+$0xFFFFFFB0] =	vst v14;
	v28 =	vld [tilespmem:s21+$0xD0];
	(xrf0) =	vmax.scan.msk.f32 $0xffff, v10;
	v51, _, _ =	vpop (xrf0);
	v10 =	vsel vm0, v12, v13;
	v12 =	vsel vm1, v18, v16  }
0xa3: {  	v58 =	vsub.f32 v55, v8;
	[tilespmem:s19+$0xFFFFFFC0] =	vst v7;
	v24 =	vbroadcast v24, $0xF;
	v20 =	vbroadcast v30, $0xF;
	v22 =	vld [tilespmem:s21+$0x90];
	v30, _, _ =	vpop (xrf0)  }
0xa4: {  	v62 =	vsub.f32 v43, v8;
	v47 =	vmul.f32 $1.442695020e+00, v40;
	[tilespmem:s19+$0xFFFFFFD0] =	vst v15;
	(xrf0) =	vmax.scan.msk.f32 $0xffff, v25;
	v13 =	vld [tilespmem:s21+$0xFFFFFFC0];
	v18, _, _ =	vpop (xrf0)  }
0xa5: {  	[tilespmem:s19+$0xFFFFFFE0] =	vst v11;
	v23 =	vld [tilespmem:s21+$0xFFFFFFE0];
	v16 =	vbroadcast v51, $0xF;
	v24 =	vsel vm2, v12, v24;
	(xrf0) =	vmax.scan.msk.f32 $0xffff, v9;
	v12, _, _ =	vpop (xrf0)  }
0xa6: {  	v38 =	vld [tilespmem:s21+$0xFFFFFF00];
	[tilespmem:s19+$0x20] =	vst v34;
	v17 =	vsub.f32 v17, v8;
	v10 =	vsel vm1, v10, v20;
	(xrf0) =	vmax.scan.msk.f32 $0xffff, v29;
	v9, _, _ =	vpop (xrf0)  }
0xa7: {  	v30 =	vbroadcast v30, $0xF;
	v20 =	vld [tilespmem:s21+$0xFFFFFFD0];
	v16 =	vsel vm2, v10, v16;
	v10 =	vbroadcast v12, $0xF;
	v12, _, _ =	vpop (xrf0);
	(xrf0) =	vmax.scan.msk.f32 $0xffff, v6  }
0xa8: {  	v41 =	vld [tilespmem:s21+$0xFFFFFF20];
	v52 =	vsub.f32 v28, v8;
	v18 =	vbroadcast v18, $0xF;
	v6 =	vbroadcast v9, $0xF;
	v9, _, _ =	vpop (xrf0);
	(xrf0) =	vmax.scan.msk.f32 $0xffff, v26  }
0xa9: {  	v42 =	vsub.f32 v22, v8;
	v22 =	vsel vm4, v24, v30;
	v30 =	vld [tilespmem:s21+$0xFFFFFF30];
	v24 =	vsub.f32 v13, v8;
	v13, _, _ =	vpop (xrf0);
	(xrf0) =	vmax.scan.msk.f32 $0xffff, v14  }
0xaa: {  	v53 =	vld [tilespmem:s21+$0xFFFFFF40];
	v37 =	vmul.f32 $1.442695020e+00, v17;
	v28 =	vsub.f32 v19, v8;
	v19 =	vsub.f32 v23, v8;
	v14, _, _ =	vpop (xrf0);
	(xrf0) =	vmax.scan.msk.f32 $0xffff, v27  }
0xab: {  	v54 =	vld [tilespmem:s21+$0xFFFFFF50];
	v34 =	vmul.f32 $1.442695020e+00, v52;
	v23 =	vsel vm4, v16, v18;
	v18 =	vsub.f32 v38, v8;
	(xrf0) =	vmax.scan.msk.f32 $0xffff, v7  }
0xac: {  	v52 =	vmul.f32 $1.442695020e+00, v62;
	v46 =	vmul.f32 $1.442695020e+00, v19;
	v20 =	vsub.f32 v20, v8;
	(xrf0) =	vmax.scan.msk.f32 $0xffff, v32  }
0xad: {  	v56 =	vld [tilespmem:s21+$0xFFFFFF70];
	v48 =	vmul.f32 $1.442695020e+00, v24;
	v24 =	vsub.f32 v41, v8;
	v16, _, _ =	vpop (xrf0);
	(xrf0) =	vmax.scan.msk.f32 $0xffff, v15;
	v15 =	vmul.f32 $1.442695020e+00, v18  }
0xae: {  	v57 =	vld [tilespmem:s21+$0xFFFFFF80];
	v49 =	vmul.f32 $1.442695020e+00, v20;
	v20 =	vmul.f32 $1.442695020e+00, v39;
	v30 =	vsub.f32 v30, v8;
	v7, _, _ =	vpop (xrf0);
	(xrf0) =	vmax.scan.msk.f32 $0xffff, v21  }
0xaf: {  	v36 =	vsub.f32 v53, v8;
	v17, _, _ =	vpop (xrf0);
	(xrf0) =	vmax.scan.msk.f32 $0xffff, v11;
	v11 =	vmul.f32 $1.442695020e+00, v24;
	(erf) = vpow2.f32 v15  }
0xb0: {  	v38 =	vsub.f32 v54, v8;
	v44 =	vmul.f32 $1.442695020e+00, v30;
	v19, _, _ =	vpop (xrf0);
	v15 =	vld [tilespmem:s21+$0xFFFFFFA0];
	(xrf0) =	vmax.scan.msk.f32 $0xffff, v31;
	(erf) = vpow2.f32 v20  }
0xb1: {  	v45 =	vld [tilespmem:s21+$0xFFFFFFB0];
	[tilespmem:s19+$0xFFFFFFF0] =	vst v5;
	v18, _, _ =	vpop (xrf0);
	(xrf0) =	vmax.scan.msk.f32 $0xffff, v5;
	v5 =	vmul.f32 $1.442695020e+00, v36;
	(erf) = vpow2.f32 v11  }
0xb2: {  	v60 =	vld [tilespmem:s21+$0x30];
	v59 =	vsub.f32 v56, v8;
	[tilespmem:s19+$0x90] =	vst v29;
	v29 =	vmul.f32 $1.442695020e+00, v38;
	(erf) = vpow2.f32 v44  }
0xb3: {  	v39 =	vsub.f32 v57, v8;
	v36 =	vmul.f32 $1.442695020e+00, v58;
	(erf) = vpow2.f32 v5  }
0xb4: {  	v61 =	vld [tilespmem:s21+$0x50];
	v5 =	vmul.f32 $1.442695020e+00, v59;
	(erf) = vpow2.f32 v29  }
0xb5: {  	v54 =	vld [tilespmem:s21+$0x20];
	v39 =	vmul.f32 $1.442695020e+00, v39;
	v24, _, _ =	vpop (xrf0);
	v15 =	vsub.f32 v15, v8;
	(erf) = vpow2.f32 v36  }
0xb6: {  	v63 =	vld [tilespmem:s21+$0x0];
	v51 =	vsub.f32 v45, v8;
	v40 =	vmul.f32 $1.442695020e+00, v42;
	v20, _, _ =	vpop (xrf0);
	(erf) = vpow2.f32 v5  }
0xb7: {  	[tilespmem:s19+$0xD0] =	vst v21;
	v53 =	vsub.f32 v60, v8;
	v21 =	vld [tilespmem:s21+$0x10];
	v30, _, _ =	vpop (xrf0);
	v15 =	vmul.f32 $1.442695020e+00, v15;
	(erf) = vpow2.f32 v39  }
0xb8: {  	[tilespmem:s19+$0xE0] =	vst v31;
	v31 =	vmul.f32 $1.442695020e+00, v51;
	v41 =	vpop (erf);
	(erf) = vpow2.f32 v52  }
0xb9: {  	v50 =	vsub.f32 v61, v8;
	v56 =	vld [tilespmem:s21+$0x40];
	[tilespmem:s19+$0xC0] =	vst v32;
	v32 =	vmul.f32 $1.442695020e+00, v53;
	v45 =	vpop (erf);
	(erf) = vpow2.f32 v15  }
0xba: {  	v11 =	vld [tilespmem:s21+$0x70];
	v58 =	vsub.f32 v54, v8;
	v44 =	vpop (erf);
	(erf) = vpow2.f32 v31;
	v31 =	vadd.f32 v41, v33  }
0xbb: {  	v15 =	vsub.f32 v63, v8;
	v55 =	vadd.f32 v45, v35;
	v43 =	vpop (erf);
	(erf) = vpow2.f32 v48  }
0xbc: {  	v21 =	vsub.f32 v21, v8;
	v42 =	vpop (erf);
	(erf) = vpow2.f32 v49;
	v31 =	vadd.f32 v44, v31  }
0xbd: {  	v57 =	vld [tilespmem:s21+$0x60];
	v15 =	vmul.f32 $1.442695020e+00, v15;
	v33 =	vadd.f32 v43, v55;
	v39 =	vpop (erf);
	(erf) = vpow2.f32 v46  }
0xbe: {  	v21 =	vmul.f32 $1.442695020e+00, v21;
	v38 =	vpop (erf);
	(erf) = vpow2.f32 v47;
	v31 =	vadd.f32 v42, v31  }
0xbf: {  	v61 =	vsub.f32 v56, v8;
	v11 =	vsub.f32 v11, v8;
	v36 =	vpop (erf);
	(erf) = vpow2.f32 v15  }
0xc0: {  	v15 =	vmul.f32 $1.442695020e+00, v58;
	v35 =	vpop (erf);
	(erf) = vpow2.f32 v21;
	v31 =	vadd.f32 v38, v31  }
0xc1: {  	v60 =	vld [tilespmem:s21+$0x80];
	v59 =	vadd.f32 v39, v33;
	v21 =	vmul.f32 $1.442695020e+00, v50;
	v33 =	vpop (erf);
	(erf) = vpow2.f32 v32  }
0xc2: {  	v32 =	vpop (erf);
	(erf) = vpow2.f32 v15;
	v15 =	vsub.f32 v57, v8  }
0xc3: {  	[tilespmem:s19+$0x80] =	vst v25;
	v25, _, _ =	vpop (xrf0);
	v11 =	vmul.f32 $1.442695020e+00, v11;
	v48 =	vmul.f32 $1.442695020e+00, v61;
	v63 =	vadd.f32 v35, v31  }
0xc4: {  	[tilespmem:s19+$0xF0] =	vst v4;
	(xrf0) =	vmax.scan.msk.f32 $0xffff, v4;
	v31 =	vpop (erf);
	(erf) = vpow2.f32 v21;
	v4 =	vmul.f32 $1.442695020e+00, v15  }
0xc5: {  	v62 =	vld [tilespmem:s21+$0xA0];
	v47 =	vadd.f32 v36, v59;
	v46 =	vadd.f32 v32, v63;
	v21 =	vpop (erf);
	(erf) = vpow2.f32 v48  }
0xc6: {  	v49 =	vsub.f32 v60, v8;
	v15 =	vpop (erf)  }
0xc7: {  	v51 =	vld [tilespmem:s21+$0xC0];
	v47 =	vadd.f32 v33, v47;
	(erf) = vpow2.f32 v11;
	v46 =	vadd.f32 v21, v46;
	v11 =	vpop (erf)  }
0xc8: {  	v49 =	vmul.f32 $1.442695020e+00, v49;
	(erf) = vpow2.f32 v4;
	v4 =	vpop (erf)  }
0xc9: {  	v47 =	vadd.f32 v31, v47;
	(erf) = vpow2.f32 v40;
	v46 =	vadd.f32 v11, v46;
	v55 =	vpop (erf)  }
0xca: {  	v50 =	vsub.f32 v62, v8;
	(erf) = vpow2.f32 v49;
	v56 =	vpop (erf)  }
0xcb: {  	v54 =	vld [tilespmem:s21+$0xE0];
	v47 =	vadd.f32 v15, v47;
	v46 =	vadd.f32 v55, v46;
	v57 =	vpop (erf)  }
0xcc: {  	v51 =	vsub.f32 v51, v8;
	v50 =	vmul.f32 $1.442695020e+00, v50;
	v58 =	vpop (erf)  }
0xcd: {  	v47 =	vadd.f32 v4, v47;
	(erf) = vpow2.f32 v37;
	v59 =	vpop (erf);
	v46 =	vadd.f32 v58, v46  }
0xce: {  	v10 =	vsel vm5, v22, v10;
	v51 =	vmul.f32 $1.442695020e+00, v51;
	(erf) = vpow2.f32 v50;
	v60 =	vpop (erf)  }
0xcf: {  	[tilespmem:s19+$0xA0] =	vst v26;
	v26, _, _ =	vpop (xrf0);
	v47 =	vadd.f32 v56, v47;
	(erf) = vpow2.f32 v34;
	v22 =	vadd.f32 v60, v46  }
0xd0: {  	v12 =	vbroadcast v12, $0xF;
	v48 =	vsub.f32 v54, v8;
	(erf) = vpow2.f32 v51;
	v61 =	vpop (erf)  }
0xd1: {  	v28 =	vmul.f32 $1.442695020e+00, v28;
	v9 =	vbroadcast v9, $0xF;
	v47 =	vadd.f32 v57, v47;
	v62 =	vpop (erf)  }
0xd2: {  	v10 =	vsel vm7, v10, v12;
	v48 =	vmul.f32 $1.442695020e+00, v48;
	v12 =	vadd.f32 v62, v22;
	v63 =	vpop (erf)  }
0xd3: {  	[tilespmem:s19+$0xB0] =	vst v27;
	v6 =	vsel vm5, v23, v6;
	(erf) = vpow2.f32 v28;
	v23 =	vadd.f32 v59, v47;
	v22 =	vpop (erf)  }
0xd4: {  	v6 =	vsel vm7, v6, v9;
	v29, _, _ =	vpop (xrf0);
	[tilespmem:s21+$0xFFFFFF00] =	vst v41;
	(erf) = vpow2.f32 v48;
	v9 =	vadd.f32 v22, v12  }
0xd5: {  	v13 =	vbroadcast v13, $0xF;
	v27, _, _ =	vpop (xrf0);
	[tilespmem:s21+$0xFFFFFF20] =	vst v44;
	v23 =	vadd.f32 v61, v23  }
0xd6: {  	v14 =	vbroadcast v14, $0xF;
	v16 =	vbroadcast v16, $0xF;
	[tilespmem:s21+$0xFFFFFF30] =	vst v43;
	v12 =	vpop (erf)  }
0xd7: {  	v10 =	vsel vm8, v10, v13;
	(xrf0) =	vmax.scan.msk.f32 $0xffff, v41;
	[tilespmem:s21+$0xFFFFFF40] =	vst v42;
	v23 =	vadd.f32 v63, v23;
	v41 =	vpop (erf)  }
0xd8: {  	v6 =	vsel vm8, v6, v14;
	v13 =	vbroadcast v17, $0xF;
	[tilespmem:s21+$0xFFFFFF50] =	vst v39;
	v17 =	vadd.f32 v41, v9;
	v9 =	vpop (erf)  }
0xd9: {  	v14 =	vbroadcast v19, $0xF;
	(xrf0) =	vmax.scan.msk.f32 $0xffff, v45;
	[tilespmem:s21+$0xFFFFFF60] =	vst v38;
	v19 =	vadd.f32 v12, v23;
	v40 =	vpop (erf)  }
0xda: {  	v7 =	vbroadcast v7, $0xF;
	v5, _, _ =	vpop (xrf0);
	[tilespmem:s21+$0xFFFFFF70] =	vst v36;
	(xrf0) =	vmax.scan.msk.f32 $0xffff, v55;
	v17 =	vadd.f32 v40, v17  }
0xdb: {  	v10 =	vsel vm9, v10, v16;
	v18 =	vbroadcast v18, $0xF;
	[tilespmem:s21+$0xFFFFFFA0] =	vst v32;
	(xrf0) =	vmax.scan.msk.f32 $0xffff, v56;
	v28, _, _ =	vpop (xrf0)  }
0xdc: {  	v6 =	vsel vm9, v6, v7;
	v10 =	vsel vm10, v10, v13;
	[tilespmem:s21+$0xFFFFFFB0] =	vst v31;
	(xrf0) =	vmax.scan.msk.f32 $0xffff, v44;
	v16 =	vpop (erf)  }
0xdd: {  	v7 =	vbroadcast v24, $0xF;
	[tilespmem:s21+$0xFFFFFFC0] =	vst v21;
	(xrf0) =	vmax.scan.msk.f32 $0xffff, v58;
	v23 =	vadd.f32 v9, v19;
	v19 =	vpop (erf)  }
0xde: {  	v6 =	vsel vm10, v6, v14;
	v20 =	vbroadcast v20, $0xF;
	[tilespmem:s21+$0xFFFFFFD0] =	vst v15;
	v13 =	vadd.f32 v19, v17;
	v17, _, _ =	vpop (xrf0)  }
0xdf: {  	v10 =	vsel vm11, v10, v18;
	v24 =	vbroadcast v30, $0xF;
	v6 =	vsel vm11, v6, v7;
	[tilespmem:s21+$0xFFFFFFE0] =	vst v11;
	v18, _, _ =	vpop (xrf0)  }
0xe0: {  	v10 =	vsel vm12, v10, v20;
	[tilespmem:s21+$0xFFFFFFF0] =	vst v4;
	(xrf0) =	vmax.scan.msk.f32 $0xffff, v43;
	v7 =	vbroadcast v18, $0xF;
	v18, _, _ =	vpop (xrf0)  }
0xe1: {  	[tilespmem:s21+$0x0] =	vst v55;
	(xrf0) =	vmax.scan.msk.f32 $0xffff, v57;
	v14 =	vadd.f32 v16, v23;
	v23 =	vbroadcast v25, $0xF;
	v25, _, _ =	vpop (xrf0)  }
0xe2: {  	v20 =	vbroadcast v26, $0xF;
	v26 =	vbroadcast v29, $0xF;
	[tilespmem:s21+$0x10] =	vst v56;
	(xrf0) =	vmax.scan.msk.f32 $0xffff, v42;
	v29, _, _ =	vpop (xrf0)  }
0xe3: {  	v6 =	vsel vm12, v6, v24;
	[tilespmem:s21+$0x30] =	vst v57;
	(xrf0) =	vmax.scan.msk.f32 $0xffff, v60;
	v25 =	vbroadcast v25, $0xF;
	v30, _, _ =	vpop (xrf0)  }
0xe4: {  	s19 =	simm.s32 $0x500;
	v6 =	vsel vm13, v6, v20;
	[tilespmem:s21+$0x20] =	vst v58;
	v17 =	vbroadcast v17, $0xF;
	v20 =	vbroadcast v30, $0xF  }
0xe5: {  	v53 =	vld [tilespmem:s19+$0xFFFFFF00];
	[tilespmem:s21+$0x50] =	vst v59;
	v18 =	vbroadcast v18, $0xF;
	v29 =	vbroadcast v29, $0xF  }
0xe6: {  	v24 =	vld [tilespmem:s19+$0xF0];
	v10 =	vsel vm13, v10, v23;
	(xrf0) =	vmax.scan.msk.f32 $0xffff, v39;
	v7 =	vsel vm3, v17, v7;
	v17 =	vbroadcast v27, $0xF;
	v30, _, _ =	vpop (xrf0)  }
0xe7: {  	v50 =	vld [tilespmem:s19+$0xFFFFFFD0];
	(xrf0) =	vmax.scan.msk.f32 $0xffff, v59;
	v18 =	vsel vm3, v18, v25;
	v7 =	vsel vm0, v7, v29;
	v29 =	vbroadcast v30, $0xF;
	v25, _, _ =	vpop (xrf0)  }
0xe8: {  	v58 =	vld [tilespmem:s19+$0xFFFFFF30];
	[tilespmem:s21+$0x40] =	vst v60;
	v10 =	vsel vm14, v10, v26;
	(xrf0) =	vmax.scan.msk.f32 $0xffff, v38;
	v18 =	vsel vm0, v18, v20;
	v20, _, _ =	vpop (xrf0)  }
0xe9: {  	v5 =	vsel vm15, v10, v5;
	v27 =	vld [tilespmem:s19+$0xD0];
	v6 =	vsel vm14, v6, v17;
	(xrf0) =	vmax.scan.msk.f32 $0xffff, v62;
	v7 =	vsel vm1, v7, v29;
	v49, _, _ =	vpop (xrf0)  }
0xea: {  	v17 =	vld [tilespmem:s19+$0xFFFFFFF0];
	(xrf0) =	vmax.scan.msk.f32 $0xffff, v36;
	v10 =	vbroadcast v20, $0xF;
	v20 =	vsel vm15, v6, v28;
	v6 =	vbroadcast v49, $0xF  }
0xeb: {  	[tilespmem:s21+$0x70] =	vst v61;
	v26 =	vld [tilespmem:s19+$0xFFFFFFE0];
	v25 =	vbroadcast v25, $0xF;
	(xrf0) =	vmax.scan.msk.f32 $0xffff, v61  }
0xec: {  	s20 =	simm.s32 $0x10010;
	v34 =	vsub.f32 v50, v8;
	[tilespmem:s21+$0x90] =	vst v63;
	v30 =	vld [tilespmem:s19+$0x90];
	v29, _, _ =	vpop (xrf0);
	(xrf0) =	vmax.scan.msk.f32 $0xffff, v35  }
0xed: {  	v23 =	vld [tilespmem:s19+$0xB0];
	[tilespmem:s20+$0xFFFFFFF0] =	vst v5;
	v18 =	vsel vm1, v18, v25;
	v5 =	vsel vm2, v7, v10;
	v7, _, _ =	vpop (xrf0);
	(xrf0) =	vmax.scan.msk.f32 $0xffff, v22  }
0xee: {  	v51 =	vld [tilespmem:s19+$0x70];
	v27 =	vsub.f32 v27, v8;
	v36 =	vsub.f32 v58, v8;
	v52 =	vsel vm2, v18, v6;
	v6, _, _ =	vpop (xrf0);
	(xrf0) =	vmax.scan.msk.f32 $0xffff, v33  }
0xef: {  	v54 =	vld [tilespmem:s19+$0xFFFFFF10];
	v55 =	vsub.f32 v17, v8;
	v29 =	vbroadcast v29, $0xF;
	v25 =	vbroadcast v6, $0xF;
	v6, _, _ =	vpop (xrf0);
	(xrf0) =	vmax.scan.msk.f32 $0xffff, v63  }
0xf0: {  	v28 =	vld [tilespmem:s19+$0xFFFFFFC0];
	v10 =	vsub.f32 v24, v8;
	v24 =	vsub.f32 v26, v8;
	v18 =	vbroadcast v6, $0xF;
	v6, _, _ =	vpop (xrf0);
	(xrf0) =	vmax.scan.msk.f32 $0xffff, v32  }
0xf1: {  	v57 =	vld [tilespmem:s19+$0xFFFFFF20];
	v39 =	vmul.f32 $1.442695020e+00, v27;
	v56 =	vsub.f32 v30, v8;
	v38 =	vsel vm4, v5, v29;
	v5, _, _ =	vpop (xrf0);
	(xrf0) =	vmax.scan.msk.f32 $0xffff, v41  }
0xf2: {  	v36 =	vmul.f32 $1.442695020e+00, v36;
	v26 =	vsub.f32 v23, v8;
	v7 =	vbroadcast v7, $0xF;
	v23, _, _ =	vpop (xrf0);
	(xrf0) =	vmax.scan.msk.f32 $0xffff, v31  }
0xf3: {  	v27 =	vld [tilespmem:s19+$0xFFFFFF40];
	v60 =	vmul.f32 $1.442695020e+00, v55;
	v43 =	vmul.f32 $1.442695020e+00, v56;
	v31 =	vsub.f32 v51, v8;
	v17, _, _ =	vpop (xrf0);
	(xrf0) =	vmax.scan.msk.f32 $0xffff, v12  }
0xf4: {  	v59 =	vmul.f32 $1.442695020e+00, v24;
	v42 =	vmul.f32 $1.442695020e+00, v26;
	v26 =	vld [tilespmem:s19+$0xFFFFFF50];
	v24, _, _ =	vpop (xrf0);
	(xrf0) =	vmax.scan.msk.f32 $0xffff, v21;
	v21 =	vsub.f32 v53, v8  }
0xf5: {  	v61 =	vld [tilespmem:s19+$0xFFFFFF60];
	v28 =	vsub.f32 v28, v8;
	v30 =	vsel vm4, v52, v7;
	v32 =	vsub.f32 v54, v8;
	v29, _, _ =	vpop (xrf0);
	(xrf0) =	vmax.scan.msk.f32 $0xffff, v40  }
0xf6: {  	v52 =	vld [tilespmem:s19+$0xFFFFFF70];
	v63 =	vmul.f32 $1.442695020e+00, v34;
	v7, _, _ =	vpop (xrf0);
	(xrf0) =	vmax.scan.msk.f32 $0xffff, v15;
	v15 =	vmul.f32 $1.442695020e+00, v21;
	v21 =	vsub.f32 v57, v8  }
0xf7: {  	[tilespmem:s21+$0x60] =	vst v62;
	v32 =	vmul.f32 $1.442695020e+00, v32;
	v44 =	vmul.f32 $1.442695020e+00, v31;
	v53 =	vld [tilespmem:s19+$0xFFFFFF80];
	v31, _, _ =	vpop (xrf0);
	(xrf0) =	vmax.scan.msk.f32 $0xffff, v9  }
0xf8: {  	(xrf0) =	vmax.scan.msk.f32 $0xffff, v11;
	v11 =	vmul.f32 $1.442695020e+00, v21;
	v21 =	vsub.f32 v27, v8;
	v27 =	vld [tilespmem:s19+$0xFFFFFF90];
	(erf) = vpow2.f32 v15  }
0xf9: {  	v62 =	vmul.f32 $1.442695020e+00, v28;
	v26 =	vsub.f32 v26, v8;
	v15 =	vld [tilespmem:s19+$0xFFFFFFA0];
	(xrf0) =	vmax.scan.msk.f32 $0xffff, v19;
	(erf) = vpow2.f32 v32  }
0xfa: {  	v54 =	vld [tilespmem:s19+$0xFFFFFFB0];
	v28, _, _ =	vpop (xrf0);
	(xrf0) =	vmax.scan.msk.f32 $0xffff, v4;
	v4 =	vmul.f32 $1.442695020e+00, v21;
	v21 =	vsub.f32 v61, v8;
	(erf) = vpow2.f32 v11  }
0xfb: {  	[tilespmem:s21+$0x80] =	vst v22;
	v22 =	vmul.f32 $1.442695020e+00, v26;
	v26 =	vsub.f32 v52, v8;
	(erf) = vpow2.f32 v36  }
0xfc: {  	v55 =	vld [tilespmem:s19+$0x30];
	v34, _, _ =	vpop (xrf0);
	v46 =	vsub.f32 v53, v8;
	v21 =	vmul.f32 $1.442695020e+00, v21;
	(erf) = vpow2.f32 v4  }
0xfd: {  	[tilespmem:s21+$0xE0] =	vst v19;
	v19 =	vld [tilespmem:s19+$0x10];
	v32, _, _ =	vpop (xrf0);
	v4 =	vmul.f32 $1.442695020e+00, v26;
	v26 =	vsub.f32 v27, v8;
	(erf) = vpow2.f32 v22  }
0xfe: {  	v11 =	vld [tilespmem:s19+$0x50];
	v37, _, _ =	vpop (xrf0);
	v15 =	vsub.f32 v15, v8;
	v27 =	vmul.f32 $1.442695020e+00, v46;
	(erf) = vpow2.f32 v21  }
0xff: {  	[tilespmem:s21+$0xFFFFFF80] =	vst v35;
	v35, _, _ =	vpop (xrf0);
	v22 =	vld [tilespmem:s19+$0x0];
	v21 =	vsub.f32 v54, v8;
	v26 =	vmul.f32 $1.442695020e+00, v26;
	(erf) = vpow2.f32 v4  }
0x100: {  	[tilespmem:s21+$0xFFFFFF90] =	vst v33;
	v33, _, _ =	vpop (xrf0);
	v15 =	vmul.f32 $1.442695020e+00, v15;
	(erf) = vpow2.f32 v27  }
0x101: {  	[tilespmem:s21+$0xF0] =	vst v16;
	v21 =	vmul.f32 $1.442695020e+00, v21;
	v4 =	vpop (erf);
	(erf) = vpow2.f32 v26  }
0x102: {  	(xrf0) =	vmax.scan.msk.f32 $0xffff, v16;
	v16 =	vld [tilespmem:s19+$0x20];
	v19 =	vsub.f32 v19, v8;
	v27 =	vsub.f32 v55, v8;
	v47 =	vpop (erf);
	(erf) = vpow2.f32 v15  }
0x103: {  	[tilespmem:s21+$0xA0] =	vst v41;
	v11 =	vsub.f32 v11, v8;
	v46 =	vpop (erf);
	(erf) = vpow2.f32 v21;
	v14 =	vadd.f32 v47, v14  }
0x104: {  	[tilespmem:s20+$0x0] =	vst v20;
	v20 =	vld [tilespmem:s19+$0x40];
	v15 =	vsub.f32 v22, v8;
	v13 =	vadd.f32 v4, v13;
	v41 =	vpop (erf);
	(erf) = vpow2.f32 v62  }
0x105: {  	[tilespmem:s21+$0xC0] =	vst v40;
	v57 =	vld [tilespmem:s19+$0x60];
	v56 =	vmul.f32 $1.442695020e+00, v27;
	v40 =	vpop (erf);
	(erf) = vpow2.f32 v63;
	v14 =	vadd.f32 v41, v14  }
0x106: {  	v15 =	vmul.f32 $1.442695020e+00, v15;
	v13 =	vadd.f32 v46, v13;
	v27 =	vpop (erf);
	(erf) = vpow2.f32 v59  }
0x107: {  	v16 =	vsub.f32 v16, v8;
	v26 =	vpop (erf);
	(erf) = vpow2.f32 v60;
	v14 =	vadd.f32 v27, v14  }
0x108: {  	v19 =	vmul.f32 $1.442695020e+00, v19;
	v13 =	vadd.f32 v40, v13;
	v22 =	vpop (erf);
	(erf) = vpow2.f32 v15  }
0x109: {  	v58 =	vld [tilespmem:s19+$0x80];
	v15 =	vmul.f32 $1.442695020e+00, v16;
	v16 =	vsub.f32 v20, v8;
	v21 =	vpop (erf);
	v14 =	vadd.f32 v22, v14  }
0x10a: {  	v49 =	vsub.f32 v57, v8;
	v13 =	vadd.f32 v26, v13;
	(erf) = vpow2.f32 v19;
	v20 =	vpop (erf)  }
0x10b: {  	[tilespmem:s21+$0xFFFFFF10] =	vst v45;
	v36, _, _ =	vpop (xrf0);
	v11 =	vmul.f32 $1.442695020e+00, v11;
	(erf) = vpow2.f32 v56;
	v14 =	vadd.f32 v20, v14  }
0x10c: {  	[tilespmem:s21+$0xB0] =	vst v12;
	v60 =	vmul.f32 $1.442695020e+00, v16;
	v13 =	vadd.f32 v21, v13;
	v19 =	vpop (erf);
	(erf) = vpow2.f32 v15  }
0x10d: {  	[tilespmem:s21+$0xD0] =	vst v9;
	v59 =	vld [tilespmem:s19+$0xA0];
	v16 =	vpop (erf);
	(erf) = vpow2.f32 v11;
	v11 =	vmul.f32 $1.442695020e+00, v49  }
0x10e: {  	v45 =	vsub.f32 v58, v8;
	v61 =	vld [tilespmem:s19+$0xC0];
	[tilespmem:s19+$0xFFFFFF00] =	vst v4;
	v62 =	vadd.f32 v19, v13;
	v15 =	vpop (erf);
	(erf) = vpow2.f32 v60  }
0x10f: {  	v52 =	vld [tilespmem:s19+$0xE0];
	[tilespmem:s19+$0xFFFFFF10] =	vst v47;
	v63 =	vadd.f32 v16, v14;
	(erf) = vpow2.f32 v44;
	v14 =	vpop (erf)  }
0x110: {  	v54 =	vmul.f32 $1.442695020e+00, v45;
	[tilespmem:s19+$0xFFFFFF20] =	vst v46;
	v56 =	vadd.f32 v15, v62;
	(erf) = vpow2.f32 v11;
	v13 =	vpop (erf)  }
0x111: {  	[tilespmem:s19+$0xFFFFFF30] =	vst v41;
	v57 =	vadd.f32 v14, v63;
	(erf) = vpow2.f32 v43;
	v11 =	vpop (erf)  }
0x112: {  	[tilespmem:s19+$0xFFFFFF40] =	vst v40;
	v55 =	vsub.f32 v59, v8;
	(erf) = vpow2.f32 v54;
	v60 =	vadd.f32 v13, v56;
	v50 =	vpop (erf)  }
0x113: {  	v18 =	vsel vm5, v30, v18;
	[tilespmem:s19+$0xFFFFFF50] =	vst v27;
	v59 =	vsub.f32 v61, v8;
	v61 =	vadd.f32 v11, v57;
	v49 =	vpop (erf)  }
0x114: {  	[tilespmem:s19+$0xFFFFFF60] =	vst v26;
	v58 =	vmul.f32 $1.442695020e+00, v55;
	v63 =	vsub.f32 v52, v8;
	v44 =	vadd.f32 v50, v60;
	v52 =	vpop (erf)  }
0x115: {  	v30 =	vbroadcast v6, $0xF;
	[tilespmem:s19+$0xFFFFFF70] =	vst v22;
	(erf) = vpow2.f32 v42;
	v57 =	vadd.f32 v49, v61;
	v48 =	vpop (erf)  }
0x116: {  	[tilespmem:s19+$0xFFFFFF80] =	vst v21;
	v56 =	vmul.f32 $1.442695020e+00, v59;
	(erf) = vpow2.f32 v58;
	v59 =	vadd.f32 v48, v44;
	v45 =	vpop (erf)  }
0x117: {  	[tilespmem:s19+$0xFFFFFF90] =	vst v20;
	v62 =	vmul.f32 $1.442695020e+00, v10;
	(erf) = vpow2.f32 v39;
	v60 =	vadd.f32 v52, v57;
	v43 =	vpop (erf)  }
0x118: {  	v25 =	vsel vm5, v38, v25;
	[tilespmem:s19+$0xFFFFFFA0] =	vst v19;
	(erf) = vpow2.f32 v56;
	v39 =	vadd.f32 v43, v59;
	v6 =	vpop (erf)  }
0x119: {  	[tilespmem:s19+$0xFFFFFFB0] =	vst v16;
	v58 =	vmul.f32 $1.442695020e+00, v63;
	(erf) = vpow2.f32 v62;
	v61 =	vadd.f32 v45, v60;
	v44 =	vpop (erf)  }
0x11a: {  	[tilespmem:s19+$0xFFFFFFC0] =	vst v15;
	v62 =	vsel vm7, v25, v30;
	v25 =	vbroadcast v5, $0xF;
	v39 =	vadd.f32 v44, v39;
	v30 =	vpop (erf)  }
0x11b: {  	v23 =	vbroadcast v23, $0xF;
	[tilespmem:s19+$0xFFFFFFD0] =	vst v14;
	v42 =	vadd.f32 v6, v61;
	v5 =	vpop (erf)  }
0x11c: {  	v12, _, _ =	vpop (xrf0);
	[tilespmem:s19+$0xFFFFFFE0] =	vst v13;
	v63 =	vbroadcast v24, $0xF;
	(erf) = vpow2.f32 v58;
	v24 =	vadd.f32 v5, v39  }
0x11d: {  	v53 =	vbroadcast v29, $0xF;
	v9, _, _ =	vpop (xrf0);
	(xrf0) =	vmax.scan.msk.f32 $0xffff, v4;
	[tilespmem:s19+$0xFFFFFFF0] =	vst v11;
	v29 =	vadd.f32 v30, v42  }
0x11e: {  	v17 =	vbroadcast v17, $0xF;
	(xrf0) =	vmax.scan.msk.f32 $0xffff, v47;
	[tilespmem:s19+$0x0] =	vst v50;
	v18 =	vsel vm7, v18, v25;
	v25 =	vpop (erf)  }
0x11f: {  	v7 =	vbroadcast v7, $0xF;
	v34 =	vbroadcast v34, $0xF;
	(xrf0) =	vmax.scan.msk.f32 $0xffff, v50;
	[tilespmem:s19+$0x10] =	vst v49;
	v4 =	vpop (erf)  }
0x120: {  	(xrf0) =	vmax.scan.msk.f32 $0xffff, v49;
	v17 =	vsel vm8, v18, v17;
	v18 =	vbroadcast v31, $0xF;
	v31 =	vadd.f32 v4, v24;
	v24 =	vpop (erf)  }
0x121: {  	[tilespmem:s19+$0x30] =	vst v52;
	(xrf0) =	vmax.scan.msk.f32 $0xffff, v46;
	v23 =	vsel vm8, v62, v23;
	v56 =	vadd.f32 v25, v29;
	v29 =	vpop (erf)  }
0x122: {  	v33 =	vbroadcast v33, $0xF;
	[tilespmem:s19+$0x20] =	vst v48;
	(xrf0) =	vmax.scan.msk.f32 $0xffff, v48;
	v31 =	vadd.f32 v29, v31  }
0x123: {  	v10, _, _ =	vpop (xrf0);
	[tilespmem:s19+$0x50] =	vst v45;
	(xrf0) =	vmax.scan.msk.f32 $0xffff, v41;
	v58 =	vbroadcast v28, $0xF;
	v57 =	vsel vm9, v23, v63  }
0x124: {  	[tilespmem:s19+$0x40] =	vst v43;
	v59 =	vbroadcast v32, $0xF;
	v7 =	vsel vm10, v57, v7;
	v61 =	vbroadcast v37, $0xF;
	v23 =	vpop (erf)  }
0x125: {  	[tilespmem:s19+$0x70] =	vst v6;
	v17 =	vsel vm9, v17, v53;
	v62 =	vsel vm11, v7, v58;
	v38 =	vadd.f32 v24, v56;
	v28 =	vpop (erf)  }
0x126: {  	[tilespmem:s19+$0x60] =	vst v44;
	v7 =	vbroadcast v35, $0xF;
	v60 =	vsel vm10, v17, v18;
	v17 =	vadd.f32 v28, v31;
	v31, _, _ =	vpop (xrf0)  }
0x127: {  	[tilespmem:s19+$0x90] =	vst v30;
	v35 =	vbroadcast v36, $0xF;
	(xrf0) =	vmax.scan.msk.f32 $0xffff, v52;
	v32 =	vbroadcast v31, $0xF;
	v31, _, _ =	vpop (xrf0)  }
0x128: {  	v63 =	vsel vm11, v60, v34;
	v34 =	vsel vm12, v62, v59;
	(xrf0) =	vmax.scan.msk.f32 $0xffff, v40;
	v37 =	vbroadcast v31, $0xF;
	v31, _, _ =	vpop (xrf0)  }
0x129: {  	s22 =	simm.s32 $0x700;
	s21 =	simm.s32 $0x4;
	v36 =	vsel vm12, v63, v61;
	v18 =	vadd.f32 v23, v38;
	(xrf0) =	vmax.scan.msk.f32 $0xffff, v43;
	v31 =	vbroadcast v31, $0xF;
	v38, _, _ =	vpop (xrf0)  }
.LBB2_7:
0x12a: {  	v39 =	vld [tilespmem:s22+$0xF0];
	v32 =	vsel vm3, v32, v37;
	v3 =	vbroadcast v38, $0xF;
	v38, _, _ =	vpop (xrf0);
	(xrf0) =	vmax.scan.msk.f32 $0xffff, v27;
	v12 =	vbroadcast v12, $0xF  }
0x12b: {  	v7 =	vsel vm13, v34, v7;
	v33 =	vsel vm13, v36, v33;
	v27 =	vld [tilespmem:s22+$0xD0];
	v38 =	vbroadcast v38, $0xF;
	v40, _, _ =	vpop (xrf0);
	(xrf0) =	vmax.scan.msk.f32 $0xffff, v45  }
0x12c: {  	v7 =	vsel vm14, v7, v35;
	v34 =	vld [tilespmem:s22+$0xB0];
	v31 =	vsel vm3, v31, v3;
	v36 =	vbroadcast v40, $0xF;
	v37, _, _ =	vpop (xrf0);
	(xrf0) =	vmax.scan.msk.f32 $0xffff, v26  }
0x12d: {  	v12 =	vsel vm14, v33, v12;
	v26 =	vld [tilespmem:s22+$0xFFFFFFE0];
	v32 =	vsel vm0, v32, v38;
	v35 =	vbroadcast v37, $0xF;
	v37, _, _ =	vpop (xrf0);
	(xrf0) =	vmax.scan.msk.f32 $0xffff, v44  }
0x12e: {  	v7 =	vsel vm15, v7, v9;
	v33 =	vld [tilespmem:s22+$0xFFFFFFF0];
	v3 =	vsel vm0, v31, v36;
	v36 =	vbroadcast v37, $0xF;
	v37, _, _ =	vpop (xrf0);
	(xrf0) =	vmax.scan.msk.f32 $0xffff, v22  }
0x12f: {  	s20 =	sadd.s32 $0x20, s20;
	v22 =	vsel vm15, v12, v10;
	v9 =	vld [tilespmem:s22+$0x90];
	v38 =	vsel vm1, v32, v35;
	v35 =	vbroadcast v37, $0xF;
	v37, _, _ =	vpop (xrf0);
	(xrf0) =	vmax.scan.msk.f32 $0xffff, v6  }
0x130: {  	v6 =	vld [tilespmem:s22+$0xFFFFFFC0];
	v10 =	vsel vm1, v3, v36;
	v12 =	vbroadcast v37, $0xF;
	v31, _, _ =	vpop (xrf0);
	(xrf0) =	vmax.scan.msk.f32 $0xffff, v21;
	[tilespmem:s20+$0xFFFFFFF0] =	vst v7  }
0x131: {  	v7 =	vld [tilespmem:s22+$0xFFFFFFD0];
	v21 =	vsel vm2, v38, v35;
	v31 =	vbroadcast v31, $0xF;
	[tilespmem:s19+$0x80] =	vst v5;
	v32, _, _ =	vpop (xrf0);
	(xrf0) =	vmax.scan.msk.f32 $0xffff, v5  }
0x132: {  	v35 =	vld [tilespmem:s22+$0x70];
	v10 =	vsel vm2, v10, v12;
	v12 =	vbroadcast v32, $0xF;
	[tilespmem:s19+$0xA0] =	vst v4;
	v5, _, _ =	vpop (xrf0);
	(xrf0) =	vmax.scan.msk.f32 $0xffff, v20  }
0x133: {  	v27 =	vsub.f32 v27, v8;
	v36 =	vsub.f32 v39, v8;
	v32 =	vld [tilespmem:s22+$0xFFFFFFA0];
	v20 =	vbroadcast v5, $0xF;
	v5, _, _ =	vpop (xrf0);
	(xrf0) =	vmax.scan.msk.f32 $0xffff, v30  }
0x134: {  	v38 =	vsub.f32 v34, v8;
	v26 =	vsub.f32 v26, v8;
	v37 =	vld [tilespmem:s22+$0xFFFFFF00];
	v34 =	vbroadcast v5, $0xF;
	v30, _, _ =	vpop (xrf0);
	(xrf0) =	vmax.scan.msk.f32 $0xffff, v19  }
0x135: {  	s21 =	sadd.s32 $0x2, s21;
	v33 =	vsub.f32 v33, v8;
	v21 =	vsel vm4, v21, v31;
	v9 =	vsub.f32 v9, v8;
	v19 =	vld [tilespmem:s22+$0xFFFFFF10];
	v5, _, _ =	vpop (xrf0);
	(xrf0) =	vmax.scan.msk.f32 $0xffff, v4  }
0x136: {  	p0 =	slt.u32 s21, $0x7E;
	v45 =	vsel vm4, v10, v12;
	v40 =	vsub.f32 v6, v8;
	v39 =	vld [tilespmem:s22+$0xFFFFFF20];
	v41 =	vsub.f32 v7, v8;
	v4, _, _ =	vpop (xrf0);
	(xrf0) =	vmax.scan.msk.f32 $0xffff, v16  }
0x137: {  	v46 =	vmul.f32 $1.442695020e+00, v27;
	v44 =	vmul.f32 $1.442695020e+00, v36;
	v10 =	vld [tilespmem:s22+$0xFFFFFF30];
	v12 =	vsub.f32 v35, v8;
	v31, _, _ =	vpop (xrf0);
	(xrf0) =	vmax.scan.msk.f32 $0xffff, v25  }
0x138: {  	v6 =	vmul.f32 $1.442695020e+00, v38;
	v16 =	vmul.f32 $1.442695020e+00, v26;
	v27 =	vld [tilespmem:s22+$0xFFFFFF40];
	v35 =	vsub.f32 v32, v8;
	v32, _, _ =	vpop (xrf0);
	(xrf0) =	vmax.scan.msk.f32 $0xffff, v15  }
0x139: {  	v7 =	vmul.f32 $1.442695020e+00, v9;
	v15 =	vmul.f32 $1.442695020e+00, v33;
	v26 =	vsub.f32 v37, v8;
	v37 =	vld [tilespmem:s22+$0xFFFFFF50];
	v36, _, _ =	vpop (xrf0);
	(xrf0) =	vmax.scan.msk.f32 $0xffff, v29  }
0x13a: {  	v47 =	vmul.f32 $1.442695020e+00, v40;
	v50 =	vmul.f32 $1.442695020e+00, v41;
	v9 =	vsub.f32 v19, v8;
	v19 =	vld [tilespmem:s22+$0xFFFFFF60];
	v33, _, _ =	vpop (xrf0);
	(xrf0) =	vmax.scan.msk.f32 $0xffff, v14  }
0x13b: {  	v49 =	vmul.f32 $1.442695020e+00, v12;
	v14 =	vmul.f32 $1.442695020e+00, v26;
	v26 =	vsub.f32 v39, v8;
	v39 =	vld [tilespmem:s22+$0xFFFFFF70];
	v38, _, _ =	vpop (xrf0);
	(xrf0) =	vmax.scan.msk.f32 $0xffff, v24  }
0x13c: {  	v48 =	vmul.f32 $1.442695020e+00, v35;
	v9 =	vmul.f32 $1.442695020e+00, v9;
	v10 =	vsub.f32 v10, v8;
	v12 =	vld [tilespmem:s22+$0xFFFFFF80];
	v35, _, _ =	vpop (xrf0);
	(xrf0) =	vmax.scan.msk.f32 $0xffff, v13  }
0x13d: {  	v13 =	vmul.f32 $1.442695020e+00, v26;
	v26 =	vsub.f32 v27, v8;
	v27 =	vld [tilespmem:s22+$0xFFFFFF90];
	(erf) = vpow2.f32 v14;
	v42, _, _ =	vpop (xrf0);
	(xrf0) =	vmax.scan.msk.f32 $0xffff, v28  }
0x13e: {  	v10 =	vmul.f32 $1.442695020e+00, v10;
	v14 =	vsub.f32 v37, v8;
	v51 =	vld [tilespmem:s22+$0xFFFFFFB0];
	(erf) = vpow2.f32 v9;
	v37, _, _ =	vpop (xrf0);
	(xrf0) =	vmax.scan.msk.f32 $0xffff, v11  }
0x13f: {  	v9 =	vmul.f32 $1.442695020e+00, v26;
	v11 =	vsub.f32 v19, v8;
	v19 =	vld [tilespmem:s22+$0x50];
	(erf) = vpow2.f32 v13;
	v43, _, _ =	vpop (xrf0);
	(xrf0) =	vmax.scan.msk.f32 $0xffff, v23  }
0x140: {  	v13 =	vmul.f32 $1.442695020e+00, v14;
	v14 =	vsub.f32 v39, v8;
	v26 =	vld [tilespmem:s22+$0x30];
	(erf) = vpow2.f32 v10;
	[tilespmem:s19+$0xB0] =	vst v25;
	v40, _, _ =	vpop (xrf0)  }
0x141: {  	v10 =	vmul.f32 $1.442695020e+00, v11;
	v11 =	vsub.f32 v12, v8;
	(erf) = vpow2.f32 v9;
	[tilespmem:s19+$0xC0] =	vst v29;
	v39, _, _ =	vpop (xrf0)  }
0x142: {  	v3 =	vmul.f32 $1.442695020e+00, v14;
	v14 =	vsub.f32 v27, v8;
	v27 =	vld [tilespmem:s22+$0x0];
	(erf) = vpow2.f32 v13;
	[tilespmem:s19+$0xD0] =	vst v24;
	v41, _, _ =	vpop (xrf0)  }
0x143: {  	v11 =	vmul.f32 $1.442695020e+00, v11;
	v13 =	vsub.f32 v51, v8;
	(erf) = vpow2.f32 v10;
	[tilespmem:s19+$0xE0] =	vst v28;
	v12, _, _ =	vpop (xrf0)  }
0x144: {  	v14 =	vmul.f32 $1.442695020e+00, v14;
	v28 =	vld [tilespmem:s22+$0x10];
	v19 =	vsub.f32 v19, v8;
	(erf) = vpow2.f32 v3;
	[tilespmem:s19+$0xF0] =	vst v23;
	v9, _, _ =	vpop (xrf0);
	s19 =	smov.u32 s22  }
0x145: {  	v13 =	vmul.f32 $1.442695020e+00, v13;
	v3 =	vsub.f32 v26, v8;
	(erf) = vpow2.f32 v11;
	v10, _, _ =	vpop (xrf0);
	[tilespmem:s20+$0x0] =	vst v22  }
0x146: {  	v25 =	vsel vm5, v21, v20;
	v11 =	vld [tilespmem:s22+$0x20];
	v29 =	vmul.f32 $1.442695020e+00, v19;
	v23 =	vpop (erf);
	(erf) = vpow2.f32 v14  }
0x147: {  	[tilespmem:s22+$0xFFFFFF00] =	vst v23;
	v14 =	vsub.f32 v27, v8;
	v19 =	vmul.f32 $1.442695020e+00, v3;
	v24 =	vpop (erf);
	(erf) = vpow2.f32 v48  }
0x148: {  	v20 =	vadd.f32 v23, v17;
	[tilespmem:s22+$0xFFFFFF10] =	vst v24;
	v18 =	vadd.f32 v24, v18;
	v21 =	vld [tilespmem:s22+$0x40];
	v17 =	vpop (erf);
	(erf) = vpow2.f32 v13  }
0x149: {  	[tilespmem:s22+$0xFFFFFF20] =	vst v17;
	v13 =	vmul.f32 $1.442695020e+00, v14;
	v14 =	vsub.f32 v28, v8;
	v48 =	vpop (erf);
	(erf) = vpow2.f32 v47  }
0x14a: {  	v20 =	vadd.f32 v17, v20;
	[tilespmem:s22+$0xFFFFFF30] =	vst v48;
	v18 =	vadd.f32 v48, v18;
	v28 =	vld [tilespmem:s22+$0x60];
	v47 =	vpop (erf);
	(erf) = vpow2.f32 v50  }
0x14b: {  	[tilespmem:s22+$0xFFFFFF40] =	vst v47;
	v14 =	vmul.f32 $1.442695020e+00, v14;
	v11 =	vsub.f32 v11, v8;
	v27 =	vpop (erf);
	(erf) = vpow2.f32 v16  }
0x14c: {  	v16 =	vadd.f32 v47, v20;
	[tilespmem:s22+$0xFFFFFF50] =	vst v27;
	v18 =	vadd.f32 v27, v18;
	v50 =	vld [tilespmem:s22+$0x80];
	v26 =	vpop (erf);
	(erf) = vpow2.f32 v15  }
0x14d: {  	[tilespmem:s22+$0xFFFFFF60] =	vst v26;
	v11 =	vmul.f32 $1.442695020e+00, v11;
	v15 =	vsub.f32 v21, v8;
	v22 =	vpop (erf);
	(erf) = vpow2.f32 v13  }
0x14e: {  	v13 =	vadd.f32 v26, v16;
	[tilespmem:s22+$0xFFFFFF70] =	vst v22;
	v3 =	vadd.f32 v22, v18;
	v18 =	vld [tilespmem:s22+$0xA0];
	v21 =	vpop (erf);
	(erf) = vpow2.f32 v14  }
0x14f: {  	[tilespmem:s22+$0xFFFFFF80] =	vst v21;
	v14 =	vmul.f32 $1.442695020e+00, v15;
	v52 =	vsub.f32 v28, v8;
	v20 =	vpop (erf);
	(erf) = vpow2.f32 v19  }
0x150: {  	v13 =	vadd.f32 v21, v13;
	[tilespmem:s22+$0xFFFFFF90] =	vst v20;
	v28 =	vadd.f32 v20, v3;
	v51 =	vld [tilespmem:s22+$0xC0];
	v19 =	vpop (erf);
	(erf) = vpow2.f32 v11  }
0x151: {  	[tilespmem:s22+$0xFFFFFFA0] =	vst v19;
	v11 =	vmul.f32 $1.442695020e+00, v52;
	v50 =	vsub.f32 v50, v8;
	v16 =	vpop (erf);
	(erf) = vpow2.f32 v29  }
0x152: {  	v3 =	vadd.f32 v19, v13;
	[tilespmem:s22+$0xFFFFFFB0] =	vst v16;
	v28 =	vadd.f32 v16, v28;
	v29 =	vld [tilespmem:s22+$0xE0];
	v15 =	vpop (erf);
	(erf) = vpow2.f32 v14  }
0x153: {  	[tilespmem:s22+$0xFFFFFFC0] =	vst v15;
	v50 =	vmul.f32 $1.442695020e+00, v50;
	v18 =	vsub.f32 v18, v8;
	v14 =	vpop (erf);
	(erf) = vpow2.f32 v49  }
0x154: {  	v3 =	vadd.f32 v15, v3;
	[tilespmem:s22+$0xFFFFFFD0] =	vst v14;
	v28 =	vadd.f32 v14, v28;
	v13 =	vpop (erf);
	(erf) = vpow2.f32 v11  }
0x155: {  	[tilespmem:s22+$0xFFFFFFE0] =	vst v13;
	v18 =	vmul.f32 $1.442695020e+00, v18;
	v53 =	vsub.f32 v51, v8;
	v11 =	vpop (erf);
	(erf) = vpow2.f32 v7  }
0x156: {  	v7 =	vadd.f32 v13, v3;
	[tilespmem:s22+$0xFFFFFFF0] =	vst v11;
	v3 =	vadd.f32 v11, v28;
	v49 =	vpop (erf);
	(erf) = vpow2.f32 v50  }
0x157: {  	[tilespmem:s22+$0x0] =	vst v49;
	v50 =	vmul.f32 $1.442695020e+00, v53;
	v29 =	vsub.f32 v29, v8;
	v51 =	vpop (erf);
	(erf) = vpow2.f32 v6  }
0x158: {  	v6 =	vadd.f32 v49, v7;
	[tilespmem:s22+$0x10] =	vst v51;
	v7 =	vadd.f32 v51, v3;
	v52 =	vpop (erf);
	(erf) = vpow2.f32 v18  }
0x159: {  	[tilespmem:s22+$0x30] =	vst v52;
	v18 =	vmul.f32 $1.442695020e+00, v29;
	v28 =	vpop (erf);
	(erf) = vpow2.f32 v46;
	v29 =	vsel vm5, v45, v34  }
0x15a: {  	[tilespmem:s22+$0x20] =	vst v28;
	v3 =	vadd.f32 v28, v6;
	v7 =	vadd.f32 v52, v7;
	v45 =	vpop (erf);
	(erf) = vpow2.f32 v50  }
0x15b: {  	v50 =	vbroadcast v30, $0xF;
	[tilespmem:s22+$0x50] =	vst v45;
	v46 =	vpop (erf);
	(erf) = vpow2.f32 v44  }
0x15c: {  	[tilespmem:s22+$0x40] =	vst v46;
	v34 =	vadd.f32 v46, v3;
	v7 =	vadd.f32 v45, v7;
	v6 =	vpop (erf);
	(erf) = vpow2.f32 v18  }
0x15d: {  	v4 =	vbroadcast v4, $0xF;
	v18 =	vsel vm7, v25, v50;
	v3 =	vbroadcast v5, $0xF;
	[tilespmem:s22+$0x70] =	vst v6;
	v44 =	vpop (erf)  }
0x15e: {  	v31 =	vbroadcast v31, $0xF;
	[tilespmem:s22+$0x60] =	vst v44;
	v34 =	vadd.f32 v44, v34;
	v7 =	vadd.f32 v6, v7;
	v30 =	vpop (erf)  }
0x15f: {  	v32 =	vbroadcast v32, $0xF;
	v36 =	vbroadcast v36, $0xF;
	v29 =	vsel vm7, v29, v3;
	[tilespmem:s22+$0x90] =	vst v30;
	v5 =	vpop (erf)  }
0x160: {  	v18 =	vsel vm8, v18, v4;
	v34 =	vadd.f32 v5, v34;
	v7 =	vadd.f32 v30, v7;
	(xrf0) =	vmax.scan.msk.f32 $0xffff, v23;
	v25 =	vpop (erf)  }
0x161: {  	v33 =	vbroadcast v33, $0xF;
	v23 =	vsel vm8, v29, v31;
	v31 =	vbroadcast v38, $0xF;
	(xrf0) =	vmax.scan.msk.f32 $0xffff, v24;
	v4 =	vpop (erf)  }
0x162: {  	v18 =	vsel vm9, v18, v32;
	v34 =	vadd.f32 v4, v34;
	v7 =	vadd.f32 v25, v7;
	(xrf0) =	vmax.scan.msk.f32 $0xffff, v49;
	v24 =	vpop (erf)  }
0x163: {  	v32 =	vbroadcast v35, $0xF;
	v35 =	vsel vm9, v23, v36;
	v36 =	vbroadcast v42, $0xF;
	(xrf0) =	vmax.scan.msk.f32 $0xffff, v51;
	v29 =	vpop (erf)  }
0x164: {  	v33 =	vsel vm10, v18, v33;
	v49 =	vadd.f32 v29, v34;
	v3 =	vadd.f32 v24, v7;
	(xrf0) =	vmax.scan.msk.f32 $0xffff, v17;
	v23 =	vpop (erf)  }
.Ltmp2:
0x165: {  	v38 =	vbroadcast v37, $0xF;
	v42 =	vbroadcast v43, $0xF;
	v31 =	vsel vm10, v35, v31;
	(xrf0) =	vmax.scan.msk.f32 $0xffff, v28;
	v28 =	vpop (erf);
	(pc) =	sbr.rel @p0 .LBB2_7-.Ltmp2, $4  }
0x166: {  	v33 =	vsel vm11, v33, v32;
	v17 =	vadd.f32 v28, v49;
	v18 =	vadd.f32 v23, v3;
	v7, _, _ =	vpop (xrf0);
	(xrf0) =	vmax.scan.msk.f32 $0xffff, v48  }
0x167: {  	v36 =	vsel vm11, v31, v36;
	v32 =	vbroadcast v7, $0xF;
	v34, _, _ =	vpop (xrf0);
	(xrf0) =	vmax.scan.msk.f32 $0xffff, v52;
	v7 =	vbroadcast v40, $0xF  }
0x168: {  	v37 =	vbroadcast v34, $0xF;
	(xrf0) =	vmax.scan.msk.f32 $0xffff, v47;
	v31, _, _ =	vpop (xrf0);
	v34 =	vsel vm12, v33, v38;
	v33 =	vbroadcast v39, $0xF  }
0x169: {  	s22 =	sadd.s32 $0x200, s22;
	v35 =	vbroadcast v41, $0xF;
	v36 =	vsel vm12, v36, v42;
	v31 =	vbroadcast v31, $0xF;
	v38, _, _ =	vpop (xrf0);
	(xrf0) =	vmax.scan.msk.f32 $0xffff, v46  }
0x16a: {  	v8, _, _ =	vpop (xrf0);
	(xrf0) =	vmax.scan.msk.f32 $0xffff, v27  }
0x16b: {  	v59, _, _ =	vpop (xrf0);
	(xrf0) =	vmax.scan.msk.f32 $0xffff, v45  }
0x16c: {  	v39, _, _ =	vpop (xrf0);
	(xrf0) =	vmax.scan.msk.f32 $0xffff, v26  }
0x16d: {  	v60, _, _ =	vpop (xrf0);
	(xrf0) =	vmax.scan.msk.f32 $0xffff, v44  }
0x16e: {  	v40, _, _ =	vpop (xrf0);
	(xrf0) =	vmax.scan.msk.f32 $0xffff, v22  }
0x16f: {  	v61, _, _ =	vpop (xrf0);
	(xrf0) =	vmax.scan.msk.f32 $0xffff, v6  }
0x170: {  	v6, _, _ =	vpop (xrf0);
	(xrf0) =	vmax.scan.msk.f32 $0xffff, v21  }
0x171: {  	v63 =	vbroadcast v38, $0xF;
	v41, _, _ =	vpop (xrf0);
	(xrf0) =	vmax.scan.msk.f32 $0xffff, v5  }
0x172: {  	v62 =	vsel vm3, v32, v37;
	v27 =	vbroadcast v59, $0xF;
	v42, _, _ =	vpop (xrf0);
	(xrf0) =	vmax.scan.msk.f32 $0xffff, v20  }
0x173: {  	v12 =	vbroadcast v12, $0xF;
	v7 =	vsel vm13, v34, v7;
	v20 =	vsel vm3, v31, v63;
	v43, _, _ =	vpop (xrf0);
	(xrf0) =	vmax.scan.msk.f32 $0xffff, v30  }
0x174: {  	v8 =	vbroadcast v8, $0xF;
	v44 =	vbroadcast v39, $0xF;
	v45, _, _ =	vpop (xrf0);
	(xrf0) =	vmax.scan.msk.f32 $0xffff, v19;
	v19 =	vsel vm0, v20, v27  }
0x175: {  	v7 =	vsel vm14, v7, v35;
	v26 =	vbroadcast v60, $0xF;
	v20 =	vbroadcast v40, $0xF  }
0x176: {  	[tilespmem:s19+$0x80] =	vst v5;
	v7 =	vsel vm15, v7, v9;
	v8 =	vsel vm0, v62, v8;
	v46, _, _ =	vpop (xrf0);
	(xrf0) =	vmax.scan.msk.f32 $0xffff, v4  }
0x177: {  	s20 =	sadd.s32 $0x20, s20;
	v8 =	vsel vm1, v8, v44;
	v47 =	vsel vm1, v19, v26;
	v19, _, _ =	vpop (xrf0);
	(xrf0) =	vmax.scan.msk.f32 $0xffff, v16;
	v16 =	vbroadcast v61, $0xF  }
0x178: {  	[tilespmem:s20+$0xFFFFFFF0] =	vst v7;
	v6 =	vbroadcast v6, $0xF;
	v7 =	vsel vm2, v8, v20;
	v48, _, _ =	vpop (xrf0);
	(xrf0) =	vmax.scan.msk.f32 $0xffff, v25  }
0x179: {  	v5 =	vbroadcast v41, $0xF;
	v20, _, _ =	vpop (xrf0);
	(xrf0) =	vmax.scan.msk.f32 $0xffff, v15;
	v9 =	vsel vm2, v47, v16;
	v16 =	vbroadcast v43, $0xF  }
0x17a: {  	v33 =	vsel vm13, v36, v33;
	v50 =	vbroadcast v45, $0xF;
	v15 =	vbroadcast v42, $0xF;
	v49, _, _ =	vpop (xrf0);
	(xrf0) =	vmax.scan.msk.f32 $0xffff, v29  }
0x17b: {  	v6 =	vsel vm4, v7, v6;
	v52 =	vbroadcast v19, $0xF;
	v8 =	vbroadcast v48, $0xF;
	v7, _, _ =	vpop (xrf0);
	(xrf0) =	vmax.scan.msk.f32 $0xffff, v14  }
0x17c: {  	v5 =	vsel vm4, v9, v5;
	v6 =	vsel vm5, v6, v15;
	v15 =	vbroadcast v46, $0xF;
	v51, _, _ =	vpop (xrf0);
	(xrf0) =	vmax.scan.msk.f32 $0xffff, v24  }
0x17d: {  	v19 =	vbroadcast v20, $0xF;
	v5 =	vsel vm5, v5, v16;
	v6 =	vsel vm7, v6, v50;
	v16, _, _ =	vpop (xrf0);
	(xrf0) =	vmax.scan.msk.f32 $0xffff, v13  }
0x17e: {  	v7 =	vbroadcast v7, $0xF;
	v5 =	vsel vm7, v5, v15;
	v15 =	vbroadcast v49, $0xF;
	v53, _, _ =	vpop (xrf0);
	(xrf0) =	vmax.scan.msk.f32 $0xffff, v28  }
0x17f: {  	[tilespmem:s19+$0xA0] =	vst v4;
	v6 =	vsel vm8, v6, v52;
	v55 =	vbroadcast v51, $0xF;
	v5 =	vsel vm8, v5, v8;
	v4, _, _ =	vpop (xrf0)  }
0x180: {  	v6 =	vsel vm9, v6, v19;
	v56 =	vbroadcast v16, $0xF;
	(xrf0) =	vmax.scan.msk.f32 $0xffff, v11;
	v5 =	vsel vm9, v5, v15;
	v54, _, _ =	vpop (xrf0)  }
0x181: {  	v13 =	vbroadcast v53, $0xF;
	v6 =	vsel vm10, v6, v7;
	(xrf0) =	vmax.scan.msk.f32 $0xffff, v23;
	v4 =	vbroadcast v4, $0xF;
	v57, _, _ =	vpop (xrf0)  }
0x182: {  	[tilespmem:s19+$0xB0] =	vst v25;
	v5 =	vsel vm10, v5, v55;
	v6 =	vsel vm11, v6, v56;
	v8 =	vbroadcast v54, $0xF;
	v7, _, _ =	vpop (xrf0)  }
0x183: {  	[tilespmem:s19+$0xC0] =	vst v29;
	v59 =	vbroadcast v57, $0xF;
	v4 =	vsel vm12, v6, v4;
	v58, _, _ =	vpop (xrf0);
	v6 =	vbroadcast v7, $0xF  }
0x184: {  	[tilespmem:s19+$0xD0] =	vst v24;
	v12 =	vsel vm14, v33, v12;
	v5 =	vsel vm11, v5, v13;
	v60, _, _ =	vpop (xrf0);
	v7 =	vbroadcast v58, $0xF  }
0x185: {  	[tilespmem:s19+$0xE0] =	vst v28;
	v5 =	vsel vm12, v5, v8;
	v4 =	vsel vm13, v4, v59;
	v61 =	vbroadcast v60, $0xF  }
0x186: {  	[tilespmem:s19+$0xF0] =	vst v23;
	v62 =	vsel vm15, v12, v10;
	v63, _, _ =	vpop (xrf0);
	v5 =	vsel vm13, v5, v6;
	v4 =	vsel vm14, v4, v7  }
0x187: {  	s31 =	sadd.s32 $0x20, s20;
	[tilespmem:s20+$0x0] =	vst v62;
	v6, _, _ =	vpop (xrf0);
	v5 =	vsel vm14, v5, v61;
	v4 =	vsel vm15, v4, v63  }
0x188: {  	v5 =	vsel vm15, v5, v6;
	[tilespmem:s31+$0xFFFFFFF0] =	vst v4  }
0x189: {  	[tilespmem:s31+$0x0] =	vst v5  }
0x18a: {  	s20 =	simm.s32 $0x10080;
	_ =	strace $0x90000049  }
0x18b: {  	v5 =	vld [tilespmem:s20+$0xFFFFFF80]  }
0x18c: {  	s19 =	simm.s32 $0x0;
	s21 =	simm.s32 $0x40;
	v4 =	vld [tilespmem:s20+$0xFFFFFF90]  }
.LBB2_9:
0x18d: {  	p0 =	sne.s32 s21, $0x1C0;
	v6 =	vld [tilespmem:s20+$0xFFFFFFA0]  }
0x18e: {  	v7 =	vld [tilespmem:s20+$0xFFFFFFB0]  }
0x18f: {  	v8 =	vld [tilespmem:s20+$0xFFFFFFC0]  }
0x190: {  	v9 =	vld [tilespmem:s20+$0xFFFFFFD0];
	(xrf0) =	vmax.scan.msk.f32 $0xffff, v5  }
0x191: {  	v5 =	vld [tilespmem:s20+$0xFFFFFFE0];
	(xrf0) =	vmax.scan.msk.f32 $0xffff, v4  }
0x192: {  	v4 =	vld [tilespmem:s20+$0xFFFFFFF0];
	(xrf0) =	vmax.scan.msk.f32 $0xffff, v6  }
0x193: {  	v6 =	vld [tilespmem:s20+$0x0];
	(xrf0) =	vmax.scan.msk.f32 $0xffff, v7  }
0x194: {  	v7 =	vld [tilespmem:s20+$0x10];
	(xrf0) =	vmax.scan.msk.f32 $0xffff, v8  }
0x195: {  	v8 =	vld [tilespmem:s20+$0x20];
	(xrf0) =	vmax.scan.msk.f32 $0xffff, v9  }
0x196: {  	v9 =	vld [tilespmem:s20+$0x30];
	v10, _, _ =	vpop (xrf0);
	(xrf0) =	vmax.scan.msk.f32 $0xffff, v5  }
0x197: {  	v5 =	vld [tilespmem:s20+$0x40];
	v11, _, _ =	vpop (xrf0);
	(xrf0) =	vmax.scan.msk.f32 $0xffff, v4  }
0x198: {  	v4 =	vbroadcast v10, $0xF;
	v3 =	vbroadcast v11, $0xF;
	v11 =	vld [tilespmem:s20+$0x50];
	v12, _, _ =	vpop (xrf0);
	(xrf0) =	vmax.scan.msk.f32 $0xffff, v6  }
0x199: {  	v6 =	vbroadcast v12, $0xF;
	v12 =	vld [tilespmem:s20+$0x60];
	v13, _, _ =	vpop (xrf0);
	(xrf0) =	vmax.scan.msk.f32 $0xffff, v7  }
0x19a: {  	v4 =	vsel vm3, v4, v3;
	v7 =	vbroadcast v13, $0xF;
	v10, _, _ =	vpop (xrf0);
	(xrf0) =	vmax.scan.msk.f32 $0xffff, v8  }
0x19b: {  	v4 =	vsel vm0, v4, v6;
	v3 =	vbroadcast v10, $0xF;
	v8, _, _ =	vpop (xrf0);
	(xrf0) =	vmax.scan.msk.f32 $0xffff, v9  }
0x19c: {  	v4 =	vsel vm1, v4, v7;
	v10 =	vbroadcast v8, $0xF;
	v8 =	vld [tilespmem:s20+$0x70];
	v9, _, _ =	vpop (xrf0);
	(xrf0) =	vmax.scan.msk.f32 $0xffff, v5  }
0x19d: {  	v4 =	vsel vm2, v4, v3;
	v5 =	vbroadcast v9, $0xF;
	v6, _, _ =	vpop (xrf0);
	(xrf0) =	vmax.scan.msk.f32 $0xffff, v11  }
0x19e: {  	v4 =	vsel vm4, v4, v10;
	v6 =	vbroadcast v6, $0xF;
	v7, _, _ =	vpop (xrf0);
	(xrf0) =	vmax.scan.msk.f32 $0xffff, v12  }
0x19f: {  	v4 =	vsel vm5, v4, v5;
	v5 =	vbroadcast v7, $0xF;
	v7, _, _ =	vpop (xrf0)  }
0x1a0: {  	v4 =	vsel vm7, v4, v6;
	v6 =	vbroadcast v7, $0xF;
	v7, _, _ =	vpop (xrf0)  }
0x1a1: {  	v4 =	vsel vm8, v4, v5;
	v5 =	vbroadcast v7, $0xF;
	v7, _, _ =	vpop (xrf0);
	(xrf0) =	vmax.scan.msk.f32 $0xffff, v8  }
0x1a2: {  	v4 =	vsel vm9, v4, v6;
	v6 =	vbroadcast v7, $0xF;
	v7, _, _ =	vpop (xrf0)  }
0x1a3: {  	v4 =	vsel vm10, v4, v5;
	v5 =	vbroadcast v7, $0xF;
	v7, _, _ =	vpop (xrf0)  }
0x1a4: {  	v4 =	vsel vm11, v4, v6;
	v6 =	vbroadcast v7, $0xF;
	v7, _, _ =	vpop (xrf0)  }
0x1a5: {  	v4 =	vsel vm12, v4, v5;
	v3 =	vbroadcast v7, $0xF  }
0x1a6: {  	v4 =	vsel vm13, v4, v6  }
.Ltmp3:
0x1a7: {  	v4 =	vsel vm14, v4, v3;
	v5, _, _ =	vpop (xrf0);
	(pc) =	sbr.rel @p0 .LBB2_9-.Ltmp3, $4  }
0x1a8: {  	s22 =	sshra.s32 s19, $0x2;
	s19 =	smov.u32 s21;
	v4 =	vsel vm15, v4, v5  }
0x1a9: {  	s20 =	sadd.s32 $0x100, s20;
	[tilespmem:s22+$0x10800] =	vst v4  }
0x1aa: {  	v5 =	vld [tilespmem:s20+$0xFFFFFF80]  }
0x1ab: {  	s21 =	sadd.s32 $0x40, s21;
	v4 =	vld [tilespmem:s20+$0xFFFFFF90]  }
0x1ac: {  	_ =	sdelay $0x1  }
0x1ad: {  	v6 =	vld [tilespmem:s20+$0xFFFFFFA0]  }
0x1ae: {  	v7 =	vld [tilespmem:s20+$0xFFFFFFB0];
	(xrf0) =	vmax.scan.msk.f32 $0xffff, v5  }
0x1af: {  	v8 =	vld [tilespmem:s20+$0xFFFFFFC0];
	(xrf0) =	vmax.scan.msk.f32 $0xffff, v4  }
0x1b0: {  	v9 =	vld [tilespmem:s20+$0xFFFFFFD0];
	_ =	sdelay $0x1  }
0x1b1: {  	v59 =	vld [tilespmem:s20+$0xFFFFFFE0];
	(xrf0) =	vmax.scan.msk.f32 $0xffff, v6  }
0x1b2: {  	v60 =	vld [tilespmem:s20+$0xFFFFFFF0];
	(xrf0) =	vmax.scan.msk.f32 $0xffff, v7  }
0x1b3: {  	v6 =	vld [tilespmem:s20+$0x0];
	(xrf0) =	vmax.scan.msk.f32 $0xffff, v8;
	v10, _, _ =	vpop (xrf0)  }
0x1b4: {  	v7 =	vld [tilespmem:s20+$0x10];
	(xrf0) =	vmax.scan.msk.f32 $0xffff, v9;
	v11, _, _ =	vpop (xrf0)  }
0x1b5: {  	v8 =	vld [tilespmem:s20+$0x20];
	v62 =	vbroadcast v10, $0xF;
	v10 =	vbroadcast v11, $0xF  }
0x1b6: {  	(xrf0) =	vmax.scan.msk.f32 $0xffff, v59  }
0x1b7: {  	v9 =	vld [tilespmem:s20+$0x30];
	(xrf0) =	vmax.scan.msk.f32 $0xffff, v60;
	v12, _, _ =	vpop (xrf0)  }
0x1b8: {  	v61 =	vld [tilespmem:s20+$0x40];
	(xrf0) =	vmax.scan.msk.f32 $0xffff, v6;
	v6 =	vbroadcast v12, $0xF;
	v13, _, _ =	vpop (xrf0)  }
0x1b9: {  	v11 =	vld [tilespmem:s20+$0x50];
	(xrf0) =	vmax.scan.msk.f32 $0xffff, v7;
	v4 =	vsel vm3, v62, v10;
	v7 =	vbroadcast v13, $0xF;
	v10, _, _ =	vpop (xrf0)  }
0x1ba: {  	v63 =	vld [tilespmem:s20+$0x60];
	v4 =	vsel vm0, v4, v6;
	(xrf0) =	vmax.scan.msk.f32 $0xffff, v8;
	v6 =	vbroadcast v10, $0xF;
	v8, _, _ =	vpop (xrf0)  }
0x1bb: {  	v4 =	vsel vm1, v4, v7;
	v7 =	vbroadcast v8, $0xF  }
0x1bc: {  	(xrf0) =	vmax.scan.msk.f32 $0xffff, v9  }
0x1bd: {  	v8 =	vld [tilespmem:s20+$0x70];
	v9, _, _ =	vpop (xrf0);
	(xrf0) =	vmax.scan.msk.f32 $0xffff, v61  }
0x1be: {  	v4 =	vsel vm2, v4, v6;
	v14 =	vbroadcast v9, $0xF;
	v6, _, _ =	vpop (xrf0);
	(xrf0) =	vmax.scan.msk.f32 $0xffff, v11  }
0x1bf: {  	v4 =	vsel vm4, v4, v7;
	v6 =	vbroadcast v6, $0xF;
	v7, _, _ =	vpop (xrf0);
	(xrf0) =	vmax.scan.msk.f32 $0xffff, v63  }
0x1c0: {  	v4 =	vsel vm5, v4, v14;
	v32 =	vbroadcast v7, $0xF;
	v7, _, _ =	vpop (xrf0)  }
0x1c1: {  	v4 =	vsel vm7, v4, v6;
	v6 =	vbroadcast v7, $0xF;
	v7, _, _ =	vpop (xrf0)  }
0x1c2: {  	v4 =	vsel vm8, v4, v32;
	v33 =	vbroadcast v7, $0xF;
	v7, _, _ =	vpop (xrf0);
	(xrf0) =	vmax.scan.msk.f32 $0xffff, v8  }
0x1c3: {  	v4 =	vsel vm9, v4, v6;
	v6 =	vbroadcast v7, $0xF;
	v7, _, _ =	vpop (xrf0)  }
0x1c4: {  	v4 =	vsel vm10, v4, v33;
	v34 =	vbroadcast v7, $0xF;
	v7, _, _ =	vpop (xrf0)  }
0x1c5: {  	v4 =	vsel vm11, v4, v6;
	v6 =	vbroadcast v7, $0xF;
	v7, _, _ =	vpop (xrf0)  }
0x1c6: {  	v4 =	vsel vm12, v4, v34;
	v35 =	vbroadcast v7, $0xF  }
0x1c7: {  	v4 =	vsel vm13, v4, v6  }
0x1c8: {  	v4 =	vsel vm14, v4, v35;
	v36, _, _ =	vpop (xrf0)  }
0x1c9: {  	s19 =	sshra.s32 s19, $0x2;
	v4 =	vsel vm15, v4, v36  }
0x1ca: {  	[tilespmem:s19+$0x10800] =	vst v4  }
0x1cb: {  	v4 =	vld [tilespmem:$0x0]  }
0x1cc: {  	v37 =	vld [tilespmem:$0x10]  }
0x1cd: {  	v6 =	vld [tilespmem:$0x20]  }
0x1ce: {  	v7 =	vld [tilespmem:$0x30];
	_ =	sdelay $0x1  }
0x1cf: {  	v10 =	vor.u32 $0x10, v1;
	(xrf1) =	vsort.ascd.msk.f32 $0xffff, v4, v1  }
0x1d0: {  	v3 =	vor.u32 $0x20, v1;
	(xrf1) =	vsort.ascd.msk.f32 $0xffff, v37, v10  }
0x1d1: {  	v8 =	vor.u32 $0x30, v1;
	(xrf1) =	vsort.ascd.msk.f32 $0xffff, v6, v3  }
0x1d2: {  	(xrf1) =	vsort.ascd.msk.f32 $0xffff, v7, v8;
	_ =	sdelay $0x9  }
0x1d3: {  	v38 =	vmul.u32 $0xFFFFFFFF, v1  }
0x1d4: {  	v39, v6, _ =	vpop (xrf1)  }
0x1d5: {  	[tilespmem:$0x1FEC0] =	vst v3;
	v3 =	vadd.s32 $0xF, v38;
	v7, v40, _ =	vpop (xrf1)  }
0x1d6: {  	v4 =	vperm.xlane v7, v3;
	v7, v41, _ =	vpop (xrf1)  }
0x1d7: {  	v12 =	vperm.xlane v40, v3;
	v14, v15, _ =	vpop (xrf1)  }
0x1d8: {  	vm0 =	vle.f32 v39, v4;
	v14 =	vperm.xlane v14, v3;
	v42 =	vperm.xlane v15, v3  }
0x1d9: {  	v16 =	vsel vm0, v39, v4;
	v19 =	vsel vm0, v6, v12;
	v4 =	vsel vm0, v4, v39  }
0x1da: {  	v6 =	vsel vm0, v12, v6;
	(xrf1) =	vsort.ascd.msk.f32 $0xffff, v16, v19;
	vm0 =	vle.f32 v7, v14  }
0x1db: {  	(xrf1) =	vsort.ascd.msk.f32 $0xffff, v4, v6;
	v43 =	vsel vm0, v7, v14;
	v6 =	vsel vm0, v41, v42  }
0x1dc: {  	v7 =	vsel vm0, v14, v7;
	v5 =	vsel vm0, v42, v41;
	(xrf1) =	vsort.ascd.msk.f32 $0xffff, v43, v6  }
0x1dd: {  	(xrf1) =	vsort.ascd.msk.f32 $0xffff, v7, v5;
	_ =	sdelay $0xa  }
0x1de: {  	v19, v20, _ =	vpop (xrf1)  }
0x1df: {  	v21, v22, _ =	vpop (xrf1)  }
0x1e0: {  	v4, v44, _ =	vpop (xrf1)  }
0x1e1: {  	v6, v7, _ =	vpop (xrf1)  }
0x1e2: {  	v24 =	vperm.xlane v4, v3;
	v23 =	vperm.xlane v6, v3  }
0x1e3: {  	v27 =	vperm.xlane v44, v3  }
0x1e4: {  	v26 =	vperm.xlane v7, v3;
	vm0 =	vle.f32 v21, v24;
	vm1 =	vle.f32 v19, v23  }
0x1e5: {  	v29 =	vsel vm0, v21, v24;
	v28 =	vsel vm1, v19, v23  }
0x1e6: {  	v31 =	vsel vm0, v22, v27;
	v30 =	vsel vm1, v20, v26;
	vm2 =	vle.f32 v28, v29  }
0x1e7: {  	v45 =	vsel vm2, v28, v29;
	v46 =	vsel vm2, v30, v31  }
0x1e8: {  	(xrf1) =	vsort.ascd.msk.f32 $0xffff, v45, v46;
	_ =	sdelay $0x7  }
0x1e9: {  	v47 =	vld [tilespmem:$0x10820]  }
0x1ea: {  	v9 =	vmul.u32 $0x10, v1;
	v48 =	vld [tilespmem:$0x10830]  }
0x1eb: {  	v49 =	vld [tilespmem:$0x10860]  }
0x1ec: {  	v50 =	vld [tilespmem:$0x10870]  }
0x1ed: {  	v32 =	vor.u32 $0x1, v9;
	v15 =	vld [tilespmem:$0x10810]  }
0x1ee: {  	[tilespmem:$0x1FF10] =	vst v9;
	v33 =	vor.u32 $0x2, v9;
	v16 =	vld [tilespmem:$0x10800]  }
0x1ef: {  	v34 =	vor.u32 $0x3, v9;
	[tilespmem:$0x1FED0] =	vst v3;
	v7 =	vld [tilespmem:$0x10840];
	v25, v3, _ =	vpop (xrf1)  }
0x1f0: {  	v35 =	vor.u32 $0x4, v9;
	v6 =	vld [tilespmem:$0x10850];
	v28 =	vsel vm2, v29, v28;
	v29 =	vsel vm2, v31, v30;
	[tilespmem:v9+s12+$0x0] =	vst.idx.msk $0xffff, v25  }
0x1f1: {  	v36 =	vor.u32 $0x5, v9;
	(xrf1) =	vsort.ascd.msk.f32 $0xffff, v28, v29;
	[tilespmem:$0x1FEE0] =	vst v3  }
0x1f2: {  	v30 =	vor.u32 $0x6, v9;
	[tilespmem:v32+s12+$0x0] =	vst.idx.msk $0xffff, v25  }
0x1f3: {  	v28 =	vor.u32 $0x7, v9;
	[tilespmem:v33+s12+$0x0] =	vst.idx.msk $0xffff, v25  }
0x1f4: {  	v29 =	vor.u32 $0x8, v9;
	[tilespmem:v34+s12+$0x0] =	vst.idx.msk $0xffff, v25  }
0x1f5: {  	v31 =	vor.u32 $0x9, v9;
	[tilespmem:v35+s12+$0x0] =	vst.idx.msk $0xffff, v25  }
0x1f6: {  	v51 =	vor.u32 $0xA, v9;
	[tilespmem:v36+s12+$0x0] =	vst.idx.msk $0xffff, v25  }
0x1f7: {  	[tilespmem:v30+s12+$0x0] =	vst.idx.msk $0xffff, v25;
	v30 =	vor.u32 $0xB, v9  }
0x1f8: {  	[tilespmem:v28+s12+$0x0] =	vst.idx.msk $0xffff, v25;
	v28 =	vor.u32 $0xC, v9  }
0x1f9: {  	[tilespmem:v29+s12+$0x0] =	vst.idx.msk $0xffff, v25;
	v29 =	vor.u32 $0xD, v9  }
0x1fa: {  	[tilespmem:v31+s12+$0x0] =	vst.idx.msk $0xffff, v25;
	v31 =	vor.u32 $0xE, v9  }
0x1fb: {  	[tilespmem:v51+s12+$0x0] =	vst.idx.msk $0xffff, v25  }
0x1fc: {  	v52 =	vor.u32 $0xF, v9;
	[tilespmem:v30+s12+$0x0] =	vst.idx.msk $0xffff, v25  }
0x1fd: {  	[tilespmem:v28+s12+$0x0] =	vst.idx.msk $0xffff, v25  }
0x1fe: {  	v28 =	vor.u32 $0x100, v9;
	[tilespmem:v29+s12+$0x0] =	vst.idx.msk $0xffff, v25  }
0x1ff: {  	v20 =	vsel vm1, v26, v20;
	v29 =	vor.u32 $0x101, v9;
	v26, v11, _ =	vpop (xrf1);
	[tilespmem:v31+s12+$0x0] =	vst.idx.msk $0xffff, v25  }
0x200: {  	v30 =	vor.u32 $0x102, v9;
	[tilespmem:$0x1FEF0] =	vst v11  }
0x201: {  	v19 =	vsel vm1, v23, v19;
	v23 =	vor.u32 $0x103, v9;
	[tilespmem:v52+s12+$0x0] =	vst.idx.msk $0xffff, v25  }
0x202: {  	v21 =	vsel vm0, v24, v21;
	v24 =	vor.u32 $0x104, v9;
	[tilespmem:$0x10C80] =	vst v3  }
0x203: {  	v22 =	vsel vm0, v27, v22;
	v27 =	vor.u32 $0x105, v9;
	vm0 =	vle.f32 v19, v21;
	[tilespmem:v28+s12+$0x0] =	vst.idx.msk $0xffff, v26  }
0x204: {  	v31 =	vsel vm0, v20, v22;
	v28 =	vsel vm0, v19, v21;
	[tilespmem:v29+s12+$0x0] =	vst.idx.msk $0xffff, v26;
	v29 =	vor.u32 $0x106, v9  }
0x205: {  	(xrf1) =	vsort.ascd.msk.f32 $0xffff, v28, v31;
	v28 =	vor.u32 $0x107, v9;
	[tilespmem:v30+s12+$0x0] =	vst.idx.msk $0xffff, v26  }
0x206: {  	[tilespmem:v23+s12+$0x0] =	vst.idx.msk $0xffff, v26;
	v23 =	vor.u32 $0x108, v9  }
0x207: {  	[tilespmem:v24+s12+$0x0] =	vst.idx.msk $0xffff, v26;
	v24 =	vor.u32 $0x109, v9  }
0x208: {  	[tilespmem:v27+s12+$0x0] =	vst.idx.msk $0xffff, v26;
	v27 =	vor.u32 $0x10A, v9  }
0x209: {  	[tilespmem:v29+s12+$0x0] =	vst.idx.msk $0xffff, v26;
	v29 =	vor.u32 $0x10B, v9  }
0x20a: {  	[tilespmem:v28+s12+$0x0] =	vst.idx.msk $0xffff, v26;
	v28 =	vor.u32 $0x10C, v9  }
0x20b: {  	[tilespmem:v23+s12+$0x0] =	vst.idx.msk $0xffff, v26;
	v23 =	vor.u32 $0x10D, v9  }
0x20c: {  	[tilespmem:v24+s12+$0x0] =	vst.idx.msk $0xffff, v26;
	v24 =	vor.u32 $0x10E, v9  }
0x20d: {  	[tilespmem:v27+s12+$0x0] =	vst.idx.msk $0xffff, v26;
	v27 =	vor.u32 $0x10F, v9  }
0x20e: {  	[tilespmem:v29+s12+$0x0] =	vst.idx.msk $0xffff, v26  }
0x20f: {  	[tilespmem:v28+s12+$0x0] =	vst.idx.msk $0xffff, v26  }
0x210: {  	v28 =	vor.u32 $0x200, v9;
	[tilespmem:v23+s12+$0x0] =	vst.idx.msk $0xffff, v26  }
0x211: {  	v23 =	vor.u32 $0x201, v9;
	[tilespmem:v24+s12+$0x0] =	vst.idx.msk $0xffff, v26  }
0x212: {  	v24 =	vor.u32 $0x202, v9;
	[tilespmem:v27+s12+$0x0] =	vst.idx.msk $0xffff, v26  }
0x213: {  	v20 =	vsel vm0, v22, v20;
	v19 =	vsel vm0, v21, v19;
	v29 =	vor.u32 $0x203, v9;
	v27, v3, _ =	vpop (xrf1);
	[tilespmem:$0x10C90] =	vst v11  }
0x214: {  	v30 =	vor.u32 $0x204, v9;
	(xrf1) =	vsort.ascd.msk.f32 $0xffff, v19, v20;
	[tilespmem:$0x1FF00] =	vst v3  }
0x215: {  	[tilespmem:v28+s12+$0x0] =	vst.idx.msk $0xffff, v27;
	v28 =	vor.u32 $0x205, v9  }
0x216: {  	v21 =	vor.u32 $0x206, v9;
	[tilespmem:v23+s12+$0x0] =	vst.idx.msk $0xffff, v27  }
0x217: {  	v19 =	vor.u32 $0x207, v9;
	[tilespmem:v24+s12+$0x0] =	vst.idx.msk $0xffff, v27  }
0x218: {  	v20 =	vor.u32 $0x208, v9;
	[tilespmem:v29+s12+$0x0] =	vst.idx.msk $0xffff, v27  }
0x219: {  	v22 =	vor.u32 $0x209, v9;
	[tilespmem:v30+s12+$0x0] =	vst.idx.msk $0xffff, v27  }
0x21a: {  	v23 =	vor.u32 $0x20A, v9;
	[tilespmem:v28+s12+$0x0] =	vst.idx.msk $0xffff, v27  }
0x21b: {  	[tilespmem:v21+s12+$0x0] =	vst.idx.msk $0xffff, v27;
	v21 =	vor.u32 $0x20B, v9  }
0x21c: {  	[tilespmem:v19+s12+$0x0] =	vst.idx.msk $0xffff, v27;
	v19 =	vor.u32 $0x20C, v9  }
0x21d: {  	[tilespmem:v20+s12+$0x0] =	vst.idx.msk $0xffff, v27;
	v20 =	vor.u32 $0x20D, v9  }
0x21e: {  	[tilespmem:v22+s12+$0x0] =	vst.idx.msk $0xffff, v27  }
0x21f: {  	v22 =	vor.u32 $0x20E, v9;
	[tilespmem:v23+s12+$0x0] =	vst.idx.msk $0xffff, v27  }
0x220: {  	v23 =	vor.u32 $0x20F, v9;
	[tilespmem:v21+s12+$0x0] =	vst.idx.msk $0xffff, v27  }
0x221: {  	[tilespmem:v19+s12+$0x0] =	vst.idx.msk $0xffff, v27  }
0x222: {  	v19 =	vor.u32 $0x300, v9;
	v28, v11, _ =	vpop (xrf1);
	[tilespmem:v20+s12+$0x0] =	vst.idx.msk $0xffff, v27  }
0x223: {  	v20 =	vor.u32 $0x301, v9;
	[tilespmem:$0x1FF20] =	vst v11  }
0x224: {  	v21 =	vor.u32 $0x302, v9;
	[tilespmem:v22+s12+$0x0] =	vst.idx.msk $0xffff, v27  }
0x225: {  	v22 =	vor.u32 $0x303, v9;
	[tilespmem:v23+s12+$0x0] =	vst.idx.msk $0xffff, v27  }
0x226: {  	(xrf0) =	vmax.scan.msk.f32 $0xffff, v16;
	v23 =	vor.u32 $0x304, v9;
	[tilespmem:$0x10CA0] =	vst v3  }
0x227: {  	v16 =	vor.u32 $0x305, v9;
	(xrf0) =	vmax.scan.msk.f32 $0xffff, v15;
	[tilespmem:v19+s12+$0x0] =	vst.idx.msk $0xffff, v28  }
0x228: {  	v15 =	vor.u32 $0x306, v9;
	(xrf0) =	vmax.scan.msk.f32 $0xffff, v47;
	[tilespmem:v20+s12+$0x0] =	vst.idx.msk $0xffff, v28  }
0x229: {  	v53 =	vor.u32 $0x307, v9;
	(xrf0) =	vmax.scan.msk.f32 $0xffff, v48;
	[tilespmem:v21+s12+$0x0] =	vst.idx.msk $0xffff, v28  }
0x22a: {  	v54 =	vor.u32 $0x308, v9;
	[tilespmem:v22+s12+$0x0] =	vst.idx.msk $0xffff, v28  }
0x22b: {  	(xrf0) =	vmax.scan.msk.f32 $0xffff, v7;
	v7 =	vor.u32 $0x309, v9;
	[tilespmem:v23+s12+$0x0] =	vst.idx.msk $0xffff, v28  }
0x22c: {  	(xrf0) =	vmax.scan.msk.f32 $0xffff, v6;
	v6 =	vor.u32 $0x30A, v9;
	[tilespmem:v16+s12+$0x0] =	vst.idx.msk $0xffff, v28;
	v16, _, _ =	vpop (xrf0)  }
0x22d: {  	v55 =	vor.u32 $0x30B, v9;
	v56 =	vor.u32 $0x30C, v9;
	[tilespmem:v15+s12+$0x0] =	vst.idx.msk $0xffff, v28;
	v15 =	vbroadcast v16, $0xF;
	v16, _, _ =	vpop (xrf0)  }
0x22e: {  	v58 =	vor.u32 $0x30D, v9;
	(xrf0) =	vmax.scan.msk.f32 $0xffff, v49;
	[tilespmem:v53+s12+$0x0] =	vst.idx.msk $0xffff, v28;
	v57 =	vbroadcast v16, $0xF;
	v16, _, _ =	vpop (xrf0)  }
0x22f: {  	vm0 =	vcmask $0x320;
	(xrf0) =	vmax.scan.msk.f32 $0xffff, v50;
	[tilespmem:v54+s12+$0x0] =	vst.idx.msk $0xffff, v28;
	v15 =	vnsel vm3, $0xFF800000, v15;
	v19, _, _ =	vpop (xrf0)  }
0x230: {  	[tilespmem:v7+s12+$0x0] =	vst.idx.msk $0xffff, v28;
	v7 =	vor.u32 $0x30E, v9;
	v14 =	vsel vm0, v15, v57;
	v15 =	vbroadcast v19, $0xF  }
0x231: {  	v16 =	vbroadcast v16, $0xF;
	[tilespmem:v6+s12+$0x0] =	vst.idx.msk $0xffff, v28;
	v6 =	vor.u32 $0x30F, v9  }
0x232: {  	v24 =	vimm.s32 $0x0;
	v29 =	vimm.f32 $0.0e+00;
	v19, _, _ =	vpop (xrf0);
	vm0 =	vcmask $0x720;
	[tilespmem:v55+s12+$0x0] =	vst.idx.msk $0xffff, v28  }
0x233: {  	v14 =	vsel vm0, v14, v16;
	v16 =	vbroadcast v19, $0xF;
	v19, _, _ =	vpop (xrf0);
	vm0 =	vcmask $0xB20;
	[tilespmem:v56+s12+$0x0] =	vst.idx.msk $0xffff, v28  }
0x234: {  	v59 =	vsel vm0, v14, v15;
	v60 =	vbroadcast v19, $0xF;
	vm0 =	vcmask $0xF20;
	v15, _, _ =	vpop (xrf0);
	[tilespmem:v58+s12+$0x0] =	vst.idx.msk $0xffff, v28  }
0x235: {  	v61 =	vsel vm0, v59, v16;
	vm0 =	vcmask $0x1320;
	v62 =	vbroadcast v15, $0xF;
	v15, _, _ =	vpop (xrf0);
	[tilespmem:v7+s12+$0x0] =	vst.idx.msk $0xffff, v28  }
0x236: {  	v4 =	vsel vm0, v61, v60;
	vm0 =	vcmask $0x1720;
	v63 =	vbroadcast v15, $0xF;
	[tilespmem:v6+s12+$0x0] =	vst.idx.msk $0xffff, v28  }
0x237: {  	v30 =	vimm.f32 $0.0e+00;
	v4 =	vsel vm0, v4, v62;
	vm0 =	vcmask $0x1B20;
	[tilespmem:$0x10CB0] =	vst v11  }
0x238: {  	v20 =	vimm.f32 $0.0e+00;
	v21 =	vimm.s32 $0x0;
	v31 =	vsel vm0, v4, v63;
	_ =	strace $0x8000004A  }
0x239: {  	s20 =	simm.s32 $0x1;
	s19 =	simm.s32 $0x0;
	v22 =	vimm.s32 $0x0;
	v23 =	vimm.s32 $0x0;
	v19 =	vimm.f32 $0.0e+00;
	(xrf0) =	vmax.scan.msk.f32 $0xffff, v31  }
.LBB2_11:
0x23a: {  	p0 =	sne.s32 s20, $0x3F;
	_ =	sdelay $0x1  }
0x23b: {  	s21 =	sand.u32 $0xF, s19  }
0x23c: {  	s22 =	sshrl.u32 s19, $0x4;
	s19 =	smov.u32 s20;
	vm0 =	vmmov vm6;
	vm1 =	vmmov vm6;
	v3 =	vmov s21  }
0x23d: {  	vm4 =	vmmov vm6;
	vm5 =	vmmov vm6;
	p1 =	seq.s32 s22, $0x0;
	p2 =	seq.s32 s22, $0x1;
	p3 =	seq.s32 s22, $0x2;
	vm2 =	veq.s32 v3, v1  }
0x23e: {  	vm0 =	vmneg @p1 vm0;
	vm1 =	vmneg @p2 vm1;
	vm4 =	vmneg @p3 vm4;
	p1 =	seq.s32 s22, $0x3;
	v4, _, _ =	vpop (xrf0)  }
0x23f: {  	vm0 =	vmand vm0, vm2;
	vm5 =	vmneg @p1 vm5;
	v5 =	vbroadcast v4, $0xF  }
0x240: {  	vm3 =	vmand vm1, vm2;
	vm1 =	vmand vm4, vm2;
	vm2 =	vmand vm5, vm2  }
0x241: {  	vm4 =	veq.f32 v31, v5;
	v20 =	vsel vm0, v5, v20;
	v19 =	vsel vm3, v5, v19  }
0x242: {  	v30 =	vsel vm1, v5, v30;
	v29 =	vsel vm2, v5, v29;
	v4 =	vmctz.xlane vm4;
	_ =	sdelay $0x1  }
0x243: {  	v4 =	vxor.u32 $0x80000000, v4  }
0x244: {  	(xrf0) =	vmax.scan.msk.u32 $0xffff, v4;
	_ =	sdelay $0x5  }
0x245: {  	v4, _, _ =	vpop (xrf0)  }
0x246: {  	(v2sf) =	vpush v4, $0xF;
	_ =	sdelay $0xe  }
0x247: {  	s21 =	spop (v2sf)  }
0x248: {  	s22 =	sshll.u32 s21, $0x4  }
0x249: {  	v4 =	vld [tilespmem:s22+$0x10800];
	_ =	sdelay $0x4  }
0x24a: {  	vm4 =	veq.f32 v4, v5  }
0x24b: {  	v6 =	vmctz.xlane vm4;
	_ =	sdelay $0x1  }
0x24c: {  	v6 =	vxor.u32 $0x80000000, v6  }
0x24d: {  	(xrf0) =	vmax.scan.msk.u32 $0xffff, v6;
	_ =	sdelay $0x5  }
0x24e: {  	v6, _, _ =	vpop (xrf0)  }
0x24f: {  	(v2sf) =	vpush v6, $0xF;
	_ =	sdelay $0xe  }
0x250: {  	s23 =	spop (v2sf)  }
0x251: {  	s24 =	sadd.s32 s22, s23  }
0x252: {  	s24 =	sshll.u32 s24, $0x4  }
0x253: {  	v6 =	vld [tilespmem:s24+$0x10000];
	_ =	sdelay $0x4  }
0x254: {  	vm4 =	veq.f32 v6, v5  }
0x255: {  	v7 =	vmctz.xlane vm4;
	_ =	sdelay $0x1  }
0x256: {  	v7 =	vxor.u32 $0x80000000, v7  }
0x257: {  	(xrf0) =	vmax.scan.msk.u32 $0xffff, v7;
	_ =	sdelay $0x5  }
0x258: {  	v7, _, _ =	vpop (xrf0)  }
0x259: {  	(v2sf) =	vpush v7, $0xF;
	_ =	sdelay $0xe  }
0x25a: {  	s26 =	spop (v2sf)  }
0x25b: {  	s25 =	sadd.s32 s26, s24  }
0x25c: {  	s25 =	sadd.s32 $0x80000000, s25  }
0x25d: {  	s28 =	sshll.u32 s25, $0x4  }
0x25e: {  	v7 =	vld [tilespmem:s28+$0x0];
	_ =	sdelay $0x4  }
0x25f: {  	vm4 =	veq.f32 v7, v5  }
0x260: {  	v5 =	vmctz.xlane vm4;
	_ =	sdelay $0x1  }
0x261: {  	v5 =	vxor.u32 $0x80000000, v5  }
0x262: {  	(xrf0) =	vmax.scan.msk.u32 $0xffff, v5;
	_ =	sdelay $0x5  }
0x263: {  	v5, _, _ =	vpop (xrf0)  }
0x264: {  	(v2sf) =	vpush v5, $0xF;
	_ =	sdelay $0xe  }
0x265: {  	s29 =	spop (v2sf)  }
0x266: {  	s29 =	sxor.u32 $0x80000000, s29  }
0x267: {  	s30 =	sadd.s32 s29, s28;
	v5 =	vmov s29  }
0x268: {  	v21 =	vsel vm0, s30, v21;
	v23 =	vsel vm3, s30, v23;
	vm0 =	veq.s32 v5, v1  }
0x269: {  	s26 =	sand.u32 $0xF, s26;
	v24 =	vsel vm1, s30, v24;
	v22 =	vsel vm2, s30, v22;
	v5 =	vsel vm0, $0xBF800000, v7  }
0x26a: {  	p2 =	sne.s32 s26, $0x0;
	p1 =	slt.s32 s25, $0x1;
	[tilespmem:s28+$0x0] =	vst v5;
	s28 =	sshra.s32 s25, $0x1F;
	(xrf0) =	vmax.scan.msk.f32 $0xffff, v5  }
0x26b: {  	p1 =	por !p2, !p1;
	s26 =	sshrl.u32 s28, $0x1C  }
0x26c: {  	p1 =	por !p1, !p1;
	s28 =	simm.s32 $0x1;
	s26 =	sadd.s32 s26, s25  }
0x26d: {  	s28 =	simm.s32 @!p1 $0x0;
	s26 =	sshrl.u32 s26, $0x4  }
0x26e: {  	s26 =	ssub.s32 s28, s26  }
0x26f: {  	s26 =	sshll.u32 s26, $0x4  }
0x270: {  	s25 =	sadd.s32 s25, s26;
	v5, _, _ =	vpop (xrf0)  }
0x271: {  	v7 =	vmov s25;
	v5 =	vbroadcast v5, $0xF  }
0x272: {  	vm0 =	veq.s32 v7, v1  }
0x273: {  	v5 =	vsel vm0, v5, v6  }
0x274: {  	[tilespmem:s24+$0x10000] =	vst v5;
	(xrf0) =	vmax.scan.msk.f32 $0xffff, v5;
	_ =	sdelay $0x5  }
0x275: {  	s23 =	sxor.u32 $0x80000000, s23;
	v5, _, _ =	vpop (xrf0)  }
0x276: {  	v6 =	vmov s23;
	v5 =	vbroadcast v5, $0xF  }
0x277: {  	vm0 =	veq.s32 v6, v1  }
0x278: {  	v4 =	vsel vm0, v5, v4  }
0x279: {  	[tilespmem:s22+$0x10800] =	vst v4;
	(xrf0) =	vmax.scan.msk.f32 $0xffff, v4;
	_ =	sdelay $0x5  }
.Ltmp4:
0x27a: {  	s21 =	sxor.u32 $0x80000000, s21;
	v4, _, _ =	vpop (xrf0);
	(pc) =	sbr.rel @p0 .LBB2_11-.Ltmp4, $4  }
0x27b: {  	v5 =	vmov s21;
	v4 =	vbroadcast v4, $0xF  }
0x27c: {  	vm0 =	veq.s32 v5, v1  }
0x27d: {  	v31 =	vsel vm0, v4, v31  }
0x27e: {  	s20 =	sadd.s32 $0x1, s20;
	(xrf0) =	vmax.scan.msk.f32 $0xffff, v31  }
0x27f: {  	_ =	sdelay $0x4  }
0x280: {  	v4, _, _ =	vpop (xrf0)  }
0x281: {  	v4 =	vbroadcast v4, $0xF;
	_ =	sdelay $0x1  }
0x282: {  	vm0 =	veq.f32 v31, v4  }
0x283: {  	v5 =	vmctz.xlane vm0;
	_ =	sdelay $0x1  }
0x284: {  	v5 =	vxor.u32 $0x80000000, v5  }
0x285: {  	(xrf0) =	vmax.scan.msk.u32 $0xffff, v5;
	_ =	sdelay $0x5  }
0x286: {  	v5, _, _ =	vpop (xrf0)  }
0x287: {  	(v2sf) =	vpush v5, $0xF;
	_ =	sdelay $0xe  }
0x288: {  	s20 =	spop (v2sf)  }
0x289: {  	s22 =	sshll.u32 s20, $0x4  }
0x28a: {  	v49 =	vld [tilespmem:s22+$0x10800];
	_ =	sdelay $0x4  }
0x28b: {  	vm0 =	veq.f32 v49, v4  }
0x28c: {  	v6 =	vmctz.xlane vm0;
	_ =	sdelay $0x1  }
0x28d: {  	v6 =	vxor.u32 $0x80000000, v6  }
0x28e: {  	(xrf0) =	vmax.scan.msk.u32 $0xffff, v6;
	_ =	sdelay $0x5  }
0x28f: {  	v6, _, _ =	vpop (xrf0)  }
0x290: {  	(v2sf) =	vpush v6, $0xF;
	_ =	sdelay $0xe  }
0x291: {  	s23 =	spop (v2sf)  }
0x292: {  	s20 =	sadd.s32 s22, s23  }
0x293: {  	s24 =	sshll.u32 s20, $0x4  }
0x294: {  	v6 =	vld [tilespmem:s24+$0x10000];
	_ =	sdelay $0x4  }
0x295: {  	vm0 =	veq.f32 v6, v4  }
0x296: {  	v7 =	vmctz.xlane vm0;
	_ =	sdelay $0x1  }
0x297: {  	v7 =	vxor.u32 $0x80000000, v7  }
0x298: {  	(xrf0) =	vmax.scan.msk.u32 $0xffff, v7;
	_ =	sdelay $0x5  }
0x299: {  	v7, _, _ =	vpop (xrf0)  }
0x29a: {  	(v2sf) =	vpush v7, $0xF;
	_ =	sdelay $0xe  }
0x29b: {  	s25 =	spop (v2sf)  }
0x29c: {  	s20 =	sadd.s32 s25, s24  }
0x29d: {  	s26 =	sadd.s32 $0x80000000, s20  }
0x29e: {  	s20 =	sshll.u32 s26, $0x4  }
0x29f: {  	v7 =	vld [tilespmem:s20+$0x0];
	_ =	sdelay $0x4  }
0x2a0: {  	vm0 =	veq.f32 v7, v4  }
0x2a1: {  	v12 =	vmctz.xlane vm0;
	_ =	sdelay $0x1  }
0x2a2: {  	v12 =	vxor.u32 $0x80000000, v12  }
0x2a3: {  	(xrf0) =	vmax.scan.msk.u32 $0xffff, v12;
	_ =	sdelay $0x5  }
0x2a4: {  	v12, _, _ =	vpop (xrf0)  }
0x2a5: {  	(v2sf) =	vpush v12, $0xF;
	_ =	sdelay $0xe  }
0x2a6: {  	s21 =	spop (v2sf)  }
0x2a7: {  	s21 =	sxor.u32 $0x80000000, s21  }
0x2a8: {  	v50 =	vmov s21  }
0x2a9: {  	vm0 =	veq.s32 v50, v1  }
0x2aa: {  	s25 =	sand.u32 $0xF, s25;
	v7 =	vsel vm0, $0xBF800000, v7  }
0x2ab: {  	p1 =	sne.s32 s25, $0x0;
	s28 =	sshra.s32 s26, $0x1F;
	p0 =	slt.s32 s26, $0x1;
	(xrf0) =	vmax.scan.msk.f32 $0xffff, v7  }
0x2ac: {  	s31 =	sshrl.u32 s28, $0x1C;
	p0 =	por !p1, !p0  }
0x2ad: {  	s28 =	simm.s32 $0x1;
	s25 =	sadd.s32 s31, s26;
	p0 =	por !p0, !p0  }
0x2ae: {  	s25 =	sshrl.u32 s25, $0x4;
	s28 =	simm.s32 @!p0 $0x0  }
0x2af: {  	s25 =	ssub.s32 s28, s25  }
0x2b0: {  	s25 =	sshll.u32 s25, $0x4  }
0x2b1: {  	s25 =	sadd.s32 s26, s25;
	v51, _, _ =	vpop (xrf0)  }
0x2b2: {  	v14 =	vmov s25;
	v12 =	vbroadcast v51, $0xF  }
0x2b3: {  	vm0 =	veq.s32 v14, v1  }
0x2b4: {  	v6 =	vsel vm0, v12, v6  }
0x2b5: {  	(xrf0) =	vmax.scan.msk.f32 $0xffff, v6;
	_ =	sdelay $0x2  }
0x2b6: {  	v52 =	vadd.f32 v18, v17;
	_ =	sdelay $0x1  }
0x2b7: {  	(xrf2) =	vadd.scan.msk.f32 $0xffff, v52  }
0x2b8: {  	s23 =	sxor.u32 $0x80000000, s23;
	v53, _, _ =	vpop (xrf0)  }
0x2b9: {  	v54 =	vmov s23;
	v12 =	vbroadcast v53, $0xF  }
0x2ba: {  	vm0 =	veq.s32 v54, v1  }
0x2bb: {  	v5 =	vsel vm0, v12, v49  }
0x2bc: {  	(xrf0) =	vmax.scan.msk.f32 $0xffff, v5;
	_ =	sdelay $0x2  }
0x2bd: {  	[tilespmem:$0x1FE30] =	vst v0  }
0x2be: {  	[tilespmem:s20+$0x0] =	vst v7  }
0x2bf: {  	[tilespmem:s24+$0x10000] =	vst v6;
	v6, _, _ =	vpop (xrf2)  }
0x2c0: {  	[tilespmem:s22+$0x10800] =	vst v5;
	v5 =	vbroadcast v6, $0xF;
	v55, _, _ =	vpop (xrf0)  }
0x2c1: {  	_ =	strace $0x9000004A  }
0x2c2: {  	(erf) = vrcp.f32 v5;
	_ =	sdelay $0x4  }
0x2c3: {  	s25 =	sshrl.u32 s19, $0x4;
	s24 =	sand.u32 $0xF, s19  }
0x2c4: {  	p0 =	seq.s32 s25, $0x0;
	v56 =	vmov s24;
	vm0 =	vmmov vm6  }
0x2c5: {  	vm1 =	veq.s32 v56, v1;
	vm0 =	vmneg @p0 vm0  }
0x2c6: {  	vm2 =	vmmov vm6;
	p0 =	seq.s32 s25, $0x1;
	vm0 =	vmand vm0, vm1  }
0x2c7: {  	vm2 =	vmneg @p0 vm2;
	v57 =	vsel vm0, v4, v20;
	v6 =	vpop (erf)  }
0x2c8: {  	vm3 =	vmmov vm6;
	p0 =	seq.s32 s25, $0x2;
	vm2 =	vmand vm2, vm1;
	v0 =	vmul.f32 v57, v6  }
0x2c9: {  	vm3 =	vmneg @p0 vm3;
	v7 =	vsel vm2, v4, v19  }
0x2ca: {  	vm3 =	vmand vm3, vm1;
	v3 =	vmul.f32 v7, v6;
	(xrf2) =	vadd.scan.msk.f32 $0xffff, v0  }
0x2cb: {  	v58 =	vsel vm3, v4, v30  }
0x2cc: {  	[tilespmem:$0x1FE40] =	vst v0;
	v0 =	vmul.f32 v58, v6;
	(xrf2) =	vadd.scan.msk.f32 $0xffff, v3;
	_ =	sdelay $0x1  }
0x2cd: {  	(xrf2) =	vadd.scan.msk.f32 $0xffff, v0;
	_ =	sdelay $0x5  }
0x2ce: {  	v59, _, _ =	vpop (xrf2)  }
0x2cf: {  	(v2sf) =	vpush v59, $0xF  }
0x2d0: {  	v15, _, _ =	vpop (xrf2)  }
0x2d1: {  	(v2sf) =	vpush v15, $0xF  }
0x2d2: {  	v16, _, _ =	vpop (xrf2)  }
0x2d3: {  	(v2sf) =	vpush v16, $0xF  }
0x2d4: {  	vm4 =	vmmov vm6;
	p0 =	seq.s32 s25, $0x3  }
0x2d5: {  	vm4 =	vmneg @p0 vm4  }
0x2d6: {  	vm1 =	vmand vm4, vm1  }
0x2d7: {  	v4 =	vsel vm1, v4, v29  }
0x2d8: {  	[tilespmem:$0x1FE60] =	vst v0;
	v0 =	vmul.f32 v4, v6;
	_ =	sdelay $0x1  }
0x2d9: {  	s26 =	sadd.s32 s21, s20;
	(xrf2) =	vadd.scan.msk.f32 $0xffff, v0  }
0x2da: {  	v6 =	vsel vm0, s26, v21  }
0x2db: {  	v60 =	vsel vm2, s26, v23  }
0x2dc: {  	v61 =	vsel vm3, s26, v24  }
0x2dd: {  	v22 =	vsel vm1, s26, v22;
	[tilespmem:$0x1FE50] =	vst v3;
	s28 =	spop (v2sf)  }
0x2de: {  	[tilespmem:$0x1FE70] =	vst v0;
	s20 =	sadd.f32 $0.0e+00, s28  }
0x2df: {  	[tilespmem:v6+s3+$0x0] =	vst.idx.msk $0xffff, v57;
	s29 =	spop (v2sf)  }
0x2e0: {  	[tilespmem:v60+s3+$0x0] =	vst.idx.msk $0xffff, v7;
	vm0 =	vle.f32 v59, $6.000000240e-01;
	s30 =	sadd.f32 s29, s20;
	v62 =	vadd.f32 s20, v15  }
0x2e1: {  	[tilespmem:v61+s3+$0x0] =	vst.idx.msk $0xffff, v58;
	v0 =	vmpcnt.ones.xlane vm0;
	s31 =	spop (v2sf)  }
0x2e2: {  	[tilespmem:v22+s3+$0x0] =	vst.idx.msk $0xffff, v4;
	s21 =	sadd.f32 s31, s30;
	v63 =	vadd.f32 s30, v16;
	vm0 =	vle.f32 v62, $6.000000240e-01  }
0x2e3: {  	s19 =	simm.s32 $0x10DA0;
	[tilespmem:$0x1FE80] =	vst v0;
	v6, _, _ =	vpop (xrf2);
	v0 =	vmpcnt.ones.xlane vm0  }
0x2e4: {  	[tilespmem:s19+$0xFFFFFFE0] =	vst v2;
	v6 =	vadd.f32 s21, v6;
	vm0 =	vle.f32 v63, $6.000000240e-01  }
0x2e5: {  	[tilespmem:$0x1FE90] =	vst v0;
	v0 =	vmpcnt.ones.xlane vm0  }
0x2e6: {  	vm1 =	vle.f32 v6, $6.000000240e-01;
	[tilespmem:s19+$0x10] =	vst v2  }
0x2e7: {  	[tilespmem:$0x1FEA0] =	vst v0;
	v0 =	vmpcnt.ones.xlane vm1;
	_ =	sdelay $0x1  }
0x2e8: {  	[tilespmem:$0x1FEB0] =	vst v0  }
0x2e9: {  	s20 =	simm.s32 $0x0;
	[tilespmem:s19+$0x0] =	vst v2  }
.LBB2_13:
0x2ea: {  	s20 =	sadd.s32 $0x4, s20  }
0x2eb: {  	[tilespmem:s19+$0xFFFFFFF0] =	vst v2;
	s19 =	sadd.s32 $0x40, s19;
	p0 =	slt.u32 s20, $0x3C  }
.Ltmp5:
0x2ec: {  	[tilespmem:s19+$0xFFFFFFE0] =	vst v2;
	(pc) =	sbr.rel @p0 .LBB2_13-.Ltmp5, $3  }
0x2ed: {  	_ =	sdelay $0x1  }
0x2ee: {  	[tilespmem:s19+$0x10] =	vst v2  }
0x2ef: {  	[tilespmem:s19+$0x0] =	vst v2  }
0x2f0: {  	(xrf0) =	vmax.scan.msk.f32 $0xffff, v25  }
0x2f1: {  	(xrf0) =	vmax.scan.msk.f32 $0xffff, v26  }
0x2f2: {  	(xrf0) =	vmax.scan.msk.f32 $0xffff, v27  }
0x2f3: {  	v4 =	vnsel vm8, $0xFF800000, v25;
	(xrf0) =	vmax.scan.msk.f32 $0xffff, v28  }
0x2f4: {  	v60 =	vnsel vm8, $0xFF800000, v26;
	(xrf0) =	vmax.scan.msk.f32 $0xffff, v4  }
0x2f5: {  	v61 =	vnsel vm8, $0xFF800000, v27;
	(xrf0) =	vmax.scan.msk.f32 $0xffff, v60  }
0x2f6: {  	v62 =	vnsel vm8, $0xFF800000, v28;
	v5, _, _ =	vpop (xrf0);
	(xrf0) =	vmax.scan.msk.f32 $0xffff, v61  }
0x2f7: {  	v6, _, _ =	vpop (xrf0);
	(xrf0) =	vmax.scan.msk.f32 $0xffff, v62  }
0x2f8: {  	v63, _, _ =	vpop (xrf0)  }
0x2f9: {  	v7, _, _ =	vpop (xrf0)  }
0x2fa: {  	v12, _, _ =	vpop (xrf0)  }
0x2fb: {  	v27 =	vbroadcast v5, $0xF;
	v54 =	vbroadcast v6, $0xF;
	v14, _, _ =	vpop (xrf0)  }
0x2fc: {  	[tilespmem:s19+$0xFFFFFFF0] =	vst v2;
	v26 =	vbroadcast v63, $0xF;
	v32 =	vbroadcast v7, $0xF;
	v15, _, _ =	vpop (xrf0)  }
0x2fd: {  	[tilespmem:$0x11180] =	vst v2;
	v31 =	vbroadcast v12, $0xF;
	v30 =	vbroadcast v14, $0xF;
	v16, _, _ =	vpop (xrf0)  }
0x2fe: {  	s19 =	simm.s32 $0xFFFFFFE0;
	s20 =	simm.s32 $0x100;
	v29 =	vbroadcast v15, $0xF;
	v28 =	vbroadcast v16, $0xF;
	_ =	strace $0x8000004B  }
.LBB2_15:
0x2ff: {  	v7 =	vld [tilespmem:s20+$0xFFFFFF00];
	_ =	sdelay $0x4  }
0x300: {  	vm0 =	vlt.f32 v54, v7  }
0x301: {  	v4 =	vld [tilespmem:s20+$0xFFFFFF10];
	v5 =	vsel vm0, v26, v27  }
0x302: {  	v6 =	vsel vm0, $0x20, v2;
	vm1 =	vlt.f32 v5, v7  }
0x303: {  	v56 =	vor.u32 $0x10, v6;
	v12 =	vsel vm1, v28, v29;
	v14 =	vsel vm1, v30, v31  }
0x304: {  	v5 =	vsel vm1, v56, v6;
	v6 =	vsel vm0, v12, v14  }
0x305: {  	vm0 =	vlt.f32 v6, v7;
	v6 =	vor.u32 $0x8, v5  }
0x306: {  	v5 =	vsel vm0, v6, v5;
	vm0 =	vlt.f32 v54, v4  }
0x307: {  	v6 =	vshll.u32 v5, $0x4;
	v57 =	vsel vm0, v26, v27  }
0x308: {  	v58 =	vsel vm0, $0x20, v2;
	v6 =	vor.u32 v8, v6;
	vm1 =	vlt.f32 v57, v4  }
0x309: {  	v59 =	vor.u32 $0x10, v58;
	v15 =	vsel vm1, v28, v29;
	v16 =	vsel vm1, v30, v31  }
0x30a: {  	v12 =	vsel vm1, v59, v58;
	v60 =	vsel vm0, v15, v16  }
0x30b: {  	v61 =	vor.u32 $0x8, v12;
	vm0 =	vlt.f32 v60, v4  }
0x30c: {  	v12 =	vsel vm0, v61, v12  }
0x30d: {  	v14 =	vshll.u32 v12, $0x4;
	v62 =	vld.idx.msk [tilespmem:v6+s12+$0x0], $0xffff  }
0x30e: {  	v6 =	vld [tilespmem:s20+$0xFFFFFF20];
	v14 =	vor.u32 v8, v14;
	_ =	sdelay $0x3  }
0x30f: {  	v63 =	vor.u32 $0x4, v5;
	vm0 =	vlt.f32 v62, v7  }
0x310: {  	v14 =	vld.idx.msk [tilespmem:v14+s12+$0x0], $0xffff;
	v15 =	vsel vm0, v63, v5;
	vm0 =	vlt.f32 v54, v6  }
0x311: {  	v34 =	vor.u32 $0x4, v12;
	v5 =	vld [tilespmem:s20+$0xFFFFFF30];
	v21 =	vsel vm0, v26, v27  }
0x312: {  	v13 =	vshll.u32 v15, $0x4;
	v22 =	vsel vm0, $0x20, v2;
	vm1 =	vlt.f32 v21, v6  }
0x313: {  	v18 =	vor.u32 $0x10, v22;
	v23 =	vsel vm1, v28, v29;
	v24 =	vsel vm1, v30, v31  }
0x314: {  	v16 =	vadd.s32 v10, v13;
	v19 =	vsel vm1, v18, v22;
	v33 =	vsel vm0, v23, v24  }
0x315: {  	v38 =	vld [tilespmem:s20+$0xFFFFFF40];
	v35 =	vor.u32 $0x8, v19;
	vm2 =	vlt.f32 v14, v4;
	vm0 =	vlt.f32 v33, v6  }
0x316: {  	v12 =	vsel vm2, v34, v12;
	v14 =	vsel vm0, v35, v19;
	vm0 =	vlt.f32 v54, v5  }
0x317: {  	v39 =	vshll.u32 v12, $0x4;
	v40 =	vshll.u32 v14, $0x4;
	v41 =	vsel vm0, v26, v27  }
0x318: {  	v42 =	vsel vm0, $0x20, v2;
	v21 =	vadd.s32 v10, v39;
	vm1 =	vlt.f32 v41, v5  }
0x319: {  	v22 =	vor.u32 v8, v40;
	v24 =	vsel vm1, v28, v29;
	v33 =	vsel vm1, v30, v31  }
0x31a: {  	v34 =	vor.u32 $0x10, v42;
	v24 =	vsel vm0, v24, v33;
	vm0 =	vlt.f32 v54, v38  }
0x31b: {  	v23 =	vsel vm1, v34, v42;
	vm1 =	vlt.f32 v24, v5;
	v24 =	vsel vm0, v26, v27  }
0x31c: {  	v44 =	vsel vm0, $0x20, v2;
	vm2 =	vlt.f32 v24, v38  }
0x31d: {  	v16 =	vld.idx.msk [tilespmem:v16+s12+$0x0], $0xffff;
	v24 =	vor.u32 $0x10, v44;
	v35 =	vsel vm2, v28, v29;
	v36 =	vsel vm2, v30, v31  }
0x31e: {  	v43 =	vor.u32 $0x8, v23;
	v24 =	vsel vm2, v24, v44;
	v45 =	vsel vm0, v35, v36  }
0x31f: {  	v23 =	vsel vm1, v43, v23;
	v21 =	vld.idx.msk [tilespmem:v21+s12+$0x0], $0xffff;
	v47 =	vor.u32 $0x8, v24;
	vm0 =	vlt.f32 v45, v38  }
0x320: {  	v46 =	vshll.u32 v23, $0x4;
	v22 =	vld.idx.msk [tilespmem:v22+s12+$0x0], $0xffff;
	v24 =	vsel vm0, v47, v24  }
0x321: {  	v34 =	vor.u32 v8, v46;
	v33 =	vshll.u32 v24, $0x4  }
0x322: {  	v48 =	vadd.s32 $0x2, v15;
	vm0 =	vlt.f32 v16, v7;
	v33 =	vor.u32 v8, v33  }
0x323: {  	v49 =	vadd.s32 $0x2, v12;
	v15 =	vsel vm0, v48, v15  }
0x324: {  	v50 =	vor.u32 $0x4, v14;
	v39 =	vld [tilespmem:s20+$0xFFFFFF50];
	v16 =	vshll.u32 v15, $0x4;
	vm0 =	vlt.f32 v21, v4  }
0x325: {  	v16 =	vor.u32 v1, v16;
	v12 =	vsel vm0, v49, v12;
	vm0 =	vlt.f32 v22, v6  }
0x326: {  	v34 =	vld.idx.msk [tilespmem:v34+s12+$0x0], $0xffff;
	v14 =	vsel vm0, v50, v14  }
0x327: {  	v53 =	vshll.u32 v14, $0x4;
	v33 =	vld.idx.msk [tilespmem:v33+s12+$0x0], $0xffff  }
0x328: {  	v55 =	vadd.s32 v10, v53  }
0x329: {  	v51 =	vor.u32 $0x4, v23;
	vm1 =	vlt.f32 v54, v39  }
0x32a: {  	v58 =	vsel vm1, v26, v27;
	v60 =	vsel vm1, $0x20, v2;
	v52 =	vshll.u32 v12, $0x4;
	v16 =	vld.idx.msk [tilespmem:v16+s12+$0x0], $0xffff  }
0x32b: {  	v61 =	vor.u32 $0x10, v60;
	v22 =	vor.u32 v1, v52;
	vm0 =	vlt.f32 v34, v5  }
0x32c: {  	v57 =	vor.u32 $0x4, v24;
	v21 =	vsel vm0, v51, v23;
	vm0 =	vlt.f32 v33, v38  }
0x32d: {  	v56 =	vshll.u32 v21, $0x4;
	v23 =	vld.idx.msk [tilespmem:v55+s12+$0x0], $0xffff;
	v24 =	vsel vm0, v57, v24;
	vm0 =	vlt.f32 v58, v39  }
0x32e: {  	v34 =	vadd.s32 v10, v56;
	v59 =	vshll.u32 v24, $0x4;
	v37 =	vsel vm0, v28, v29  }
0x32f: {  	v40 =	vsel vm0, v30, v31;
	v33 =	vsel vm0, v61, v60;
	vm0 =	vlt.f32 v16, v7  }
0x330: {  	v22 =	vld.idx.msk [tilespmem:v22+s12+$0x0], $0xffff;
	v35 =	vadd.s32 v10, v59;
	v62 =	vsel vm1, v37, v40;
	v63 =	vor.u32 $0x8, v33  }
0x331: {  	v13 =	vsel vm0, $0x1, v2;
	v37 =	vadd.s32 $0x2, v14;
	vm1 =	vlt.f32 v62, v39  }
0x332: {  	v15 =	vadd.s32 v13, v15;
	vm2 =	vlt.f32 v23, v6;
	v16 =	vsel vm1, v63, v33  }
0x333: {  	vm0 =	veq.s32 v15, $0x3F;
	v14 =	vsel vm2, v37, v14;
	v33 =	vshll.u32 v16, $0x4  }
0x334: {  	vm1 =	vlt.f32 v32, v7;
	v46 =	vshll.u32 v14, $0x4;
	v18 =	vor.u32 v8, v33  }
0x335: {  	v7 =	vld.idx.msk [tilespmem:v34+s12+$0x0], $0xffff;
	vm0 =	vmand vm1, vm0;
	vm1 =	vlt.f32 v22, v4;
	v22 =	vor.u32 v1, v46  }
0x336: {  	v45 =	vadd.s32 $0x2, v24;
	v40 =	vld [tilespmem:s20+$0xFFFFFF60];
	v15 =	vshll.u32 v15, $0x4  }
0x337: {  	v15 =	vor.u32 v1, v15;
	v33 =	vor.u32 $0x400, v1;
	v20 =	vsel vm1, $0x1, v2;
	v19 =	vld.idx.msk [tilespmem:v35+s12+$0x0], $0xffff  }
0x338: {  	v48 =	vor.u32 $0x4, v16;
	v0 =	vsel vm0, v33, v15;
	v15 =	vadd.s32 v20, v12  }
0x339: {  	vm1 =	vlt.f32 v32, v4;
	vm0 =	veq.s32 v15, $0x3F;
	v15 =	vshll.u32 v15, $0x4;
	v44 =	vld.idx.msk [tilespmem:v18+s12+$0x0], $0xffff  }
0x33a: {  	vm2 =	vlt.f32 v7, v5;
	v7 =	vadd.s32 $0x2, v21;
	vm0 =	vmand vm1, vm0;
	v22 =	vld.idx.msk [tilespmem:v22+s12+$0x0], $0xffff  }
0x33b: {  	v15 =	vor.u32 v1, v15;
	v21 =	vsel vm2, v7, v21;
	vm2 =	vlt.f32 v54, v40  }
0x33c: {  	[tilespmem:$0x1FDF0] =	vst v0;
	v0 =	vsel vm0, v33, v15;
	v7 =	vshll.u32 v21, $0x4;
	vm3 =	vlt.f32 v19, v38  }
0x33d: {  	v50 =	vsel vm2, $0x20, v2;
	v12 =	vsel vm3, v45, v24;
	v24 =	vor.u32 v1, v7;
	v7 =	vld [tilespmem:s20+$0xFFFFFF70]  }
0x33e: {  	v49 =	vsel vm2, v26, v27;
	v51 =	vor.u32 $0x10, v50;
	v47 =	vshll.u32 v12, $0x4  }
0x33f: {  	v23 =	vor.u32 v1, v47;
	vm3 =	vlt.f32 v44, v39;
	vm1 =	vlt.f32 v22, v6  }
0x340: {  	v16 =	vsel vm3, v48, v16;
	vm3 =	vlt.f32 v49, v40;
	v47 =	vsel vm1, $0x1, v2  }
0x341: {  	v52 =	vsel vm3, v28, v29;
	v53 =	vsel vm3, v30, v31;
	v41 =	vshll.u32 v16, $0x4  }
0x342: {  	v35 =	vsel vm3, v51, v50;
	vm3 =	vlt.f32 v54, v7;
	v14 =	vadd.s32 v47, v14  }
0x343: {  	v4 =	vld [tilespmem:s20+$0xFFFFFF80];
	v51 =	vadd.s32 $0x2, v16;
	v36 =	vsel vm2, v52, v53;
	v55 =	vor.u32 $0x8, v35  }
0x344: {  	v56 =	vadd.s32 v10, v41;
	v58 =	vsel vm3, v26, v27;
	v42 =	vsel vm3, $0x20, v2  }
0x345: {  	vm1 =	veq.s32 v14, $0x3F;
	v14 =	vshll.u32 v14, $0x4;
	vm2 =	vlt.f32 v36, v40  }
0x346: {  	v59 =	vor.u32 $0x10, v42;
	v57 =	vsel vm2, v55, v35;
	vm2 =	vlt.f32 v58, v7  }
0x347: {  	v36 =	vshll.u32 v57, $0x4;
	v43 =	vsel vm2, v28, v29;
	v44 =	vsel vm2, v30, v31  }
0x348: {  	v35 =	vsel vm2, v59, v42;
	vm2 =	vlt.f32 v54, v4;
	v60 =	vsel vm3, v43, v44  }
0x349: {  	v61 =	vor.u32 $0x8, v35;
	v62 =	vsel vm2, v26, v27;
	vm3 =	vlt.f32 v60, v7  }
0x34a: {  	v24 =	vld.idx.msk [tilespmem:v24+s12+$0x0], $0xffff;
	v17 =	vsel vm2, $0x20, v2;
	v63 =	vsel vm3, v61, v35;
	vm3 =	vlt.f32 v62, v4  }
0x34b: {  	v42 =	vld [tilespmem:s20+$0xFFFFFF90];
	v18 =	vor.u32 $0x10, v17;
	v43 =	vsel vm3, v28, v29;
	v45 =	vsel vm3, v30, v31  }
0x34c: {  	v36 =	vor.u32 v8, v36;
	v35 =	vsel vm3, v18, v17;
	v19 =	vsel vm2, v43, v45  }
0x34d: {  	v14 =	vor.u32 v1, v14;
	v34 =	vor.u32 $0x8, v35;
	vm2 =	vlt.f32 v19, v4  }
0x34e: {  	v52 =	vor.u32 $0x4, v57;
	v20 =	vshll.u32 v63, $0x4;
	v35 =	vsel vm2, v34, v35  }
0x34f: {  	v23 =	vld.idx.msk [tilespmem:v23+s12+$0x0], $0xffff;
	vm0 =	vlt.f32 v24, v5;
	v43 =	vor.u32 v8, v20;
	v46 =	vshll.u32 v35, $0x4  }
0x350: {  	v48 =	vld.idx.msk [tilespmem:v56+s12+$0x0], $0xffff;
	v53 =	vor.u32 $0x4, v63;
	vm3 =	vlt.f32 v54, v42;
	v22 =	vor.u32 v8, v46  }
0x351: {  	v24 =	vld.idx.msk [tilespmem:v36+s12+$0x0], $0xffff;
	v60 =	vsel vm3, $0x20, v2;
	vm2 =	vlt.f32 v32, v6;
	v6 =	vsel vm0, $0x1, v2  }
0x352: {  	v58 =	vsel vm3, v26, v27;
	v61 =	vor.u32 $0x10, v60;
	v6 =	vadd.s32 v6, v21  }
0x353: {  	vm0 =	vmand vm2, vm1;
	vm2 =	vlt.f32 v32, v5;
	vm1 =	veq.s32 v6, $0x3F  }
0x354: {  	[tilespmem:$0x1FE00] =	vst v0;
	v0 =	vsel vm0, v33, v14;
	v6 =	vshll.u32 v6, $0x4;
	v49 =	vld.idx.msk [tilespmem:v43+s12+$0x0], $0xffff;
	vm0 =	vmand vm2, vm1  }
0x355: {  	vm1 =	vlt.f32 v23, v38;
	vm2 =	vlt.f32 v48, v39;
	v6 =	vor.u32 v1, v6;
	v50 =	vld.idx.msk [tilespmem:v22+s12+$0x0], $0xffff  }
0x356: {  	v15 =	vsel vm2, v51, v16;
	vm2 =	vlt.f32 v24, v40;
	v51 =	vsel vm1, $0x1, v2  }
0x357: {  	[tilespmem:$0x1FE10] =	vst v0;
	v0 =	vsel vm0, v33, v6;
	vm1 =	vlt.f32 v32, v38;
	v16 =	vsel vm2, v52, v57  }
0x358: {  	v55 =	vshll.u32 v15, $0x4;
	v57 =	vor.u32 $0x4, v35;
	v12 =	vadd.s32 v51, v12  }
0x359: {  	v5 =	vld [tilespmem:s20+$0xFFFFFFA0];
	v56 =	vshll.u32 v16, $0x4;
	v21 =	vor.u32 v1, v55;
	vm2 =	vlt.f32 v49, v7  }
0x35a: {  	vm0 =	veq.s32 v12, $0x3F;
	v23 =	vsel vm2, v53, v63;
	vm2 =	vlt.f32 v50, v4  }
0x35b: {  	v22 =	vadd.s32 v10, v56;
	v24 =	vshll.u32 v23, $0x4;
	v14 =	vsel vm2, v57, v35  }
0x35c: {  	v24 =	vadd.s32 v10, v24;
	vm2 =	vlt.f32 v58, v42;
	v59 =	vshll.u32 v14, $0x4  }
0x35d: {  	v62 =	vsel vm2, v28, v29;
	v63 =	vsel vm2, v30, v31;
	v37 =	vsel vm2, v61, v60  }
0x35e: {  	vm2 =	vlt.f32 v54, v5;
	v13 =	vsel vm3, v62, v63;
	v17 =	vor.u32 $0x8, v37  }
0x35f: {  	v18 =	vsel vm2, v26, v27;
	v19 =	vsel vm2, $0x20, v2;
	vm3 =	vlt.f32 v13, v42  }
0x360: {  	v41 =	vadd.s32 v10, v59;
	v43 =	vsel vm3, v17, v37;
	vm3 =	vlt.f32 v18, v5  }
0x361: {  	v22 =	vld.idx.msk [tilespmem:v22+s12+$0x0], $0xffff;
	v34 =	vor.u32 $0x10, v19;
	v35 =	vsel vm3, v28, v29;
	v46 =	vsel vm3, v30, v31  }
0x362: {  	v12 =	vshll.u32 v12, $0x4;
	v21 =	vld.idx.msk [tilespmem:v21+s12+$0x0], $0xffff;
	v37 =	vsel vm3, v34, v19;
	v48 =	vsel vm2, v35, v46  }
0x363: {  	vm0 =	vmand vm1, vm0;
	v6 =	vld.idx.msk [tilespmem:v24+s12+$0x0], $0xffff;
	v50 =	vor.u32 $0x8, v37;
	vm2 =	vlt.f32 v48, v5  }
0x364: {  	v12 =	vor.u32 v1, v12;
	v49 =	vshll.u32 v43, $0x4;
	v44 =	vsel vm2, v50, v37  }
0x365: {  	v38 =	vsel vm0, v33, v12;
	v45 =	vor.u32 v8, v49;
	v52 =	vshll.u32 v44, $0x4  }
0x366: {  	v53 =	vadd.s32 $0x2, v16;
	vm1 =	vlt.f32 v22, v40;
	v41 =	vld.idx.msk [tilespmem:v41+s12+$0x0], $0xffff;
	v24 =	vor.u32 v8, v52  }
0x367: {  	v58 =	vadd.s32 $0x2, v14;
	v56 =	vsel vm1, v53, v16;
	v59 =	vor.u32 $0x4, v43  }
0x368: {  	vm2 =	vlt.f32 v21, v39;
	vm1 =	vlt.f32 v6, v7;
	v6 =	vadd.s32 $0x2, v23  }
0x369: {  	v16 =	vshll.u32 v56, $0x4;
	v21 =	vsel vm2, $0x1, v2;
	v23 =	vsel vm1, v6, v23;
	v6 =	vld [tilespmem:s20+$0xFFFFFFB0]  }
0x36a: {  	v16 =	vor.u32 v1, v16;
	vm2 =	vlt.f32 v32, v39;
	v15 =	vadd.s32 v21, v15;
	v55 =	vld.idx.msk [tilespmem:v45+s12+$0x0], $0xffff  }
0x36b: {  	v62 =	vor.u32 $0x4, v44;
	vm0 =	veq.s32 v15, $0x3F;
	vm1 =	vlt.f32 v41, v4;
	v57 =	vld.idx.msk [tilespmem:v24+s12+$0x0], $0xffff  }
0x36c: {  	v15 =	vshll.u32 v15, $0x4;
	v14 =	vsel vm1, v58, v14;
	v24 =	vshll.u32 v23, $0x4  }
0x36d: {  	vm0 =	vmand vm2, vm0;
	v39 =	vshll.u32 v14, $0x4;
	v24 =	vor.u32 v1, v24  }
0x36e: {  	v15 =	vor.u32 v1, v15;
	vm2 =	vlt.f32 v54, v6;
	v60 =	vor.u32 v1, v39  }
0x36f: {  	v16 =	vld.idx.msk [tilespmem:v16+s12+$0x0], $0xffff;
	v13 =	vsel vm2, v26, v27;
	v17 =	vsel vm2, $0x20, v2;
	vm1 =	vlt.f32 v55, v42  }
0x370: {  	v18 =	vor.u32 $0x10, v17;
	v22 =	vsel vm1, v59, v43;
	vm1 =	vlt.f32 v57, v5  }
0x371: {  	v61 =	vshll.u32 v22, $0x4;
	v55 =	vadd.s32 $0x2, v22;
	v21 =	vsel vm1, v62, v44  }
0x372: {  	v63 =	vadd.s32 v10, v61;
	vm1 =	vlt.f32 v13, v6;
	v24 =	vld.idx.msk [tilespmem:v24+s12+$0x0], $0xffff;
	v44 =	vshll.u32 v21, $0x4  }
0x373: {  	v19 =	vsel vm1, v28, v29;
	v47 =	vsel vm1, v30, v31;
	v39 =	vsel vm1, v18, v17  }
0x374: {  	v44 =	vadd.s32 v10, v44;
	v20 =	vsel vm2, v19, v47;
	vm2 =	vlt.f32 v16, v40  }
0x375: {  	v34 =	vor.u32 $0x8, v39;
	vm1 =	vlt.f32 v20, v6;
	v48 =	vsel vm2, $0x1, v2  }
0x376: {  	v41 =	vld.idx.msk [tilespmem:v60+s12+$0x0], $0xffff;
	vm2 =	vlt.f32 v32, v40;
	v35 =	vsel vm1, v34, v39;
	v39 =	vsel vm0, v33, v15  }
0x377: {  	v49 =	vld.idx.msk [tilespmem:v63+s12+$0x0], $0xffff;
	v12 =	vadd.s32 v48, v56;
	v45 =	vshll.u32 v35, $0x4;
	vm0 =	vlt.f32 v24, v7  }
0x378: {  	vm1 =	veq.s32 v12, $0x3F;
	v12 =	vshll.u32 v12, $0x4;
	v24 =	vor.u32 v8, v45  }
0x379: {  	v50 =	vsel vm0, $0x1, v2;
	vm0 =	vmand vm2, vm1;
	vm2 =	vlt.f32 v32, v7;
	v7 =	vld [tilespmem:s20+$0xFFFFFFC0]  }
0x37a: {  	v63 =	vor.u32 $0x4, v35;
	v12 =	vor.u32 v1, v12;
	v51 =	vld.idx.msk [tilespmem:v44+s12+$0x0], $0xffff;
	v23 =	vadd.s32 v50, v23  }
0x37b: {  	v40 =	vsel vm0, v33, v12;
	vm1 =	veq.s32 v23, $0x3F;
	v52 =	vshll.u32 v23, $0x4  }
0x37c: {  	vm0 =	vmand vm2, vm1;
	vm1 =	vlt.f32 v41, v4;
	vm2 =	vlt.f32 v49, v42  }
0x37d: {  	v12 =	vor.u32 v1, v52;
	v43 =	vsel vm1, $0x1, v2;
	v22 =	vsel vm2, v55, v22  }
0x37e: {  	v41 =	vsel vm0, v33, v12;
	v53 =	vld.idx.msk [tilespmem:v24+s12+$0x0], $0xffff;
	v24 =	vadd.s32 $0x2, v21;
	v56 =	vshll.u32 v22, $0x4  }
0x37f: {  	v55 =	vld [tilespmem:s20+$0xFFFFFFE0];
	vm1 =	vlt.f32 v54, v7;
	vm3 =	vlt.f32 v51, v5;
	v57 =	vor.u32 v1, v56  }
0x380: {  	v58 =	vsel vm1, v26, v27;
	v59 =	vsel vm1, $0x20, v2;
	v23 =	vsel vm3, v24, v21  }
0x381: {  	v21 =	vld [tilespmem:s20+$0xFFFFFFD0];
	vm3 =	vlt.f32 v58, v7;
	v60 =	vor.u32 $0x10, v59;
	v24 =	vshll.u32 v23, $0x4  }
0x382: {  	v61 =	vsel vm3, v28, v29;
	v62 =	vsel vm3, v30, v31;
	v15 =	vsel vm3, v60, v59  }
0x383: {  	v24 =	vor.u32 v1, v24;
	v13 =	vsel vm1, v61, v62;
	v18 =	vor.u32 $0x8, v15  }
0x384: {  	vm4 =	vlt.f32 v32, v55;
	vm2 =	vlt.f32 v53, v6;
	vm1 =	vlt.f32 v13, v7  }
0x385: {  	v16 =	vsel vm2, v63, v35;
	v15 =	vsel vm1, v18, v15;
	v63 =	vadd.s32 v43, v14  }
0x386: {  	v19 =	vshll.u32 v16, $0x4;
	vm1 =	vlt.f32 v54, v21;
	v34 =	vshll.u32 v15, $0x4  }
0x387: {  	vm0 =	veq.s32 v63, $0x3F;
	v12 =	vshll.u32 v63, $0x4;
	v20 =	vadd.s32 v10, v19  }
0x388: {  	v35 =	vsel vm1, v26, v27;
	v45 =	vor.u32 v8, v34;
	v36 =	vsel vm1, $0x20, v2  }
0x389: {  	v12 =	vor.u32 v1, v12;
	vm2 =	vlt.f32 v35, v21;
	v37 =	vor.u32 $0x10, v36  }
0x38a: {  	v48 =	vsel vm2, v28, v29;
	v49 =	vsel vm2, v30, v31;
	v46 =	vsel vm2, v37, v36  }
0x38b: {  	v52 =	vsel vm1, v48, v49;
	vm1 =	vlt.f32 v54, v55;
	v53 =	vor.u32 $0x8, v46  }
0x38c: {  	vm2 =	vlt.f32 v52, v21;
	v56 =	vsel vm1, v26, v27;
	v58 =	vsel vm1, $0x20, v2  }
0x38d: {  	v57 =	vld.idx.msk [tilespmem:v57+s12+$0x0], $0xffff;
	v46 =	vsel vm2, v53, v46;
	vm2 =	vlt.f32 v56, v55;
	v59 =	vor.u32 $0x10, v58  }
0x38e: {  	v48 =	vsel vm2, v28, v29;
	v50 =	vsel vm2, v30, v31;
	v51 =	vshll.u32 v46, $0x4  }
0x38f: {  	v47 =	vsel vm2, v59, v58;
	v60 =	vsel vm1, v48, v50;
	v61 =	vor.u32 v8, v51  }
0x390: {  	v17 =	vld.idx.msk [tilespmem:v24+s12+$0x0], $0xffff;
	v36 =	vadd.s32 $0x2, v16;
	v62 =	vor.u32 $0x8, v47;
	vm1 =	vlt.f32 v60, v55  }
0x391: {  	v49 =	vor.u32 $0x4, v15;
	v18 =	vld.idx.msk [tilespmem:v20+s12+$0x0], $0xffff;
	vm2 =	vlt.f32 v32, v4;
	v24 =	vsel vm1, v62, v47  }
0x392: {  	v34 =	vld.idx.msk [tilespmem:v45+s12+$0x0], $0xffff;
	vm0 =	vmand vm2, vm0;
	vm1 =	vlt.f32 v57, v42;
	v19 =	vshll.u32 v24, $0x4  }
0x393: {  	vm2 =	vlt.f32 v32, v42;
	v20 =	vsel vm1, $0x1, v2;
	v44 =	vor.u32 v8, v19  }
0x394: {  	v50 =	vor.u32 $0x4, v46;
	v42 =	vsel vm0, v33, v12;
	v4 =	vadd.s32 v20, v22;
	v35 =	vld.idx.msk [tilespmem:v61+s12+$0x0], $0xffff  }
0x395: {  	v48 =	vld [tilespmem:s20+$0xFFFFFFF0];
	v56 =	vor.u32 $0x4, v24;
	vm1 =	veq.s32 v4, $0x3F;
	v4 =	vshll.u32 v4, $0x4  }
0x396: {  	vm0 =	vmand vm2, vm1;
	vm1 =	vlt.f32 v17, v5;
	vm2 =	vlt.f32 v18, v6  }
0x397: {  	v14 =	vsel vm1, $0x1, v2;
	v12 =	vsel vm2, v36, v16;
	vm1 =	vlt.f32 v34, v7  }
0x398: {  	v4 =	vor.u32 v1, v4;
	v47 =	vshll.u32 v12, $0x4;
	v15 =	vsel vm1, v49, v15;
	v37 =	vld.idx.msk [tilespmem:v44+s12+$0x0], $0xffff  }
0x399: {  	v43 =	vor.u32 v1, v47;
	v51 =	vshll.u32 v15, $0x4;
	vm1 =	vlt.f32 v35, v21  }
0x39a: {  	v47 =	vld [tilespmem:s20+$0x0];
	v44 =	vadd.s32 v10, v51;
	v22 =	vsel vm1, v50, v46;
	vm1 =	vlt.f32 v54, v48  }
0x39b: {  	v52 =	vshll.u32 v22, $0x4;
	v53 =	vsel vm1, v26, v27;
	v57 =	vsel vm1, $0x20, v2  }
0x39c: {  	v45 =	vadd.s32 v10, v52;
	vm3 =	vlt.f32 v53, v48;
	v58 =	vor.u32 $0x10, v57  }
0x39d: {  	vm2 =	vlt.f32 v37, v55;
	v59 =	vsel vm3, v28, v29;
	v60 =	vsel vm3, v30, v31  }
0x39e: {  	v16 =	vsel vm3, v58, v57;
	v24 =	vsel vm2, v56, v24;
	v61 =	vsel vm1, v59, v60  }
0x39f: {  	v62 =	vor.u32 $0x8, v16;
	vm2 =	vlt.f32 v54, v47;
	vm1 =	vlt.f32 v61, v48  }
0x3a0: {  	v63 =	vshll.u32 v24, $0x4;
	v13 =	vsel vm2, v26, v27;
	v18 =	vsel vm2, $0x20, v2  }
0x3a1: {  	v16 =	vsel vm1, v62, v16;
	vm1 =	vlt.f32 v13, v47;
	v34 =	vor.u32 $0x10, v18  }
0x3a2: {  	v49 =	vadd.s32 v10, v63;
	v52 =	vsel vm1, v28, v29;
	v53 =	vsel vm1, v30, v31  }
0x3a3: {  	v19 =	vld.idx.msk [tilespmem:v43+s12+$0x0], $0xffff;
	v17 =	vshll.u32 v16, $0x4;
	v51 =	vsel vm1, v34, v18;
	v35 =	vsel vm2, v52, v53  }
0x3a4: {  	v50 =	vor.u32 v8, v17;
	v36 =	vor.u32 $0x8, v51;
	vm1 =	vlt.f32 v35, v47  }
0x3a5: {  	v43 =	vsel vm0, v33, v4;
	v37 =	vadd.s32 v14, v23;
	v44 =	vld.idx.msk [tilespmem:v44+s12+$0x0], $0xffff;
	v52 =	vsel vm1, v36, v51  }
0x3a6: {  	vm0 =	veq.s32 v37, $0x3F;
	v4 =	vshll.u32 v37, $0x4;
	v56 =	vshll.u32 v52, $0x4  }
0x3a7: {  	v59 =	vadd.s32 $0x2, v15;
	v4 =	vor.u32 v1, v4;
	v53 =	vld.idx.msk [tilespmem:v45+s12+$0x0], $0xffff;
	v23 =	vor.u32 v8, v56  }
0x3a8: {  	v61 =	vadd.s32 $0x2, v22;
	v13 =	vadd.s32 $0x2, v24;
	vm2 =	vlt.f32 v19, v6;
	v60 =	vld.idx.msk [tilespmem:v49+s12+$0x0], $0xffff  }
0x3a9: {  	v63 =	vor.u32 $0x4, v16;
	v57 =	vsel vm2, $0x1, v2;
	vm1 =	vlt.f32 v32, v5;
	v58 =	vld.idx.msk [tilespmem:v50+s12+$0x0], $0xffff  }
0x3aa: {  	v12 =	vadd.s32 v57, v12;
	vm0 =	vmand vm1, vm0;
	vm1 =	vlt.f32 v44, v7  }
0x3ab: {  	v49 =	vld [tilespmem:s20+$0x10];
	v35 =	vor.u32 $0x4, v52;
	v44 =	vsel vm0, v33, v4;
	v4 =	vsel vm1, v59, v15  }
0x3ac: {  	vm0 =	veq.s32 v12, $0x3F;
	v15 =	vshll.u32 v4, $0x4;
	vm2 =	vlt.f32 v53, v21;
	v62 =	vld.idx.msk [tilespmem:v23+s12+$0x0], $0xffff  }
0x3ad: {  	vm1 =	vlt.f32 v32, v6;
	v6 =	vor.u32 v1, v15;
	v15 =	vsel vm2, v61, v22  }
0x3ae: {  	v5 =	vshll.u32 v15, $0x4;
	vm3 =	vlt.f32 v60, v55;
	vm2 =	vlt.f32 v58, v48  }
0x3af: {  	v34 =	vor.u32 v1, v5;
	v5 =	vsel vm3, v13, v24;
	v16 =	vsel vm2, v63, v16  }
0x3b0: {  	v45 =	vshll.u32 v5, $0x4;
	vm2 =	vlt.f32 v54, v49;
	v24 =	vshll.u32 v16, $0x4  }
0x3b1: {  	v36 =	vsel vm2, v26, v27;
	v37 =	vsel vm2, $0x20, v2;
	vm3 =	vlt.f32 v62, v47  }
0x3b2: {  	v6 =	vld.idx.msk [tilespmem:v6+s12+$0x0], $0xffff;
	v24 =	vadd.s32 v10, v24;
	v14 =	vsel vm3, v35, v52;
	vm3 =	vlt.f32 v36, v49  }
0x3b3: {  	v56 =	vor.u32 $0x10, v37;
	v57 =	vsel vm3, v28, v29;
	v58 =	vsel vm3, v30, v31  }
0x3b4: {  	v59 =	vshll.u32 v14, $0x4;
	v22 =	vsel vm3, v56, v37;
	v60 =	vsel vm2, v57, v58  }
0x3b5: {  	v23 =	vld.idx.msk [tilespmem:v34+s12+$0x0], $0xffff;
	v61 =	vadd.s32 v10, v59;
	v62 =	vor.u32 $0x8, v22;
	vm2 =	vlt.f32 v60, v49  }
0x3b6: {  	v12 =	vshll.u32 v12, $0x4;
	v63 =	vor.u32 v1, v45;
	v22 =	vsel vm2, v62, v22  }
0x3b7: {  	vm0 =	vmand vm1, vm0;
	vm1 =	vlt.f32 v6, v7;
	v6 =	vshll.u32 v22, $0x4  }
0x3b8: {  	v12 =	vor.u32 v1, v12;
	v17 =	vsel vm1, $0x1, v2;
	v6 =	vor.u32 v8, v6  }
0x3b9: {  	v45 =	vsel vm0, v33, v12;
	v34 =	vadd.s32 $0x2, v16;
	v4 =	vadd.s32 v17, v4;
	v18 =	vld.idx.msk [tilespmem:v24+s12+$0x0], $0xffff  }
0x3ba: {  	v35 =	vadd.s32 $0x2, v14;
	vm0 =	vlt.f32 v23, v21;
	vm1 =	veq.s32 v4, $0x3F;
	v19 =	vld.idx.msk [tilespmem:v61+s12+$0x0], $0xffff  }
0x3bb: {  	v20 =	vld.idx.msk [tilespmem:v63+s12+$0x0], $0xffff;
	vm2 =	vlt.f32 v32, v7;
	v7 =	vsel vm0, $0x1, v2;
	v4 =	vshll.u32 v4, $0x4  }
0x3bc: {  	v52 =	vld [tilespmem:s20+$0x20];
	vm0 =	vmand vm2, vm1;
	v7 =	vadd.s32 v7, v15;
	v4 =	vor.u32 v1, v4  }
0x3bd: {  	vm2 =	vlt.f32 v32, v21;
	vm1 =	veq.s32 v7, $0x3F;
	v46 =	vsel vm0, v33, v4;
	v6 =	vld.idx.msk [tilespmem:v6+s12+$0x0], $0xffff  }
0x3be: {  	v21 =	vshll.u32 v7, $0x4;
	vm3 =	vmand vm2, vm1;
	vm0 =	vlt.f32 v18, v48  }
0x3bf: {  	v37 =	vor.u32 v1, v21;
	v7 =	vsel vm0, v34, v16;
	vm1 =	vlt.f32 v19, v47  }
0x3c0: {  	vm0 =	vlt.f32 v20, v55;
	v36 =	vshll.u32 v7, $0x4;
	v35 =	vsel vm1, v35, v14  }
0x3c1: {  	v53 =	vld [tilespmem:s20+$0x30];
	v12 =	vor.u32 v1, v36;
	vm1 =	vlt.f32 v54, v52;
	v14 =	vshll.u32 v35, $0x4  }
0x3c2: {  	v50 =	vsel vm1, v26, v27;
	vm2 =	vlt.f32 v6, v49;
	v6 =	vor.u32 $0x4, v22  }
0x3c3: {  	v14 =	vor.u32 v1, v14;
	v16 =	vsel vm2, v6, v22;
	vm2 =	vlt.f32 v50, v52  }
0x3c4: {  	v6 =	vsel vm1, $0x20, v2;
	v15 =	vsel vm2, v28, v29;
	v51 =	vsel vm2, v30, v31  }
0x3c5: {  	v22 =	vshll.u32 v16, $0x4;
	v56 =	vor.u32 $0x10, v6;
	v15 =	vsel vm1, v15, v51;
	v51 =	vld [tilespmem:s20+$0x40]  }
0x3c6: {  	v6 =	vsel vm2, v56, v6;
	vm2 =	vlt.f32 v54, v53;
	vm1 =	vlt.f32 v15, v52  }
0x3c7: {  	v57 =	vor.u32 $0x8, v6;
	v58 =	vsel vm2, $0x20, v2;
	v59 =	vsel vm2, v26, v27  }
0x3c8: {  	v15 =	vsel vm1, v57, v6;
	vm1 =	vlt.f32 v59, v53;
	v6 =	vor.u32 $0x10, v58  }
0x3c9: {  	v22 =	vadd.s32 v10, v22;
	v60 =	vshll.u32 v15, $0x4;
	v6 =	vsel vm1, v6, v58  }
0x3ca: {  	v61 =	vsel vm1, v28, v29;
	v24 =	vsel vm1, v30, v31;
	vm1 =	vlt.f32 v54, v51  }
0x3cb: {  	v34 =	vld [tilespmem:s20+$0x50];
	v23 =	vor.u32 v8, v60;
	v21 =	vsel vm2, v61, v24;
	v56 =	vsel vm1, v26, v27  }
0x3cc: {  	v4 =	vor.u32 $0x8, v6;
	v62 =	vsel vm1, $0x20, v2;
	vm2 =	vlt.f32 v56, v51  }
0x3cd: {  	v24 =	vor.u32 $0x10, v62;
	v63 =	vsel vm2, v28, v29;
	v56 =	vsel vm2, v30, v31  }
0x3ce: {  	v24 =	vsel vm2, v24, v62;
	vm2 =	vlt.f32 v21, v53;
	v50 =	vsel vm1, v63, v56  }
0x3cf: {  	v56 =	vsel vm2, v4, v6;
	v6 =	vor.u32 $0x8, v24;
	vm1 =	vlt.f32 v50, v51;
	v50 =	vld [tilespmem:s20+$0x60]  }
0x3d0: {  	v21 =	vshll.u32 v56, $0x4;
	v58 =	vsel vm1, v6, v24;
	vm1 =	vlt.f32 v54, v34  }
0x3d1: {  	v21 =	vor.u32 v8, v21;
	v6 =	vshll.u32 v58, $0x4;
	v24 =	vsel vm1, v26, v27  }
0x3d2: {  	v57 =	vor.u32 v8, v6;
	v6 =	vsel vm1, $0x20, v2;
	vm2 =	vlt.f32 v24, v34  }
0x3d3: {  	v24 =	vor.u32 $0x10, v6;
	v59 =	vsel vm2, v28, v29;
	v61 =	vsel vm2, v30, v31  }
0x3d4: {  	v6 =	vsel vm2, v24, v6;
	v24 =	vsel vm1, v59, v61;
	vm1 =	vlt.f32 v54, v50  }
0x3d5: {  	v12 =	vld.idx.msk [tilespmem:v12+s12+$0x0], $0xffff;
	vm2 =	vlt.f32 v24, v34;
	v24 =	vor.u32 $0x8, v6;
	v13 =	vsel vm1, v26, v27  }
0x3d6: {  	v61 =	vsel vm2, v24, v6;
	v6 =	vsel vm1, $0x20, v2;
	vm2 =	vlt.f32 v13, v50  }
0x3d7: {  	v14 =	vld.idx.msk [tilespmem:v14+s12+$0x0], $0xffff;
	v24 =	vor.u32 $0x10, v6;
	v59 =	vsel vm2, v28, v29;
	v62 =	vsel vm2, v30, v31  }
0x3d8: {  	v22 =	vld.idx.msk [tilespmem:v22+s12+$0x0], $0xffff;
	v63 =	vshll.u32 v61, $0x4;
	v6 =	vsel vm2, v24, v6;
	v24 =	vsel vm1, v59, v62  }
0x3d9: {  	v23 =	vld.idx.msk [tilespmem:v23+s12+$0x0], $0xffff;
	v59 =	vor.u32 v8, v63;
	vm1 =	vlt.f32 v24, v50;
	v24 =	vor.u32 $0x8, v6  }
0x3da: {  	v17 =	vsel vm0, $0x1, v2;
	vm0 =	vlt.f32 v12, v48;
	v12 =	vsel vm1, v24, v6  }
0x3db: {  	v55 =	vadd.s32 $0x2, v16;
	v18 =	vsel vm0, $0x1, v2;
	v62 =	vld.idx.msk [tilespmem:v21+s12+$0x0], $0xffff;
	v19 =	vshll.u32 v12, $0x4  }
0x3dc: {  	v36 =	vadd.s32 v18, v7;
	vm0 =	vlt.f32 v14, v47;
	v7 =	vor.u32 v8, v19  }
0x3dd: {  	v4 =	vor.u32 $0x4, v58;
	v63 =	vor.u32 $0x4, v56;
	vm1 =	vlt.f32 v22, v49;
	v22 =	vld.idx.msk [tilespmem:v57+s12+$0x0], $0xffff  }
0x3de: {  	v57 =	vor.u32 $0x4, v15;
	v21 =	vsel vm1, v55, v16;
	vm1 =	vlt.f32 v23, v52;
	v16 =	vld.idx.msk [tilespmem:v59+s12+$0x0], $0xffff  }
0x3df: {  	v6 =	vadd.s32 v17, v5;
	v24 =	vsel vm0, $0x1, v2;
	v14 =	vsel vm1, v57, v15;
	v57 =	vld [tilespmem:s20+$0x70]  }
0x3e0: {  	v5 =	vor.u32 $0x4, v61;
	v60 =	vshll.u32 v21, $0x4;
	vm0 =	vlt.f32 v62, v53  }
0x3e1: {  	v15 =	vshll.u32 v14, $0x4;
	v23 =	vor.u32 v1, v60;
	v62 =	vsel vm0, v63, v56;
	v7 =	vld.idx.msk [tilespmem:v7+s12+$0x0], $0xffff  }
0x3e2: {  	v15 =	vadd.s32 v10, v15;
	v55 =	vshll.u32 v62, $0x4;
	vm0 =	vlt.f32 v22, v51  }
0x3e3: {  	v22 =	vsel vm0, v4, v58;
	v63 =	vadd.s32 v10, v55;
	vm0 =	vlt.f32 v16, v34  }
0x3e4: {  	v55 =	vld [tilespmem:s20+$0x80];
	v13 =	vshll.u32 v22, $0x4;
	v16 =	vsel vm0, v5, v61;
	vm0 =	vlt.f32 v54, v57  }
0x3e5: {  	v61 =	vadd.s32 v10, v13;
	v17 =	vshll.u32 v16, $0x4;
	v20 =	vsel vm0, v26, v27  }
0x3e6: {  	v60 =	vsel vm0, $0x20, v2;
	vm1 =	vlt.f32 v7, v50;
	v7 =	vor.u32 $0x4, v12  }
0x3e7: {  	v4 =	vor.u32 $0x10, v60;
	v7 =	vsel vm1, v7, v12;
	vm1 =	vlt.f32 v20, v57  }
0x3e8: {  	v58 =	vld [tilespmem:s20+$0x90];
	v17 =	vadd.s32 v10, v17;
	v5 =	vsel vm1, v28, v29;
	v18 =	vsel vm1, v30, v31  }
0x3e9: {  	v12 =	vsel vm1, v4, v60;
	v18 =	vsel vm0, v5, v18;
	vm0 =	vlt.f32 v54, v55  }
0x3ea: {  	v13 =	vor.u32 $0x8, v12;
	vm1 =	vlt.f32 v18, v57;
	v60 =	vsel vm0, v26, v27  }
0x3eb: {  	v4 =	vsel vm0, $0x20, v2;
	v18 =	vsel vm1, v13, v12;
	vm1 =	vlt.f32 v60, v55  }
0x3ec: {  	v59 =	vld [tilespmem:s20+$0xA0];
	v5 =	vor.u32 $0x10, v4;
	v19 =	vsel vm1, v28, v29;
	v20 =	vsel vm1, v30, v31  }
0x3ed: {  	v12 =	vsel vm1, v5, v4;
	v19 =	vsel vm0, v19, v20;
	vm0 =	vlt.f32 v54, v58  }
0x3ee: {  	v13 =	vor.u32 $0x8, v12;
	vm1 =	vlt.f32 v19, v55;
	v56 =	vsel vm0, v26, v27  }
0x3ef: {  	v60 =	vsel vm0, $0x20, v2;
	v19 =	vsel vm1, v13, v12;
	vm1 =	vlt.f32 v56, v58  }
0x3f0: {  	v4 =	vor.u32 $0x10, v60;
	v56 =	vld [tilespmem:s20+$0xB0];
	v5 =	vsel vm1, v28, v29;
	v11 =	vsel vm1, v30, v31  }
0x3f1: {  	v12 =	vsel vm1, v4, v60;
	v11 =	vsel vm0, v5, v11;
	vm0 =	vlt.f32 v54, v59  }
0x3f2: {  	vm1 =	vlt.f32 v11, v58;
	v11 =	vor.u32 $0x8, v12;
	v13 =	vsel vm0, v26, v27  }
0x3f3: {  	v60 =	vsel vm0, $0x20, v2;
	v11 =	vsel vm1, v11, v12;
	vm1 =	vlt.f32 v13, v59  }
0x3f4: {  	v9 =	vshll.u32 v19, $0x4;
	v3 =	vor.u32 $0x10, v60;
	v20 =	vsel vm1, v28, v29  }
0x3f5: {  	[tilespmem:$0x1FE20] =	vst v0;
	v0 =	vsel vm1, v30, v31;
	v3 =	vsel vm1, v3, v60;
	vm1 =	vlt.f32 v54, v56  }
0x3f6: {  	v15 =	vld.idx.msk [tilespmem:v15+s12+$0x0], $0xffff;
	v13 =	vshll.u32 v7, $0x4;
	v0 =	vsel vm0, v20, v0;
	v60 =	vsel vm1, $0x20, v2  }
0x3f7: {  	v4 =	vsel vm1, v26, v27;
	vm0 =	vlt.f32 v0, v59;
	v0 =	vor.u32 $0x8, v3  }
0x3f8: {  	v0 =	vsel vm0, v0, v3;
	vm0 =	vlt.f32 v4, v56;
	v3 =	vor.u32 $0x10, v60  }
0x3f9: {  	v9 =	vor.u32 v8, v9;
	v13 =	vadd.s32 v10, v13;
	v3 =	vsel vm0, v3, v60  }
0x3fa: {  	v63 =	vld.idx.msk [tilespmem:v63+s12+$0x0], $0xffff;
	v5 =	vsel vm0, v28, v29;
	v20 =	vsel vm0, v30, v31;
	v60 =	vshll.u32 v18, $0x4  }
0x3fb: {  	v23 =	vld.idx.msk [tilespmem:v23+s12+$0x0], $0xffff;
	vm0 =	vlt.f32 v15, v52;
	v4 =	vshll.u32 v0, $0x4;
	v15 =	vor.u32 v8, v60  }
0x3fc: {  	v12 =	vsel vm1, v5, v20;
	v20 =	vld.idx.msk [tilespmem:v61+s12+$0x0], $0xffff;
	v61 =	vor.u32 v8, v4  }
0x3fd: {  	v17 =	vld.idx.msk [tilespmem:v17+s12+$0x0], $0xffff;
	v25 =	vshll.u32 v11, $0x4;
	v5 =	vor.u32 $0x8, v3;
	vm1 =	vlt.f32 v12, v56  }
0x3fe: {  	v25 =	vor.u32 v8, v25;
	v60 =	vadd.s32 $0x2, v14;
	v13 =	vld.idx.msk [tilespmem:v13+s12+$0x0], $0xffff;
	v3 =	vsel vm1, v5, v3  }
0x3ff: {  	v14 =	vsel vm0, v60, v14;
	vm0 =	vlt.f32 v63, v53;
	v63 =	vld.idx.msk [tilespmem:v9+s12+$0x0], $0xffff;
	v12 =	vshll.u32 v3, $0x4  }
0x400: {  	vm1 =	vlt.f32 v23, v49;
	v5 =	vadd.s32 $0x2, v62;
	v12 =	vor.u32 v8, v12;
	v15 =	vld.idx.msk [tilespmem:v15+s12+$0x0], $0xffff  }
0x401: {  	v4 =	vshll.u32 v14, $0x4;
	v9 =	vsel vm0, v5, v62;
	vm0 =	vlt.f32 v20, v51;
	v20 =	vld.idx.msk [tilespmem:v61+s12+$0x0], $0xffff  }
0x402: {  	v60 =	vsel vm1, $0x1, v2;
	v4 =	vor.u32 v1, v4;
	v62 =	vadd.s32 $0x2, v22  }
0x403: {  	v25 =	vld.idx.msk [tilespmem:v25+s12+$0x0], $0xffff;
	v5 =	vadd.s32 $0x2, v16;
	v22 =	vsel vm0, v62, v22;
	vm0 =	vlt.f32 v17, v34  }
0x404: {  	v17 =	vadd.s32 $0x2, v7;
	v62 =	vld [tilespmem:s20+$0xC0];
	v23 =	vsel vm0, v5, v16;
	vm0 =	vlt.f32 v13, v50  }
0x405: {  	v61 =	vor.u32 $0x4, v18;
	v5 =	vor.u32 $0x4, v0;
	v7 =	vsel vm0, v17, v7;
	v12 =	vld.idx.msk [tilespmem:v12+s12+$0x0], $0xffff  }
0x406: {  	v17 =	vor.u32 $0x4, v11;
	vm0 =	vlt.f32 v15, v57;
	vm1 =	vlt.f32 v20, v59  }
0x407: {  	v13 =	vsel vm0, v61, v18;
	vm0 =	vlt.f32 v63, v55;
	v63 =	vor.u32 $0x4, v19  }
0x408: {  	v16 =	vshll.u32 v13, $0x4;
	v15 =	vsel vm0, v63, v19;
	vm0 =	vlt.f32 v25, v58;
	v63 =	vld [tilespmem:s20+$0xD0]  }
0x409: {  	v11 =	vsel vm0, v17, v11;
	v17 =	vsel vm1, v5, v0;
	vm0 =	vlt.f32 v54, v62  }
0x40a: {  	v0 =	vor.u32 $0x4, v3;
	vm1 =	vlt.f32 v12, v56;
	v20 =	vsel vm0, v26, v27  }
0x40b: {  	v3 =	vsel vm1, v0, v3;
	v0 =	vsel vm0, $0x20, v2;
	vm1 =	vlt.f32 v20, v62  }
0x40c: {  	v12 =	vor.u32 $0x10, v0;
	v61 =	vsel vm1, v28, v29;
	v5 =	vsel vm1, v30, v31  }
0x40d: {  	v0 =	vsel vm1, v12, v0;
	v20 =	vsel vm0, v61, v5;
	vm0 =	vlt.f32 v54, v63;
	v61 =	vld [tilespmem:s20+$0xE0]  }
0x40e: {  	vm1 =	vlt.f32 v20, v62;
	v12 =	vor.u32 $0x8, v0;
	v5 =	vsel vm0, v26, v27  }
0x40f: {  	v16 =	vadd.s32 v10, v16;
	v12 =	vsel vm1, v12, v0;
	vm1 =	vlt.f32 v5, v63  }
0x410: {  	v0 =	vsel vm0, $0x20, v2;
	v18 =	vsel vm1, v28, v29;
	v5 =	vsel vm1, v30, v31  }
0x411: {  	v20 =	vshll.u32 v15, $0x4;
	v25 =	vor.u32 $0x10, v0;
	v18 =	vsel vm0, v18, v5  }
0x412: {  	v0 =	vsel vm1, v25, v0;
	vm0 =	vlt.f32 v18, v63;
	vm1 =	vlt.f32 v54, v61  }
0x413: {  	v18 =	vor.u32 $0x8, v0;
	v5 =	vsel vm1, $0x20, v2;
	v25 =	vsel vm1, v26, v27  }
0x414: {  	v18 =	vsel vm0, v18, v0;
	vm0 =	vlt.f32 v25, v61;
	v0 =	vor.u32 $0x10, v5  }
0x415: {  	v0 =	vsel vm0, v0, v5;
	v5 =	vsel vm0, v28, v29;
	v25 =	vsel vm0, v30, v31  }
0x416: {  	v37 =	vsel vm3, v33, v37;
	v20 =	vadd.s32 v10, v20;
	v19 =	vsel vm1, v5, v25  }
0x417: {  	v16 =	vld.idx.msk [tilespmem:v16+s12+$0x0], $0xffff;
	v25 =	vshll.u32 v11, $0x4;
	vm1 =	vlt.f32 v19, v61;
	v19 =	vor.u32 $0x8, v0  }
0x418: {  	v4 =	vld.idx.msk [tilespmem:v4+s12+$0x0], $0xffff;
	v25 =	vadd.s32 v10, v25;
	v19 =	vsel vm1, v19, v0;
	v0 =	vshll.u32 v17, $0x4  }
0x419: {  	vm2 =	vlt.f32 v32, v48;
	v5 =	vshll.u32 v12, $0x4;
	v0 =	vadd.s32 v10, v0  }
0x41a: {  	v35 =	vadd.s32 v24, v35;
	v24 =	vshll.u32 v3, $0x4;
	v48 =	vor.u32 v8, v5  }
0x41b: {  	v60 =	vadd.s32 v60, v21;
	v21 =	vadd.s32 v10, v24;
	v24 =	vshll.u32 v18, $0x4  }
0x41c: {  	vm3 =	vlt.f32 v16, v57;
	v20 =	vld.idx.msk [tilespmem:v20+s12+$0x0], $0xffff;
	vm0 =	veq.s32 v6, $0x3F;
	v24 =	vor.u32 v8, v24  }
0x41d: {  	v6 =	vshll.u32 v6, $0x4;
	vm1 =	vlt.f32 v4, v52;
	v4 =	vld.idx.msk [tilespmem:v25+s12+$0x0], $0xffff;
	v25 =	vshll.u32 v19, $0x4  }
0x41e: {  	vm0 =	vmand vm4, vm0;
	v6 =	vor.u32 v1, v6;
	v25 =	vor.u32 v8, v25;
	v0 =	vld.idx.msk [tilespmem:v0+s12+$0x0], $0xffff  }
0x41f: {  	v6 =	vsel vm0, v33, v6;
	vm0 =	veq.s32 v36, $0x3F;
	v5 =	vadd.s32 $0x2, v13;
	v48 =	vld.idx.msk [tilespmem:v48+s12+$0x0], $0xffff  }
0x420: {  	v16 =	vld.idx.msk [tilespmem:v21+s12+$0x0], $0xffff;
	vm0 =	vmand vm2, vm0;
	v5 =	vsel vm3, v5, v13;
	v13 =	vshll.u32 v9, $0x4  }
0x421: {  	v21 =	vor.u32 v1, v13;
	vm2 =	vlt.f32 v20, v55;
	v13 =	vadd.s32 $0x2, v15;
	v20 =	vld.idx.msk [tilespmem:v24+s12+$0x0], $0xffff  }
0x422: {  	v13 =	vsel vm2, v13, v15;
	v15 =	vadd.s32 $0x2, v11;
	vm2 =	vlt.f32 v4, v58  }
0x423: {  	v15 =	vsel vm2, v15, v11;
	v11 =	vld.idx.msk [tilespmem:v25+s12+$0x0], $0xffff;
	vm2 =	vlt.f32 v0, v59;
	v0 =	vadd.s32 $0x2, v17  }
0x424: {  	v24 =	vsel vm2, v0, v17;
	vm2 =	vlt.f32 v48, v62;
	v0 =	vor.u32 $0x4, v12  }
0x425: {  	vm3 =	vlt.f32 v16, v56;
	v4 =	vld [tilespmem:s20+$0xF0];
	v0 =	vsel vm2, v0, v12  }
0x426: {  	v48 =	vor.u32 $0x4, v18;
	vm2 =	vlt.f32 v20, v63;
	v12 =	vshll.u32 v0, $0x4  }
0x427: {  	v16 =	vadd.s32 $0x2, v3;
	v17 =	vsel vm2, v48, v18;
	v12 =	vadd.s32 v10, v12  }
0x428: {  	v20 =	vshll.u32 v17, $0x4;
	vm2 =	vlt.f32 v11, v61;
	v11 =	vor.u32 $0x4, v19  }
0x429: {  	v3 =	vsel vm3, v16, v3;
	v16 =	vadd.s32 v10, v20;
	v11 =	vsel vm2, v11, v19  }
0x42a: {  	v25 =	vsel vm1, $0x1, v2;
	vm3 =	vlt.f32 v54, v4;
	v18 =	vshll.u32 v11, $0x4  }
0x42b: {  	v48 =	vsel vm3, v26, v27;
	v19 =	vsel vm3, $0x20, v2;
	v18 =	vadd.s32 v10, v18  }
0x42c: {  	v25 =	vadd.s32 v25, v14;
	vm4 =	vlt.f32 v48, v4;
	v48 =	vor.u32 $0x10, v19  }
0x42d: {  	v20 =	vsel vm4, v28, v29;
	v19 =	vsel vm4, v48, v19;
	v48 =	vsel vm4, v30, v31;
	v12 =	vld.idx.msk [tilespmem:v12+s12+$0x0], $0xffff  }
0x42e: {  	v14 =	vshll.u32 v36, $0x4;
	vm2 =	vlt.f32 v32, v47;
	v47 =	vsel vm3, v20, v48;
	v36 =	vld.idx.msk [tilespmem:v16+s12+$0x0], $0xffff  }
0x42f: {  	vm1 =	vlt.f32 v32, v49;
	v20 =	vld.idx.msk [tilespmem:v21+s12+$0x0], $0xffff;
	v49 =	vor.u32 $0x8, v19;
	vm3 =	vlt.f32 v47, v4  }
0x430: {  	v14 =	vor.u32 v1, v14;
	v48 =	vshll.u32 v22, $0x4;
	v19 =	vsel vm3, v49, v19;
	v18 =	vld.idx.msk [tilespmem:v18+s12+$0x0], $0xffff  }
0x431: {  	v21 =	vor.u32 v1, v48;
	v47 =	vsel vm0, v33, v14;
	v48 =	vshll.u32 v19, $0x4  }
0x432: {  	v16 =	vadd.s32 $0x2, v0;
	vm3 =	vlt.f32 v12, v62;
	v12 =	vor.u32 v8, v48  }
0x433: {  	v16 =	vsel vm3, v16, v0;
	v0 =	vshll.u32 v23, $0x4;
	vm0 =	vlt.f32 v36, v63  }
0x434: {  	v36 =	vadd.s32 $0x2, v17;
	vm3 =	vlt.f32 v20, v53;
	v20 =	vor.u32 v1, v0  }
0x435: {  	v14 =	vsel vm0, v36, v17;
	v0 =	vadd.s32 $0x2, v11;
	vm0 =	vlt.f32 v18, v61  }
0x436: {  	v0 =	vsel vm0, v0, v11;
	v11 =	vshll.u32 v7, $0x4  }
0x437: {  	v11 =	vor.u32 v1, v11;
	_ =	sdelay $0x1  }
0x438: {  	v18 =	vld.idx.msk [tilespmem:v21+s12+$0x0], $0xffff  }
0x439: {  	v49 =	vshll.u32 v5, $0x4;
	v36 =	vld.idx.msk [tilespmem:v12+s12+$0x0], $0xffff  }
0x43a: {  	v48 =	vsel vm3, $0x1, v2;
	vm3 =	veq.s32 v35, $0x3F;
	v17 =	vor.u32 v1, v49;
	v20 =	vld.idx.msk [tilespmem:v20+s12+$0x0], $0xffff  }
0x43b: {  	v9 =	vadd.s32 v48, v9;
	vm2 =	vmand vm2, vm3;
	vm3 =	veq.s32 v60, $0x3F;
	v11 =	vld.idx.msk [tilespmem:v11+s12+$0x0], $0xffff  }
0x43c: {  	v60 =	vshll.u32 v60, $0x4;
	vm0 =	vlt.f32 v32, v52;
	v52 =	vshll.u32 v35, $0x4  }
0x43d: {  	vm1 =	vmand vm1, vm3;
	v21 =	vor.u32 v1, v60;
	v12 =	vor.u32 v1, v52  }
0x43e: {  	v49 =	vsel vm2, v33, v12;
	v12 =	vsel vm1, v33, v21;
	vm1 =	vlt.f32 v18, v51  }
0x43f: {  	v48 =	vsel vm1, $0x1, v2;
	vm2 =	vlt.f32 v36, v4;
	v36 =	vor.u32 $0x4, v19  }
0x440: {  	v18 =	vsel vm2, v36, v19;
	vm1 =	vlt.f32 v20, v34;
	vm2 =	vlt.f32 v11, v50  }
0x441: {  	v52 =	vshll.u32 v13, $0x4;
	v60 =	vsel vm1, $0x1, v2;
	v11 =	vsel vm2, $0x1, v2  }
0x442: {  	vm1 =	veq.s32 v25, $0x3F;
	v7 =	vadd.s32 v11, v7;
	v11 =	vshll.u32 v25, $0x4;
	v25 =	vld [tilespmem:$0x1FDF0]  }
0x443: {  	v19 =	vor.u32 v1, v52;
	_ =	sdelay $0x1  }
0x444: {  	v35 =	vimm.s32 $0x1;
	v17 =	vld.idx.msk [tilespmem:v17+s12+$0x0], $0xffff  }
0x445: {  	vm3 =	vlt.f32 v32, v53;
	[tilespmem:v40+s14+$0x0] =	vst.idx.add.s32.msk $0xffff, v35;
	v40 =	vshll.u32 v14, $0x4  }
0x446: {  	[tilespmem:v38+s14+$0x0] =	vst.idx.add.s32.msk $0xffff, v35;
	v21 =	vadd.s32 v48, v22;
	v48 =	vshll.u32 v24, $0x4;
	v53 =	vshll.u32 v18, $0x4  }
0x447: {  	v36 =	vshll.u32 v15, $0x4;
	v52 =	vadd.s32 $0x2, v18;
	v20 =	vadd.s32 v10, v53;
	v19 =	vld.idx.msk [tilespmem:v19+s12+$0x0], $0xffff  }
0x448: {  	[tilespmem:v39+s14+$0x0] =	vst.idx.add.s32.msk $0xffff, v35;
	v22 =	vadd.s32 v60, v23;
	vm0 =	vmand vm0, vm1;
	vm1 =	veq.s32 v9, $0x3F  }
0x449: {  	v23 =	vor.u32 v1, v36;
	vm1 =	vmand vm3, vm1;
	vm3 =	vlt.f32 v17, v57;
	[tilespmem:v25+s14+$0x0] =	vst.idx.add.s32.msk $0xffff, v35  }
0x44a: {  	v9 =	vshll.u32 v9, $0x4;
	v60 =	vshll.u32 v3, $0x4;
	v17 =	vsel vm3, $0x1, v2;
	v25 =	vld [tilespmem:$0x1FE00]  }
0x44b: {  	v9 =	vor.u32 v1, v9;
	v5 =	vadd.s32 v17, v5;
	v17 =	vor.u32 v1, v48  }
0x44c: {  	v9 =	vsel vm1, v33, v9;
	v20 =	vld.idx.msk [tilespmem:v20+s12+$0x0], $0xffff;
	vm1 =	vlt.f32 v19, v55;
	v19 =	vor.u32 v1, v60  }
0x44d: {  	vm2 =	vlt.f32 v32, v51;
	vm3 =	vlt.f32 v32, v34;
	v11 =	vor.u32 v1, v11  }
0x44e: {  	v23 =	vld.idx.msk [tilespmem:v23+s12+$0x0], $0xffff;
	v11 =	vsel vm0, v33, v11;
	vm0 =	veq.s32 v21, $0x3F;
	v21 =	vshll.u32 v21, $0x4  }
0x44f: {  	[tilespmem:v41+s14+$0x0] =	vst.idx.add.s32.msk $0xffff, v35;
	vm0 =	vmand vm2, vm0;
	vm2 =	veq.s32 v22, $0x3F;
	v22 =	vshll.u32 v22, $0x4  }
0x450: {  	v36 =	vor.u32 v1, v21;
	vm2 =	vmand vm3, vm2;
	v38 =	vor.u32 v1, v22;
	v17 =	vld.idx.msk [tilespmem:v17+s12+$0x0], $0xffff  }
0x451: {  	v53 =	vsel vm1, $0x1, v2;
	v21 =	vsel vm2, v33, v38;
	vm3 =	vlt.f32 v20, v4;
	v39 =	vld.idx.msk [tilespmem:v19+s12+$0x0], $0xffff  }
0x452: {  	v34 =	vshll.u32 v16, $0x4;
	v13 =	vadd.s32 v53, v13;
	v20 =	vsel vm0, v33, v36;
	[tilespmem:v25+s14+$0x0] =	vst.idx.add.s32.msk $0xffff, v35  }
0x453: {  	vm0 =	veq.s32 v7, $0x3F;
	vm1 =	vlt.f32 v23, v58;
	v23 =	vor.u32 v1, v34;
	v25 =	vld [tilespmem:$0x1FE10]  }
0x454: {  	[tilespmem:v42+s14+$0x0] =	vst.idx.add.s32.msk $0xffff, v35;
	v7 =	vshll.u32 v7, $0x4;
	v18 =	vsel vm3, v52, v18;
	vm3 =	vlt.f32 v32, v50  }
0x455: {  	[tilespmem:v43+s14+$0x0] =	vst.idx.add.s32.msk $0xffff, v35;
	v7 =	vor.u32 v1, v7;
	v52 =	vshll.u32 v0, $0x4;
	vm0 =	vmand vm3, vm0  }
0x456: {  	v51 =	vld [tilespmem:$0x1FE20];
	vm3 =	veq.s32 v5, $0x3F;
	v5 =	vshll.u32 v5, $0x4;
	v53 =	vor.u32 v1, v52  }
0x457: {  	v19 =	vor.u32 v1, v40;
	v5 =	vor.u32 v1, v5;
	vm2 =	vlt.f32 v17, v59  }
0x458: {  	v7 =	vsel vm0, v33, v7;
	v50 =	vsel vm2, $0x1, v2;
	v48 =	vld.idx.msk [tilespmem:v23+s12+$0x0], $0xffff;
	vm4 =	vlt.f32 v39, v56  }
0x459: {  	[tilespmem:v44+s14+$0x0] =	vst.idx.add.s32.msk $0xffff, v35;
	vm0 =	vlt.f32 v32, v59;
	v23 =	vadd.s32 v50, v24;
	v17 =	vsel vm4, $0x1, v2  }
0x45a: {  	[tilespmem:v45+s14+$0x0] =	vst.idx.add.s32.msk $0xffff, v35;
	vm2 =	vlt.f32 v32, v58;
	v59 =	vshll.u32 v23, $0x4;
	v3 =	vadd.s32 v17, v3  }
0x45b: {  	v17 =	vor.u32 v1, v59;
	[tilespmem:v25+s14+$0x0] =	vst.idx.add.s32.msk $0xffff, v35;
	v25 =	vsel vm1, $0x1, v2;
	vm1 =	vlt.f32 v32, v57  }
0x45c: {  	v19 =	vld.idx.msk [tilespmem:v19+s12+$0x0], $0xffff;
	v15 =	vadd.s32 v25, v15;
	vm1 =	vmand vm1, vm3;
	vm3 =	vlt.f32 v32, v55  }
0x45d: {  	[tilespmem:v6+s14+$0x0] =	vst.idx.add.s32.msk $0xffff, v35;
	v55 =	vshll.u32 v18, $0x4;
	v5 =	vsel vm1, v33, v5;
	vm1 =	vlt.f32 v48, v62  }
0x45e: {  	[tilespmem:v51+s14+$0x0] =	vst.idx.add.s32.msk $0xffff, v35;
	v22 =	vor.u32 v1, v55;
	v6 =	vshll.u32 v15, $0x4;
	v51 =	vsel vm1, $0x1, v2  }
0x45f: {  	[tilespmem:v46+s14+$0x0] =	vst.idx.add.s32.msk $0xffff, v35;
	vm1 =	veq.s32 v13, $0x3F;
	v13 =	vshll.u32 v13, $0x4;
	v6 =	vor.u32 v1, v6  }
0x460: {  	[tilespmem:v37+s14+$0x0] =	vst.idx.add.s32.msk $0xffff, v35;
	v16 =	vadd.s32 v51, v16;
	vm1 =	vmand vm3, vm1;
	v13 =	vor.u32 v1, v13  }
0x461: {  	[tilespmem:v47+s14+$0x0] =	vst.idx.add.s32.msk $0xffff, v35;
	vm3 =	veq.s32 v15, $0x3F;
	v13 =	vsel vm1, v33, v13;
	vm1 =	vlt.f32 v19, v63  }
0x462: {  	[tilespmem:v11+s14+$0x0] =	vst.idx.add.s32.msk $0xffff, v35;
	vm2 =	vmand vm2, vm3;
	vm3 =	vlt.f32 v32, v56;
	v11 =	vshll.u32 v16, $0x4  }
0x463: {  	v58 =	vld.idx.msk [tilespmem:v53+s12+$0x0], $0xffff;
	v57 =	vsel vm1, $0x1, v2;
	v6 =	vsel vm2, v33, v6;
	vm2 =	veq.s32 v23, $0x3F  }
0x464: {  	[tilespmem:v49+s14+$0x0] =	vst.idx.add.s32.msk $0xffff, v35;
	vm1 =	vlt.f32 v32, v62;
	v11 =	vor.u32 v1, v11;
	vm0 =	vmand vm0, vm2  }
0x465: {  	v14 =	vadd.s32 v57, v14;
	v60 =	vld.idx.msk [tilespmem:v22+s12+$0x0], $0xffff;
	vm2 =	vlt.f32 v32, v63;
	v17 =	vsel vm0, v33, v17  }
0x466: {  	[tilespmem:v12+s14+$0x0] =	vst.idx.add.s32.msk $0xffff, v35;
	vm0 =	veq.s32 v3, $0x3F;
	v3 =	vshll.u32 v3, $0x4;
	v62 =	vshll.u32 v14, $0x4  }
0x467: {  	[tilespmem:v9+s14+$0x0] =	vst.idx.add.s32.msk $0xffff, v35;
	vm0 =	vmand vm3, vm0;
	v3 =	vor.u32 v1, v3;
	vm3 =	veq.s32 v16, $0x3F  }
0x468: {  	v12 =	vor.u32 v1, v62;
	v3 =	vsel vm0, v33, v3;
	vm0 =	vlt.f32 v58, v61  }
0x469: {  	[tilespmem:v7+s14+$0x0] =	vst.idx.add.s32.msk $0xffff, v35;
	vm1 =	vmand vm1, vm3;
	v9 =	vsel vm0, $0x1, v2;
	vm0 =	veq.s32 v14, $0x3F  }
0x46a: {  	v7 =	vsel vm1, v33, v11;
	vm1 =	vlt.f32 v32, v4;
	vm3 =	vlt.f32 v60, v4  }
0x46b: {  	[tilespmem:v21+s14+$0x0] =	vst.idx.add.s32.msk $0xffff, v35;
	vm0 =	vmand vm2, vm0;
	v0 =	vadd.s32 v9, v0;
	vm2 =	vlt.f32 v32, v61  }
0x46c: {  	[tilespmem:v20+s14+$0x0] =	vst.idx.add.s32.msk $0xffff, v35;
	v9 =	vsel vm3, $0x1, v2;
	v11 =	vsel vm0, v33, v12;
	vm0 =	veq.s32 v0, $0x3F  }
0x46d: {  	[tilespmem:v5+s14+$0x0] =	vst.idx.add.s32.msk $0xffff, v35;
	v0 =	vshll.u32 v0, $0x4;
	v9 =	vadd.s32 v9, v18;
	vm0 =	vmand vm2, vm0  }
0x46e: {  	[tilespmem:v13+s14+$0x0] =	vst.idx.add.s32.msk $0xffff, v35;
	v0 =	vor.u32 v1, v0;
	vm2 =	veq.s32 v9, $0x3F;
	v63 =	vshll.u32 v9, $0x4  }
0x46f: {  	s19 =	sadd.s32 $0x20, s19;
	[tilespmem:v6+s14+$0x0] =	vst.idx.add.s32.msk $0xffff, v35;
	v0 =	vsel vm0, v33, v0;
	vm0 =	vmand vm1, vm2;
	v4 =	vor.u32 v1, v63  }
0x470: {  	p0 =	slt.u32 s19, $0x7E0;
	[tilespmem:v17+s14+$0x0] =	vst.idx.add.s32.msk $0xffff, v35;
	v4 =	vsel vm0, v33, v4  }
.Ltmp6:
0x471: {  	[tilespmem:v3+s14+$0x0] =	vst.idx.add.s32.msk $0xffff, v35;
	(pc) =	sbr.rel @p0 .LBB2_15-.Ltmp6, $4  }
0x472: {  	[tilespmem:v7+s14+$0x0] =	vst.idx.add.s32.msk $0xffff, v35  }
0x473: {  	[tilespmem:v11+s14+$0x0] =	vst.idx.add.s32.msk $0xffff, v35  }
0x474: {  	[tilespmem:v0+s14+$0x0] =	vst.idx.add.s32.msk $0xffff, v35  }
0x475: {  	s20 =	sadd.s32 $0x200, s20;
	[tilespmem:v4+s14+$0x0] =	vst.idx.add.s32.msk $0xffff, v35  }
0x476: {  	v33 =	vld [tilespmem:$0x1FF10];
	_ =	sdelay $0x4  }
0x477: {  	v0 =	vadd.s32 $0x110, v33  }
0x478: {  	v3 =	vadd.s32 $0x111, v33  }
0x479: {  	v4 =	vadd.s32 $0x112, v33  }
0x47a: {  	v5 =	vadd.s32 $0x113, v33  }
0x47b: {  	_ =	strace $0x9000004B;
	v6 =	vadd.s32 $0x114, v33  }
0x47c: {  	v7 =	vadd.s32 $0x115, v33;
	v0 =	vld.idx.msk [tilespmem:v0+s14+$0x0], $0xffff  }
0x47d: {  	v9 =	vadd.s32 $0x116, v33;
	v3 =	vld.idx.msk [tilespmem:v3+s14+$0x0], $0xffff  }
0x47e: {  	v11 =	vadd.s32 $0x117, v33;
	v4 =	vld.idx.msk [tilespmem:v4+s14+$0x0], $0xffff  }
0x47f: {  	v12 =	vadd.s32 $0x118, v33;
	v5 =	vld.idx.msk [tilespmem:v5+s14+$0x0], $0xffff  }
0x480: {  	v13 =	vadd.s32 $0x119, v33;
	v6 =	vld.idx.msk [tilespmem:v6+s14+$0x0], $0xffff  }
0x481: {  	v14 =	vadd.s32 $0x11A, v33;
	v7 =	vld.idx.msk [tilespmem:v7+s14+$0x0], $0xffff  }
0x482: {  	v15 =	vadd.s32 $0x11B, v33;
	v9 =	vld.idx.msk [tilespmem:v9+s14+$0x0], $0xffff  }
0x483: {  	v16 =	vadd.s32 $0x11C, v33;
	v11 =	vld.idx.msk [tilespmem:v11+s14+$0x0], $0xffff  }
0x484: {  	v17 =	vadd.s32 $0x11D, v33;
	v12 =	vld.idx.msk [tilespmem:v12+s14+$0x0], $0xffff  }
0x485: {  	v18 =	vadd.s32 $0x210, v33;
	v13 =	vld.idx.msk [tilespmem:v13+s14+$0x0], $0xffff  }
0x486: {  	v19 =	vadd.s32 $0x211, v33;
	v14 =	vld.idx.msk [tilespmem:v14+s14+$0x0], $0xffff  }
0x487: {  	v20 =	vadd.s32 $0x212, v33;
	v15 =	vld.idx.msk [tilespmem:v15+s14+$0x0], $0xffff  }
0x488: {  	v21 =	vadd.s32 $0x213, v33;
	v16 =	vld.idx.msk [tilespmem:v16+s14+$0x0], $0xffff  }
0x489: {  	v22 =	vadd.s32 $0x214, v33;
	v17 =	vld.idx.msk [tilespmem:v17+s14+$0x0], $0xffff  }
0x48a: {  	v23 =	vadd.s32 $0x215, v33;
	v18 =	vld.idx.msk [tilespmem:v18+s14+$0x0], $0xffff  }
0x48b: {  	v24 =	vadd.s32 $0x216, v33;
	v19 =	vld.idx.msk [tilespmem:v19+s14+$0x0], $0xffff  }
0x48c: {  	v25 =	vadd.s32 $0x217, v33;
	v20 =	vld.idx.msk [tilespmem:v20+s14+$0x0], $0xffff  }
0x48d: {  	v26 =	vadd.s32 $0x218, v33;
	v21 =	vld.idx.msk [tilespmem:v21+s14+$0x0], $0xffff  }
0x48e: {  	v27 =	vadd.s32 $0x219, v33;
	v22 =	vld.idx.msk [tilespmem:v22+s14+$0x0], $0xffff  }
0x48f: {  	v28 =	vadd.s32 $0x21A, v33;
	v23 =	vld.idx.msk [tilespmem:v23+s14+$0x0], $0xffff  }
0x490: {  	v29 =	vadd.s32 $0x21B, v33;
	v24 =	vld.idx.msk [tilespmem:v24+s14+$0x0], $0xffff  }
0x491: {  	v30 =	vadd.s32 $0x21C, v33;
	v25 =	vld.idx.msk [tilespmem:v25+s14+$0x0], $0xffff  }
0x492: {  	v32 =	vadd.s32 $0x310, v33;
	v26 =	vld.idx.msk [tilespmem:v26+s14+$0x0], $0xffff  }
0x493: {  	v54 =	vadd.s32 $0x311, v33;
	v27 =	vld.idx.msk [tilespmem:v27+s14+$0x0], $0xffff;
	v0 =	vadd.s32 v0, v3  }
0x494: {  	v55 =	vadd.s32 $0x312, v33;
	v3 =	vld.idx.msk [tilespmem:v28+s14+$0x0], $0xffff;
	v0 =	vadd.s32 v4, v0  }
0x495: {  	v56 =	vadd.s32 $0x313, v33;
	v4 =	vld.idx.msk [tilespmem:v29+s14+$0x0], $0xffff;
	v0 =	vadd.s32 v5, v0  }
0x496: {  	v57 =	vadd.s32 $0x314, v33;
	v5 =	vld.idx.msk [tilespmem:v30+s14+$0x0], $0xffff;
	v0 =	vadd.s32 v6, v0  }
0x497: {  	v58 =	vadd.s32 $0x315, v33;
	v0 =	vadd.s32 v7, v0;
	v7 =	vld.idx.msk [tilespmem:v32+s14+$0x0], $0xffff  }
0x498: {  	v59 =	vadd.s32 $0x316, v33;
	v0 =	vadd.s32 v9, v0;
	v9 =	vld.idx.msk [tilespmem:v54+s14+$0x0], $0xffff  }
0x499: {  	v60 =	vadd.s32 $0x317, v33;
	v0 =	vadd.s32 v11, v0;
	v11 =	vld.idx.msk [tilespmem:v55+s14+$0x0], $0xffff  }
0x49a: {  	v61 =	vadd.s32 $0x318, v33;
	v0 =	vadd.s32 v12, v0;
	v12 =	vld.idx.msk [tilespmem:v56+s14+$0x0], $0xffff  }
0x49b: {  	v62 =	vadd.s32 $0x319, v33;
	v0 =	vadd.s32 v13, v0;
	v13 =	vld.idx.msk [tilespmem:v57+s14+$0x0], $0xffff  }
0x49c: {  	v63 =	vadd.s32 $0x31A, v33;
	v0 =	vadd.s32 v14, v0;
	v14 =	vld.idx.msk [tilespmem:v58+s14+$0x0], $0xffff  }
0x49d: {  	v0 =	vadd.s32 v15, v0;
	v7 =	vadd.s32 v7, v9;
	v9 =	vld.idx.msk [tilespmem:v59+s14+$0x0], $0xffff;
	v15 =	vadd.s32 $0x31B, v33  }
0x49e: {  	v0 =	vadd.s32 v16, v0;
	v7 =	vadd.s32 v11, v7;
	v11 =	vld.idx.msk [tilespmem:v60+s14+$0x0], $0xffff;
	v16 =	vadd.s32 $0x31C, v33  }
0x49f: {  	v18 =	vadd.s32 v18, v19;
	v19 =	vadd.s32 $0x31D, v33;
	v7 =	vadd.s32 v12, v7;
	v12 =	vld.idx.msk [tilespmem:v61+s14+$0x0], $0xffff  }
0x4a0: {  	v31 =	vadd.s32 $0x21D, v33;
	v18 =	vadd.s32 v20, v18;
	v7 =	vadd.s32 v13, v7;
	v13 =	vld.idx.msk [tilespmem:v62+s14+$0x0], $0xffff  }
0x4a1: {  	v20 =	vadd.s32 $0x31E, v33;
	v18 =	vadd.s32 v21, v18;
	v7 =	vadd.s32 v14, v7;
	v14 =	vld.idx.msk [tilespmem:v63+s14+$0x0], $0xffff  }
0x4a2: {  	v21 =	vadd.s32 $0x31F, v33;
	v18 =	vadd.s32 v22, v18;
	v7 =	vadd.s32 v9, v7;
	v15 =	vld.idx.msk [tilespmem:v15+s14+$0x0], $0xffff  }
0x4a3: {  	v18 =	vadd.s32 v23, v18;
	v9 =	vadd.s32 $0x21E, v33;
	v7 =	vadd.s32 v11, v7;
	v16 =	vld.idx.msk [tilespmem:v16+s14+$0x0], $0xffff  }
0x4a4: {  	v18 =	vadd.s32 v24, v18;
	v19 =	vld.idx.msk [tilespmem:v19+s14+$0x0], $0xffff;
	v7 =	vadd.s32 v12, v7  }
0x4a5: {  	v6 =	vld.idx.msk [tilespmem:v31+s14+$0x0], $0xffff;
	v18 =	vadd.s32 v25, v18;
	v11 =	vadd.s32 $0x21F, v33;
	v7 =	vadd.s32 v13, v7  }
0x4a6: {  	v20 =	vld.idx.msk [tilespmem:v20+s14+$0x0], $0xffff;
	v18 =	vadd.s32 v26, v18;
	v12 =	vadd.s32 $0x11E, v33;
	v7 =	vadd.s32 v14, v7  }
0x4a7: {  	v21 =	vld.idx.msk [tilespmem:v21+s14+$0x0], $0xffff;
	v18 =	vadd.s32 v27, v18;
	v13 =	vadd.s32 $0x11F, v33;
	v7 =	vadd.s32 v15, v7  }
0x4a8: {  	v3 =	vadd.s32 v3, v18;
	v14 =	vadd.s32 $0x10, v33;
	v9 =	vld.idx.msk [tilespmem:v9+s14+$0x0], $0xffff;
	v7 =	vadd.s32 v16, v7  }
0x4a9: {  	v3 =	vadd.s32 v4, v3;
	v15 =	vadd.s32 $0x11, v33;
	v4 =	vadd.s32 v19, v7;
	v19 =	vld [tilespmem:$0x1FED0]  }
0x4aa: {  	v16 =	vadd.s32 $0x12, v33;
	v11 =	vld.idx.msk [tilespmem:v11+s14+$0x0], $0xffff  }
0x4ab: {  	v7 =	vadd.s32 $0x13, v33;
	v12 =	vld.idx.msk [tilespmem:v12+s14+$0x0], $0xffff  }
0x4ac: {  	v3 =	vadd.s32 v5, v3;
	v5 =	vadd.s32 $0x14, v33;
	v4 =	vadd.s32 v20, v4;
	v13 =	vld.idx.msk [tilespmem:v13+s14+$0x0], $0xffff  }
0x4ad: {  	v3 =	vadd.s32 v6, v3;
	v6 =	vadd.s32 $0x15, v33;
	v14 =	vld.idx.msk [tilespmem:v14+s14+$0x0], $0xffff;
	v4 =	vadd.s32 v21, v4  }
0x4ae: {  	v18 =	vadd.s32 $0x16, v33;
	v15 =	vld.idx.msk [tilespmem:v15+s14+$0x0], $0xffff;
	v3 =	vadd.s32 v9, v3;
	v9 =	vperm.xlane v4, v19  }
0x4af: {  	v0 =	vadd.s32 v17, v0;
	v16 =	vld.idx.msk [tilespmem:v16+s14+$0x0], $0xffff;
	v3 =	vadd.s32 v11, v3;
	v11 =	vadd.s32 $0x17, v33  }
0x4b0: {  	v7 =	vld.idx.msk [tilespmem:v7+s14+$0x0], $0xffff;
	v0 =	vadd.s32 v12, v0;
	v12 =	vadd.s32 $0x18, v33;
	(xrf0) =	vadd.scan.msk.s32 $0xffff, v9;
	v9 =	vperm.xlane v3, v19  }
0x4b1: {  	v5 =	vld.idx.msk [tilespmem:v5+s14+$0x0], $0xffff;
	v0 =	vadd.s32 v13, v0;
	v13 =	vadd.s32 $0x19, v33;
	(xrf0) =	vadd.scan.msk.s32 $0xffff, v4  }
0x4b2: {  	v4 =	vld.idx.msk [tilespmem:v6+s14+$0x0], $0xffff;
	v6 =	vadd.s32 $0x1A, v33;
	(xrf0) =	vadd.scan.msk.s32 $0xffff, v9;
	v9 =	vperm.xlane v0, v19  }
0x4b3: {  	v14 =	vadd.s32 v14, v15;
	v15 =	vld.idx.msk [tilespmem:v18+s14+$0x0], $0xffff;
	(xrf0) =	vadd.scan.msk.s32 $0xffff, v3;
	v3 =	vadd.s32 $0x1B, v33  }
0x4b4: {  	v14 =	vadd.s32 v16, v14;
	v11 =	vld.idx.msk [tilespmem:v11+s14+$0x0], $0xffff;
	v16 =	vadd.s32 $0x1C, v33;
	(xrf0) =	vadd.scan.msk.s32 $0xffff, v9  }
0x4b5: {  	v7 =	vadd.s32 v7, v14;
	v9 =	vld.idx.msk [tilespmem:v12+s14+$0x0], $0xffff;
	v12 =	vadd.s32 $0x1D, v33;
	(xrf0) =	vadd.scan.msk.s32 $0xffff, v0  }
0x4b6: {  	v5 =	vadd.s32 v5, v7;
	v7 =	vld.idx.msk [tilespmem:v13+s14+$0x0], $0xffff;
	v13 =	vadd.s32 $0x1E, v33;
	v0, _, _ =	vpop (xrf0)  }
0x4b7: {  	v4 =	vadd.s32 v4, v5;
	v5 =	vld.idx.msk [tilespmem:v6+s14+$0x0], $0xffff;
	v6 =	vadd.s32 $0x1F, v33;
	v14, _, _ =	vpop (xrf0)  }
0x4b8: {  	v4 =	vadd.s32 v15, v4;
	v17, _, _ =	vpop (xrf0);
	v3 =	vld.idx.msk [tilespmem:v3+s14+$0x0], $0xffff  }
0x4b9: {  	v4 =	vadd.s32 v11, v4;
	v11 =	vld.idx.msk [tilespmem:v16+s14+$0x0], $0xffff;
	v15, _, _ =	vpop (xrf0)  }
0x4ba: {  	(v2sf) =	vpush v14, $0xF;
	v4 =	vadd.s32 v9, v4;
	v9 =	vld.idx.msk [tilespmem:v12+s14+$0x0], $0xffff;
	v16, _, _ =	vpop (xrf0)  }
0x4bb: {  	v4 =	vadd.s32 v7, v4;
	v7 =	vld.idx.msk [tilespmem:v13+s14+$0x0], $0xffff;
	(v2sf) =	vpush v15, $0xF;
	v12, _, _ =	vpop (xrf0)  }
0x4bc: {  	v4 =	vadd.s32 v5, v4;
	v5 =	vld.idx.msk [tilespmem:v6+s14+$0x0], $0xffff;
	(v2sf) =	vpush v12, $0xF  }
0x4bd: {  	v3 =	vadd.s32 v3, v4  }
0x4be: {  	v3 =	vadd.s32 v11, v3  }
0x4bf: {  	v3 =	vadd.s32 v9, v3  }
0x4c0: {  	v3 =	vadd.s32 v7, v3  }
0x4c1: {  	v3 =	vadd.s32 v5, v3  }
0x4c2: {  	v3 =	vperm.xlane v3, v19;
	_ =	sdelay $0x1  }
0x4c3: {  	(xrf0) =	vadd.scan.msk.s32 $0xffff, v3;
	_ =	sdelay $0x1  }
0x4c4: {  	v7 =	vld [tilespmem:$0x1FEE0];
	_ =	sdelay $0x2  }
0x4c5: {  	s19 =	spop (v2sf)  }
0x4c6: {  	s20 =	spop (v2sf);
	v3, _, _ =	vpop (xrf0)  }
0x4c7: {  	s19 =	sadd.s32 s20, s19;
	s29 =	spop (v2sf);
	v3 =	vperm.xlane v3, v19  }
0x4c8: {  	v6 =	vbroadcast v14, $0xF;
	v5 =	vperm.xlane v17, v19;
	s20 =	sadd.s32 s29, s19  }
0x4c9: {  	v3 =	vadd.s32 s20, v3  }
0x4ca: {  	[tilespmem:v7+s15+$0x0] =	vst.idx.msk $0xffff, v3;
	v3 =	vadd.s32 v6, v5;
	v5 =	vld [tilespmem:$0x1FEF0];
	_ =	sdelay $0x4  }
0x4cb: {  	v4 =	vperm.xlane v16, v19;
	_ =	sdelay $0x1  }
0x4cc: {  	v4 =	vadd.s32 s19, v4  }
0x4cd: {  	[tilespmem:v5+s15+$0x0] =	vst.idx.msk $0xffff, v4;
	v4 =	vld [tilespmem:$0x1FF00];
	_ =	sdelay $0x7  }
0x4ce: {  	[tilespmem:v4+s15+$0x0] =	vst.idx.msk $0xffff, v3;
	v3 =	vld [tilespmem:$0x1FF20];
	_ =	sdelay $0x3  }
0x4cf: {  	s30 =	simm.s32 $0x0  }
0x4d0: {  	v7 =	vmov s30  }
0x4d1: {  	v0 =	vperm.xlane v0, v19;
	_ =	sdelay $0x1  }
0x4d2: {  	v24 =	vld [tilespmem:$0x1FEC0];
	[tilespmem:v3+s15+$0x0] =	vst.idx.msk $0xffff, v0  }
0x4d3: {  	v3 =	vld [tilespmem:$0x10]  }
0x4d4: {  	v9 =	vld.idx.msk [tilespmem:v7+s3+$0x0], $0xffff  }
0x4d5: {  	v11 =	vld [tilespmem:$0x0]  }
0x4d6: {  	s31 =	simm.s32 $0x1;
	v0 =	vld [tilespmem:$0x20]  }
0x4d7: {  	v4 =	vmov s31;
	v14 =	vld [tilespmem:$0x30]  }
0x4d8: {  	v16 =	vimm.s32 $0x0;
	v6 =	vimm.s32 $0x0  }
0x4d9: {  	vm6 =	vlt.u32 v7, v10;
	vm0 =	vlt.u32 v7, v8;
	vm2 =	vlt.u32 v7, v1;
	v5 =	vld [tilespmem:$0x30]  }
0x4da: {  	vm3 =	vlt.u32 v7, v24;
	v12 =	vld [tilespmem:$0x20];
	vm4 =	veq.f32 v11, v9;
	vm5 =	veq.f32 v3, v9  }
0x4db: {  	v13 =	vld [tilespmem:$0x10];
	vm1 =	veq.f32 v0, v9;
	v11 =	vimm.s32 $0x0;
	vm2 =	vmand vm2, vm4  }
0x4dc: {  	v7 =	vld.idx.msk [tilespmem:v4+s3+$0x0], $0xffff;
	vm3 =	vmand vm3, vm1;
	vm1 =	veq.f32 v14, v9;
	v14 =	vimm.s32 $0x0  }
0x4dd: {  	s19 =	simm.s32 $0x2;
	s20 =	simm.s32 $0x3;
	v21 =	vld [tilespmem:$0x0];
	v22 =	vsel vm2, $0x1, v2;
	vm2 =	vmand vm6, vm5;
	v15 =	vsel vm3, $0x1, v2  }
.LBB2_17:
0x4de: {  	p0 =	sne.s32 s20, $0x3E;
	v0 =	vmov s19;
	v17 =	vsel vm2, $0x1, v2;
	v6 =	vadd.s32 v15, v6;
	v9 =	vmovc v5;
	s19 =	smov.u32 s20;
	s20 =	sadd.s32 $0x1, s20  }
0x4df: {  	v16 =	vadd.s32 v22, v16;
	vm1 =	vmand vm0, vm1;
	v14 =	vadd.s32 v17, v14;
	v3 =	vmovc v12  }
.Ltmp7:
0x4e0: {  	vm2 =	vlt.u32 v4, v10;
	vm0 =	vlt.u32 v4, v8;
	v15 =	vsel vm1, $0x1, v2;
	v5 =	vld [tilespmem:$0x30];
	(pc) =	sbr.rel @p0 .LBB2_17-.Ltmp7, $4  }
0x4e1: {  	vm3 =	vlt.u32 v4, v24;
	vm1 =	vlt.u32 v4, v1;
	v4 =	vmovc v0;
	v11 =	vadd.s32 v15, v11;
	v12 =	vld [tilespmem:$0x20]  }
0x4e2: {  	vm5 =	veq.f32 v13, v7;
	vm6 =	veq.f32 v3, v7;
	vm4 =	veq.f32 v21, v7;
	v13 =	vld [tilespmem:$0x10]  }
0x4e3: {  	vm3 =	vmand vm3, vm6;
	vm4 =	vmand vm1, vm4;
	vm1 =	veq.f32 v9, v7;
	v7 =	vld.idx.msk [tilespmem:v0+s3+$0x0], $0xffff  }
0x4e4: {  	vm2 =	vmand vm2, vm5;
	v15 =	vsel vm3, $0x1, v2;
	v21 =	vld [tilespmem:$0x0];
	v22 =	vsel vm4, $0x1, v2  }
0x4e5: {  	v0 =	vld [tilespmem:$0x1FE80];
	_ =	sdelay $0x4  }
0x4e6: {  	v0 =	vxor.u32 $0x80000000, v0  }
0x4e7: {  	(xrf0) =	vmax.scan.msk.u32 $0xffff, v0;
	v0 =	vld [tilespmem:$0x1FE90];
	_ =	sdelay $0x4  }
0x4e8: {  	v0 =	vxor.u32 $0x80000000, v0  }
0x4e9: {  	(xrf0) =	vmax.scan.msk.u32 $0xffff, v0;
	v0 =	vld [tilespmem:$0x1FEA0];
	_ =	sdelay $0x4  }
0x4ea: {  	v0 =	vxor.u32 $0x80000000, v0  }
0x4eb: {  	(xrf0) =	vmax.scan.msk.u32 $0xffff, v0;
	v0 =	vld [tilespmem:$0x1FEB0];
	_ =	sdelay $0x4  }
0x4ec: {  	v0 =	vxor.u32 $0x80000000, v0  }
0x4ed: {  	(xrf0) =	vmax.scan.msk.u32 $0xffff, v0;
	_ =	sdelay $0x2  }
0x4ee: {  	v0, _, _ =	vpop (xrf0)  }
0x4ef: {  	v3, _, _ =	vpop (xrf0);
	(v2sf) =	vpush v0, $0xF  }
0x4f0: {  	v0, _, _ =	vpop (xrf0);
	(v2sf) =	vpush v3, $0xF  }
0x4f1: {  	(v2sf) =	vpush v0, $0xF;
	v0, _, _ =	vpop (xrf0)  }
0x4f2: {  	(v2sf) =	vpush v0, $0xF;
	_ =	sdelay $0xa  }
0x4f3: {  	v0 =	vmov s19  }
0x4f4: {  	v9 =	vld [tilespmem:$0x20];
	s31 =	spop (v2sf)  }
0x4f5: {  	v17 =	vld [tilespmem:$0x10];
	s20 =	spop (v2sf)  }
0x4f6: {  	v19 =	vld [tilespmem:$0x0];
	s21 =	spop (v2sf)  }
0x4f7: {  	v3 =	vld [tilespmem:$0x30];
	s22 =	spop (v2sf)  }
0x4f8: {  	v18 =	vld.idx.msk [tilespmem:v0+s3+$0x0], $0xffff;
	_ =	strace $0x8000004C  }
0x4f9: {  	_ =	swait.ge [sflag:s13], $0x8000  }
0x4fa: {  	[sflag:s13] =	ssyncset.done $0x0  }
0x4fb: {  	[sflag:s13] =	ssyncadd.s32 $0xFFFF8000  }
0x4fc: {  	_ =	strace $0x9000004C  }
0x4fd: {  	v20 =	vld [tilespmem:$0x1FF90];
	_ =	sdelay $0x4  }
0x4fe: {  	vm3 =	vnez.u8 v20;
	v20 =	vld [tilespmem:$0x1FF50];
	_ =	sdelay $0x6  }
0x4ff: {  	v23 =	vimm.f32 $-Inf  }
0x500: {  	[tilespmem:v20+s10+$0x0] =	vst.idx.msk vm3, v23;
	v20 =	vld [tilespmem:$0x1FF80];
	_ =	sdelay $0x4  }
0x501: {  	vm3 =	vnez.u8 v20;
	v20 =	vld [tilespmem:$0x1FF40];
	_ =	sdelay $0x7  }
0x502: {  	[tilespmem:v20+s10+$0x0] =	vst.idx.msk vm3, v23;
	v20 =	vld [tilespmem:$0x1FF70];
	_ =	sdelay $0x4  }
0x503: {  	vm3 =	vnez.u8 v20;
	v20 =	vld [tilespmem:$0x1FF30];
	_ =	sdelay $0x4  }
0x504: {  	v25 =	vld [tilespmem:$0x1FF60];
	_ =	sdelay $0x2  }
0x505: {  	[tilespmem:v20+s10+$0x0] =	vst.idx.msk vm3, v23;
	v20 =	vld [tilespmem:$0x1FE30];
	_ =	sdelay $0x1  }
0x506: {  	vm3 =	vnez.u8 v25;
	_ =	sdelay $0x4  }
0x507: {  	s19 =	sadd.s32 s20, s31  }
0x508: {  	s19 =	sadd.s32 s21, s19;
	[tilespmem:v20+s10+$0x0] =	vst.idx.msk vm3, v23  }
0x509: {  	vm4 =	veq.f32 v21, v7;
	s19 =	sadd.s32 s22, s19;
	vm3 =	vlt.u32 v4, v1;
	v20 =	vld [tilespmem:$0x10D00]  }
0x50a: {  	vm5 =	veq.f32 v19, v18;
	s19 =	sadd.s32 $0x1, s19;
	vm3 =	vmand vm3, vm4;
	vm4 =	vlt.u32 v0, v1  }
0x50b: {  	v16 =	vadd.s32 v22, v16;
	p0 =	slt.s32 s19, $0x40;
	v19 =	vsel vm3, $0x1, v2;
	vm3 =	vmand vm4, vm5  }
0x50c: {  	s19 =	simm.s32 @!p0 $0x40;
	v16 =	vadd.s32 v19, v16;
	v19 =	vsel vm3, $0x1, v2  }
0x50d: {  	v21 =	vmov s19;
	v16 =	vadd.s32 v19, v16  }
0x50e: {  	vm3 =	vgt.s32 v21, v1;
	v19 =	vadd.s32 v16, v20;
	v16 =	vimm.s32 $0x0  }
0x50f: {  	v16 =	vsel vm3, $0xFFFFFFFF, v16  }
0x510: {  	[tilespmem:$0x1FF90] =	vst v16;
	v16 =	vld [tilespmem:$0x1FE40];
	_ =	sdelay $0x4  }
0x511: {  	[tilespmem:v19+s10+$0x0] =	vst.idx.msk vm3, v16  }
0x512: {  	v16 =	vsel vm2, $0x1, v2;
	vm2 =	vlt.u32 v4, v10;
	vm3 =	veq.f32 v13, v7;
	v13 =	vld [tilespmem:$0x10D10]  }
0x513: {  	vm4 =	veq.f32 v17, v18;
	vm2 =	vmand vm2, vm3;
	vm3 =	vlt.u32 v0, v10  }
0x514: {  	v14 =	vadd.s32 v16, v14;
	v16 =	vsel vm2, $0x1, v2;
	vm2 =	vmand vm3, vm4  }
0x515: {  	v14 =	vadd.s32 v16, v14;
	v16 =	vsel vm2, $0x1, v2  }
0x516: {  	vm2 =	vgt.s32 v21, v10;
	v14 =	vadd.s32 v16, v14  }
0x517: {  	v59 =	vld [tilespmem:$0x1FE50];
	v13 =	vadd.s32 v14, v13;
	_ =	sdelay $0x3  }
0x518: {  	v58 =	vimm.s32 $0x0  }
0x519: {  	v10 =	vsel vm2, $0xFFFFFFFF, v58;
	[tilespmem:v13+s10+$0x0] =	vst.idx.msk vm2, v59  }
0x51a: {  	vm3 =	veq.f32 v12, v7;
	[tilespmem:$0x1FF80] =	vst v10;
	vm2 =	vlt.u32 v4, v24;
	v10 =	vld [tilespmem:$0x10D20]  }
0x51b: {  	vm4 =	veq.f32 v9, v18;
	vm2 =	vmand vm2, vm3;
	vm3 =	vlt.u32 v0, v24  }
0x51c: {  	v6 =	vadd.s32 v15, v6;
	v60 =	vsel vm2, $0x1, v2;
	vm2 =	vmand vm3, vm4  }
0x51d: {  	v6 =	vadd.s32 v60, v6;
	v61 =	vsel vm2, $0x1, v2  }
0x51e: {  	vm2 =	vgt.s32 v21, v24;
	v6 =	vadd.s32 v61, v6  }
0x51f: {  	v63 =	vld [tilespmem:$0x1FE60];
	v6 =	vadd.s32 v6, v10;
	_ =	sdelay $0x2  }
0x520: {  	vm0 =	vmand vm0, vm1  }
0x521: {  	vm1 =	vlt.u32 v4, v8;
	v4 =	vsel vm0, $0x1, v2;
	vm0 =	veq.f32 v5, v7  }
0x522: {  	v62 =	vimm.s32 $0x0;
	vm0 =	vmand vm1, vm0;
	[tilespmem:v6+s10+$0x0] =	vst.idx.msk vm2, v63  }
0x523: {  	vm1 =	vlt.u32 v0, v8;
	v9 =	vsel vm2, $0xFFFFFFFF, v62;
	vm2 =	veq.f32 v3, v18;
	v5 =	vld [tilespmem:$0x10D30]  }
0x524: {  	v0 =	vadd.s32 v4, v11;
	v3 =	vsel vm0, $0x1, v2;
	vm0 =	vmand vm1, vm2  }
0x525: {  	v0 =	vadd.s32 v3, v0;
	v3 =	vsel vm0, $0x1, v2  }
0x526: {  	vm0 =	vgt.s32 v21, v8;
	v0 =	vadd.s32 v3, v0;
	v3 =	vimm.s32 $0x0  }
0x527: {  	v3 =	vsel vm0, $0xFFFFFFFF, v3  }
0x528: {  	[tilespmem:$0x1FF60] =	vst v3;
	v3 =	vld [tilespmem:$0x1FE70];
	v0 =	vadd.s32 v0, v5;
	_ =	sdelay $0x4  }
0x529: {  	[tilespmem:v0+s10+$0x0] =	vst.idx.msk vm0, v3;
	v3 =	vld [tilespmem:$0x1FFA0];
	_ =	sdelay $0x4  }
0x52a: {  	vm3 =	vnez.u8 v3;
	v3 =	vld [tilespmem:$0x1FFB0];
	_ =	sdelay $0x4  }
0x52b: {  	vm0 =	vnez.u8 v3;
	v3 =	vld [tilespmem:$0x1FFC0];
	_ =	sdelay $0x4  }
0x52c: {  	vm1 =	vnez.u8 v3;
	v3 =	vld [tilespmem:$0x1FFD0];
	_ =	sdelay $0x4  }
0x52d: {  	vm2 =	vnez.u8 v3;
	v3 =	vld [tilespmem:$0x1FFE0];
	_ =	sdelay $0x3  }
0x52e: {  	s17 =	sadd.s32 $0x1, s17  }
0x52f: {  	p0 =	sne.s32 s17, $0x4;
	vm4 =	vnez.u8 v3;
	v3 =	vld [tilespmem:$0x1FFF0]  }
.Ltmp8:
0x530: {  	_ = 	snop;
	(pc) =	sbr.rel @p0 .LBB2_4-.Ltmp8, $3  }
0x531: {  	_ =	sdelay $0x1  }
0x532: {  	s18 =	sadd.s32 s2, s18;
	[tilespmem:$0x1FF70] =	vst v9  }
0x533: {  	vm6 =	vmxor vm6, vm6;
	[hbm4b:s18+s8] =	stream.strided.scatter [tilespmem:s10], [sflag:$0x1], $0x8000, s9, s8, $0x38;
	vm5 =	vnez.u8 v3;
	[tilespmem:$0x11200] =	vst v63  }
0x534: {  	s16 =	sadd.s32 $0x1, s16  }
0x535: {  	p0 =	sne.s32 s16, s7  }
.Ltmp9:
0x536: {  	_ = 	snop;
	(pc) =	sbr.rel @p0 .LBB2_1-.Ltmp9, $4  }
0x537: {  	_ = 	snop  }
0x538: {  	_ =	swait.ge [sflag:s13], $0x8000  }
0x539: {  	[sflag:s13] =	ssyncset.done $0x0  }
0x53a: {  	[sflag:s13] =	ssyncadd.s32 $0xFFFF8000  }
0x53b: {  	_ =	sfence.sel $0x180000  }
0x53c: {  	[bflag:$0x0] =	sbarrier.arrive $0xFFFF  }
0x53d: {  	p0 =	sne.s32 s4, $0x0;
	_ =	strace $0x90000047  }
0x53e: {  	s0 =	sadd.s32 @!p0 $0x100000, s0;
	[bflag:$0x2] =	sbarrier.arrive $0xFFFF  }
0x53f: {  	[sflag:s0] =	ssyncadd.tile.s32 @!p0 $0x1;
	_ =	shalt  }
.Lfunc_end2:
_tile_overlayer_lowered:
.L_overlay_start_2:
0x540: {  	(tag) =	ssettag $0x2  }
0x541: {  	s0 =	rddreg [dreg:$0x0];
	s2 =	stileid.u32  }
0x542: {  	s1 =	rddreg [dreg:$0x1];
	p0 =	sne.s32 s2, $0x0  }
0x543: {  	s3 =	rddreg [dreg:$0x2];
	[bflag:$0x3] =	sbarrier.arrive $0xFFFF;
	s2 =	simm.s32 @!p0 $0x1C02  }
0x544: {  	[timem:s3], [sflag:s2] =	dma.local @!p0 [hbm:s0], s1  }
0x545: {  	s0 =	simm.s32 @!p0 $0x2  }
0x546: {  	_ =	swait.ge @!p0 [sflag:s0], s1  }
0x547: {  	s1 =	ssub.s32 @!p0 $0x0, s1;
	[sflag:s0] =	ssyncset.done @!p0 $0x0  }
0x548: {  	[sflag:s0] =	ssyncadd.s32 @!p0 s1  }
0x549: {  	[bflag:$0x3] =	sbarrier.arrive $0xFFFF  }
0x54a: {  	_ =	shalt  }

</sc_bundles>
